<compile_context>
chip_gen: v7x
topology: tpu7x:2x2x1
jax: 0.10.2.dev20260603
libtpu: 0.0.44.dev20260713+nightly
codegen_flags: <defaults>
</compile_context>

<pallas_src>
import functools

import jax
import jax.numpy as jnp
from jax import lax
from jax.experimental import pallas as pl
from jax.experimental.pallas import tpu as pltpu
from jax.experimental.pallas import tpu_sc as plsc

N = 10000
E = 320000
D = 128

NC = 2
NS = 16
NW = NC * NS
CH = 80
NCHUNK = E // CH
CPT = NCHUNK // NW
DCH = 128

ZCH = 5
ZSTRIDE = 640

_INV_BN = (1.0 + 1e-5) ** -0.5

_mesh = plsc.VectorSubcoreMesh(core_axis_name="c", subcore_axis_name="s")


@functools.partial(
    pl.kernel,
    out_type=jax.ShapeDtypeStruct((NC * N,), jnp.float32),
    mesh=_mesh,
    scratch_types=[
        pltpu.VMEM_SHARED((N,), jnp.float32),
        pltpu.VMEM((CPT * CH,), jnp.int32),
        pltpu.VMEM((DCH,), jnp.float32),
        pltpu.VMEM((DCH,), jnp.float32),
        pltpu.VMEM((DCH,), jnp.float32),
        pltpu.SemaphoreType.DMA,
    ],
)
def _deg_sc(e_hbm, out_hbm, acc, didx, ones_v, zero_v, wb_v, ss):
    c = lax.axis_index("c")
    s = lax.axis_index("s")
    wid = s * NC + c

    for k in range(DCH // 16):
        ones_v[pl.ds(k * 16, 16)] = jnp.ones((16,), jnp.float32)
        zero_v[pl.ds(k * 16, 16)] = jnp.zeros((16,), jnp.float32)

    for k in range(ZCH):
        off = jnp.minimum(s * ZSTRIDE + k * DCH, N - DCH)
        pltpu.sync_copy(zero_v, acc.at[pl.ds(off, DCH)])
    plsc.subcore_barrier()

    pltpu.sync_copy(e_hbm.at[pl.ds(E + wid * CPT * CH, CPT * CH)], didx)

    K = 5
    def body(t, carry):
        for b in range(K):
            pltpu.async_copy(
                ones_v.at[pl.ds(0, CH)],
                acc.at[didx.at[pl.ds((t * K + b) * CH, CH)]], ss, add=True)
        for b in range(K):
            pltpu.make_async_copy(
                ones_v.at[pl.ds(0, CH)],
                acc.at[didx.at[pl.ds((t * K + b) * CH, CH)]], ss).wait()
        return carry

    lax.fori_loop(0, CPT // K, body, 0)

    plsc.subcore_barrier()
    for k in range(ZCH):
        off = jnp.minimum(s * ZSTRIDE + k * DCH, N - DCH)
        pltpu.sync_copy(acc.at[pl.ds(off, DCH)], wb_v)
        pltpu.sync_copy(wb_v, out_hbm.at[pl.ds(c * N + off, DCH)])


_UNROLL = 6


@functools.partial(
    pl.kernel,
    out_type=jax.ShapeDtypeStruct((NC, N, D), jnp.float32),
    mesh=_mesh,
    scratch_types=(
        [pltpu.VMEM_SHARED((N, D), jnp.float32)]
        + [pltpu.VMEM((CPT * CH,), jnp.int32)]
        + [pltpu.VMEM((CH,), jnp.int32)] * 6
        + [pltpu.VMEM((CH, D), jnp.float32)] * 3
        + [pltpu.SemaphoreType.DMA] * 12
    ),
)
def _mp_sc(h_hbm, e_hbm, out_hbm, acc, sidx, *bufs):
    didx = bufs[0:6]
    rows = bufs[6:9]
    sd = bufs[9:15]
    sg = bufs[15:18]
    ss = bufs[18:21]
    c = lax.axis_index("c")
    s = lax.axis_index("s")
    wid = s * NC + c
    sbase = wid * CPT * CH
    dbase = E + sbase

    def zbody(r, carry):
        for k in range(D // 16):
            rows[0][r, pl.ds(k * 16, 16)] = jnp.zeros((16,), jnp.float32)
        return carry

    lax.fori_loop(0, CH, zbody, 0)
    for k in range(ZCH):
        off = jnp.minimum(s * ZSTRIDE + k * DCH, N - DCH)
        pltpu.sync_copy(rows[0], acc.at[pl.ds(off, CH)])
        pltpu.sync_copy(rows[0], acc.at[pl.ds(off + (DCH - CH), CH)])
    plsc.subcore_barrier()

    pltpu.sync_copy(e_hbm.at[pl.ds(sbase, CPT * CH)], sidx)

    def pf_didx(j, u):
        pltpu.async_copy(e_hbm.at[pl.ds(dbase + j * CH, CH)], didx[u],
                         sd[u])

    def wait_didx(j, u):
        pltpu.make_async_copy(e_hbm.at[pl.ds(dbase + j * CH, CH)],
                              didx[u], sd[u]).wait()

    def gather(j, r):
        pltpu.async_copy(h_hbm.at[sidx.at[pl.ds(j * CH, CH)]], rows[r],
                         sg[r])

    def wait_gather(j, r):
        pltpu.make_async_copy(h_hbm.at[sidx.at[pl.ds(j * CH, CH)]],
                              rows[r], sg[r]).wait()

    def scatter(u, r):
        pltpu.async_copy(rows[r], acc.at[didx[u]], ss[r], add=True)

    def wait_scatter(u, r):
        pltpu.make_async_copy(rows[r], acc.at[didx[u]], ss[r]).wait()

    for i in range(4):
        pf_didx(i, i)
    gather(0, 0)

    NMAIN = (CPT - 5) // _UNROLL

    def body(tt, carry):
        for u in range(_UNROLL):
            j = _UNROLL * tt + u
            r = u % 3
            r2 = (u + 1) % 3
            wait_gather(j, r)
            wait_didx(j, u)
            scatter(u, r)
            if u >= 2:
                wait_scatter((u - 2) % 6, r2)
            else:
                @pl.when(tt > 0)
                def _():
                    wait_scatter((u + 4) % 6, r2)
            pf_didx(j + 4, (u + 4) % 6)
            gather(j + 1, r2)
        return carry

    lax.fori_loop(0, NMAIN, body, 0)

    for j in range(NMAIN * _UNROLL, CPT):
        u = j % 6
        r = j % 3
        r2 = (j + 1) % 3
        wait_gather(j, r)
        wait_didx(j, u)
        scatter(u, r)
        wait_scatter((j - 2) % 6, r2)
        if j + 4 < CPT:
            pf_didx(j + 4, (j + 4) % 6)
        if j + 1 < CPT:
            gather(j + 1, r2)
    wait_scatter((CPT - 2) % 6, (CPT - 2) % 3)
    wait_scatter((CPT - 1) % 6, (CPT - 1) % 3)

    plsc.subcore_barrier()
    for k in range(ZCH):
        off = jnp.minimum(s * ZSTRIDE + k * DCH, N - DCH)
        pltpu.sync_copy(acc.at[pl.ds(off, DCH)],
                        out_hbm.at[c, pl.ds(off, DCH)])


R = 2000


def _dinv_of(cnt_ref):
    seg = cnt_ref[...]
    return lax.rsqrt(1.0 + seg[:, 0] + seg[:, 1])[:, None]


def _tc1_body(cnt_ref, x_ref, w1_ref, h1s_ref):
    h = jnp.dot(x_ref[...], w1_ref[...], preferred_element_type=jnp.float32)
    h1s_ref[...] = h * _dinv_of(cnt_ref)


def _tc2_body(cnt_ref, acc_ref, h1s_ref, b1_ref, g_ref, be_ref, w2_ref,
              h2s_ref):
    dinv = _dinv_of(cnt_ref)
    s1 = acc_ref[0] + acc_ref[1] + h1s_ref[...]
    gcn1 = s1 * dinv + b1_ref[...]
    hh = jnp.maximum(gcn1 * (g_ref[...] * _INV_BN) + be_ref[...], 0.0)
    h2s_ref[...] = jnp.dot(hh, w2_ref[...],
                           preferred_element_type=jnp.float32) * dinv


def _tc3_body(cnt_ref, acc_ref, h2s_ref, b2_ref, x_ref, out_ref):
    dinv = _dinv_of(cnt_ref)
    s2 = acc_ref[0] + acc_ref[1] + h2s_ref[...]
    out_ref[...] = s2 * dinv + b2_ref[...] + x_ref[...]


_cnt_spec = pl.BlockSpec((R, 2), lambda i: (i, 0))
_row_spec = pl.BlockSpec((R, D), lambda i: (i, 0))
_acc_spec = pl.BlockSpec((2, R, D), lambda i: (0, i, 0))
_w_spec = pl.BlockSpec((D, D), lambda i: (0, 0))
_vec_spec = pl.BlockSpec((1, D), lambda i: (0, 0))

_tc1 = pl.pallas_call(
    _tc1_body, grid=(N // R,),
    in_specs=[_cnt_spec, _row_spec, _w_spec],
    out_specs=_row_spec,
    out_shape=jax.ShapeDtypeStruct((N, D), jnp.float32),
)

_tc2 = pl.pallas_call(
    _tc2_body, grid=(N // R,),
    in_specs=[_cnt_spec, _acc_spec, _row_spec, _vec_spec, _vec_spec,
              _vec_spec, _w_spec],
    out_specs=_row_spec,
    out_shape=jax.ShapeDtypeStruct((N, D), jnp.float32),
)

_tc3 = pl.pallas_call(
    _tc3_body, grid=(N // R,),
    in_specs=[_cnt_spec, _acc_spec, _row_spec, _vec_spec, _row_spec],
    out_specs=_row_spec,
    out_shape=jax.ShapeDtypeStruct((N, D), jnp.float32),
)


def kernel(x, edge_index, W1, b1, gamma, beta, W2, b2):
    eflat = edge_index.reshape(2 * E)
    cnt = _deg_sc(eflat).reshape(NC, N).T
    h1s = _tc1(cnt, x, W1)
    acc1 = _mp_sc(h1s, eflat)
    h2s = _tc2(cnt, acc1, h1s, b1.reshape(1, D), gamma.reshape(1, D),
               beta.reshape(1, D), W2)
    acc2 = _mp_sc(h2s, eflat)
    out = _tc3(cnt, acc2, h2s, b2.reshape(1, D), x)
    return out

# --- scband reference (transcript-rebuilt; emitter-appended) ---
"""Pipeline reference for scband-improved-gcn-7670811591017 (READ-ONLY COPY).

The authoritative reference and input builder live on the scoring server;
editing this copy changes nothing except your own understanding.
"""

import jax, jax.numpy as jnp
import numpy as np

N = 10000
E = 320000
D_IN = 128
D_HID = 128
D_OUT = 128


def gcn_conv(x, src, dst, norm, W, b):
    # PyG GCNConv: out = scatter_add(norm * (x W)[src] -> dst) + b
    h = x @ W
    msg = h[src] * norm[:, None]
    out = jnp.zeros((x.shape[0], W.shape[1]), dtype=x.dtype).at[dst].add(msg)
    return out + b


def setup_inputs(seed: int = 0):
    key = jax.random.key(seed)
    ks = jax.random.split(key, 4)
    x = jax.random.normal(ks[0], (N, D_IN), dtype=jnp.float32)
    edge_index = jax.random.randint(ks[1], (2, E), 0, N, dtype=jnp.int32)
    sc1 = 1.0 / np.sqrt(D_IN)
    W1 = jax.random.uniform(ks[2], (D_IN, D_HID), minval=-sc1, maxval=sc1, dtype=jnp.float32)
    b1 = jnp.zeros((D_HID,), jnp.float32)
    gamma = jnp.ones((D_HID,), jnp.float32)
    beta = jnp.zeros((D_HID,), jnp.float32)
    sc2 = 1.0 / np.sqrt(D_HID)
    W2 = jax.random.uniform(ks[3], (D_HID, D_OUT), minval=-sc2, maxval=sc2, dtype=jnp.float32)
    b2 = jnp.zeros((D_OUT,), jnp.float32)
    return {"x": x, "edge_index": edge_index, "W1": W1, "b1": b1,
            "gamma": gamma, "beta": beta, "W2": W2, "b2": b2}


def reference(x, edge_index, W1, b1, gamma, beta, W2, b2):
    # add self loops, build symmetric GCN normalization (shared across layers)
    src0, dst0 = edge_index[0], edge_index[1]
    loop = jnp.arange(N, dtype=edge_index.dtype)
    src = jnp.concatenate([src0, loop])
    dst = jnp.concatenate([dst0, loop])
    deg = jnp.zeros((N,), x.dtype).at[dst].add(jnp.ones((src.shape[0],), x.dtype))
    dinv = jnp.where(deg > 0, jax.lax.rsqrt(deg), 0.0)
    norm = dinv[src] * dinv[dst]

    x_input = x
    # layer 1: GCNConv -> BatchNorm (eval: running_mean=0, running_var=1) -> ReLU -> dropout(eval, identity)
    h = gcn_conv(x, src, dst, norm, W1, b1)
    h = h / jnp.sqrt(1.0 + 1e-5) * gamma + beta
    h = jax.nn.relu(h)
    # layer 2 (final): GCNConv
    out = gcn_conv(h, src, dst, norm, W2, b2)
    # residual: input_dim == output_dim -> direct add
    out = out + x_input
    return out

if __name__ == "__main__":
    import jax
    _d = setup_inputs()
    print(jax.jit(kernel)(*tuple(_d.values())))

</pallas_src>

<mosaic_0001>
#map = affine_map<(d0, d1) -> (0)>
module attributes {stable_mosaic.version = 14 : i64} {
  func.func @_deg_sc(%arg0: i32, %arg1: i32, %arg2: memref<640000xi32, #tpu.memory_space<hbm>>, %arg3: memref<20000xf32, #tpu.memory_space<hbm>>, %arg4: memref<10000xf32, #tpu.memory_space<vmem_shared>>, %arg5: memref<10000xi32, #tpu.memory_space<vmem>>, %arg6: memref<128xf32, #tpu.memory_space<vmem>>, %arg7: memref<128xf32, #tpu.memory_space<vmem>>, %arg8: memref<128xf32, #tpu.memory_space<vmem>>, %arg9: memref<!tpu.dma_semaphore, #tpu.memory_space<semaphore_mem>>) attributes {dimension_semantics = [#tpu.dimension_semantics<core_parallel>, #tpu.dimension_semantics<subcore_parallel>], iteration_bounds = array<i64: 2, 16>, scalar_prefetch = 0 : i64, scratch_operands = 6 : i64, tpu.core_type = #tpu.core_type<sc_vector_subcore>, window_params = [{transform_indices = #map}, {transform_indices = #map}]} {
    %mul3A = arith.constant 2 : i32
    %mul3A_0 = arith.muli %arg1, %mul3A : i32
    %add3A = arith.addi %mul3A_0, %arg0 : i32
    %broadcast_in_dim3A = arith.constant 1.000000e+00 : f32
    %broadcast_in_dim3A_1 = vector.broadcast %broadcast_in_dim3A : f32 to vector<16xf32>
    %swap3A = arith.constant 0 : index
    %swap3A_2 = tpu.vector_load %arg6[%swap3A] {strides = array<i32>} : memref<128xf32, #tpu.memory_space<vmem>>, vector<16xf32>,
    %swap3A_3 = vector.shape_cast %swap3A_2 : vector<16xf32> to vector<16xf32>
    %swap3A_4 = vector.shape_cast %broadcast_in_dim3A_1 : vector<16xf32> to vector<16xf32>
    tpu.vector_store %arg6[%swap3A], %swap3A_4 {strides = array<i32>} : memref<128xf32, #tpu.memory_space<vmem>>, vector<16xf32>,
    %broadcast_in_dim3A_5 = arith.constant 0.000000e+00 : f32
    %broadcast_in_dim3A_6 = vector.broadcast %broadcast_in_dim3A_5 : f32 to vector<16xf32>
    %swap3A_7 = arith.constant 0 : index
    %swap3A_8 = tpu.vector_load %arg7[%swap3A_7] {strides = array<i32>} : memref<128xf32, #tpu.memory_space<vmem>>, vector<16xf32>,
    %swap3A_9 = vector.shape_cast %swap3A_8 : vector<16xf32> to vector<16xf32>
    %swap3A_10 = vector.shape_cast %broadcast_in_dim3A_6 : vector<16xf32> to vector<16xf32>
    tpu.vector_store %arg7[%swap3A_7], %swap3A_10 {strides = array<i32>} : memref<128xf32, #tpu.memory_space<vmem>>, vector<16xf32>,
    %broadcast_in_dim3A_11 = arith.constant 1.000000e+00 : f32
    %broadcast_in_dim3A_12 = vector.broadcast %broadcast_in_dim3A_11 : f32 to vector<16xf32>
    %swap3A_13 = arith.constant 16 : index
    %swap3A_14 = tpu.vector_load %arg6[%swap3A_13] {strides = array<i32>} : memref<128xf32, #tpu.memory_space<vmem>>, vector<16xf32>,
    %swap3A_15 = vector.shape_cast %swap3A_14 : vector<16xf32> to vector<16xf32>
    %swap3A_16 = vector.shape_cast %broadcast_in_dim3A_12 : vector<16xf32> to vector<16xf32>
    tpu.vector_store %arg6[%swap3A_13], %swap3A_16 {strides = array<i32>} : memref<128xf32, #tpu.memory_space<vmem>>, vector<16xf32>,
    %broadcast_in_dim3A_17 = arith.constant 0.000000e+00 : f32
    %broadcast_in_dim3A_18 = vector.broadcast %broadcast_in_dim3A_17 : f32 to vector<16xf32>
    %swap3A_19 = arith.constant 16 : index
    %swap3A_20 = tpu.vector_load %arg7[%swap3A_19] {strides = array<i32>} : memref<128xf32, #tpu.memory_space<vmem>>, vector<16xf32>,
    %swap3A_21 = vector.shape_cast %swap3A_20 : vector<16xf32> to vector<16xf32>
    %swap3A_22 = vector.shape_cast %broadcast_in_dim3A_18 : vector<16xf32> to vector<16xf32>
    tpu.vector_store %arg7[%swap3A_19], %swap3A_22 {strides = array<i32>} : memref<128xf32, #tpu.memory_space<vmem>>, vector<16xf32>,
    %broadcast_in_dim3A_23 = arith.constant 1.000000e+00 : f32
    %broadcast_in_dim3A_24 = vector.broadcast %broadcast_in_dim3A_23 : f32 to vector<16xf32>
    %swap3A_25 = arith.constant 32 : index
    %swap3A_26 = tpu.vector_load %arg6[%swap3A_25] {strides = array<i32>} : memref<128xf32, #tpu.memory_space<vmem>>, vector<16xf32>,
    %swap3A_27 = vector.shape_cast %swap3A_26 : vector<16xf32> to vector<16xf32>
    %swap3A_28 = vector.shape_cast %broadcast_in_dim3A_24 : vector<16xf32> to vector<16xf32>
    tpu.vector_store %arg6[%swap3A_25], %swap3A_28 {strides = array<i32>} : memref<128xf32, #tpu.memory_space<vmem>>, vector<16xf32>,
    %broadcast_in_dim3A_29 = arith.constant 0.000000e+00 : f32
    %broadcast_in_dim3A_30 = vector.broadcast %broadcast_in_dim3A_29 : f32 to vector<16xf32>
    %swap3A_31 = arith.constant 32 : index
    %swap3A_32 = tpu.vector_load %arg7[%swap3A_31] {strides = array<i32>} : memref<128xf32, #tpu.memory_space<vmem>>, vector<16xf32>,
    %swap3A_33 = vector.shape_cast %swap3A_32 : vector<16xf32> to vector<16xf32>
    %swap3A_34 = vector.shape_cast %broadcast_in_dim3A_30 : vector<16xf32> to vector<16xf32>
    tpu.vector_store %arg7[%swap3A_31], %swap3A_34 {strides = array<i32>} : memref<128xf32, #tpu.memory_space<vmem>>, vector<16xf32>,
    %broadcast_in_dim3A_35 = arith.constant 1.000000e+00 : f32
    %broadcast_in_dim3A_36 = vector.broadcast %broadcast_in_dim3A_35 : f32 to vector<16xf32>
    %swap3A_37 = arith.constant 48 : index
    %swap3A_38 = tpu.vector_load %arg6[%swap3A_37] {strides = array<i32>} : memref<128xf32, #tpu.memory_space<vmem>>, vector<16xf32>,
    %swap3A_39 = vector.shape_cast %swap3A_38 : vector<16xf32> to vector<16xf32>
    %swap3A_40 = vector.shape_cast %broadcast_in_dim3A_36 : vector<16xf32> to vector<16xf32>
    tpu.vector_store %arg6[%swap3A_37], %swap3A_40 {strides = array<i32>} : memref<128xf32, #tpu.memory_space<vmem>>, vector<16xf32>,
    %broadcast_in_dim3A_41 = arith.constant 0.000000e+00 : f32
    %broadcast_in_dim3A_42 = vector.broadcast %broadcast_in_dim3A_41 : f32 to vector<16xf32>
    %swap3A_43 = arith.constant 48 : index
    %swap3A_44 = tpu.vector_load %arg7[%swap3A_43] {strides = array<i32>} : memref<128xf32, #tpu.memory_space<vmem>>, vector<16xf32>,
    %swap3A_45 = vector.shape_cast %swap3A_44 : vector<16xf32> to vector<16xf32>
    %swap3A_46 = vector.shape_cast %broadcast_in_dim3A_42 : vector<16xf32> to vector<16xf32>
    tpu.vector_store %arg7[%swap3A_43], %swap3A_46 {strides = array<i32>} : memref<128xf32, #tpu.memory_space<vmem>>, vector<16xf32>,
    %broadcast_in_dim3A_47 = arith.constant 1.000000e+00 : f32
    %broadcast_in_dim3A_48 = vector.broadcast %broadcast_in_dim3A_47 : f32 to vector<16xf32>
    %swap3A_49 = arith.constant 64 : index
    %swap3A_50 = tpu.vector_load %arg6[%swap3A_49] {strides = array<i32>} : memref<128xf32, #tpu.memory_space<vmem>>, vector<16xf32>,
    %swap3A_51 = vector.shape_cast %swap3A_50 : vector<16xf32> to vector<16xf32>
    %swap3A_52 = vector.shape_cast %broadcast_in_dim3A_48 : vector<16xf32> to vector<16xf32>
    tpu.vector_store %arg6[%swap3A_49], %swap3A_52 {strides = array<i32>} : memref<128xf32, #tpu.memory_space<vmem>>, vector<16xf32>,
    %broadcast_in_dim3A_53 = arith.constant 0.000000e+00 : f32
    %broadcast_in_dim3A_54 = vector.broadcast %broadcast_in_dim3A_53 : f32 to vector<16xf32>
    %swap3A_55 = arith.constant 64 : index
    %swap3A_56 = tpu.vector_load %arg7[%swap3A_55] {strides = array<i32>} : memref<128xf32, #tpu.memory_space<vmem>>, vector<16xf32>,
    %swap3A_57 = vector.shape_cast %swap3A_56 : vector<16xf32> to vector<16xf32>
    %swap3A_58 = vector.shape_cast %broadcast_in_dim3A_54 : vector<16xf32> to vector<16xf32>
    tpu.vector_store %arg7[%swap3A_55], %swap3A_58 {strides = array<i32>} : memref<128xf32, #tpu.memory_space<vmem>>, vector<16xf32>,
    %broadcast_in_dim3A_59 = arith.constant 1.000000e+00 : f32
    %broadcast_in_dim3A_60 = vector.broadcast %broadcast_in_dim3A_59 : f32 to vector<16xf32>
    %swap3A_61 = arith.constant 80 : index
    %swap3A_62 = tpu.vector_load %arg6[%swap3A_61] {strides = array<i32>} : memref<128xf32, #tpu.memory_space<vmem>>, vector<16xf32>,
    %swap3A_63 = vector.shape_cast %swap3A_62 : vector<16xf32> to vector<16xf32>
    %swap3A_64 = vector.shape_cast %broadcast_in_dim3A_60 : vector<16xf32> to vector<16xf32>
    tpu.vector_store %arg6[%swap3A_61], %swap3A_64 {strides = array<i32>} : memref<128xf32, #tpu.memory_space<vmem>>, vector<16xf32>,
    %broadcast_in_dim3A_65 = arith.constant 0.000000e+00 : f32
    %broadcast_in_dim3A_66 = vector.broadcast %broadcast_in_dim3A_65 : f32 to vector<16xf32>
    %swap3A_67 = arith.constant 80 : index
    %swap3A_68 = tpu.vector_load %arg7[%swap3A_67] {strides = array<i32>} : memref<128xf32, #tpu.memory_space<vmem>>, vector<16xf32>,
    %swap3A_69 = vector.shape_cast %swap3A_68 : vector<16xf32> to vector<16xf32>
    %swap3A_70 = vector.shape_cast %broadcast_in_dim3A_66 : vector<16xf32> to vector<16xf32>
    tpu.vector_store %arg7[%swap3A_67], %swap3A_70 {strides = array<i32>} : memref<128xf32, #tpu.memory_space<vmem>>, vector<16xf32>,
    %broadcast_in_dim3A_71 = arith.constant 1.000000e+00 : f32
    %broadcast_in_dim3A_72 = vector.broadcast %broadcast_in_dim3A_71 : f32 to vector<16xf32>
    %swap3A_73 = arith.constant 96 : index
    %swap3A_74 = tpu.vector_load %arg6[%swap3A_73] {strides = array<i32>} : memref<128xf32, #tpu.memory_space<vmem>>, vector<16xf32>,
    %swap3A_75 = vector.shape_cast %swap3A_74 : vector<16xf32> to vector<16xf32>
    %swap3A_76 = vector.shape_cast %broadcast_in_dim3A_72 : vector<16xf32> to vector<16xf32>
    tpu.vector_store %arg6[%swap3A_73], %swap3A_76 {strides = array<i32>} : memref<128xf32, #tpu.memory_space<vmem>>, vector<16xf32>,
    %broadcast_in_dim3A_77 = arith.constant 0.000000e+00 : f32
    %broadcast_in_dim3A_78 = vector.broadcast %broadcast_in_dim3A_77 : f32 to vector<16xf32>
    %swap3A_79 = arith.constant 96 : index
    %swap3A_80 = tpu.vector_load %arg7[%swap3A_79] {strides = array<i32>} : memref<128xf32, #tpu.memory_space<vmem>>, vector<16xf32>,
    %swap3A_81 = vector.shape_cast %swap3A_80 : vector<16xf32> to vector<16xf32>
    %swap3A_82 = vector.shape_cast %broadcast_in_dim3A_78 : vector<16xf32> to vector<16xf32>
    tpu.vector_store %arg7[%swap3A_79], %swap3A_82 {strides = array<i32>} : memref<128xf32, #tpu.memory_space<vmem>>, vector<16xf32>,
    %broadcast_in_dim3A_83 = arith.constant 1.000000e+00 : f32
    %broadcast_in_dim3A_84 = vector.broadcast %broadcast_in_dim3A_83 : f32 to vector<16xf32>
    %swap3A_85 = arith.constant 112 : index
    %swap3A_86 = tpu.vector_load %arg6[%swap3A_85] {strides = array<i32>} : memref<128xf32, #tpu.memory_space<vmem>>, vector<16xf32>,
    %swap3A_87 = vector.shape_cast %swap3A_86 : vector<16xf32> to vector<16xf32>
    %swap3A_88 = vector.shape_cast %broadcast_in_dim3A_84 : vector<16xf32> to vector<16xf32>
    tpu.vector_store %arg6[%swap3A_85], %swap3A_88 {strides = array<i32>} : memref<128xf32, #tpu.memory_space<vmem>>, vector<16xf32>,
    %broadcast_in_dim3A_89 = arith.constant 0.000000e+00 : f32
    %broadcast_in_dim3A_90 = vector.broadcast %broadcast_in_dim3A_89 : f32 to vector<16xf32>
    %swap3A_91 = arith.constant 112 : index
    %swap3A_92 = tpu.vector_load %arg7[%swap3A_91] {strides = array<i32>} : memref<128xf32, #tpu.memory_space<vmem>>, vector<16xf32>,
    %swap3A_93 = vector.shape_cast %swap3A_92 : vector<16xf32> to vector<16xf32>
    %swap3A_94 = vector.shape_cast %broadcast_in_dim3A_90 : vector<16xf32> to vector<16xf32>
    tpu.vector_store %arg7[%swap3A_91], %swap3A_94 {strides = array<i32>} : memref<128xf32, #tpu.memory_space<vmem>>, vector<16xf32>,
    %mul3A_95 = arith.constant 640 : i32
    %mul3A_96 = arith.muli %arg1, %mul3A_95 : i32
    %add3A_97 = arith.constant 0 : i32
    %add3A_98 = arith.addi %mul3A_96, %add3A_97 : i32
    %min3A = arith.constant 9872 : i32
    %min3A_99 = arith.minsi %add3A_98, %min3A : i32
    "tpu.region"() ({
      %run_scoped3A = tpu.sem_alloc : memref<!tpu.dma_semaphore, #tpu.memory_space<semaphore_mem>>
      %dma_start3A = tpu.memref_slice %arg4[%min3A_99] : memref<10000xf32, #tpu.memory_space<vmem_shared>> -> memref<128xf32, #tpu.memory_space<vmem_shared>>
      %dma_start3A_181 = tpu.memref_slice %arg4[%min3A_99] : memref<10000xf32, #tpu.memory_space<vmem_shared>> -> memref<128xf32, #tpu.memory_space<vmem_shared>>
      tpu.enqueue_dma source(%arg7 : memref<128xf32, #tpu.memory_space<vmem>>) target(%dma_start3A_181 : memref<128xf32, #tpu.memory_space<vmem_shared>>) target_semaphore(%run_scoped3A : memref<!tpu.dma_semaphore, #tpu.memory_space<semaphore_mem>>)
      %dma_wait3A = tpu.memref_slice %arg4[%min3A_99] : memref<10000xf32, #tpu.memory_space<vmem_shared>> -> memref<128xf32, #tpu.memory_space<vmem_shared>>
      %dma_wait3A_182 = tpu.memref_slice %arg4[%min3A_99] : memref<10000xf32, #tpu.memory_space<vmem_shared>> -> memref<128xf32, #tpu.memory_space<vmem_shared>>
      tpu.wait_dma2 semaphore(%run_scoped3A : memref<!tpu.dma_semaphore, #tpu.memory_space<semaphore_mem>>) src(%arg7 : memref<128xf32, #tpu.memory_space<vmem>>) dst(%dma_wait3A_182 : memref<128xf32, #tpu.memory_space<vmem_shared>>)
      tpu.yield
    }) : () -> ()
    %mul3A_100 = arith.constant 640 : i32
    %mul3A_101 = arith.muli %arg1, %mul3A_100 : i32
    %add3A_102 = arith.constant 128 : i32
    %add3A_103 = arith.addi %mul3A_101, %add3A_102 : i32
    %min3A_104 = arith.constant 9872 : i32
    %min3A_105 = arith.minsi %add3A_103, %min3A_104 : i32
    "tpu.region"() ({
      %run_scoped3A = tpu.sem_alloc : memref<!tpu.dma_semaphore, #tpu.memory_space<semaphore_mem>>
      %dma_start3A = tpu.memref_slice %arg4[%min3A_105] : memref<10000xf32, #tpu.memory_space<vmem_shared>> -> memref<128xf32, #tpu.memory_space<vmem_shared>>
      %dma_start3A_181 = tpu.memref_slice %arg4[%min3A_105] : memref<10000xf32, #tpu.memory_space<vmem_shared>> -> memref<128xf32, #tpu.memory_space<vmem_shared>>
      tpu.enqueue_dma source(%arg7 : memref<128xf32, #tpu.memory_space<vmem>>) target(%dma_start3A_181 : memref<128xf32, #tpu.memory_space<vmem_shared>>) target_semaphore(%run_scoped3A : memref<!tpu.dma_semaphore, #tpu.memory_space<semaphore_mem>>)
      %dma_wait3A = tpu.memref_slice %arg4[%min3A_105] : memref<10000xf32, #tpu.memory_space<vmem_shared>> -> memref<128xf32, #tpu.memory_space<vmem_shared>>
      %dma_wait3A_182 = tpu.memref_slice %arg4[%min3A_105] : memref<10000xf32, #tpu.memory_space<vmem_shared>> -> memref<128xf32, #tpu.memory_space<vmem_shared>>
      tpu.wait_dma2 semaphore(%run_scoped3A : memref<!tpu.dma_semaphore, #tpu.memory_space<semaphore_mem>>) src(%arg7 : memref<128xf32, #tpu.memory_space<vmem>>) dst(%dma_wait3A_182 : memref<128xf32, #tpu.memory_space<vmem_shared>>)
      tpu.yield
    }) : () -> ()
    %mul3A_106 = arith.constant 640 : i32
    %mul3A_107 = arith.muli %arg1, %mul3A_106 : i32
    %add3A_108 = arith.constant 256 : i32
    %add3A_109 = arith.addi %mul3A_107, %add3A_108 : i32
    %min3A_110 = arith.constant 9872 : i32
    %min3A_111 = arith.minsi %add3A_109, %min3A_110 : i32
    "tpu.region"() ({
      %run_scoped3A = tpu.sem_alloc : memref<!tpu.dma_semaphore, #tpu.memory_space<semaphore_mem>>
      %dma_start3A = tpu.memref_slice %arg4[%min3A_111] : memref<10000xf32, #tpu.memory_space<vmem_shared>> -> memref<128xf32, #tpu.memory_space<vmem_shared>>
      %dma_start3A_181 = tpu.memref_slice %arg4[%min3A_111] : memref<10000xf32, #tpu.memory_space<vmem_shared>> -> memref<128xf32, #tpu.memory_space<vmem_shared>>
      tpu.enqueue_dma source(%arg7 : memref<128xf32, #tpu.memory_space<vmem>>) target(%dma_start3A_181 : memref<128xf32, #tpu.memory_space<vmem_shared>>) target_semaphore(%run_scoped3A : memref<!tpu.dma_semaphore, #tpu.memory_space<semaphore_mem>>)
      %dma_wait3A = tpu.memref_slice %arg4[%min3A_111] : memref<10000xf32, #tpu.memory_space<vmem_shared>> -> memref<128xf32, #tpu.memory_space<vmem_shared>>
      %dma_wait3A_182 = tpu.memref_slice %arg4[%min3A_111] : memref<10000xf32, #tpu.memory_space<vmem_shared>> -> memref<128xf32, #tpu.memory_space<vmem_shared>>
      tpu.wait_dma2 semaphore(%run_scoped3A : memref<!tpu.dma_semaphore, #tpu.memory_space<semaphore_mem>>) src(%arg7 : memref<128xf32, #tpu.memory_space<vmem>>) dst(%dma_wait3A_182 : memref<128xf32, #tpu.memory_space<vmem_shared>>)
      tpu.yield
    }) : () -> ()
    %mul3A_112 = arith.constant 640 : i32
    %mul3A_113 = arith.muli %arg1, %mul3A_112 : i32
    %add3A_114 = arith.constant 384 : i32
    %add3A_115 = arith.addi %mul3A_113, %add3A_114 : i32
    %min3A_116 = arith.constant 9872 : i32
    %min3A_117 = arith.minsi %add3A_115, %min3A_116 : i32
    "tpu.region"() ({
      %run_scoped3A = tpu.sem_alloc : memref<!tpu.dma_semaphore, #tpu.memory_space<semaphore_mem>>
      %dma_start3A = tpu.memref_slice %arg4[%min3A_117] : memref<10000xf32, #tpu.memory_space<vmem_shared>> -> memref<128xf32, #tpu.memory_space<vmem_shared>>
      %dma_start3A_181 = tpu.memref_slice %arg4[%min3A_117] : memref<10000xf32, #tpu.memory_space<vmem_shared>> -> memref<128xf32, #tpu.memory_space<vmem_shared>>
      tpu.enqueue_dma source(%arg7 : memref<128xf32, #tpu.memory_space<vmem>>) target(%dma_start3A_181 : memref<128xf32, #tpu.memory_space<vmem_shared>>) target_semaphore(%run_scoped3A : memref<!tpu.dma_semaphore, #tpu.memory_space<semaphore_mem>>)
      %dma_wait3A = tpu.memref_slice %arg4[%min3A_117] : memref<10000xf32, #tpu.memory_space<vmem_shared>> -> memref<128xf32, #tpu.memory_space<vmem_shared>>
      %dma_wait3A_182 = tpu.memref_slice %arg4[%min3A_117] : memref<10000xf32, #tpu.memory_space<vmem_shared>> -> memref<128xf32, #tpu.memory_space<vmem_shared>>
      tpu.wait_dma2 semaphore(%run_scoped3A : memref<!tpu.dma_semaphore, #tpu.memory_space<semaphore_mem>>) src(%arg7 : memref<128xf32, #tpu.memory_space<vmem>>) dst(%dma_wait3A_182 : memref<128xf32, #tpu.memory_space<vmem_shared>>)
      tpu.yield
    }) : () -> ()
    %mul3A_118 = arith.constant 640 : i32
    %mul3A_119 = arith.muli %arg1, %mul3A_118 : i32
    %add3A_120 = arith.constant 512 : i32
    %add3A_121 = arith.addi %mul3A_119, %add3A_120 : i32
    %min3A_122 = arith.constant 9872 : i32
    %min3A_123 = arith.minsi %add3A_121, %min3A_122 : i32
    "tpu.region"() ({
      %run_scoped3A = tpu.sem_alloc : memref<!tpu.dma_semaphore, #tpu.memory_space<semaphore_mem>>
      %dma_start3A = tpu.memref_slice %arg4[%min3A_123] : memref<10000xf32, #tpu.memory_space<vmem_shared>> -> memref<128xf32, #tpu.memory_space<vmem_shared>>
      %dma_start3A_181 = tpu.memref_slice %arg4[%min3A_123] : memref<10000xf32, #tpu.memory_space<vmem_shared>> -> memref<128xf32, #tpu.memory_space<vmem_shared>>
      tpu.enqueue_dma source(%arg7 : memref<128xf32, #tpu.memory_space<vmem>>) target(%dma_start3A_181 : memref<128xf32, #tpu.memory_space<vmem_shared>>) target_semaphore(%run_scoped3A : memref<!tpu.dma_semaphore, #tpu.memory_space<semaphore_mem>>)
      %dma_wait3A = tpu.memref_slice %arg4[%min3A_123] : memref<10000xf32, #tpu.memory_space<vmem_shared>> -> memref<128xf32, #tpu.memory_space<vmem_shared>>
      %dma_wait3A_182 = tpu.memref_slice %arg4[%min3A_123] : memref<10000xf32, #tpu.memory_space<vmem_shared>> -> memref<128xf32, #tpu.memory_space<vmem_shared>>
      tpu.wait_dma2 semaphore(%run_scoped3A : memref<!tpu.dma_semaphore, #tpu.memory_space<semaphore_mem>>) src(%arg7 : memref<128xf32, #tpu.memory_space<vmem>>) dst(%dma_wait3A_182 : memref<128xf32, #tpu.memory_space<vmem_shared>>)
      tpu.yield
    }) : () -> ()
    %barrier3A = arith.constant 0 : index
    tpu.barrier barrier_id(%barrier3A)
    %mul3A_124 = arith.constant 125 : i32
    %mul3A_125 = arith.muli %add3A, %mul3A_124 : i32
    %mul3A_126 = arith.constant 80 : i32
    %mul3A_127 = arith.muli %mul3A_125, %mul3A_126 : i32
    %add3A_128 = arith.constant 320000 : i32
    %add3A_129 = arith.addi %add3A_128, %mul3A_127 : i32
    "tpu.region"() ({
      %run_scoped3A = tpu.sem_alloc : memref<!tpu.dma_semaphore, #tpu.memory_space<semaphore_mem>>
      %dma_start3A = tpu.memref_slice %arg2[%add3A_129] : memref<640000xi32, #tpu.memory_space<hbm>> -> memref<10000xi32, #tpu.memory_space<hbm>>
      %dma_start3A_181 = tpu.memref_slice %arg2[%add3A_129] : memref<640000xi32, #tpu.memory_space<hbm>> -> memref<10000xi32, #tpu.memory_space<hbm>>
      tpu.enqueue_dma source(%dma_start3A_181 : memref<10000xi32, #tpu.memory_space<hbm>>) target(%arg5 : memref<10000xi32, #tpu.memory_space<vmem>>) target_semaphore(%run_scoped3A : memref<!tpu.dma_semaphore, #tpu.memory_space<semaphore_mem>>)
      %dma_wait3A = tpu.memref_slice %arg2[%add3A_129] : memref<640000xi32, #tpu.memory_space<hbm>> -> memref<10000xi32, #tpu.memory_space<hbm>>
      %dma_wait3A_182 = tpu.memref_slice %arg2[%add3A_129] : memref<640000xi32, #tpu.memory_space<hbm>> -> memref<10000xi32, #tpu.memory_space<hbm>>
      tpu.wait_dma2 semaphore(%run_scoped3A : memref<!tpu.dma_semaphore, #tpu.memory_space<semaphore_mem>>) src(%dma_wait3A_182 : memref<10000xi32, #tpu.memory_space<hbm>>) dst(%arg5 : memref<10000xi32, #tpu.memory_space<vmem>>)
      tpu.yield
    }) : () -> ()
    %scan3A = arith.constant 0 : i32
    %scan3A_130 = arith.constant 0 : i32
    %scan3A_131 = arith.constant 25 : i32
    %scan3A_132 = arith.addi %scan3A_130, %scan3A_131 : i32
    %scan3A_133 = arith.constant 1 : i32
    scf.for %scan3A_181 = %scan3A_130 to %scan3A_132 step %scan3A_133  : i32 {
      %mul3A_182 = arith.constant 5 : i32
      %mul3A_183 = arith.muli %scan3A_181, %mul3A_182 : i32
      %add3A_184 = arith.constant 0 : i32
      %add3A_185 = arith.addi %mul3A_183, %add3A_184 : i32
      %mul3A_186 = arith.constant 80 : i32
      %mul3A_187 = arith.muli %add3A_185, %mul3A_186 : i32
      %dma_start3A = arith.constant 0 : i32
      %dma_start3A_188 = tpu.memref_slice %arg6[%dma_start3A] : memref<128xf32, #tpu.memory_space<vmem>> -> memref<80xf32, #tpu.memory_space<vmem>>
      %dma_start3A_189 = tpu.memref_slice %arg5[%mul3A_187] : memref<10000xi32, #tpu.memory_space<vmem>> -> memref<80xi32, #tpu.memory_space<vmem>>
      %dma_start3A_190 = arith.constant 0 : i32
      %dma_start3A_191 = tpu.memref_slice %arg4[%dma_start3A_190] : memref<10000xf32, #tpu.memory_space<vmem_shared>> -> memref<10000xf32, #tpu.memory_space<vmem_shared>>
      tpu.enqueue_indirect_dma source(%dma_start3A_188 : memref<80xf32, #tpu.memory_space<vmem>>) target(%dma_start3A_191 : memref<10000xf32, #tpu.memory_space<vmem_shared>>) offsets(%dma_start3A_189 : memref<80xi32, #tpu.memory_space<vmem>>) semaphore(%arg9 : memref<!tpu.dma_semaphore, #tpu.memory_space<semaphore_mem>>) {add = true}
      %mul3A_192 = arith.constant 5 : i32
      %mul3A_193 = arith.muli %scan3A_181, %mul3A_192 : i32
      %add3A_194 = arith.constant 1 : i32
      %add3A_195 = arith.addi %mul3A_193, %add3A_194 : i32
      %mul3A_196 = arith.constant 80 : i32
      %mul3A_197 = arith.muli %add3A_195, %mul3A_196 : i32
      %dma_start3A_198 = arith.constant 0 : i32
      %dma_start3A_199 = tpu.memref_slice %arg6[%dma_start3A_198] : memref<128xf32, #tpu.memory_space<vmem>> -> memref<80xf32, #tpu.memory_space<vmem>>
      %dma_start3A_200 = tpu.memref_slice %arg5[%mul3A_197] : memref<10000xi32, #tpu.memory_space<vmem>> -> memref<80xi32, #tpu.memory_space<vmem>>
      %dma_start3A_201 = arith.constant 0 : i32
      %dma_start3A_202 = tpu.memref_slice %arg4[%dma_start3A_201] : memref<10000xf32, #tpu.memory_space<vmem_shared>> -> memref<10000xf32, #tpu.memory_space<vmem_shared>>
      tpu.enqueue_indirect_dma source(%dma_start3A_199 : memref<80xf32, #tpu.memory_space<vmem>>) target(%dma_start3A_202 : memref<10000xf32, #tpu.memory_space<vmem_shared>>) offsets(%dma_start3A_200 : memref<80xi32, #tpu.memory_space<vmem>>) semaphore(%arg9 : memref<!tpu.dma_semaphore, #tpu.memory_space<semaphore_mem>>) {add = true}
      %mul3A_203 = arith.constant 5 : i32
      %mul3A_204 = arith.muli %scan3A_181, %mul3A_203 : i32
      %add3A_205 = arith.constant 2 : i32
      %add3A_206 = arith.addi %mul3A_204, %add3A_205 : i32
      %mul3A_207 = arith.constant 80 : i32
      %mul3A_208 = arith.muli %add3A_206, %mul3A_207 : i32
      %dma_start3A_209 = arith.constant 0 : i32
      %dma_start3A_210 = tpu.memref_slice %arg6[%dma_start3A_209] : memref<128xf32, #tpu.memory_space<vmem>> -> memref<80xf32, #tpu.memory_space<vmem>>
      %dma_start3A_211 = tpu.memref_slice %arg5[%mul3A_208] : memref<10000xi32, #tpu.memory_space<vmem>> -> memref<80xi32, #tpu.memory_space<vmem>>
      %dma_start3A_212 = arith.constant 0 : i32
      %dma_start3A_213 = tpu.memref_slice %arg4[%dma_start3A_212] : memref<10000xf32, #tpu.memory_space<vmem_shared>> -> memref<10000xf32, #tpu.memory_space<vmem_shared>>
      tpu.enqueue_indirect_dma source(%dma_start3A_210 : memref<80xf32, #tpu.memory_space<vmem>>) target(%dma_start3A_213 : memref<10000xf32, #tpu.memory_space<vmem_shared>>) offsets(%dma_start3A_211 : memref<80xi32, #tpu.memory_space<vmem>>) semaphore(%arg9 : memref<!tpu.dma_semaphore, #tpu.memory_space<semaphore_mem>>) {add = true}
      %mul3A_214 = arith.constant 5 : i32
      %mul3A_215 = arith.muli %scan3A_181, %mul3A_214 : i32
      %add3A_216 = arith.constant 3 : i32
      %add3A_217 = arith.addi %mul3A_215, %add3A_216 : i32
      %mul3A_218 = arith.constant 80 : i32
      %mul3A_219 = arith.muli %add3A_217, %mul3A_218 : i32
      %dma_start3A_220 = arith.constant 0 : i32
      %dma_start3A_221 = tpu.memref_slice %arg6[%dma_start3A_220] : memref<128xf32, #tpu.memory_space<vmem>> -> memref<80xf32, #tpu.memory_space<vmem>>
      %dma_start3A_222 = tpu.memref_slice %arg5[%mul3A_219] : memref<10000xi32, #tpu.memory_space<vmem>> -> memref<80xi32, #tpu.memory_space<vmem>>
      %dma_start3A_223 = arith.constant 0 : i32
      %dma_start3A_224 = tpu.memref_slice %arg4[%dma_start3A_223] : memref<10000xf32, #tpu.memory_space<vmem_shared>> -> memref<10000xf32, #tpu.memory_space<vmem_shared>>
      tpu.enqueue_indirect_dma source(%dma_start3A_221 : memref<80xf32, #tpu.memory_space<vmem>>) target(%dma_start3A_224 : memref<10000xf32, #tpu.memory_space<vmem_shared>>) offsets(%dma_start3A_222 : memref<80xi32, #tpu.memory_space<vmem>>) semaphore(%arg9 : memref<!tpu.dma_semaphore, #tpu.memory_space<semaphore_mem>>) {add = true}
      %mul3A_225 = arith.constant 5 : i32
      %mul3A_226 = arith.muli %scan3A_181, %mul3A_225 : i32
      %add3A_227 = arith.constant 4 : i32
      %add3A_228 = arith.addi %mul3A_226, %add3A_227 : i32
      %mul3A_229 = arith.constant 80 : i32
      %mul3A_230 = arith.muli %add3A_228, %mul3A_229 : i32
      %dma_start3A_231 = arith.constant 0 : i32
      %dma_start3A_232 = tpu.memref_slice %arg6[%dma_start3A_231] : memref<128xf32, #tpu.memory_space<vmem>> -> memref<80xf32, #tpu.memory_space<vmem>>
      %dma_start3A_233 = tpu.memref_slice %arg5[%mul3A_230] : memref<10000xi32, #tpu.memory_space<vmem>> -> memref<80xi32, #tpu.memory_space<vmem>>
      %dma_start3A_234 = arith.constant 0 : i32
      %dma_start3A_235 = tpu.memref_slice %arg4[%dma_start3A_234] : memref<10000xf32, #tpu.memory_space<vmem_shared>> -> memref<10000xf32, #tpu.memory_space<vmem_shared>>
      tpu.enqueue_indirect_dma source(%dma_start3A_232 : memref<80xf32, #tpu.memory_space<vmem>>) target(%dma_start3A_235 : memref<10000xf32, #tpu.memory_space<vmem_shared>>) offsets(%dma_start3A_233 : memref<80xi32, #tpu.memory_space<vmem>>) semaphore(%arg9 : memref<!tpu.dma_semaphore, #tpu.memory_space<semaphore_mem>>) {add = true}
      %mul3A_236 = arith.constant 5 : i32
      %mul3A_237 = arith.muli %scan3A_181, %mul3A_236 : i32
      %add3A_238 = arith.constant 0 : i32
      %add3A_239 = arith.addi %mul3A_237, %add3A_238 : i32
      %mul3A_240 = arith.constant 80 : i32
      %mul3A_241 = arith.muli %add3A_239, %mul3A_240 : i32
      %dma_wait3A = arith.constant 0 : i32
      %dma_wait3A_242 = tpu.memref_slice %arg6[%dma_wait3A] : memref<128xf32, #tpu.memory_space<vmem>> -> memref<80xf32, #tpu.memory_space<vmem>>
      %dma_wait3A_243 = tpu.memref_slice %arg5[%mul3A_241] : memref<10000xi32, #tpu.memory_space<vmem>> -> memref<80xi32, #tpu.memory_space<vmem>>
      %dma_wait3A_244 = arith.constant 0 : i32
      %dma_wait3A_245 = tpu.memref_slice %arg4[%dma_wait3A_244] : memref<10000xf32, #tpu.memory_space<vmem_shared>> -> memref<10000xf32, #tpu.memory_space<vmem_shared>>
      tpu.wait_indirect_dma semaphore(%arg9 : memref<!tpu.dma_semaphore, #tpu.memory_space<semaphore_mem>>) src(%dma_wait3A_242 : memref<80xf32, #tpu.memory_space<vmem>>) dst(%dma_wait3A_245 : memref<10000xf32, #tpu.memory_space<vmem_shared>>)
      %mul3A_246 = arith.constant 5 : i32
      %mul3A_247 = arith.muli %scan3A_181, %mul3A_246 : i32
      %add3A_248 = arith.constant 1 : i32
      %add3A_249 = arith.addi %mul3A_247, %add3A_248 : i32
      %mul3A_250 = arith.constant 80 : i32
      %mul3A_251 = arith.muli %add3A_249, %mul3A_250 : i32
      %dma_wait3A_252 = arith.constant 0 : i32
      %dma_wait3A_253 = tpu.memref_slice %arg6[%dma_wait3A_252] : memref<128xf32, #tpu.memory_space<vmem>> -> memref<80xf32, #tpu.memory_space<vmem>>
      %dma_wait3A_254 = tpu.memref_slice %arg5[%mul3A_251] : memref<10000xi32, #tpu.memory_space<vmem>> -> memref<80xi32, #tpu.memory_space<vmem>>
      %dma_wait3A_255 = arith.constant 0 : i32
      %dma_wait3A_256 = tpu.memref_slice %arg4[%dma_wait3A_255] : memref<10000xf32, #tpu.memory_space<vmem_shared>> -> memref<10000xf32, #tpu.memory_space<vmem_shared>>
      tpu.wait_indirect_dma semaphore(%arg9 : memref<!tpu.dma_semaphore, #tpu.memory_space<semaphore_mem>>) src(%dma_wait3A_253 : memref<80xf32, #tpu.memory_space<vmem>>) dst(%dma_wait3A_256 : memref<10000xf32, #tpu.memory_space<vmem_shared>>)
      %mul3A_257 = arith.constant 5 : i32
      %mul3A_258 = arith.muli %scan3A_181, %mul3A_257 : i32
      %add3A_259 = arith.constant 2 : i32
      %add3A_260 = arith.addi %mul3A_258, %add3A_259 : i32
      %mul3A_261 = arith.constant 80 : i32
      %mul3A_262 = arith.muli %add3A_260, %mul3A_261 : i32
      %dma_wait3A_263 = arith.constant 0 : i32
      %dma_wait3A_264 = tpu.memref_slice %arg6[%dma_wait3A_263] : memref<128xf32, #tpu.memory_space<vmem>> -> memref<80xf32, #tpu.memory_space<vmem>>
      %dma_wait3A_265 = tpu.memref_slice %arg5[%mul3A_262] : memref<10000xi32, #tpu.memory_space<vmem>> -> memref<80xi32, #tpu.memory_space<vmem>>
      %dma_wait3A_266 = arith.constant 0 : i32
      %dma_wait3A_267 = tpu.memref_slice %arg4[%dma_wait3A_266] : memref<10000xf32, #tpu.memory_space<vmem_shared>> -> memref<10000xf32, #tpu.memory_space<vmem_shared>>
      tpu.wait_indirect_dma semaphore(%arg9 : memref<!tpu.dma_semaphore, #tpu.memory_space<semaphore_mem>>) src(%dma_wait3A_264 : memref<80xf32, #tpu.memory_space<vmem>>) dst(%dma_wait3A_267 : memref<10000xf32, #tpu.memory_space<vmem_shared>>)
      %mul3A_268 = arith.constant 5 : i32
      %mul3A_269 = arith.muli %scan3A_181, %mul3A_268 : i32
      %add3A_270 = arith.constant 3 : i32
      %add3A_271 = arith.addi %mul3A_269, %add3A_270 : i32
      %mul3A_272 = arith.constant 80 : i32
      %mul3A_273 = arith.muli %add3A_271, %mul3A_272 : i32
      %dma_wait3A_274 = arith.constant 0 : i32
      %dma_wait3A_275 = tpu.memref_slice %arg6[%dma_wait3A_274] : memref<128xf32, #tpu.memory_space<vmem>> -> memref<80xf32, #tpu.memory_space<vmem>>
      %dma_wait3A_276 = tpu.memref_slice %arg5[%mul3A_273] : memref<10000xi32, #tpu.memory_space<vmem>> -> memref<80xi32, #tpu.memory_space<vmem>>
      %dma_wait3A_277 = arith.constant 0 : i32
      %dma_wait3A_278 = tpu.memref_slice %arg4[%dma_wait3A_277] : memref<10000xf32, #tpu.memory_space<vmem_shared>> -> memref<10000xf32, #tpu.memory_space<vmem_shared>>
      tpu.wait_indirect_dma semaphore(%arg9 : memref<!tpu.dma_semaphore, #tpu.memory_space<semaphore_mem>>) src(%dma_wait3A_275 : memref<80xf32, #tpu.memory_space<vmem>>) dst(%dma_wait3A_278 : memref<10000xf32, #tpu.memory_space<vmem_shared>>)
      %mul3A_279 = arith.constant 5 : i32
      %mul3A_280 = arith.muli %scan3A_181, %mul3A_279 : i32
      %add3A_281 = arith.constant 4 : i32
      %add3A_282 = arith.addi %mul3A_280, %add3A_281 : i32
      %mul3A_283 = arith.constant 80 : i32
      %mul3A_284 = arith.muli %add3A_282, %mul3A_283 : i32
      %dma_wait3A_285 = arith.constant 0 : i32
      %dma_wait3A_286 = tpu.memref_slice %arg6[%dma_wait3A_285] : memref<128xf32, #tpu.memory_space<vmem>> -> memref<80xf32, #tpu.memory_space<vmem>>
      %dma_wait3A_287 = tpu.memref_slice %arg5[%mul3A_284] : memref<10000xi32, #tpu.memory_space<vmem>> -> memref<80xi32, #tpu.memory_space<vmem>>
      %dma_wait3A_288 = arith.constant 0 : i32
      %dma_wait3A_289 = tpu.memref_slice %arg4[%dma_wait3A_288] : memref<10000xf32, #tpu.memory_space<vmem_shared>> -> memref<10000xf32, #tpu.memory_space<vmem_shared>>
      tpu.wait_indirect_dma semaphore(%arg9 : memref<!tpu.dma_semaphore, #tpu.memory_space<semaphore_mem>>) src(%dma_wait3A_286 : memref<80xf32, #tpu.memory_space<vmem>>) dst(%dma_wait3A_289 : memref<10000xf32, #tpu.memory_space<vmem_shared>>)
    }
    %scan3A_134 = arith.constant 25 : i32
    %barrier3A_135 = arith.constant 0 : index
    tpu.barrier barrier_id(%barrier3A_135)
    %mul3A_136 = arith.constant 640 : i32
    %mul3A_137 = arith.muli %arg1, %mul3A_136 : i32
    %add3A_138 = arith.constant 0 : i32
    %add3A_139 = arith.addi %mul3A_137, %add3A_138 : i32
    %min3A_140 = arith.constant 9872 : i32
    %min3A_141 = arith.minsi %add3A_139, %min3A_140 : i32
    "tpu.region"() ({
      %run_scoped3A = tpu.sem_alloc : memref<!tpu.dma_semaphore, #tpu.memory_space<semaphore_mem>>
      %dma_start3A = tpu.memref_slice %arg4[%min3A_141] : memref<10000xf32, #tpu.memory_space<vmem_shared>> -> memref<128xf32, #tpu.memory_space<vmem_shared>>
      %dma_start3A_181 = tpu.memref_slice %arg4[%min3A_141] : memref<10000xf32, #tpu.memory_space<vmem_shared>> -> memref<128xf32, #tpu.memory_space<vmem_shared>>
      tpu.enqueue_dma source(%dma_start3A_181 : memref<128xf32, #tpu.memory_space<vmem_shared>>) target(%arg8 : memref<128xf32, #tpu.memory_space<vmem>>) target_semaphore(%run_scoped3A : memref<!tpu.dma_semaphore, #tpu.memory_space<semaphore_mem>>)
      %dma_wait3A = tpu.memref_slice %arg4[%min3A_141] : memref<10000xf32, #tpu.memory_space<vmem_shared>> -> memref<128xf32, #tpu.memory_space<vmem_shared>>
      %dma_wait3A_182 = tpu.memref_slice %arg4[%min3A_141] : memref<10000xf32, #tpu.memory_space<vmem_shared>> -> memref<128xf32, #tpu.memory_space<vmem_shared>>
      tpu.wait_dma2 semaphore(%run_scoped3A : memref<!tpu.dma_semaphore, #tpu.memory_space<semaphore_mem>>) src(%dma_wait3A_182 : memref<128xf32, #tpu.memory_space<vmem_shared>>) dst(%arg8 : memref<128xf32, #tpu.memory_space<vmem>>)
      tpu.yield
    }) : () -> ()
    %mul3A_142 = arith.constant 10000 : i32
    %mul3A_143 = arith.muli %arg0, %mul3A_142 : i32
    %add3A_144 = arith.addi %mul3A_143, %min3A_141 : i32
    "tpu.region"() ({
      %run_scoped3A = tpu.sem_alloc : memref<!tpu.dma_semaphore, #tpu.memory_space<semaphore_mem>>
      %dma_start3A = tpu.memref_slice %arg3[%add3A_144] : memref<20000xf32, #tpu.memory_space<hbm>> -> memref<128xf32, #tpu.memory_space<hbm>>
      %dma_start3A_181 = tpu.memref_slice %arg3[%add3A_144] : memref<20000xf32, #tpu.memory_space<hbm>> -> memref<128xf32, #tpu.memory_space<hbm>>
      tpu.enqueue_dma source(%arg8 : memref<128xf32, #tpu.memory_space<vmem>>) target(%dma_start3A_181 : memref<128xf32, #tpu.memory_space<hbm>>) target_semaphore(%run_scoped3A : memref<!tpu.dma_semaphore, #tpu.memory_space<semaphore_mem>>)
      %dma_wait3A = tpu.memref_slice %arg3[%add3A_144] : memref<20000xf32, #tpu.memory_space<hbm>> -> memref<128xf32, #tpu.memory_space<hbm>>
      %dma_wait3A_182 = tpu.memref_slice %arg3[%add3A_144] : memref<20000xf32, #tpu.memory_space<hbm>> -> memref<128xf32, #tpu.memory_space<hbm>>
      tpu.wait_dma2 semaphore(%run_scoped3A : memref<!tpu.dma_semaphore, #tpu.memory_space<semaphore_mem>>) src(%arg8 : memref<128xf32, #tpu.memory_space<vmem>>) dst(%dma_wait3A_182 : memref<128xf32, #tpu.memory_space<hbm>>)
      tpu.yield
    }) : () -> ()
    %mul3A_145 = arith.constant 640 : i32
    %mul3A_146 = arith.muli %arg1, %mul3A_145 : i32
    %add3A_147 = arith.constant 128 : i32
    %add3A_148 = arith.addi %mul3A_146, %add3A_147 : i32
    %min3A_149 = arith.constant 9872 : i32
    %min3A_150 = arith.minsi %add3A_148, %min3A_149 : i32
    "tpu.region"() ({
      %run_scoped3A = tpu.sem_alloc : memref<!tpu.dma_semaphore, #tpu.memory_space<semaphore_mem>>
      %dma_start3A = tpu.memref_slice %arg4[%min3A_150] : memref<10000xf32, #tpu.memory_space<vmem_shared>> -> memref<128xf32, #tpu.memory_space<vmem_shared>>
      %dma_start3A_181 = tpu.memref_slice %arg4[%min3A_150] : memref<10000xf32, #tpu.memory_space<vmem_shared>> -> memref<128xf32, #tpu.memory_space<vmem_shared>>
      tpu.enqueue_dma source(%dma_start3A_181 : memref<128xf32, #tpu.memory_space<vmem_shared>>) target(%arg8 : memref<128xf32, #tpu.memory_space<vmem>>) target_semaphore(%run_scoped3A : memref<!tpu.dma_semaphore, #tpu.memory_space<semaphore_mem>>)
      %dma_wait3A = tpu.memref_slice %arg4[%min3A_150] : memref<10000xf32, #tpu.memory_space<vmem_shared>> -> memref<128xf32, #tpu.memory_space<vmem_shared>>
      %dma_wait3A_182 = tpu.memref_slice %arg4[%min3A_150] : memref<10000xf32, #tpu.memory_space<vmem_shared>> -> memref<128xf32, #tpu.memory_space<vmem_shared>>
      tpu.wait_dma2 semaphore(%run_scoped3A : memref<!tpu.dma_semaphore, #tpu.memory_space<semaphore_mem>>) src(%dma_wait3A_182 : memref<128xf32, #tpu.memory_space<vmem_shared>>) dst(%arg8 : memref<128xf32, #tpu.memory_space<vmem>>)
      tpu.yield
    }) : () -> ()
    %mul3A_151 = arith.constant 10000 : i32
    %mul3A_152 = arith.muli %arg0, %mul3A_151 : i32
    %add3A_153 = arith.addi %mul3A_152, %min3A_150 : i32
    "tpu.region"() ({
      %run_scoped3A = tpu.sem_alloc : memref<!tpu.dma_semaphore, #tpu.memory_space<semaphore_mem>>
      %dma_start3A = tpu.memref_slice %arg3[%add3A_153] : memref<20000xf32, #tpu.memory_space<hbm>> -> memref<128xf32, #tpu.memory_space<hbm>>
      %dma_start3A_181 = tpu.memref_slice %arg3[%add3A_153] : memref<20000xf32, #tpu.memory_space<hbm>> -> memref<128xf32, #tpu.memory_space<hbm>>
      tpu.enqueue_dma source(%arg8 : memref<128xf32, #tpu.memory_space<vmem>>) target(%dma_start3A_181 : memref<128xf32, #tpu.memory_space<hbm>>) target_semaphore(%run_scoped3A : memref<!tpu.dma_semaphore, #tpu.memory_space<semaphore_mem>>)
      %dma_wait3A = tpu.memref_slice %arg3[%add3A_153] : memref<20000xf32, #tpu.memory_space<hbm>> -> memref<128xf32, #tpu.memory_space<hbm>>
      %dma_wait3A_182 = tpu.memref_slice %arg3[%add3A_153] : memref<20000xf32, #tpu.memory_space<hbm>> -> memref<128xf32, #tpu.memory_space<hbm>>
      tpu.wait_dma2 semaphore(%run_scoped3A : memref<!tpu.dma_semaphore, #tpu.memory_space<semaphore_mem>>) src(%arg8 : memref<128xf32, #tpu.memory_space<vmem>>) dst(%dma_wait3A_182 : memref<128xf32, #tpu.memory_space<hbm>>)
      tpu.yield
    }) : () -> ()
    %mul3A_154 = arith.constant 640 : i32
    %mul3A_155 = arith.muli %arg1, %mul3A_154 : i32
    %add3A_156 = arith.constant 256 : i32
    %add3A_157 = arith.addi %mul3A_155, %add3A_156 : i32
    %min3A_158 = arith.constant 9872 : i32
    %min3A_159 = arith.minsi %add3A_157, %min3A_158 : i32
    "tpu.region"() ({
      %run_scoped3A = tpu.sem_alloc : memref<!tpu.dma_semaphore, #tpu.memory_space<semaphore_mem>>
      %dma_start3A = tpu.memref_slice %arg4[%min3A_159] : memref<10000xf32, #tpu.memory_space<vmem_shared>> -> memref<128xf32, #tpu.memory_space<vmem_shared>>
      %dma_start3A_181 = tpu.memref_slice %arg4[%min3A_159] : memref<10000xf32, #tpu.memory_space<vmem_shared>> -> memref<128xf32, #tpu.memory_space<vmem_shared>>
      tpu.enqueue_dma source(%dma_start3A_181 : memref<128xf32, #tpu.memory_space<vmem_shared>>) target(%arg8 : memref<128xf32, #tpu.memory_space<vmem>>) target_semaphore(%run_scoped3A : memref<!tpu.dma_semaphore, #tpu.memory_space<semaphore_mem>>)
      %dma_wait3A = tpu.memref_slice %arg4[%min3A_159] : memref<10000xf32, #tpu.memory_space<vmem_shared>> -> memref<128xf32, #tpu.memory_space<vmem_shared>>
      %dma_wait3A_182 = tpu.memref_slice %arg4[%min3A_159] : memref<10000xf32, #tpu.memory_space<vmem_shared>> -> memref<128xf32, #tpu.memory_space<vmem_shared>>
      tpu.wait_dma2 semaphore(%run_scoped3A : memref<!tpu.dma_semaphore, #tpu.memory_space<semaphore_mem>>) src(%dma_wait3A_182 : memref<128xf32, #tpu.memory_space<vmem_shared>>) dst(%arg8 : memref<128xf32, #tpu.memory_space<vmem>>)
      tpu.yield
    }) : () -> ()
    %mul3A_160 = arith.constant 10000 : i32
    %mul3A_161 = arith.muli %arg0, %mul3A_160 : i32
    %add3A_162 = arith.addi %mul3A_161, %min3A_159 : i32
    "tpu.region"() ({
      %run_scoped3A = tpu.sem_alloc : memref<!tpu.dma_semaphore, #tpu.memory_space<semaphore_mem>>
      %dma_start3A = tpu.memref_slice %arg3[%add3A_162] : memref<20000xf32, #tpu.memory_space<hbm>> -> memref<128xf32, #tpu.memory_space<hbm>>
      %dma_start3A_181 = tpu.memref_slice %arg3[%add3A_162] : memref<20000xf32, #tpu.memory_space<hbm>> -> memref<128xf32, #tpu.memory_space<hbm>>
      tpu.enqueue_dma source(%arg8 : memref<128xf32, #tpu.memory_space<vmem>>) target(%dma_start3A_181 : memref<128xf32, #tpu.memory_space<hbm>>) target_semaphore(%run_scoped3A : memref<!tpu.dma_semaphore, #tpu.memory_space<semaphore_mem>>)
      %dma_wait3A = tpu.memref_slice %arg3[%add3A_162] : memref<20000xf32, #tpu.memory_space<hbm>> -> memref<128xf32, #tpu.memory_space<hbm>>
      %dma_wait3A_182 = tpu.memref_slice %arg3[%add3A_162] : memref<20000xf32, #tpu.memory_space<hbm>> -> memref<128xf32, #tpu.memory_space<hbm>>
      tpu.wait_dma2 semaphore(%run_scoped3A : memref<!tpu.dma_semaphore, #tpu.memory_space<semaphore_mem>>) src(%arg8 : memref<128xf32, #tpu.memory_space<vmem>>) dst(%dma_wait3A_182 : memref<128xf32, #tpu.memory_space<hbm>>)
      tpu.yield
    }) : () -> ()
    %mul3A_163 = arith.constant 640 : i32
    %mul3A_164 = arith.muli %arg1, %mul3A_163 : i32
    %add3A_165 = arith.constant 384 : i32
    %add3A_166 = arith.addi %mul3A_164, %add3A_165 : i32
    %min3A_167 = arith.constant 9872 : i32
    %min3A_168 = arith.minsi %add3A_166, %min3A_167 : i32
    "tpu.region"() ({
      %run_scoped3A = tpu.sem_alloc : memref<!tpu.dma_semaphore, #tpu.memory_space<semaphore_mem>>
      %dma_start3A = tpu.memref_slice %arg4[%min3A_168] : memref<10000xf32, #tpu.memory_space<vmem_shared>> -> memref<128xf32, #tpu.memory_space<vmem_shared>>
      %dma_start3A_181 = tpu.memref_slice %arg4[%min3A_168] : memref<10000xf32, #tpu.memory_space<vmem_shared>> -> memref<128xf32, #tpu.memory_space<vmem_shared>>
      tpu.enqueue_dma source(%dma_start3A_181 : memref<128xf32, #tpu.memory_space<vmem_shared>>) target(%arg8 : memref<128xf32, #tpu.memory_space<vmem>>) target_semaphore(%run_scoped3A : memref<!tpu.dma_semaphore, #tpu.memory_space<semaphore_mem>>)
      %dma_wait3A = tpu.memref_slice %arg4[%min3A_168] : memref<10000xf32, #tpu.memory_space<vmem_shared>> -> memref<128xf32, #tpu.memory_space<vmem_shared>>
      %dma_wait3A_182 = tpu.memref_slice %arg4[%min3A_168] : memref<10000xf32, #tpu.memory_space<vmem_shared>> -> memref<128xf32, #tpu.memory_space<vmem_shared>>
      tpu.wait_dma2 semaphore(%run_scoped3A : memref<!tpu.dma_semaphore, #tpu.memory_space<semaphore_mem>>) src(%dma_wait3A_182 : memref<128xf32, #tpu.memory_space<vmem_shared>>) dst(%arg8 : memref<128xf32, #tpu.memory_space<vmem>>)
      tpu.yield
    }) : () -> ()
    %mul3A_169 = arith.constant 10000 : i32
    %mul3A_170 = arith.muli %arg0, %mul3A_169 : i32
    %add3A_171 = arith.addi %mul3A_170, %min3A_168 : i32
    "tpu.region"() ({
      %run_scoped3A = tpu.sem_alloc : memref<!tpu.dma_semaphore, #tpu.memory_space<semaphore_mem>>
      %dma_start3A = tpu.memref_slice %arg3[%add3A_171] : memref<20000xf32, #tpu.memory_space<hbm>> -> memref<128xf32, #tpu.memory_space<hbm>>
      %dma_start3A_181 = tpu.memref_slice %arg3[%add3A_171] : memref<20000xf32, #tpu.memory_space<hbm>> -> memref<128xf32, #tpu.memory_space<hbm>>
      tpu.enqueue_dma source(%arg8 : memref<128xf32, #tpu.memory_space<vmem>>) target(%dma_start3A_181 : memref<128xf32, #tpu.memory_space<hbm>>) target_semaphore(%run_scoped3A : memref<!tpu.dma_semaphore, #tpu.memory_space<semaphore_mem>>)
      %dma_wait3A = tpu.memref_slice %arg3[%add3A_171] : memref<20000xf32, #tpu.memory_space<hbm>> -> memref<128xf32, #tpu.memory_space<hbm>>
      %dma_wait3A_182 = tpu.memref_slice %arg3[%add3A_171] : memref<20000xf32, #tpu.memory_space<hbm>> -> memref<128xf32, #tpu.memory_space<hbm>>
      tpu.wait_dma2 semaphore(%run_scoped3A : memref<!tpu.dma_semaphore, #tpu.memory_space<semaphore_mem>>) src(%arg8 : memref<128xf32, #tpu.memory_space<vmem>>) dst(%dma_wait3A_182 : memref<128xf32, #tpu.memory_space<hbm>>)
      tpu.yield
    }) : () -> ()
    %mul3A_172 = arith.constant 640 : i32
    %mul3A_173 = arith.muli %arg1, %mul3A_172 : i32
    %add3A_174 = arith.constant 512 : i32
    %add3A_175 = arith.addi %mul3A_173, %add3A_174 : i32
    %min3A_176 = arith.constant 9872 : i32
    %min3A_177 = arith.minsi %add3A_175, %min3A_176 : i32
    "tpu.region"() ({
      %run_scoped3A = tpu.sem_alloc : memref<!tpu.dma_semaphore, #tpu.memory_space<semaphore_mem>>
      %dma_start3A = tpu.memref_slice %arg4[%min3A_177] : memref<10000xf32, #tpu.memory_space<vmem_shared>> -> memref<128xf32, #tpu.memory_space<vmem_shared>>
      %dma_start3A_181 = tpu.memref_slice %arg4[%min3A_177] : memref<10000xf32, #tpu.memory_space<vmem_shared>> -> memref<128xf32, #tpu.memory_space<vmem_shared>>
      tpu.enqueue_dma source(%dma_start3A_181 : memref<128xf32, #tpu.memory_space<vmem_shared>>) target(%arg8 : memref<128xf32, #tpu.memory_space<vmem>>) target_semaphore(%run_scoped3A : memref<!tpu.dma_semaphore, #tpu.memory_space<semaphore_mem>>)
      %dma_wait3A = tpu.memref_slice %arg4[%min3A_177] : memref<10000xf32, #tpu.memory_space<vmem_shared>> -> memref<128xf32, #tpu.memory_space<vmem_shared>>
      %dma_wait3A_182 = tpu.memref_slice %arg4[%min3A_177] : memref<10000xf32, #tpu.memory_space<vmem_shared>> -> memref<128xf32, #tpu.memory_space<vmem_shared>>
      tpu.wait_dma2 semaphore(%run_scoped3A : memref<!tpu.dma_semaphore, #tpu.memory_space<semaphore_mem>>) src(%dma_wait3A_182 : memref<128xf32, #tpu.memory_space<vmem_shared>>) dst(%arg8 : memref<128xf32, #tpu.memory_space<vmem>>)
      tpu.yield
    }) : () -> ()
    %mul3A_178 = arith.constant 10000 : i32
    %mul3A_179 = arith.muli %arg0, %mul3A_178 : i32
    %add3A_180 = arith.addi %mul3A_179, %min3A_177 : i32
    "tpu.region"() ({
      %run_scoped3A = tpu.sem_alloc : memref<!tpu.dma_semaphore, #tpu.memory_space<semaphore_mem>>
      %dma_start3A = tpu.memref_slice %arg3[%add3A_180] : memref<20000xf32, #tpu.memory_space<hbm>> -> memref<128xf32, #tpu.memory_space<hbm>>
      %dma_start3A_181 = tpu.memref_slice %arg3[%add3A_180] : memref<20000xf32, #tpu.memory_space<hbm>> -> memref<128xf32, #tpu.memory_space<hbm>>
      tpu.enqueue_dma source(%arg8 : memref<128xf32, #tpu.memory_space<vmem>>) target(%dma_start3A_181 : memref<128xf32, #tpu.memory_space<hbm>>) target_semaphore(%run_scoped3A : memref<!tpu.dma_semaphore, #tpu.memory_space<semaphore_mem>>)
      %dma_wait3A = tpu.memref_slice %arg3[%add3A_180] : memref<20000xf32, #tpu.memory_space<hbm>> -> memref<128xf32, #tpu.memory_space<hbm>>
      %dma_wait3A_182 = tpu.memref_slice %arg3[%add3A_180] : memref<20000xf32, #tpu.memory_space<hbm>> -> memref<128xf32, #tpu.memory_space<hbm>>
      tpu.wait_dma2 semaphore(%run_scoped3A : memref<!tpu.dma_semaphore, #tpu.memory_space<semaphore_mem>>) src(%arg8 : memref<128xf32, #tpu.memory_space<vmem>>) dst(%dma_wait3A_182 : memref<128xf32, #tpu.memory_space<hbm>>)
      tpu.yield
    }) : () -> ()
    return
  }
}

#map = affine_map<(d0, d1) -> (0, 0)>
#map1 = affine_map<(d0, d1) -> (0)>
#map2 = affine_map<(d0, d1) -> (0, 0, 0)>
module attributes {stable_mosaic.version = 14 : i64} {
  func.func @_mp_sc(%arg0: i32, %arg1: i32, %arg2: memref<10000x128xf32, #tpu.memory_space<hbm>>, %arg3: memref<640000xi32, #tpu.memory_space<hbm>>, %arg4: memref<2x10000x128xf32, #tpu.memory_space<hbm>>, %arg5: memref<10000x128xf32, #tpu.memory_space<vmem_shared>>, %arg6: memref<10000xi32, #tpu.memory_space<vmem>>, %arg7: memref<80xi32, #tpu.memory_space<vmem>>, %arg8: memref<80xi32, #tpu.memory_space<vmem>>, %arg9: memref<80xi32, #tpu.memory_space<vmem>>, %arg10: memref<80xi32, #tpu.memory_space<vmem>>, %arg11: memref<80xi32, #tpu.memory_space<vmem>>, %arg12: memref<80xi32, #tpu.memory_space<vmem>>, %arg13: memref<80x128xf32, #tpu.memory_space<vmem>>, %arg14: memref<80x128xf32, #tpu.memory_space<vmem>>, %arg15: memref<80x128xf32, #tpu.memory_space<vmem>>, %arg16: memref<!tpu.dma_semaphore, #tpu.memory_space<semaphore_mem>>, %arg17: memref<!tpu.dma_semaphore, #tpu.memory_space<semaphore_mem>>, %arg18: memref<!tpu.dma_semaphore, #tpu.memory_space<semaphore_mem>>, %arg19: memref<!tpu.dma_semaphore, #tpu.memory_space<semaphore_mem>>, %arg20: memref<!tpu.dma_semaphore, #tpu.memory_space<semaphore_mem>>, %arg21: memref<!tpu.dma_semaphore, #tpu.memory_space<semaphore_mem>>, %arg22: memref<!tpu.dma_semaphore, #tpu.memory_space<semaphore_mem>>, %arg23: memref<!tpu.dma_semaphore, #tpu.memory_space<semaphore_mem>>, %arg24: memref<!tpu.dma_semaphore, #tpu.memory_space<semaphore_mem>>, %arg25: memref<!tpu.dma_semaphore, #tpu.memory_space<semaphore_mem>>, %arg26: memref<!tpu.dma_semaphore, #tpu.memory_space<semaphore_mem>>, %arg27: memref<!tpu.dma_semaphore, #tpu.memory_space<semaphore_mem>>) attributes {dimension_semantics = [#tpu.dimension_semantics<core_parallel>, #tpu.dimension_semantics<subcore_parallel>], iteration_bounds = array<i64: 2, 16>, scalar_prefetch = 0 : i64, scratch_operands = 23 : i64, tpu.core_type = #tpu.core_type<sc_vector_subcore>, window_params = [{transform_indices = #map}, {transform_indices = #map1}, {transform_indices = #map2}]} {
    %mul3A = arith.constant 2 : i32
    %mul3A_0 = arith.muli %arg1, %mul3A : i32
    %add3A = arith.addi %mul3A_0, %arg0 : i32
    %mul3A_1 = arith.constant 125 : i32
    %mul3A_2 = arith.muli %add3A, %mul3A_1 : i32
    %mul3A_3 = arith.constant 80 : i32
    %mul3A_4 = arith.muli %mul3A_2, %mul3A_3 : i32
    %add3A_5 = arith.constant 320000 : i32
    %add3A_6 = arith.addi %add3A_5, %mul3A_4 : i32
    %scan3A = arith.constant 0 : i32
    %scan3A_7 = arith.constant 0 : i32
    %scan3A_8 = arith.constant 80 : i32
    %scan3A_9 = arith.addi %scan3A_7, %scan3A_8 : i32
    %scan3A_10 = arith.constant 1 : i32
    scf.for %scan3A_212 = %scan3A_7 to %scan3A_9 step %scan3A_10  : i32 {
      %broadcast_in_dim3A = arith.constant 0.000000e+00 : f32
      %broadcast_in_dim3A_213 = vector.broadcast %broadcast_in_dim3A : f32 to vector<16xf32>
      %swap3A = arith.index_cast %scan3A_212 : i32 to index
      %swap3A_214 = arith.constant 0 : index
      %swap3A_215 = tpu.vector_load %arg13[%swap3A, %swap3A_214] {strides = array<i32>} : memref<80x128xf32, #tpu.memory_space<vmem>>, vector<1x16xf32>,
      %swap3A_216 = vector.shape_cast %swap3A_215 : vector<1x16xf32> to vector<16xf32>
      %swap3A_217 = vector.shape_cast %broadcast_in_dim3A_213 : vector<16xf32> to vector<1x16xf32>
      tpu.vector_store %arg13[%swap3A, %swap3A_214], %swap3A_217 {strides = array<i32>} : memref<80x128xf32, #tpu.memory_space<vmem>>, vector<1x16xf32>,
      %broadcast_in_dim3A_218 = arith.constant 0.000000e+00 : f32
      %broadcast_in_dim3A_219 = vector.broadcast %broadcast_in_dim3A_218 : f32 to vector<16xf32>
      %swap3A_220 = arith.index_cast %scan3A_212 : i32 to index
      %swap3A_221 = arith.constant 16 : index
      %swap3A_222 = tpu.vector_load %arg13[%swap3A_220, %swap3A_221] {strides = array<i32>} : memref<80x128xf32, #tpu.memory_space<vmem>>, vector<1x16xf32>,
      %swap3A_223 = vector.shape_cast %swap3A_222 : vector<1x16xf32> to vector<16xf32>
      %swap3A_224 = vector.shape_cast %broadcast_in_dim3A_219 : vector<16xf32> to vector<1x16xf32>
      tpu.vector_store %arg13[%swap3A_220, %swap3A_221], %swap3A_224 {strides = array<i32>} : memref<80x128xf32, #tpu.memory_space<vmem>>, vector<1x16xf32>,
      %broadcast_in_dim3A_225 = arith.constant 0.000000e+00 : f32
      %broadcast_in_dim3A_226 = vector.broadcast %broadcast_in_dim3A_225 : f32 to vector<16xf32>
      %swap3A_227 = arith.index_cast %scan3A_212 : i32 to index
      %swap3A_228 = arith.constant 32 : index
      %swap3A_229 = tpu.vector_load %arg13[%swap3A_227, %swap3A_228] {strides = array<i32>} : memref<80x128xf32, #tpu.memory_space<vmem>>, vector<1x16xf32>,
      %swap3A_230 = vector.shape_cast %swap3A_229 : vector<1x16xf32> to vector<16xf32>
      %swap3A_231 = vector.shape_cast %broadcast_in_dim3A_226 : vector<16xf32> to vector<1x16xf32>
      tpu.vector_store %arg13[%swap3A_227, %swap3A_228], %swap3A_231 {strides = array<i32>} : memref<80x128xf32, #tpu.memory_space<vmem>>, vector<1x16xf32>,
      %broadcast_in_dim3A_232 = arith.constant 0.000000e+00 : f32
      %broadcast_in_dim3A_233 = vector.broadcast %broadcast_in_dim3A_232 : f32 to vector<16xf32>
      %swap3A_234 = arith.index_cast %scan3A_212 : i32 to index
      %swap3A_235 = arith.constant 48 : index
      %swap3A_236 = tpu.vector_load %arg13[%swap3A_234, %swap3A_235] {strides = array<i32>} : memref<80x128xf32, #tpu.memory_space<vmem>>, vector<1x16xf32>,
      %swap3A_237 = vector.shape_cast %swap3A_236 : vector<1x16xf32> to vector<16xf32>
      %swap3A_238 = vector.shape_cast %broadcast_in_dim3A_233 : vector<16xf32> to vector<1x16xf32>
      tpu.vector_store %arg13[%swap3A_234, %swap3A_235], %swap3A_238 {strides = array<i32>} : memref<80x128xf32, #tpu.memory_space<vmem>>, vector<1x16xf32>,
      %broadcast_in_dim3A_239 = arith.constant 0.000000e+00 : f32
      %broadcast_in_dim3A_240 = vector.broadcast %broadcast_in_dim3A_239 : f32 to vector<16xf32>
      %swap3A_241 = arith.index_cast %scan3A_212 : i32 to index
      %swap3A_242 = arith.constant 64 : index
      %swap3A_243 = tpu.vector_load %arg13[%swap3A_241, %swap3A_242] {strides = array<i32>} : memref<80x128xf32, #tpu.memory_space<vmem>>, vector<1x16xf32>,
      %swap3A_244 = vector.shape_cast %swap3A_243 : vector<1x16xf32> to vector<16xf32>
      %swap3A_245 = vector.shape_cast %broadcast_in_dim3A_240 : vector<16xf32> to vector<1x16xf32>
      tpu.vector_store %arg13[%swap3A_241, %swap3A_242], %swap3A_245 {strides = array<i32>} : memref<80x128xf32, #tpu.memory_space<vmem>>, vector<1x16xf32>,
      %broadcast_in_dim3A_246 = arith.constant 0.000000e+00 : f32
      %broadcast_in_dim3A_247 = vector.broadcast %broadcast_in_dim3A_246 : f32 to vector<16xf32>
      %swap3A_248 = arith.index_cast %scan3A_212 : i32 to index
      %swap3A_249 = arith.constant 80 : index
      %swap3A_250 = tpu.vector_load %arg13[%swap3A_248, %swap3A_249] {strides = array<i32>} : memref<80x128xf32, #tpu.memory_space<vmem>>, vector<1x16xf32>,
      %swap3A_251 = vector.shape_cast %swap3A_250 : vector<1x16xf32> to vector<16xf32>
      %swap3A_252 = vector.shape_cast %broadcast_in_dim3A_247 : vector<16xf32> to vector<1x16xf32>
      tpu.vector_store %arg13[%swap3A_248, %swap3A_249], %swap3A_252 {strides = array<i32>} : memref<80x128xf32, #tpu.memory_space<vmem>>, vector<1x16xf32>,
      %broadcast_in_dim3A_253 = arith.constant 0.000000e+00 : f32
      %broadcast_in_dim3A_254 = vector.broadcast %broadcast_in_dim3A_253 : f32 to vector<16xf32>
      %swap3A_255 = arith.index_cast %scan3A_212 : i32 to index
      %swap3A_256 = arith.constant 96 : index
      %swap3A_257 = tpu.vector_load %arg13[%swap3A_255, %swap3A_256] {strides = array<i32>} : memref<80x128xf32, #tpu.memory_space<vmem>>, vector<1x16xf32>,
      %swap3A_258 = vector.shape_cast %swap3A_257 : vector<1x16xf32> to vector<16xf32>
      %swap3A_259 = vector.shape_cast %broadcast_in_dim3A_254 : vector<16xf32> to vector<1x16xf32>
      tpu.vector_store %arg13[%swap3A_255, %swap3A_256], %swap3A_259 {strides = array<i32>} : memref<80x128xf32, #tpu.memory_space<vmem>>, vector<1x16xf32>,
      %broadcast_in_dim3A_260 = arith.constant 0.000000e+00 : f32
      %broadcast_in_dim3A_261 = vector.broadcast %broadcast_in_dim3A_260 : f32 to vector<16xf32>
      %swap3A_262 = arith.index_cast %scan3A_212 : i32 to index
      %swap3A_263 = arith.constant 112 : index
      %swap3A_264 = tpu.vector_load %arg13[%swap3A_262, %swap3A_263] {strides = array<i32>} : memref<80x128xf32, #tpu.memory_space<vmem>>, vector<1x16xf32>,
      %swap3A_265 = vector.shape_cast %swap3A_264 : vector<1x16xf32> to vector<16xf32>
      %swap3A_266 = vector.shape_cast %broadcast_in_dim3A_261 : vector<16xf32> to vector<1x16xf32>
      tpu.vector_store %arg13[%swap3A_262, %swap3A_263], %swap3A_266 {strides = array<i32>} : memref<80x128xf32, #tpu.memory_space<vmem>>, vector<1x16xf32>,
    }
    %scan3A_11 = arith.constant 80 : i32
    %mul3A_12 = arith.constant 640 : i32
    %mul3A_13 = arith.muli %arg1, %mul3A_12 : i32
    %add3A_14 = arith.constant 0 : i32
    %add3A_15 = arith.addi %mul3A_13, %add3A_14 : i32
    %min3A = arith.constant 9872 : i32
    %min3A_16 = arith.minsi %add3A_15, %min3A : i32
    "tpu.region"() ({
      %run_scoped3A = tpu.sem_alloc : memref<!tpu.dma_semaphore, #tpu.memory_space<semaphore_mem>>
      %dma_start3A_212 = arith.constant 0 : i32
      %dma_start3A_213 = tpu.memref_slice %arg5[%min3A_16, %dma_start3A_212] : memref<10000x128xf32, #tpu.memory_space<vmem_shared>> -> memref<80x128xf32, #tpu.memory_space<vmem_shared>>
      %dma_start3A_214 = arith.constant 0 : i32
      %dma_start3A_215 = tpu.memref_slice %arg5[%min3A_16, %dma_start3A_214] : memref<10000x128xf32, #tpu.memory_space<vmem_shared>> -> memref<80x128xf32, #tpu.memory_space<vmem_shared>>
      tpu.enqueue_dma source(%arg13 : memref<80x128xf32, #tpu.memory_space<vmem>>) target(%dma_start3A_215 : memref<80x128xf32, #tpu.memory_space<vmem_shared>>) target_semaphore(%run_scoped3A : memref<!tpu.dma_semaphore, #tpu.memory_space<semaphore_mem>>)
      %dma_wait3A_216 = arith.constant 0 : i32
      %dma_wait3A_217 = tpu.memref_slice %arg5[%min3A_16, %dma_wait3A_216] : memref<10000x128xf32, #tpu.memory_space<vmem_shared>> -> memref<80x128xf32, #tpu.memory_space<vmem_shared>>
      %dma_wait3A_218 = arith.constant 0 : i32
      %dma_wait3A_219 = tpu.memref_slice %arg5[%min3A_16, %dma_wait3A_218] : memref<10000x128xf32, #tpu.memory_space<vmem_shared>> -> memref<80x128xf32, #tpu.memory_space<vmem_shared>>
      tpu.wait_dma2 semaphore(%run_scoped3A : memref<!tpu.dma_semaphore, #tpu.memory_space<semaphore_mem>>) src(%arg13 : memref<80x128xf32, #tpu.memory_space<vmem>>) dst(%dma_wait3A_219 : memref<80x128xf32, #tpu.memory_space<vmem_shared>>)
      tpu.yield
    }) : () -> ()
    %add3A_17 = arith.constant 48 : i32
    %add3A_18 = arith.addi %min3A_16, %add3A_17 : i32
    "tpu.region"() ({
      %run_scoped3A = tpu.sem_alloc : memref<!tpu.dma_semaphore, #tpu.memory_space<semaphore_mem>>
      %dma_start3A_212 = arith.constant 0 : i32
      %dma_start3A_213 = tpu.memref_slice %arg5[%add3A_18, %dma_start3A_212] : memref<10000x128xf32, #tpu.memory_space<vmem_shared>> -> memref<80x128xf32, #tpu.memory_space<vmem_shared>>
      %dma_start3A_214 = arith.constant 0 : i32
      %dma_start3A_215 = tpu.memref_slice %arg5[%add3A_18, %dma_start3A_214] : memref<10000x128xf32, #tpu.memory_space<vmem_shared>> -> memref<80x128xf32, #tpu.memory_space<vmem_shared>>
      tpu.enqueue_dma source(%arg13 : memref<80x128xf32, #tpu.memory_space<vmem>>) target(%dma_start3A_215 : memref<80x128xf32, #tpu.memory_space<vmem_shared>>) target_semaphore(%run_scoped3A : memref<!tpu.dma_semaphore, #tpu.memory_space<semaphore_mem>>)
      %dma_wait3A_216 = arith.constant 0 : i32
      %dma_wait3A_217 = tpu.memref_slice %arg5[%add3A_18, %dma_wait3A_216] : memref<10000x128xf32, #tpu.memory_space<vmem_shared>> -> memref<80x128xf32, #tpu.memory_space<vmem_shared>>
      %dma_wait3A_218 = arith.constant 0 : i32
      %dma_wait3A_219 = tpu.memref_slice %arg5[%add3A_18, %dma_wait3A_218] : memref<10000x128xf32, #tpu.memory_space<vmem_shared>> -> memref<80x128xf32, #tpu.memory_space<vmem_shared>>
      tpu.wait_dma2 semaphore(%run_scoped3A : memref<!tpu.dma_semaphore, #tpu.memory_space<semaphore_mem>>) src(%arg13 : memref<80x128xf32, #tpu.memory_space<vmem>>) dst(%dma_wait3A_219 : memref<80x128xf32, #tpu.memory_space<vmem_shared>>)
      tpu.yield
    }) : () -> ()
    %mul3A_19 = arith.constant 640 : i32
    %mul3A_20 = arith.muli %arg1, %mul3A_19 : i32
    %add3A_21 = arith.constant 128 : i32
    %add3A_22 = arith.addi %mul3A_20, %add3A_21 : i32
    %min3A_23 = arith.constant 9872 : i32
    %min3A_24 = arith.minsi %add3A_22, %min3A_23 : i32
    "tpu.region"() ({
      %run_scoped3A = tpu.sem_alloc : memref<!tpu.dma_semaphore, #tpu.memory_space<semaphore_mem>>
      %dma_start3A_212 = arith.constant 0 : i32
      %dma_start3A_213 = tpu.memref_slice %arg5[%min3A_24, %dma_start3A_212] : memref<10000x128xf32, #tpu.memory_space<vmem_shared>> -> memref<80x128xf32, #tpu.memory_space<vmem_shared>>
      %dma_start3A_214 = arith.constant 0 : i32
      %dma_start3A_215 = tpu.memref_slice %arg5[%min3A_24, %dma_start3A_214] : memref<10000x128xf32, #tpu.memory_space<vmem_shared>> -> memref<80x128xf32, #tpu.memory_space<vmem_shared>>
      tpu.enqueue_dma source(%arg13 : memref<80x128xf32, #tpu.memory_space<vmem>>) target(%dma_start3A_215 : memref<80x128xf32, #tpu.memory_space<vmem_shared>>) target_semaphore(%run_scoped3A : memref<!tpu.dma_semaphore, #tpu.memory_space<semaphore_mem>>)
      %dma_wait3A_216 = arith.constant 0 : i32
      %dma_wait3A_217 = tpu.memref_slice %arg5[%min3A_24, %dma_wait3A_216] : memref<10000x128xf32, #tpu.memory_space<vmem_shared>> -> memref<80x128xf32, #tpu.memory_space<vmem_shared>>
      %dma_wait3A_218 = arith.constant 0 : i32
      %dma_wait3A_219 = tpu.memref_slice %arg5[%min3A_24, %dma_wait3A_218] : memref<10000x128xf32, #tpu.memory_space<vmem_shared>> -> memref<80x128xf32, #tpu.memory_space<vmem_shared>>
      tpu.wait_dma2 semaphore(%run_scoped3A : memref<!tpu.dma_semaphore, #tpu.memory_space<semaphore_mem>>) src(%arg13 : memref<80x128xf32, #tpu.memory_space<vmem>>) dst(%dma_wait3A_219 : memref<80x128xf32, #tpu.memory_space<vmem_shared>>)
      tpu.yield
    }) : () -> ()
    %add3A_25 = arith.constant 48 : i32
    %add3A_26 = arith.addi %min3A_24, %add3A_25 : i32
    "tpu.region"() ({
      %run_scoped3A = tpu.sem_alloc : memref<!tpu.dma_semaphore, #tpu.memory_space<semaphore_mem>>
      %dma_start3A_212 = arith.constant 0 : i32
      %dma_start3A_213 = tpu.memref_slice %arg5[%add3A_26, %dma_start3A_212] : memref<10000x128xf32, #tpu.memory_space<vmem_shared>> -> memref<80x128xf32, #tpu.memory_space<vmem_shared>>
      %dma_start3A_214 = arith.constant 0 : i32
      %dma_start3A_215 = tpu.memref_slice %arg5[%add3A_26, %dma_start3A_214] : memref<10000x128xf32, #tpu.memory_space<vmem_shared>> -> memref<80x128xf32, #tpu.memory_space<vmem_shared>>
      tpu.enqueue_dma source(%arg13 : memref<80x128xf32, #tpu.memory_space<vmem>>) target(%dma_start3A_215 : memref<80x128xf32, #tpu.memory_space<vmem_shared>>) target_semaphore(%run_scoped3A : memref<!tpu.dma_semaphore, #tpu.memory_space<semaphore_mem>>)
      %dma_wait3A_216 = arith.constant 0 : i32
      %dma_wait3A_217 = tpu.memref_slice %arg5[%add3A_26, %dma_wait3A_216] : memref<10000x128xf32, #tpu.memory_space<vmem_shared>> -> memref<80x128xf32, #tpu.memory_space<vmem_shared>>
      %dma_wait3A_218 = arith.constant 0 : i32
      %dma_wait3A_219 = tpu.memref_slice %arg5[%add3A_26, %dma_wait3A_218] : memref<10000x128xf32, #tpu.memory_space<vmem_shared>> -> memref<80x128xf32, #tpu.memory_space<vmem_shared>>
      tpu.wait_dma2 semaphore(%run_scoped3A : memref<!tpu.dma_semaphore, #tpu.memory_space<semaphore_mem>>) src(%arg13 : memref<80x128xf32, #tpu.memory_space<vmem>>) dst(%dma_wait3A_219 : memref<80x128xf32, #tpu.memory_space<vmem_shared>>)
      tpu.yield
    }) : () -> ()
    %mul3A_27 = arith.constant 640 : i32
    %mul3A_28 = arith.muli %arg1, %mul3A_27 : i32
    %add3A_29 = arith.constant 256 : i32
    %add3A_30 = arith.addi %mul3A_28, %add3A_29 : i32
    %min3A_31 = arith.constant 9872 : i32
    %min3A_32 = arith.minsi %add3A_30, %min3A_31 : i32
    "tpu.region"() ({
      %run_scoped3A = tpu.sem_alloc : memref<!tpu.dma_semaphore, #tpu.memory_space<semaphore_mem>>
      %dma_start3A_212 = arith.constant 0 : i32
      %dma_start3A_213 = tpu.memref_slice %arg5[%min3A_32, %dma_start3A_212] : memref<10000x128xf32, #tpu.memory_space<vmem_shared>> -> memref<80x128xf32, #tpu.memory_space<vmem_shared>>
      %dma_start3A_214 = arith.constant 0 : i32
      %dma_start3A_215 = tpu.memref_slice %arg5[%min3A_32, %dma_start3A_214] : memref<10000x128xf32, #tpu.memory_space<vmem_shared>> -> memref<80x128xf32, #tpu.memory_space<vmem_shared>>
      tpu.enqueue_dma source(%arg13 : memref<80x128xf32, #tpu.memory_space<vmem>>) target(%dma_start3A_215 : memref<80x128xf32, #tpu.memory_space<vmem_shared>>) target_semaphore(%run_scoped3A : memref<!tpu.dma_semaphore, #tpu.memory_space<semaphore_mem>>)
      %dma_wait3A_216 = arith.constant 0 : i32
      %dma_wait3A_217 = tpu.memref_slice %arg5[%min3A_32, %dma_wait3A_216] : memref<10000x128xf32, #tpu.memory_space<vmem_shared>> -> memref<80x128xf32, #tpu.memory_space<vmem_shared>>
      %dma_wait3A_218 = arith.constant 0 : i32
      %dma_wait3A_219 = tpu.memref_slice %arg5[%min3A_32, %dma_wait3A_218] : memref<10000x128xf32, #tpu.memory_space<vmem_shared>> -> memref<80x128xf32, #tpu.memory_space<vmem_shared>>
      tpu.wait_dma2 semaphore(%run_scoped3A : memref<!tpu.dma_semaphore, #tpu.memory_space<semaphore_mem>>) src(%arg13 : memref<80x128xf32, #tpu.memory_space<vmem>>) dst(%dma_wait3A_219 : memref<80x128xf32, #tpu.memory_space<vmem_shared>>)
      tpu.yield
    }) : () -> ()
    %add3A_33 = arith.constant 48 : i32
    %add3A_34 = arith.addi %min3A_32, %add3A_33 : i32
    "tpu.region"() ({
      %run_scoped3A = tpu.sem_alloc : memref<!tpu.dma_semaphore, #tpu.memory_space<semaphore_mem>>
      %dma_start3A_212 = arith.constant 0 : i32
      %dma_start3A_213 = tpu.memref_slice %arg5[%add3A_34, %dma_start3A_212] : memref<10000x128xf32, #tpu.memory_space<vmem_shared>> -> memref<80x128xf32, #tpu.memory_space<vmem_shared>>
      %dma_start3A_214 = arith.constant 0 : i32
      %dma_start3A_215 = tpu.memref_slice %arg5[%add3A_34, %dma_start3A_214] : memref<10000x128xf32, #tpu.memory_space<vmem_shared>> -> memref<80x128xf32, #tpu.memory_space<vmem_shared>>
      tpu.enqueue_dma source(%arg13 : memref<80x128xf32, #tpu.memory_space<vmem>>) target(%dma_start3A_215 : memref<80x128xf32, #tpu.memory_space<vmem_shared>>) target_semaphore(%run_scoped3A : memref<!tpu.dma_semaphore, #tpu.memory_space<semaphore_mem>>)
      %dma_wait3A_216 = arith.constant 0 : i32
      %dma_wait3A_217 = tpu.memref_slice %arg5[%add3A_34, %dma_wait3A_216] : memref<10000x128xf32, #tpu.memory_space<vmem_shared>> -> memref<80x128xf32, #tpu.memory_space<vmem_shared>>
      %dma_wait3A_218 = arith.constant 0 : i32
      %dma_wait3A_219 = tpu.memref_slice %arg5[%add3A_34, %dma_wait3A_218] : memref<10000x128xf32, #tpu.memory_space<vmem_shared>> -> memref<80x128xf32, #tpu.memory_space<vmem_shared>>
      tpu.wait_dma2 semaphore(%run_scoped3A : memref<!tpu.dma_semaphore, #tpu.memory_space<semaphore_mem>>) src(%arg13 : memref<80x128xf32, #tpu.memory_space<vmem>>) dst(%dma_wait3A_219 : memref<80x128xf32, #tpu.memory_space<vmem_shared>>)
      tpu.yield
    }) : () -> ()
    %mul3A_35 = arith.constant 640 : i32
    %mul3A_36 = arith.muli %arg1, %mul3A_35 : i32
    %add3A_37 = arith.constant 384 : i32
    %add3A_38 = arith.addi %mul3A_36, %add3A_37 : i32
    %min3A_39 = arith.constant 9872 : i32
    %min3A_40 = arith.minsi %add3A_38, %min3A_39 : i32
    "tpu.region"() ({
      %run_scoped3A = tpu.sem_alloc : memref<!tpu.dma_semaphore, #tpu.memory_space<semaphore_mem>>
      %dma_start3A_212 = arith.constant 0 : i32
      %dma_start3A_213 = tpu.memref_slice %arg5[%min3A_40, %dma_start3A_212] : memref<10000x128xf32, #tpu.memory_space<vmem_shared>> -> memref<80x128xf32, #tpu.memory_space<vmem_shared>>
      %dma_start3A_214 = arith.constant 0 : i32
      %dma_start3A_215 = tpu.memref_slice %arg5[%min3A_40, %dma_start3A_214] : memref<10000x128xf32, #tpu.memory_space<vmem_shared>> -> memref<80x128xf32, #tpu.memory_space<vmem_shared>>
      tpu.enqueue_dma source(%arg13 : memref<80x128xf32, #tpu.memory_space<vmem>>) target(%dma_start3A_215 : memref<80x128xf32, #tpu.memory_space<vmem_shared>>) target_semaphore(%run_scoped3A : memref<!tpu.dma_semaphore, #tpu.memory_space<semaphore_mem>>)
      %dma_wait3A_216 = arith.constant 0 : i32
      %dma_wait3A_217 = tpu.memref_slice %arg5[%min3A_40, %dma_wait3A_216] : memref<10000x128xf32, #tpu.memory_space<vmem_shared>> -> memref<80x128xf32, #tpu.memory_space<vmem_shared>>
      %dma_wait3A_218 = arith.constant 0 : i32
      %dma_wait3A_219 = tpu.memref_slice %arg5[%min3A_40, %dma_wait3A_218] : memref<10000x128xf32, #tpu.memory_space<vmem_shared>> -> memref<80x128xf32, #tpu.memory_space<vmem_shared>>
      tpu.wait_dma2 semaphore(%run_scoped3A : memref<!tpu.dma_semaphore, #tpu.memory_space<semaphore_mem>>) src(%arg13 : memref<80x128xf32, #tpu.memory_space<vmem>>) dst(%dma_wait3A_219 : memref<80x128xf32, #tpu.memory_space<vmem_shared>>)
      tpu.yield
    }) : () -> ()
    %add3A_41 = arith.constant 48 : i32
    %add3A_42 = arith.addi %min3A_40, %add3A_41 : i32
    "tpu.region"() ({
      %run_scoped3A = tpu.sem_alloc : memref<!tpu.dma_semaphore, #tpu.memory_space<semaphore_mem>>
      %dma_start3A_212 = arith.constant 0 : i32
      %dma_start3A_213 = tpu.memref_slice %arg5[%add3A_42, %dma_start3A_212] : memref<10000x128xf32, #tpu.memory_space<vmem_shared>> -> memref<80x128xf32, #tpu.memory_space<vmem_shared>>
      %dma_start3A_214 = arith.constant 0 : i32
      %dma_start3A_215 = tpu.memref_slice %arg5[%add3A_42, %dma_start3A_214] : memref<10000x128xf32, #tpu.memory_space<vmem_shared>> -> memref<80x128xf32, #tpu.memory_space<vmem_shared>>
      tpu.enqueue_dma source(%arg13 : memref<80x128xf32, #tpu.memory_space<vmem>>) target(%dma_start3A_215 : memref<80x128xf32, #tpu.memory_space<vmem_shared>>) target_semaphore(%run_scoped3A : memref<!tpu.dma_semaphore, #tpu.memory_space<semaphore_mem>>)
      %dma_wait3A_216 = arith.constant 0 : i32
      %dma_wait3A_217 = tpu.memref_slice %arg5[%add3A_42, %dma_wait3A_216] : memref<10000x128xf32, #tpu.memory_space<vmem_shared>> -> memref<80x128xf32, #tpu.memory_space<vmem_shared>>
      %dma_wait3A_218 = arith.constant 0 : i32
      %dma_wait3A_219 = tpu.memref_slice %arg5[%add3A_42, %dma_wait3A_218] : memref<10000x128xf32, #tpu.memory_space<vmem_shared>> -> memref<80x128xf32, #tpu.memory_space<vmem_shared>>
      tpu.wait_dma2 semaphore(%run_scoped3A : memref<!tpu.dma_semaphore, #tpu.memory_space<semaphore_mem>>) src(%arg13 : memref<80x128xf32, #tpu.memory_space<vmem>>) dst(%dma_wait3A_219 : memref<80x128xf32, #tpu.memory_space<vmem_shared>>)
      tpu.yield
    }) : () -> ()
    %mul3A_43 = arith.constant 640 : i32
    %mul3A_44 = arith.muli %arg1, %mul3A_43 : i32
    %add3A_45 = arith.constant 512 : i32
    %add3A_46 = arith.addi %mul3A_44, %add3A_45 : i32
    %min3A_47 = arith.constant 9872 : i32
    %min3A_48 = arith.minsi %add3A_46, %min3A_47 : i32
    "tpu.region"() ({
      %run_scoped3A = tpu.sem_alloc : memref<!tpu.dma_semaphore, #tpu.memory_space<semaphore_mem>>
      %dma_start3A_212 = arith.constant 0 : i32
      %dma_start3A_213 = tpu.memref_slice %arg5[%min3A_48, %dma_start3A_212] : memref<10000x128xf32, #tpu.memory_space<vmem_shared>> -> memref<80x128xf32, #tpu.memory_space<vmem_shared>>
      %dma_start3A_214 = arith.constant 0 : i32
      %dma_start3A_215 = tpu.memref_slice %arg5[%min3A_48, %dma_start3A_214] : memref<10000x128xf32, #tpu.memory_space<vmem_shared>> -> memref<80x128xf32, #tpu.memory_space<vmem_shared>>
      tpu.enqueue_dma source(%arg13 : memref<80x128xf32, #tpu.memory_space<vmem>>) target(%dma_start3A_215 : memref<80x128xf32, #tpu.memory_space<vmem_shared>>) target_semaphore(%run_scoped3A : memref<!tpu.dma_semaphore, #tpu.memory_space<semaphore_mem>>)
      %dma_wait3A_216 = arith.constant 0 : i32
      %dma_wait3A_217 = tpu.memref_slice %arg5[%min3A_48, %dma_wait3A_216] : memref<10000x128xf32, #tpu.memory_space<vmem_shared>> -> memref<80x128xf32, #tpu.memory_space<vmem_shared>>
      %dma_wait3A_218 = arith.constant 0 : i32
      %dma_wait3A_219 = tpu.memref_slice %arg5[%min3A_48, %dma_wait3A_218] : memref<10000x128xf32, #tpu.memory_space<vmem_shared>> -> memref<80x128xf32, #tpu.memory_space<vmem_shared>>
      tpu.wait_dma2 semaphore(%run_scoped3A : memref<!tpu.dma_semaphore, #tpu.memory_space<semaphore_mem>>) src(%arg13 : memref<80x128xf32, #tpu.memory_space<vmem>>) dst(%dma_wait3A_219 : memref<80x128xf32, #tpu.memory_space<vmem_shared>>)
      tpu.yield
    }) : () -> ()
    %add3A_49 = arith.constant 48 : i32
    %add3A_50 = arith.addi %min3A_48, %add3A_49 : i32
    "tpu.region"() ({
      %run_scoped3A = tpu.sem_alloc : memref<!tpu.dma_semaphore, #tpu.memory_space<semaphore_mem>>
      %dma_start3A_212 = arith.constant 0 : i32
      %dma_start3A_213 = tpu.memref_slice %arg5[%add3A_50, %dma_start3A_212] : memref<10000x128xf32, #tpu.memory_space<vmem_shared>> -> memref<80x128xf32, #tpu.memory_space<vmem_shared>>
      %dma_start3A_214 = arith.constant 0 : i32
      %dma_start3A_215 = tpu.memref_slice %arg5[%add3A_50, %dma_start3A_214] : memref<10000x128xf32, #tpu.memory_space<vmem_shared>> -> memref<80x128xf32, #tpu.memory_space<vmem_shared>>
      tpu.enqueue_dma source(%arg13 : memref<80x128xf32, #tpu.memory_space<vmem>>) target(%dma_start3A_215 : memref<80x128xf32, #tpu.memory_space<vmem_shared>>) target_semaphore(%run_scoped3A : memref<!tpu.dma_semaphore, #tpu.memory_space<semaphore_mem>>)
      %dma_wait3A_216 = arith.constant 0 : i32
      %dma_wait3A_217 = tpu.memref_slice %arg5[%add3A_50, %dma_wait3A_216] : memref<10000x128xf32, #tpu.memory_space<vmem_shared>> -> memref<80x128xf32, #tpu.memory_space<vmem_shared>>
      %dma_wait3A_218 = arith.constant 0 : i32
      %dma_wait3A_219 = tpu.memref_slice %arg5[%add3A_50, %dma_wait3A_218] : memref<10000x128xf32, #tpu.memory_space<vmem_shared>> -> memref<80x128xf32, #tpu.memory_space<vmem_shared>>
      tpu.wait_dma2 semaphore(%run_scoped3A : memref<!tpu.dma_semaphore, #tpu.memory_space<semaphore_mem>>) src(%arg13 : memref<80x128xf32, #tpu.memory_space<vmem>>) dst(%dma_wait3A_219 : memref<80x128xf32, #tpu.memory_space<vmem_shared>>)
      tpu.yield
    }) : () -> ()
    %barrier3A = arith.constant 0 : index
    tpu.barrier barrier_id(%barrier3A)
    "tpu.region"() ({
      %run_scoped3A = tpu.sem_alloc : memref<!tpu.dma_semaphore, #tpu.memory_space<semaphore_mem>>
      %dma_start3A_212 = tpu.memref_slice %arg3[%mul3A_4] : memref<640000xi32, #tpu.memory_space<hbm>> -> memref<10000xi32, #tpu.memory_space<hbm>>
      %dma_start3A_213 = tpu.memref_slice %arg3[%mul3A_4] : memref<640000xi32, #tpu.memory_space<hbm>> -> memref<10000xi32, #tpu.memory_space<hbm>>
      tpu.enqueue_dma source(%dma_start3A_213 : memref<10000xi32, #tpu.memory_space<hbm>>) target(%arg6 : memref<10000xi32, #tpu.memory_space<vmem>>) target_semaphore(%run_scoped3A : memref<!tpu.dma_semaphore, #tpu.memory_space<semaphore_mem>>)
      %dma_wait3A_214 = tpu.memref_slice %arg3[%mul3A_4] : memref<640000xi32, #tpu.memory_space<hbm>> -> memref<10000xi32, #tpu.memory_space<hbm>>
      %dma_wait3A_215 = tpu.memref_slice %arg3[%mul3A_4] : memref<640000xi32, #tpu.memory_space<hbm>> -> memref<10000xi32, #tpu.memory_space<hbm>>
      tpu.wait_dma2 semaphore(%run_scoped3A : memref<!tpu.dma_semaphore, #tpu.memory_space<semaphore_mem>>) src(%dma_wait3A_215 : memref<10000xi32, #tpu.memory_space<hbm>>) dst(%arg6 : memref<10000xi32, #tpu.memory_space<vmem>>)
      tpu.yield
    }) : () -> ()
    %add3A_51 = arith.constant 0 : i32
    %add3A_52 = arith.addi %add3A_6, %add3A_51 : i32
    %dma_start3A = tpu.memref_slice %arg3[%add3A_52] : memref<640000xi32, #tpu.memory_space<hbm>> -> memref<80xi32, #tpu.memory_space<hbm>>
    %dma_start3A_53 = tpu.memref_slice %arg3[%add3A_52] : memref<640000xi32, #tpu.memory_space<hbm>> -> memref<80xi32, #tpu.memory_space<hbm>>
    tpu.enqueue_dma source(%dma_start3A_53 : memref<80xi32, #tpu.memory_space<hbm>>) target(%arg7 : memref<80xi32, #tpu.memory_space<vmem>>) target_semaphore(%arg16 : memref<!tpu.dma_semaphore, #tpu.memory_space<semaphore_mem>>)
    %add3A_54 = arith.constant 80 : i32
    %add3A_55 = arith.addi %add3A_6, %add3A_54 : i32
    %dma_start3A_56 = tpu.memref_slice %arg3[%add3A_55] : memref<640000xi32, #tpu.memory_space<hbm>> -> memref<80xi32, #tpu.memory_space<hbm>>
    %dma_start3A_57 = tpu.memref_slice %arg3[%add3A_55] : memref<640000xi32, #tpu.memory_space<hbm>> -> memref<80xi32, #tpu.memory_space<hbm>>
    tpu.enqueue_dma source(%dma_start3A_57 : memref<80xi32, #tpu.memory_space<hbm>>) target(%arg8 : memref<80xi32, #tpu.memory_space<vmem>>) target_semaphore(%arg17 : memref<!tpu.dma_semaphore, #tpu.memory_space<semaphore_mem>>)
    %add3A_58 = arith.constant 160 : i32
    %add3A_59 = arith.addi %add3A_6, %add3A_58 : i32
    %dma_start3A_60 = tpu.memref_slice %arg3[%add3A_59] : memref<640000xi32, #tpu.memory_space<hbm>> -> memref<80xi32, #tpu.memory_space<hbm>>
    %dma_start3A_61 = tpu.memref_slice %arg3[%add3A_59] : memref<640000xi32, #tpu.memory_space<hbm>> -> memref<80xi32, #tpu.memory_space<hbm>>
    tpu.enqueue_dma source(%dma_start3A_61 : memref<80xi32, #tpu.memory_space<hbm>>) target(%arg9 : memref<80xi32, #tpu.memory_space<vmem>>) target_semaphore(%arg18 : memref<!tpu.dma_semaphore, #tpu.memory_space<semaphore_mem>>)
    %add3A_62 = arith.constant 240 : i32
    %add3A_63 = arith.addi %add3A_6, %add3A_62 : i32
    %dma_start3A_64 = tpu.memref_slice %arg3[%add3A_63] : memref<640000xi32, #tpu.memory_space<hbm>> -> memref<80xi32, #tpu.memory_space<hbm>>
    %dma_start3A_65 = tpu.memref_slice %arg3[%add3A_63] : memref<640000xi32, #tpu.memory_space<hbm>> -> memref<80xi32, #tpu.memory_space<hbm>>
    tpu.enqueue_dma source(%dma_start3A_65 : memref<80xi32, #tpu.memory_space<hbm>>) target(%arg10 : memref<80xi32, #tpu.memory_space<vmem>>) target_semaphore(%arg19 : memref<!tpu.dma_semaphore, #tpu.memory_space<semaphore_mem>>)
    %dma_start3A_66 = arith.constant 0 : i32
    %dma_start3A_67 = tpu.memref_slice %arg6[%dma_start3A_66] : memref<10000xi32, #tpu.memory_space<vmem>> -> memref<80xi32, #tpu.memory_space<vmem>>
    %dma_start3A_68 = arith.constant 0 : i32
    %dma_start3A_69 = arith.constant 0 : i32
    %dma_start3A_70 = tpu.memref_slice %arg2[%dma_start3A_68, %dma_start3A_69] : memref<10000x128xf32, #tpu.memory_space<hbm>> -> memref<10000x128xf32, #tpu.memory_space<hbm>>
    tpu.enqueue_indirect_dma source(%dma_start3A_70 : memref<10000x128xf32, #tpu.memory_space<hbm>>) target(%arg13 : memref<80x128xf32, #tpu.memory_space<vmem>>) offsets(%dma_start3A_67 : memref<80xi32, #tpu.memory_space<vmem>>) semaphore(%arg22 : memref<!tpu.dma_semaphore, #tpu.memory_space<semaphore_mem>>)
    %scan3A_71 = arith.constant 0 : i32
    %scan3A_72 = arith.constant 0 : i32
    %scan3A_73 = arith.constant 20 : i32
    %scan3A_74 = arith.addi %scan3A_72, %scan3A_73 : i32
    %scan3A_75 = arith.constant 1 : i32
    scf.for %scan3A_212 = %scan3A_72 to %scan3A_74 step %scan3A_75  : i32 {
      %mul3A_213 = arith.constant 6 : i32
      %mul3A_214 = arith.muli %mul3A_213, %scan3A_212 : i32
      %add3A_215 = arith.constant 0 : i32
      %add3A_216 = arith.addi %mul3A_214, %add3A_215 : i32
      %mul3A_217 = arith.constant 80 : i32
      %mul3A_218 = arith.muli %add3A_216, %mul3A_217 : i32
      %dma_wait3A_219 = tpu.memref_slice %arg6[%mul3A_218] : memref<10000xi32, #tpu.memory_space<vmem>> -> memref<80xi32, #tpu.memory_space<vmem>>
      %dma_wait3A_220 = arith.constant 0 : i32
      %dma_wait3A_221 = arith.constant 0 : i32
      %dma_wait3A_222 = tpu.memref_slice %arg2[%dma_wait3A_220, %dma_wait3A_221] : memref<10000x128xf32, #tpu.memory_space<hbm>> -> memref<10000x128xf32, #tpu.memory_space<hbm>>
      tpu.wait_indirect_dma semaphore(%arg22 : memref<!tpu.dma_semaphore, #tpu.memory_space<semaphore_mem>>) src(%dma_wait3A_222 : memref<10000x128xf32, #tpu.memory_space<hbm>>) dst(%arg13 : memref<80x128xf32, #tpu.memory_space<vmem>>)
      %mul3A_223 = arith.constant 80 : i32
      %mul3A_224 = arith.muli %add3A_216, %mul3A_223 : i32
      %add3A_225 = arith.addi %add3A_6, %mul3A_224 : i32
      %dma_wait3A_226 = tpu.memref_slice %arg3[%add3A_225] : memref<640000xi32, #tpu.memory_space<hbm>> -> memref<80xi32, #tpu.memory_space<hbm>>
      %dma_wait3A_227 = tpu.memref_slice %arg3[%add3A_225] : memref<640000xi32, #tpu.memory_space<hbm>> -> memref<80xi32, #tpu.memory_space<hbm>>
      tpu.wait_dma2 semaphore(%arg16 : memref<!tpu.dma_semaphore, #tpu.memory_space<semaphore_mem>>) src(%dma_wait3A_227 : memref<80xi32, #tpu.memory_space<hbm>>) dst(%arg7 : memref<80xi32, #tpu.memory_space<vmem>>)
      %dma_start3A_228 = arith.constant 0 : i32
      %dma_start3A_229 = arith.constant 0 : i32
      %dma_start3A_230 = tpu.memref_slice %arg5[%dma_start3A_228, %dma_start3A_229] : memref<10000x128xf32, #tpu.memory_space<vmem_shared>> -> memref<10000x128xf32, #tpu.memory_space<vmem_shared>>
      tpu.enqueue_indirect_dma source(%arg13 : memref<80x128xf32, #tpu.memory_space<vmem>>) target(%dma_start3A_230 : memref<10000x128xf32, #tpu.memory_space<vmem_shared>>) offsets(%arg7 : memref<80xi32, #tpu.memory_space<vmem>>) semaphore(%arg25 : memref<!tpu.dma_semaphore, #tpu.memory_space<semaphore_mem>>) {add = true}
      %gt3A = arith.constant 0 : i32
      %gt3A_231 = arith.cmpi sgt, %scan3A_212, %gt3A : i32
      %convert_element_type3A = arith.extui %gt3A_231 : i1 to i32
      %cond3A = arith.constant 0 : i32
      %cond3A_232 = arith.cmpi ne, %convert_element_type3A, %cond3A : i32
      scf.if %cond3A_232 {
        %dma_wait3A_430 = arith.constant 0 : i32
        %dma_wait3A_431 = arith.constant 0 : i32
        %dma_wait3A_432 = tpu.memref_slice %arg5[%dma_wait3A_430, %dma_wait3A_431] : memref<10000x128xf32, #tpu.memory_space<vmem_shared>> -> memref<10000x128xf32, #tpu.memory_space<vmem_shared>>
        tpu.wait_indirect_dma semaphore(%arg26 : memref<!tpu.dma_semaphore, #tpu.memory_space<semaphore_mem>>) src(%arg14 : memref<80x128xf32, #tpu.memory_space<vmem>>) dst(%dma_wait3A_432 : memref<10000x128xf32, #tpu.memory_space<vmem_shared>>)
      } else {
      }
      %add3A_233 = arith.constant 4 : i32
      %add3A_234 = arith.addi %add3A_216, %add3A_233 : i32
      %mul3A_235 = arith.constant 80 : i32
      %mul3A_236 = arith.muli %add3A_234, %mul3A_235 : i32
      %add3A_237 = arith.addi %add3A_6, %mul3A_236 : i32
      %dma_start3A_238 = tpu.memref_slice %arg3[%add3A_237] : memref<640000xi32, #tpu.memory_space<hbm>> -> memref<80xi32, #tpu.memory_space<hbm>>
      %dma_start3A_239 = tpu.memref_slice %arg3[%add3A_237] : memref<640000xi32, #tpu.memory_space<hbm>> -> memref<80xi32, #tpu.memory_space<hbm>>
      tpu.enqueue_dma source(%dma_start3A_239 : memref<80xi32, #tpu.memory_space<hbm>>) target(%arg11 : memref<80xi32, #tpu.memory_space<vmem>>) target_semaphore(%arg20 : memref<!tpu.dma_semaphore, #tpu.memory_space<semaphore_mem>>)
      %add3A_240 = arith.constant 1 : i32
      %add3A_241 = arith.addi %add3A_216, %add3A_240 : i32
      %mul3A_242 = arith.constant 80 : i32
      %mul3A_243 = arith.muli %add3A_241, %mul3A_242 : i32
      %dma_start3A_244 = tpu.memref_slice %arg6[%mul3A_243] : memref<10000xi32, #tpu.memory_space<vmem>> -> memref<80xi32, #tpu.memory_space<vmem>>
      %dma_start3A_245 = arith.constant 0 : i32
      %dma_start3A_246 = arith.constant 0 : i32
      %dma_start3A_247 = tpu.memref_slice %arg2[%dma_start3A_245, %dma_start3A_246] : memref<10000x128xf32, #tpu.memory_space<hbm>> -> memref<10000x128xf32, #tpu.memory_space<hbm>>
      tpu.enqueue_indirect_dma source(%dma_start3A_247 : memref<10000x128xf32, #tpu.memory_space<hbm>>) target(%arg14 : memref<80x128xf32, #tpu.memory_space<vmem>>) offsets(%dma_start3A_244 : memref<80xi32, #tpu.memory_space<vmem>>) semaphore(%arg23 : memref<!tpu.dma_semaphore, #tpu.memory_space<semaphore_mem>>)
      %mul3A_248 = arith.constant 6 : i32
      %mul3A_249 = arith.muli %mul3A_248, %scan3A_212 : i32
      %add3A_250 = arith.constant 1 : i32
      %add3A_251 = arith.addi %mul3A_249, %add3A_250 : i32
      %mul3A_252 = arith.constant 80 : i32
      %mul3A_253 = arith.muli %add3A_251, %mul3A_252 : i32
      %dma_wait3A_254 = tpu.memref_slice %arg6[%mul3A_253] : memref<10000xi32, #tpu.memory_space<vmem>> -> memref<80xi32, #tpu.memory_space<vmem>>
      %dma_wait3A_255 = arith.constant 0 : i32
      %dma_wait3A_256 = arith.constant 0 : i32
      %dma_wait3A_257 = tpu.memref_slice %arg2[%dma_wait3A_255, %dma_wait3A_256] : memref<10000x128xf32, #tpu.memory_space<hbm>> -> memref<10000x128xf32, #tpu.memory_space<hbm>>
      tpu.wait_indirect_dma semaphore(%arg23 : memref<!tpu.dma_semaphore, #tpu.memory_space<semaphore_mem>>) src(%dma_wait3A_257 : memref<10000x128xf32, #tpu.memory_space<hbm>>) dst(%arg14 : memref<80x128xf32, #tpu.memory_space<vmem>>)
      %mul3A_258 = arith.constant 80 : i32
      %mul3A_259 = arith.muli %add3A_251, %mul3A_258 : i32
      %add3A_260 = arith.addi %add3A_6, %mul3A_259 : i32
      %dma_wait3A_261 = tpu.memref_slice %arg3[%add3A_260] : memref<640000xi32, #tpu.memory_space<hbm>> -> memref<80xi32, #tpu.memory_space<hbm>>
      %dma_wait3A_262 = tpu.memref_slice %arg3[%add3A_260] : memref<640000xi32, #tpu.memory_space<hbm>> -> memref<80xi32, #tpu.memory_space<hbm>>
      tpu.wait_dma2 semaphore(%arg17 : memref<!tpu.dma_semaphore, #tpu.memory_space<semaphore_mem>>) src(%dma_wait3A_262 : memref<80xi32, #tpu.memory_space<hbm>>) dst(%arg8 : memref<80xi32, #tpu.memory_space<vmem>>)
      %dma_start3A_263 = arith.constant 0 : i32
      %dma_start3A_264 = arith.constant 0 : i32
      %dma_start3A_265 = tpu.memref_slice %arg5[%dma_start3A_263, %dma_start3A_264] : memref<10000x128xf32, #tpu.memory_space<vmem_shared>> -> memref<10000x128xf32, #tpu.memory_space<vmem_shared>>
      tpu.enqueue_indirect_dma source(%arg14 : memref<80x128xf32, #tpu.memory_space<vmem>>) target(%dma_start3A_265 : memref<10000x128xf32, #tpu.memory_space<vmem_shared>>) offsets(%arg8 : memref<80xi32, #tpu.memory_space<vmem>>) semaphore(%arg26 : memref<!tpu.dma_semaphore, #tpu.memory_space<semaphore_mem>>) {add = true}
      %gt3A_266 = arith.constant 0 : i32
      %gt3A_267 = arith.cmpi sgt, %scan3A_212, %gt3A_266 : i32
      %convert_element_type3A_268 = arith.extui %gt3A_267 : i1 to i32
      %cond3A_269 = arith.constant 0 : i32
      %cond3A_270 = arith.cmpi ne, %convert_element_type3A_268, %cond3A_269 : i32
      scf.if %cond3A_270 {
        %dma_wait3A_430 = arith.constant 0 : i32
        %dma_wait3A_431 = arith.constant 0 : i32
        %dma_wait3A_432 = tpu.memref_slice %arg5[%dma_wait3A_430, %dma_wait3A_431] : memref<10000x128xf32, #tpu.memory_space<vmem_shared>> -> memref<10000x128xf32, #tpu.memory_space<vmem_shared>>
        tpu.wait_indirect_dma semaphore(%arg27 : memref<!tpu.dma_semaphore, #tpu.memory_space<semaphore_mem>>) src(%arg15 : memref<80x128xf32, #tpu.memory_space<vmem>>) dst(%dma_wait3A_432 : memref<10000x128xf32, #tpu.memory_space<vmem_shared>>)
      } else {
      }
      %add3A_271 = arith.constant 4 : i32
      %add3A_272 = arith.addi %add3A_251, %add3A_271 : i32
      %mul3A_273 = arith.constant 80 : i32
      %mul3A_274 = arith.muli %add3A_272, %mul3A_273 : i32
      %add3A_275 = arith.addi %add3A_6, %mul3A_274 : i32
      %dma_start3A_276 = tpu.memref_slice %arg3[%add3A_275] : memref<640000xi32, #tpu.memory_space<hbm>> -> memref<80xi32, #tpu.memory_space<hbm>>
      %dma_start3A_277 = tpu.memref_slice %arg3[%add3A_275] : memref<640000xi32, #tpu.memory_space<hbm>> -> memref<80xi32, #tpu.memory_space<hbm>>
      tpu.enqueue_dma source(%dma_start3A_277 : memref<80xi32, #tpu.memory_space<hbm>>) target(%arg12 : memref<80xi32, #tpu.memory_space<vmem>>) target_semaphore(%arg21 : memref<!tpu.dma_semaphore, #tpu.memory_space<semaphore_mem>>)
      %add3A_278 = arith.constant 1 : i32
      %add3A_279 = arith.addi %add3A_251, %add3A_278 : i32
      %mul3A_280 = arith.constant 80 : i32
      %mul3A_281 = arith.muli %add3A_279, %mul3A_280 : i32
      %dma_start3A_282 = tpu.memref_slice %arg6[%mul3A_281] : memref<10000xi32, #tpu.memory_space<vmem>> -> memref<80xi32, #tpu.memory_space<vmem>>
      %dma_start3A_283 = arith.constant 0 : i32
      %dma_start3A_284 = arith.constant 0 : i32
      %dma_start3A_285 = tpu.memref_slice %arg2[%dma_start3A_283, %dma_start3A_284] : memref<10000x128xf32, #tpu.memory_space<hbm>> -> memref<10000x128xf32, #tpu.memory_space<hbm>>
      tpu.enqueue_indirect_dma source(%dma_start3A_285 : memref<10000x128xf32, #tpu.memory_space<hbm>>) target(%arg15 : memref<80x128xf32, #tpu.memory_space<vmem>>) offsets(%dma_start3A_282 : memref<80xi32, #tpu.memory_space<vmem>>) semaphore(%arg24 : memref<!tpu.dma_semaphore, #tpu.memory_space<semaphore_mem>>)
      %mul3A_286 = arith.constant 6 : i32
      %mul3A_287 = arith.muli %mul3A_286, %scan3A_212 : i32
      %add3A_288 = arith.constant 2 : i32
      %add3A_289 = arith.addi %mul3A_287, %add3A_288 : i32
      %mul3A_290 = arith.constant 80 : i32
      %mul3A_291 = arith.muli %add3A_289, %mul3A_290 : i32
      %dma_wait3A_292 = tpu.memref_slice %arg6[%mul3A_291] : memref<10000xi32, #tpu.memory_space<vmem>> -> memref<80xi32, #tpu.memory_space<vmem>>
      %dma_wait3A_293 = arith.constant 0 : i32
      %dma_wait3A_294 = arith.constant 0 : i32
      %dma_wait3A_295 = tpu.memref_slice %arg2[%dma_wait3A_293, %dma_wait3A_294] : memref<10000x128xf32, #tpu.memory_space<hbm>> -> memref<10000x128xf32, #tpu.memory_space<hbm>>
      tpu.wait_indirect_dma semaphore(%arg24 : memref<!tpu.dma_semaphore, #tpu.memory_space<semaphore_mem>>) src(%dma_wait3A_295 : memref<10000x128xf32, #tpu.memory_space<hbm>>) dst(%arg15 : memref<80x128xf32, #tpu.memory_space<vmem>>)
      %mul3A_296 = arith.constant 80 : i32
      %mul3A_297 = arith.muli %add3A_289, %mul3A_296 : i32
      %add3A_298 = arith.addi %add3A_6, %mul3A_297 : i32
      %dma_wait3A_299 = tpu.memref_slice %arg3[%add3A_298] : memref<640000xi32, #tpu.memory_space<hbm>> -> memref<80xi32, #tpu.memory_space<hbm>>
      %dma_wait3A_300 = tpu.memref_slice %arg3[%add3A_298] : memref<640000xi32, #tpu.memory_space<hbm>> -> memref<80xi32, #tpu.memory_space<hbm>>
      tpu.wait_dma2 semaphore(%arg18 : memref<!tpu.dma_semaphore, #tpu.memory_space<semaphore_mem>>) src(%dma_wait3A_300 : memref<80xi32, #tpu.memory_space<hbm>>) dst(%arg9 : memref<80xi32, #tpu.memory_space<vmem>>)
      %dma_start3A_301 = arith.constant 0 : i32
      %dma_start3A_302 = arith.constant 0 : i32
      %dma_start3A_303 = tpu.memref_slice %arg5[%dma_start3A_301, %dma_start3A_302] : memref<10000x128xf32, #tpu.memory_space<vmem_shared>> -> memref<10000x128xf32, #tpu.memory_space<vmem_shared>>
      tpu.enqueue_indirect_dma source(%arg15 : memref<80x128xf32, #tpu.memory_space<vmem>>) target(%dma_start3A_303 : memref<10000x128xf32, #tpu.memory_space<vmem_shared>>) offsets(%arg9 : memref<80xi32, #tpu.memory_space<vmem>>) semaphore(%arg27 : memref<!tpu.dma_semaphore, #tpu.memory_space<semaphore_mem>>) {add = true}
      %dma_wait3A_304 = arith.constant 0 : i32
      %dma_wait3A_305 = arith.constant 0 : i32
      %dma_wait3A_306 = tpu.memref_slice %arg5[%dma_wait3A_304, %dma_wait3A_305] : memref<10000x128xf32, #tpu.memory_space<vmem_shared>> -> memref<10000x128xf32, #tpu.memory_space<vmem_shared>>
      tpu.wait_indirect_dma semaphore(%arg25 : memref<!tpu.dma_semaphore, #tpu.memory_space<semaphore_mem>>) src(%arg13 : memref<80x128xf32, #tpu.memory_space<vmem>>) dst(%dma_wait3A_306 : memref<10000x128xf32, #tpu.memory_space<vmem_shared>>)
      %add3A_307 = arith.constant 4 : i32
      %add3A_308 = arith.addi %add3A_289, %add3A_307 : i32
      %mul3A_309 = arith.constant 80 : i32
      %mul3A_310 = arith.muli %add3A_308, %mul3A_309 : i32
      %add3A_311 = arith.addi %add3A_6, %mul3A_310 : i32
      %dma_start3A_312 = tpu.memref_slice %arg3[%add3A_311] : memref<640000xi32, #tpu.memory_space<hbm>> -> memref<80xi32, #tpu.memory_space<hbm>>
      %dma_start3A_313 = tpu.memref_slice %arg3[%add3A_311] : memref<640000xi32, #tpu.memory_space<hbm>> -> memref<80xi32, #tpu.memory_space<hbm>>
      tpu.enqueue_dma source(%dma_start3A_313 : memref<80xi32, #tpu.memory_space<hbm>>) target(%arg7 : memref<80xi32, #tpu.memory_space<vmem>>) target_semaphore(%arg16 : memref<!tpu.dma_semaphore, #tpu.memory_space<semaphore_mem>>)
      %add3A_314 = arith.constant 1 : i32
      %add3A_315 = arith.addi %add3A_289, %add3A_314 : i32
      %mul3A_316 = arith.constant 80 : i32
      %mul3A_317 = arith.muli %add3A_315, %mul3A_316 : i32
      %dma_start3A_318 = tpu.memref_slice %arg6[%mul3A_317] : memref<10000xi32, #tpu.memory_space<vmem>> -> memref<80xi32, #tpu.memory_space<vmem>>
      %dma_start3A_319 = arith.constant 0 : i32
      %dma_start3A_320 = arith.constant 0 : i32
      %dma_start3A_321 = tpu.memref_slice %arg2[%dma_start3A_319, %dma_start3A_320] : memref<10000x128xf32, #tpu.memory_space<hbm>> -> memref<10000x128xf32, #tpu.memory_space<hbm>>
      tpu.enqueue_indirect_dma source(%dma_start3A_321 : memref<10000x128xf32, #tpu.memory_space<hbm>>) target(%arg13 : memref<80x128xf32, #tpu.memory_space<vmem>>) offsets(%dma_start3A_318 : memref<80xi32, #tpu.memory_space<vmem>>) semaphore(%arg22 : memref<!tpu.dma_semaphore, #tpu.memory_space<semaphore_mem>>)
      %mul3A_322 = arith.constant 6 : i32
      %mul3A_323 = arith.muli %mul3A_322, %scan3A_212 : i32
      %add3A_324 = arith.constant 3 : i32
      %add3A_325 = arith.addi %mul3A_323, %add3A_324 : i32
      %mul3A_326 = arith.constant 80 : i32
      %mul3A_327 = arith.muli %add3A_325, %mul3A_326 : i32
      %dma_wait3A_328 = tpu.memref_slice %arg6[%mul3A_327] : memref<10000xi32, #tpu.memory_space<vmem>> -> memref<80xi32, #tpu.memory_space<vmem>>
      %dma_wait3A_329 = arith.constant 0 : i32
      %dma_wait3A_330 = arith.constant 0 : i32
      %dma_wait3A_331 = tpu.memref_slice %arg2[%dma_wait3A_329, %dma_wait3A_330] : memref<10000x128xf32, #tpu.memory_space<hbm>> -> memref<10000x128xf32, #tpu.memory_space<hbm>>
      tpu.wait_indirect_dma semaphore(%arg22 : memref<!tpu.dma_semaphore, #tpu.memory_space<semaphore_mem>>) src(%dma_wait3A_331 : memref<10000x128xf32, #tpu.memory_space<hbm>>) dst(%arg13 : memref<80x128xf32, #tpu.memory_space<vmem>>)
      %mul3A_332 = arith.constant 80 : i32
      %mul3A_333 = arith.muli %add3A_325, %mul3A_332 : i32
      %add3A_334 = arith.addi %add3A_6, %mul3A_333 : i32
      %dma_wait3A_335 = tpu.memref_slice %arg3[%add3A_334] : memref<640000xi32, #tpu.memory_space<hbm>> -> memref<80xi32, #tpu.memory_space<hbm>>
      %dma_wait3A_336 = tpu.memref_slice %arg3[%add3A_334] : memref<640000xi32, #tpu.memory_space<hbm>> -> memref<80xi32, #tpu.memory_space<hbm>>
      tpu.wait_dma2 semaphore(%arg19 : memref<!tpu.dma_semaphore, #tpu.memory_space<semaphore_mem>>) src(%dma_wait3A_336 : memref<80xi32, #tpu.memory_space<hbm>>) dst(%arg10 : memref<80xi32, #tpu.memory_space<vmem>>)
      %dma_start3A_337 = arith.constant 0 : i32
      %dma_start3A_338 = arith.constant 0 : i32
      %dma_start3A_339 = tpu.memref_slice %arg5[%dma_start3A_337, %dma_start3A_338] : memref<10000x128xf32, #tpu.memory_space<vmem_shared>> -> memref<10000x128xf32, #tpu.memory_space<vmem_shared>>
      tpu.enqueue_indirect_dma source(%arg13 : memref<80x128xf32, #tpu.memory_space<vmem>>) target(%dma_start3A_339 : memref<10000x128xf32, #tpu.memory_space<vmem_shared>>) offsets(%arg10 : memref<80xi32, #tpu.memory_space<vmem>>) semaphore(%arg25 : memref<!tpu.dma_semaphore, #tpu.memory_space<semaphore_mem>>) {add = true}
      %dma_wait3A_340 = arith.constant 0 : i32
      %dma_wait3A_341 = arith.constant 0 : i32
      %dma_wait3A_342 = tpu.memref_slice %arg5[%dma_wait3A_340, %dma_wait3A_341] : memref<10000x128xf32, #tpu.memory_space<vmem_shared>> -> memref<10000x128xf32, #tpu.memory_space<vmem_shared>>
      tpu.wait_indirect_dma semaphore(%arg26 : memref<!tpu.dma_semaphore, #tpu.memory_space<semaphore_mem>>) src(%arg14 : memref<80x128xf32, #tpu.memory_space<vmem>>) dst(%dma_wait3A_342 : memref<10000x128xf32, #tpu.memory_space<vmem_shared>>)
      %add3A_343 = arith.constant 4 : i32
      %add3A_344 = arith.addi %add3A_325, %add3A_343 : i32
      %mul3A_345 = arith.constant 80 : i32
      %mul3A_346 = arith.muli %add3A_344, %mul3A_345 : i32
      %add3A_347 = arith.addi %add3A_6, %mul3A_346 : i32
      %dma_start3A_348 = tpu.memref_slice %arg3[%add3A_347] : memref<640000xi32, #tpu.memory_space<hbm>> -> memref<80xi32, #tpu.memory_space<hbm>>
      %dma_start3A_349 = tpu.memref_slice %arg3[%add3A_347] : memref<640000xi32, #tpu.memory_space<hbm>> -> memref<80xi32, #tpu.memory_space<hbm>>
      tpu.enqueue_dma source(%dma_start3A_349 : memref<80xi32, #tpu.memory_space<hbm>>) target(%arg8 : memref<80xi32, #tpu.memory_space<vmem>>) target_semaphore(%arg17 : memref<!tpu.dma_semaphore, #tpu.memory_space<semaphore_mem>>)
      %add3A_350 = arith.constant 1 : i32
      %add3A_351 = arith.addi %add3A_325, %add3A_350 : i32
      %mul3A_352 = arith.constant 80 : i32
      %mul3A_353 = arith.muli %add3A_351, %mul3A_352 : i32
      %dma_start3A_354 = tpu.memref_slice %arg6[%mul3A_353] : memref<10000xi32, #tpu.memory_space<vmem>> -> memref<80xi32, #tpu.memory_space<vmem>>
      %dma_start3A_355 = arith.constant 0 : i32
      %dma_start3A_356 = arith.constant 0 : i32
      %dma_start3A_357 = tpu.memref_slice %arg2[%dma_start3A_355, %dma_start3A_356] : memref<10000x128xf32, #tpu.memory_space<hbm>> -> memref<10000x128xf32, #tpu.memory_space<hbm>>
      tpu.enqueue_indirect_dma source(%dma_start3A_357 : memref<10000x128xf32, #tpu.memory_space<hbm>>) target(%arg14 : memref<80x128xf32, #tpu.memory_space<vmem>>) offsets(%dma_start3A_354 : memref<80xi32, #tpu.memory_space<vmem>>) semaphore(%arg23 : memref<!tpu.dma_semaphore, #tpu.memory_space<semaphore_mem>>)
      %mul3A_358 = arith.constant 6 : i32
      %mul3A_359 = arith.muli %mul3A_358, %scan3A_212 : i32
      %add3A_360 = arith.constant 4 : i32
      %add3A_361 = arith.addi %mul3A_359, %add3A_360 : i32
      %mul3A_362 = arith.constant 80 : i32
      %mul3A_363 = arith.muli %add3A_361, %mul3A_362 : i32
      %dma_wait3A_364 = tpu.memref_slice %arg6[%mul3A_363] : memref<10000xi32, #tpu.memory_space<vmem>> -> memref<80xi32, #tpu.memory_space<vmem>>
      %dma_wait3A_365 = arith.constant 0 : i32
      %dma_wait3A_366 = arith.constant 0 : i32
      %dma_wait3A_367 = tpu.memref_slice %arg2[%dma_wait3A_365, %dma_wait3A_366] : memref<10000x128xf32, #tpu.memory_space<hbm>> -> memref<10000x128xf32, #tpu.memory_space<hbm>>
      tpu.wait_indirect_dma semaphore(%arg23 : memref<!tpu.dma_semaphore, #tpu.memory_space<semaphore_mem>>) src(%dma_wait3A_367 : memref<10000x128xf32, #tpu.memory_space<hbm>>) dst(%arg14 : memref<80x128xf32, #tpu.memory_space<vmem>>)
      %mul3A_368 = arith.constant 80 : i32
      %mul3A_369 = arith.muli %add3A_361, %mul3A_368 : i32
      %add3A_370 = arith.addi %add3A_6, %mul3A_369 : i32
      %dma_wait3A_371 = tpu.memref_slice %arg3[%add3A_370] : memref<640000xi32, #tpu.memory_space<hbm>> -> memref<80xi32, #tpu.memory_space<hbm>>
      %dma_wait3A_372 = tpu.memref_slice %arg3[%add3A_370] : memref<640000xi32, #tpu.memory_space<hbm>> -> memref<80xi32, #tpu.memory_space<hbm>>
      tpu.wait_dma2 semaphore(%arg20 : memref<!tpu.dma_semaphore, #tpu.memory_space<semaphore_mem>>) src(%dma_wait3A_372 : memref<80xi32, #tpu.memory_space<hbm>>) dst(%arg11 : memref<80xi32, #tpu.memory_space<vmem>>)
      %dma_start3A_373 = arith.constant 0 : i32
      %dma_start3A_374 = arith.constant 0 : i32
      %dma_start3A_375 = tpu.memref_slice %arg5[%dma_start3A_373, %dma_start3A_374] : memref<10000x128xf32, #tpu.memory_space<vmem_shared>> -> memref<10000x128xf32, #tpu.memory_space<vmem_shared>>
      tpu.enqueue_indirect_dma source(%arg14 : memref<80x128xf32, #tpu.memory_space<vmem>>) target(%dma_start3A_375 : memref<10000x128xf32, #tpu.memory_space<vmem_shared>>) offsets(%arg11 : memref<80xi32, #tpu.memory_space<vmem>>) semaphore(%arg26 : memref<!tpu.dma_semaphore, #tpu.memory_space<semaphore_mem>>) {add = true}
      %dma_wait3A_376 = arith.constant 0 : i32
      %dma_wait3A_377 = arith.constant 0 : i32
      %dma_wait3A_378 = tpu.memref_slice %arg5[%dma_wait3A_376, %dma_wait3A_377] : memref<10000x128xf32, #tpu.memory_space<vmem_shared>> -> memref<10000x128xf32, #tpu.memory_space<vmem_shared>>
      tpu.wait_indirect_dma semaphore(%arg27 : memref<!tpu.dma_semaphore, #tpu.memory_space<semaphore_mem>>) src(%arg15 : memref<80x128xf32, #tpu.memory_space<vmem>>) dst(%dma_wait3A_378 : memref<10000x128xf32, #tpu.memory_space<vmem_shared>>)
      %add3A_379 = arith.constant 4 : i32
      %add3A_380 = arith.addi %add3A_361, %add3A_379 : i32
      %mul3A_381 = arith.constant 80 : i32
      %mul3A_382 = arith.muli %add3A_380, %mul3A_381 : i32
      %add3A_383 = arith.addi %add3A_6, %mul3A_382 : i32
      %dma_start3A_384 = tpu.memref_slice %arg3[%add3A_383] : memref<640000xi32, #tpu.memory_space<hbm>> -> memref<80xi32, #tpu.memory_space<hbm>>
      %dma_start3A_385 = tpu.memref_slice %arg3[%add3A_383] : memref<640000xi32, #tpu.memory_space<hbm>> -> memref<80xi32, #tpu.memory_space<hbm>>
      tpu.enqueue_dma source(%dma_start3A_385 : memref<80xi32, #tpu.memory_space<hbm>>) target(%arg9 : memref<80xi32, #tpu.memory_space<vmem>>) target_semaphore(%arg18 : memref<!tpu.dma_semaphore, #tpu.memory_space<semaphore_mem>>)
      %add3A_386 = arith.constant 1 : i32
      %add3A_387 = arith.addi %add3A_361, %add3A_386 : i32
      %mul3A_388 = arith.constant 80 : i32
      %mul3A_389 = arith.muli %add3A_387, %mul3A_388 : i32
      %dma_start3A_390 = tpu.memref_slice %arg6[%mul3A_389] : memref<10000xi32, #tpu.memory_space<vmem>> -> memref<80xi32, #tpu.memory_space<vmem>>
      %dma_start3A_391 = arith.constant 0 : i32
      %dma_start3A_392 = arith.constant 0 : i32
      %dma_start3A_393 = tpu.memref_slice %arg2[%dma_start3A_391, %dma_start3A_392] : memref<10000x128xf32, #tpu.memory_space<hbm>> -> memref<10000x128xf32, #tpu.memory_space<hbm>>
      tpu.enqueue_indirect_dma source(%dma_start3A_393 : memref<10000x128xf32, #tpu.memory_space<hbm>>) target(%arg15 : memref<80x128xf32, #tpu.memory_space<vmem>>) offsets(%dma_start3A_390 : memref<80xi32, #tpu.memory_space<vmem>>) semaphore(%arg24 : memref<!tpu.dma_semaphore, #tpu.memory_space<semaphore_mem>>)
      %mul3A_394 = arith.constant 6 : i32
      %mul3A_395 = arith.muli %mul3A_394, %scan3A_212 : i32
      %add3A_396 = arith.constant 5 : i32
      %add3A_397 = arith.addi %mul3A_395, %add3A_396 : i32
      %mul3A_398 = arith.constant 80 : i32
      %mul3A_399 = arith.muli %add3A_397, %mul3A_398 : i32
      %dma_wait3A_400 = tpu.memref_slice %arg6[%mul3A_399] : memref<10000xi32, #tpu.memory_space<vmem>> -> memref<80xi32, #tpu.memory_space<vmem>>
      %dma_wait3A_401 = arith.constant 0 : i32
      %dma_wait3A_402 = arith.constant 0 : i32
      %dma_wait3A_403 = tpu.memref_slice %arg2[%dma_wait3A_401, %dma_wait3A_402] : memref<10000x128xf32, #tpu.memory_space<hbm>> -> memref<10000x128xf32, #tpu.memory_space<hbm>>
      tpu.wait_indirect_dma semaphore(%arg24 : memref<!tpu.dma_semaphore, #tpu.memory_space<semaphore_mem>>) src(%dma_wait3A_403 : memref<10000x128xf32, #tpu.memory_space<hbm>>) dst(%arg15 : memref<80x128xf32, #tpu.memory_space<vmem>>)
      %mul3A_404 = arith.constant 80 : i32
      %mul3A_405 = arith.muli %add3A_397, %mul3A_404 : i32
      %add3A_406 = arith.addi %add3A_6, %mul3A_405 : i32
      %dma_wait3A_407 = tpu.memref_slice %arg3[%add3A_406] : memref<640000xi32, #tpu.memory_space<hbm>> -> memref<80xi32, #tpu.memory_space<hbm>>
      %dma_wait3A_408 = tpu.memref_slice %arg3[%add3A_406] : memref<640000xi32, #tpu.memory_space<hbm>> -> memref<80xi32, #tpu.memory_space<hbm>>
      tpu.wait_dma2 semaphore(%arg21 : memref<!tpu.dma_semaphore, #tpu.memory_space<semaphore_mem>>) src(%dma_wait3A_408 : memref<80xi32, #tpu.memory_space<hbm>>) dst(%arg12 : memref<80xi32, #tpu.memory_space<vmem>>)
      %dma_start3A_409 = arith.constant 0 : i32
      %dma_start3A_410 = arith.constant 0 : i32
      %dma_start3A_411 = tpu.memref_slice %arg5[%dma_start3A_409, %dma_start3A_410] : memref<10000x128xf32, #tpu.memory_space<vmem_shared>> -> memref<10000x128xf32, #tpu.memory_space<vmem_shared>>
      tpu.enqueue_indirect_dma source(%arg15 : memref<80x128xf32, #tpu.memory_space<vmem>>) target(%dma_start3A_411 : memref<10000x128xf32, #tpu.memory_space<vmem_shared>>) offsets(%arg12 : memref<80xi32, #tpu.memory_space<vmem>>) semaphore(%arg27 : memref<!tpu.dma_semaphore, #tpu.memory_space<semaphore_mem>>) {add = true}
      %dma_wait3A_412 = arith.constant 0 : i32
      %dma_wait3A_413 = arith.constant 0 : i32
      %dma_wait3A_414 = tpu.memref_slice %arg5[%dma_wait3A_412, %dma_wait3A_413] : memref<10000x128xf32, #tpu.memory_space<vmem_shared>> -> memref<10000x128xf32, #tpu.memory_space<vmem_shared>>
      tpu.wait_indirect_dma semaphore(%arg25 : memref<!tpu.dma_semaphore, #tpu.memory_space<semaphore_mem>>) src(%arg13 : memref<80x128xf32, #tpu.memory_space<vmem>>) dst(%dma_wait3A_414 : memref<10000x128xf32, #tpu.memory_space<vmem_shared>>)
      %add3A_415 = arith.constant 4 : i32
      %add3A_416 = arith.addi %add3A_397, %add3A_415 : i32
      %mul3A_417 = arith.constant 80 : i32
      %mul3A_418 = arith.muli %add3A_416, %mul3A_417 : i32
      %add3A_419 = arith.addi %add3A_6, %mul3A_418 : i32
      %dma_start3A_420 = tpu.memref_slice %arg3[%add3A_419] : memref<640000xi32, #tpu.memory_space<hbm>> -> memref<80xi32, #tpu.memory_space<hbm>>
      %dma_start3A_421 = tpu.memref_slice %arg3[%add3A_419] : memref<640000xi32, #tpu.memory_space<hbm>> -> memref<80xi32, #tpu.memory_space<hbm>>
      tpu.enqueue_dma source(%dma_start3A_421 : memref<80xi32, #tpu.memory_space<hbm>>) target(%arg10 : memref<80xi32, #tpu.memory_space<vmem>>) target_semaphore(%arg19 : memref<!tpu.dma_semaphore, #tpu.memory_space<semaphore_mem>>)
      %add3A_422 = arith.constant 1 : i32
      %add3A_423 = arith.addi %add3A_397, %add3A_422 : i32
      %mul3A_424 = arith.constant 80 : i32
      %mul3A_425 = arith.muli %add3A_423, %mul3A_424 : i32
      %dma_start3A_426 = tpu.memref_slice %arg6[%mul3A_425] : memref<10000xi32, #tpu.memory_space<vmem>> -> memref<80xi32, #tpu.memory_space<vmem>>
      %dma_start3A_427 = arith.constant 0 : i32
      %dma_start3A_428 = arith.constant 0 : i32
      %dma_start3A_429 = tpu.memref_slice %arg2[%dma_start3A_427, %dma_start3A_428] : memref<10000x128xf32, #tpu.memory_space<hbm>> -> memref<10000x128xf32, #tpu.memory_space<hbm>>
      tpu.enqueue_indirect_dma source(%dma_start3A_429 : memref<10000x128xf32, #tpu.memory_space<hbm>>) target(%arg13 : memref<80x128xf32, #tpu.memory_space<vmem>>) offsets(%dma_start3A_426 : memref<80xi32, #tpu.memory_space<vmem>>) semaphore(%arg22 : memref<!tpu.dma_semaphore, #tpu.memory_space<semaphore_mem>>)
    }
    %scan3A_76 = arith.constant 20 : i32
    %dma_wait3A = arith.constant 9600 : i32
    %dma_wait3A_77 = tpu.memref_slice %arg6[%dma_wait3A] : memref<10000xi32, #tpu.memory_space<vmem>> -> memref<80xi32, #tpu.memory_space<vmem>>
    %dma_wait3A_78 = arith.constant 0 : i32
    %dma_wait3A_79 = arith.constant 0 : i32
    %dma_wait3A_80 = tpu.memref_slice %arg2[%dma_wait3A_78, %dma_wait3A_79] : memref<10000x128xf32, #tpu.memory_space<hbm>> -> memref<10000x128xf32, #tpu.memory_space<hbm>>
    tpu.wait_indirect_dma semaphore(%arg22 : memref<!tpu.dma_semaphore, #tpu.memory_space<semaphore_mem>>) src(%dma_wait3A_80 : memref<10000x128xf32, #tpu.memory_space<hbm>>) dst(%arg13 : memref<80x128xf32, #tpu.memory_space<vmem>>)
    %add3A_81 = arith.constant 9600 : i32
    %add3A_82 = arith.addi %add3A_6, %add3A_81 : i32
    %dma_wait3A_83 = tpu.memref_slice %arg3[%add3A_82] : memref<640000xi32, #tpu.memory_space<hbm>> -> memref<80xi32, #tpu.memory_space<hbm>>
    %dma_wait3A_84 = tpu.memref_slice %arg3[%add3A_82] : memref<640000xi32, #tpu.memory_space<hbm>> -> memref<80xi32, #tpu.memory_space<hbm>>
    tpu.wait_dma2 semaphore(%arg16 : memref<!tpu.dma_semaphore, #tpu.memory_space<semaphore_mem>>) src(%dma_wait3A_84 : memref<80xi32, #tpu.memory_space<hbm>>) dst(%arg7 : memref<80xi32, #tpu.memory_space<vmem>>)
    %dma_start3A_85 = arith.constant 0 : i32
    %dma_start3A_86 = arith.constant 0 : i32
    %dma_start3A_87 = tpu.memref_slice %arg5[%dma_start3A_85, %dma_start3A_86] : memref<10000x128xf32, #tpu.memory_space<vmem_shared>> -> memref<10000x128xf32, #tpu.memory_space<vmem_shared>>
    tpu.enqueue_indirect_dma source(%arg13 : memref<80x128xf32, #tpu.memory_space<vmem>>) target(%dma_start3A_87 : memref<10000x128xf32, #tpu.memory_space<vmem_shared>>) offsets(%arg7 : memref<80xi32, #tpu.memory_space<vmem>>) semaphore(%arg25 : memref<!tpu.dma_semaphore, #tpu.memory_space<semaphore_mem>>) {add = true}
    %dma_wait3A_88 = arith.constant 0 : i32
    %dma_wait3A_89 = arith.constant 0 : i32
    %dma_wait3A_90 = tpu.memref_slice %arg5[%dma_wait3A_88, %dma_wait3A_89] : memref<10000x128xf32, #tpu.memory_space<vmem_shared>> -> memref<10000x128xf32, #tpu.memory_space<vmem_shared>>
    tpu.wait_indirect_dma semaphore(%arg26 : memref<!tpu.dma_semaphore, #tpu.memory_space<semaphore_mem>>) src(%arg14 : memref<80x128xf32, #tpu.memory_space<vmem>>) dst(%dma_wait3A_90 : memref<10000x128xf32, #tpu.memory_space<vmem_shared>>)
    %add3A_91 = arith.constant 9920 : i32
    %add3A_92 = arith.addi %add3A_6, %add3A_91 : i32
    %dma_start3A_93 = tpu.memref_slice %arg3[%add3A_92] : memref<640000xi32, #tpu.memory_space<hbm>> -> memref<80xi32, #tpu.memory_space<hbm>>
    %dma_start3A_94 = tpu.memref_slice %arg3[%add3A_92] : memref<640000xi32, #tpu.memory_space<hbm>> -> memref<80xi32, #tpu.memory_space<hbm>>
    tpu.enqueue_dma source(%dma_start3A_94 : memref<80xi32, #tpu.memory_space<hbm>>) target(%arg11 : memref<80xi32, #tpu.memory_space<vmem>>) target_semaphore(%arg20 : memref<!tpu.dma_semaphore, #tpu.memory_space<semaphore_mem>>)
    %dma_start3A_95 = arith.constant 9680 : i32
    %dma_start3A_96 = tpu.memref_slice %arg6[%dma_start3A_95] : memref<10000xi32, #tpu.memory_space<vmem>> -> memref<80xi32, #tpu.memory_space<vmem>>
    %dma_start3A_97 = arith.constant 0 : i32
    %dma_start3A_98 = arith.constant 0 : i32
    %dma_start3A_99 = tpu.memref_slice %arg2[%dma_start3A_97, %dma_start3A_98] : memref<10000x128xf32, #tpu.memory_space<hbm>> -> memref<10000x128xf32, #tpu.memory_space<hbm>>
    tpu.enqueue_indirect_dma source(%dma_start3A_99 : memref<10000x128xf32, #tpu.memory_space<hbm>>) target(%arg14 : memref<80x128xf32, #tpu.memory_space<vmem>>) offsets(%dma_start3A_96 : memref<80xi32, #tpu.memory_space<vmem>>) semaphore(%arg23 : memref<!tpu.dma_semaphore, #tpu.memory_space<semaphore_mem>>)
    %dma_wait3A_100 = arith.constant 9680 : i32
    %dma_wait3A_101 = tpu.memref_slice %arg6[%dma_wait3A_100] : memref<10000xi32, #tpu.memory_space<vmem>> -> memref<80xi32, #tpu.memory_space<vmem>>
    %dma_wait3A_102 = arith.constant 0 : i32
    %dma_wait3A_103 = arith.constant 0 : i32
    %dma_wait3A_104 = tpu.memref_slice %arg2[%dma_wait3A_102, %dma_wait3A_103] : memref<10000x128xf32, #tpu.memory_space<hbm>> -> memref<10000x128xf32, #tpu.memory_space<hbm>>
    tpu.wait_indirect_dma semaphore(%arg23 : memref<!tpu.dma_semaphore, #tpu.memory_space<semaphore_mem>>) src(%dma_wait3A_104 : memref<10000x128xf32, #tpu.memory_space<hbm>>) dst(%arg14 : memref<80x128xf32, #tpu.memory_space<vmem>>)
    %add3A_105 = arith.constant 9680 : i32
    %add3A_106 = arith.addi %add3A_6, %add3A_105 : i32
    %dma_wait3A_107 = tpu.memref_slice %arg3[%add3A_106] : memref<640000xi32, #tpu.memory_space<hbm>> -> memref<80xi32, #tpu.memory_space<hbm>>
    %dma_wait3A_108 = tpu.memref_slice %arg3[%add3A_106] : memref<640000xi32, #tpu.memory_space<hbm>> -> memref<80xi32, #tpu.memory_space<hbm>>
    tpu.wait_dma2 semaphore(%arg17 : memref<!tpu.dma_semaphore, #tpu.memory_space<semaphore_mem>>) src(%dma_wait3A_108 : memref<80xi32, #tpu.memory_space<hbm>>) dst(%arg8 : memref<80xi32, #tpu.memory_space<vmem>>)
    %dma_start3A_109 = arith.constant 0 : i32
    %dma_start3A_110 = arith.constant 0 : i32
    %dma_start3A_111 = tpu.memref_slice %arg5[%dma_start3A_109, %dma_start3A_110] : memref<10000x128xf32, #tpu.memory_space<vmem_shared>> -> memref<10000x128xf32, #tpu.memory_space<vmem_shared>>
    tpu.enqueue_indirect_dma source(%arg14 : memref<80x128xf32, #tpu.memory_space<vmem>>) target(%dma_start3A_111 : memref<10000x128xf32, #tpu.memory_space<vmem_shared>>) offsets(%arg8 : memref<80xi32, #tpu.memory_space<vmem>>) semaphore(%arg26 : memref<!tpu.dma_semaphore, #tpu.memory_space<semaphore_mem>>) {add = true}
    %dma_wait3A_112 = arith.constant 0 : i32
    %dma_wait3A_113 = arith.constant 0 : i32
    %dma_wait3A_114 = tpu.memref_slice %arg5[%dma_wait3A_112, %dma_wait3A_113] : memref<10000x128xf32, #tpu.memory_space<vmem_shared>> -> memref<10000x128xf32, #tpu.memory_space<vmem_shared>>
    tpu.wait_indirect_dma semaphore(%arg27 : memref<!tpu.dma_semaphore, #tpu.memory_space<semaphore_mem>>) src(%arg15 : memref<80x128xf32, #tpu.memory_space<vmem>>) dst(%dma_wait3A_114 : memref<10000x128xf32, #tpu.memory_space<vmem_shared>>)
    %dma_start3A_115 = arith.constant 9760 : i32
    %dma_start3A_116 = tpu.memref_slice %arg6[%dma_start3A_115] : memref<10000xi32, #tpu.memory_space<vmem>> -> memref<80xi32, #tpu.memory_space<vmem>>
    %dma_start3A_117 = arith.constant 0 : i32
    %dma_start3A_118 = arith.constant 0 : i32
    %dma_start3A_119 = tpu.memref_slice %arg2[%dma_start3A_117, %dma_start3A_118] : memref<10000x128xf32, #tpu.memory_space<hbm>> -> memref<10000x128xf32, #tpu.memory_space<hbm>>
    tpu.enqueue_indirect_dma source(%dma_start3A_119 : memref<10000x128xf32, #tpu.memory_space<hbm>>) target(%arg15 : memref<80x128xf32, #tpu.memory_space<vmem>>) offsets(%dma_start3A_116 : memref<80xi32, #tpu.memory_space<vmem>>) semaphore(%arg24 : memref<!tpu.dma_semaphore, #tpu.memory_space<semaphore_mem>>)
    %dma_wait3A_120 = arith.constant 9760 : i32
    %dma_wait3A_121 = tpu.memref_slice %arg6[%dma_wait3A_120] : memref<10000xi32, #tpu.memory_space<vmem>> -> memref<80xi32, #tpu.memory_space<vmem>>
    %dma_wait3A_122 = arith.constant 0 : i32
    %dma_wait3A_123 = arith.constant 0 : i32
    %dma_wait3A_124 = tpu.memref_slice %arg2[%dma_wait3A_122, %dma_wait3A_123] : memref<10000x128xf32, #tpu.memory_space<hbm>> -> memref<10000x128xf32, #tpu.memory_space<hbm>>
    tpu.wait_indirect_dma semaphore(%arg24 : memref<!tpu.dma_semaphore, #tpu.memory_space<semaphore_mem>>) src(%dma_wait3A_124 : memref<10000x128xf32, #tpu.memory_space<hbm>>) dst(%arg15 : memref<80x128xf32, #tpu.memory_space<vmem>>)
    %add3A_125 = arith.constant 9760 : i32
    %add3A_126 = arith.addi %add3A_6, %add3A_125 : i32
    %dma_wait3A_127 = tpu.memref_slice %arg3[%add3A_126] : memref<640000xi32, #tpu.memory_space<hbm>> -> memref<80xi32, #tpu.memory_space<hbm>>
    %dma_wait3A_128 = tpu.memref_slice %arg3[%add3A_126] : memref<640000xi32, #tpu.memory_space<hbm>> -> memref<80xi32, #tpu.memory_space<hbm>>
    tpu.wait_dma2 semaphore(%arg18 : memref<!tpu.dma_semaphore, #tpu.memory_space<semaphore_mem>>) src(%dma_wait3A_128 : memref<80xi32, #tpu.memory_space<hbm>>) dst(%arg9 : memref<80xi32, #tpu.memory_space<vmem>>)
    %dma_start3A_129 = arith.constant 0 : i32
    %dma_start3A_130 = arith.constant 0 : i32
    %dma_start3A_131 = tpu.memref_slice %arg5[%dma_start3A_129, %dma_start3A_130] : memref<10000x128xf32, #tpu.memory_space<vmem_shared>> -> memref<10000x128xf32, #tpu.memory_space<vmem_shared>>
    tpu.enqueue_indirect_dma source(%arg15 : memref<80x128xf32, #tpu.memory_space<vmem>>) target(%dma_start3A_131 : memref<10000x128xf32, #tpu.memory_space<vmem_shared>>) offsets(%arg9 : memref<80xi32, #tpu.memory_space<vmem>>) semaphore(%arg27 : memref<!tpu.dma_semaphore, #tpu.memory_space<semaphore_mem>>) {add = true}
    %dma_wait3A_132 = arith.constant 0 : i32
    %dma_wait3A_133 = arith.constant 0 : i32
    %dma_wait3A_134 = tpu.memref_slice %arg5[%dma_wait3A_132, %dma_wait3A_133] : memref<10000x128xf32, #tpu.memory_space<vmem_shared>> -> memref<10000x128xf32, #tpu.memory_space<vmem_shared>>
    tpu.wait_indirect_dma semaphore(%arg25 : memref<!tpu.dma_semaphore, #tpu.memory_space<semaphore_mem>>) src(%arg13 : memref<80x128xf32, #tpu.memory_space<vmem>>) dst(%dma_wait3A_134 : memref<10000x128xf32, #tpu.memory_space<vmem_shared>>)
    %dma_start3A_135 = arith.constant 9840 : i32
    %dma_start3A_136 = tpu.memref_slice %arg6[%dma_start3A_135] : memref<10000xi32, #tpu.memory_space<vmem>> -> memref<80xi32, #tpu.memory_space<vmem>>
    %dma_start3A_137 = arith.constant 0 : i32
    %dma_start3A_138 = arith.constant 0 : i32
    %dma_start3A_139 = tpu.memref_slice %arg2[%dma_start3A_137, %dma_start3A_138] : memref<10000x128xf32, #tpu.memory_space<hbm>> -> memref<10000x128xf32, #tpu.memory_space<hbm>>
    tpu.enqueue_indirect_dma source(%dma_start3A_139 : memref<10000x128xf32, #tpu.memory_space<hbm>>) target(%arg13 : memref<80x128xf32, #tpu.memory_space<vmem>>) offsets(%dma_start3A_136 : memref<80xi32, #tpu.memory_space<vmem>>) semaphore(%arg22 : memref<!tpu.dma_semaphore, #tpu.memory_space<semaphore_mem>>)
    %dma_wait3A_140 = arith.constant 9840 : i32
    %dma_wait3A_141 = tpu.memref_slice %arg6[%dma_wait3A_140] : memref<10000xi32, #tpu.memory_space<vmem>> -> memref<80xi32, #tpu.memory_space<vmem>>
    %dma_wait3A_142 = arith.constant 0 : i32
    %dma_wait3A_143 = arith.constant 0 : i32
    %dma_wait3A_144 = tpu.memref_slice %arg2[%dma_wait3A_142, %dma_wait3A_143] : memref<10000x128xf32, #tpu.memory_space<hbm>> -> memref<10000x128xf32, #tpu.memory_space<hbm>>
    tpu.wait_indirect_dma semaphore(%arg22 : memref<!tpu.dma_semaphore, #tpu.memory_space<semaphore_mem>>) src(%dma_wait3A_144 : memref<10000x128xf32, #tpu.memory_space<hbm>>) dst(%arg13 : memref<80x128xf32, #tpu.memory_space<vmem>>)
    %add3A_145 = arith.constant 9840 : i32
    %add3A_146 = arith.addi %add3A_6, %add3A_145 : i32
    %dma_wait3A_147 = tpu.memref_slice %arg3[%add3A_146] : memref<640000xi32, #tpu.memory_space<hbm>> -> memref<80xi32, #tpu.memory_space<hbm>>
    %dma_wait3A_148 = tpu.memref_slice %arg3[%add3A_146] : memref<640000xi32, #tpu.memory_space<hbm>> -> memref<80xi32, #tpu.memory_space<hbm>>
    tpu.wait_dma2 semaphore(%arg19 : memref<!tpu.dma_semaphore, #tpu.memory_space<semaphore_mem>>) src(%dma_wait3A_148 : memref<80xi32, #tpu.memory_space<hbm>>) dst(%arg10 : memref<80xi32, #tpu.memory_space<vmem>>)
    %dma_start3A_149 = arith.constant 0 : i32
    %dma_start3A_150 = arith.constant 0 : i32
    %dma_start3A_151 = tpu.memref_slice %arg5[%dma_start3A_149, %dma_start3A_150] : memref<10000x128xf32, #tpu.memory_space<vmem_shared>> -> memref<10000x128xf32, #tpu.memory_space<vmem_shared>>
    tpu.enqueue_indirect_dma source(%arg13 : memref<80x128xf32, #tpu.memory_space<vmem>>) target(%dma_start3A_151 : memref<10000x128xf32, #tpu.memory_space<vmem_shared>>) offsets(%arg10 : memref<80xi32, #tpu.memory_space<vmem>>) semaphore(%arg25 : memref<!tpu.dma_semaphore, #tpu.memory_space<semaphore_mem>>) {add = true}
    %dma_wait3A_152 = arith.constant 0 : i32
    %dma_wait3A_153 = arith.constant 0 : i32
    %dma_wait3A_154 = tpu.memref_slice %arg5[%dma_wait3A_152, %dma_wait3A_153] : memref<10000x128xf32, #tpu.memory_space<vmem_shared>> -> memref<10000x128xf32, #tpu.memory_space<vmem_shared>>
    tpu.wait_indirect_dma semaphore(%arg26 : memref<!tpu.dma_semaphore, #tpu.memory_space<semaphore_mem>>) src(%arg14 : memref<80x128xf32, #tpu.memory_space<vmem>>) dst(%dma_wait3A_154 : memref<10000x128xf32, #tpu.memory_space<vmem_shared>>)
    %dma_start3A_155 = arith.constant 9920 : i32
    %dma_start3A_156 = tpu.memref_slice %arg6[%dma_start3A_155] : memref<10000xi32, #tpu.memory_space<vmem>> -> memref<80xi32, #tpu.memory_space<vmem>>
    %dma_start3A_157 = arith.constant 0 : i32
    %dma_start3A_158 = arith.constant 0 : i32
    %dma_start3A_159 = tpu.memref_slice %arg2[%dma_start3A_157, %dma_start3A_158] : memref<10000x128xf32, #tpu.memory_space<hbm>> -> memref<10000x128xf32, #tpu.memory_space<hbm>>
    tpu.enqueue_indirect_dma source(%dma_start3A_159 : memref<10000x128xf32, #tpu.memory_space<hbm>>) target(%arg14 : memref<80x128xf32, #tpu.memory_space<vmem>>) offsets(%dma_start3A_156 : memref<80xi32, #tpu.memory_space<vmem>>) semaphore(%arg23 : memref<!tpu.dma_semaphore, #tpu.memory_space<semaphore_mem>>)
    %dma_wait3A_160 = arith.constant 9920 : i32
    %dma_wait3A_161 = tpu.memref_slice %arg6[%dma_wait3A_160] : memref<10000xi32, #tpu.memory_space<vmem>> -> memref<80xi32, #tpu.memory_space<vmem>>
    %dma_wait3A_162 = arith.constant 0 : i32
    %dma_wait3A_163 = arith.constant 0 : i32
    %dma_wait3A_164 = tpu.memref_slice %arg2[%dma_wait3A_162, %dma_wait3A_163] : memref<10000x128xf32, #tpu.memory_space<hbm>> -> memref<10000x128xf32, #tpu.memory_space<hbm>>
    tpu.wait_indirect_dma semaphore(%arg23 : memref<!tpu.dma_semaphore, #tpu.memory_space<semaphore_mem>>) src(%dma_wait3A_164 : memref<10000x128xf32, #tpu.memory_space<hbm>>) dst(%arg14 : memref<80x128xf32, #tpu.memory_space<vmem>>)
    %add3A_165 = arith.constant 9920 : i32
    %add3A_166 = arith.addi %add3A_6, %add3A_165 : i32
    %dma_wait3A_167 = tpu.memref_slice %arg3[%add3A_166] : memref<640000xi32, #tpu.memory_space<hbm>> -> memref<80xi32, #tpu.memory_space<hbm>>
    %dma_wait3A_168 = tpu.memref_slice %arg3[%add3A_166] : memref<640000xi32, #tpu.memory_space<hbm>> -> memref<80xi32, #tpu.memory_space<hbm>>
    tpu.wait_dma2 semaphore(%arg20 : memref<!tpu.dma_semaphore, #tpu.memory_space<semaphore_mem>>) src(%dma_wait3A_168 : memref<80xi32, #tpu.memory_space<hbm>>) dst(%arg11 : memref<80xi32, #tpu.memory_space<vmem>>)
    %dma_start3A_169 = arith.constant 0 : i32
    %dma_start3A_170 = arith.constant 0 : i32
    %dma_start3A_171 = tpu.memref_slice %arg5[%dma_start3A_169, %dma_start3A_170] : memref<10000x128xf32, #tpu.memory_space<vmem_shared>> -> memref<10000x128xf32, #tpu.memory_space<vmem_shared>>
    tpu.enqueue_indirect_dma source(%arg14 : memref<80x128xf32, #tpu.memory_space<vmem>>) target(%dma_start3A_171 : memref<10000x128xf32, #tpu.memory_space<vmem_shared>>) offsets(%arg11 : memref<80xi32, #tpu.memory_space<vmem>>) semaphore(%arg26 : memref<!tpu.dma_semaphore, #tpu.memory_space<semaphore_mem>>) {add = true}
    %dma_wait3A_172 = arith.constant 0 : i32
    %dma_wait3A_173 = arith.constant 0 : i32
    %dma_wait3A_174 = tpu.memref_slice %arg5[%dma_wait3A_172, %dma_wait3A_173] : memref<10000x128xf32, #tpu.memory_space<vmem_shared>> -> memref<10000x128xf32, #tpu.memory_space<vmem_shared>>
    tpu.wait_indirect_dma semaphore(%arg27 : memref<!tpu.dma_semaphore, #tpu.memory_space<semaphore_mem>>) src(%arg15 : memref<80x128xf32, #tpu.memory_space<vmem>>) dst(%dma_wait3A_174 : memref<10000x128xf32, #tpu.memory_space<vmem_shared>>)
    %dma_wait3A_175 = arith.constant 0 : i32
    %dma_wait3A_176 = arith.constant 0 : i32
    %dma_wait3A_177 = tpu.memref_slice %arg5[%dma_wait3A_175, %dma_wait3A_176] : memref<10000x128xf32, #tpu.memory_space<vmem_shared>> -> memref<10000x128xf32, #tpu.memory_space<vmem_shared>>
    tpu.wait_indirect_dma semaphore(%arg25 : memref<!tpu.dma_semaphore, #tpu.memory_space<semaphore_mem>>) src(%arg13 : memref<80x128xf32, #tpu.memory_space<vmem>>) dst(%dma_wait3A_177 : memref<10000x128xf32, #tpu.memory_space<vmem_shared>>)
    %dma_wait3A_178 = arith.constant 0 : i32
    %dma_wait3A_179 = arith.constant 0 : i32
    %dma_wait3A_180 = tpu.memref_slice %arg5[%dma_wait3A_178, %dma_wait3A_179] : memref<10000x128xf32, #tpu.memory_space<vmem_shared>> -> memref<10000x128xf32, #tpu.memory_space<vmem_shared>>
    tpu.wait_indirect_dma semaphore(%arg26 : memref<!tpu.dma_semaphore, #tpu.memory_space<semaphore_mem>>) src(%arg14 : memref<80x128xf32, #tpu.memory_space<vmem>>) dst(%dma_wait3A_180 : memref<10000x128xf32, #tpu.memory_space<vmem_shared>>)
    %barrier3A_181 = arith.constant 0 : index
    tpu.barrier barrier_id(%barrier3A_181)
    %mul3A_182 = arith.constant 640 : i32
    %mul3A_183 = arith.muli %arg1, %mul3A_182 : i32
    %add3A_184 = arith.constant 0 : i32
    %add3A_185 = arith.addi %mul3A_183, %add3A_184 : i32
    %min3A_186 = arith.constant 9872 : i32
    %min3A_187 = arith.minsi %add3A_185, %min3A_186 : i32
    "tpu.region"() ({
      %run_scoped3A = tpu.sem_alloc : memref<!tpu.dma_semaphore, #tpu.memory_space<semaphore_mem>>
      %dma_start3A_212 = arith.constant 0 : i32
      %dma_start3A_213 = tpu.memref_slice %arg4[%arg0, %min3A_187, %dma_start3A_212] : memref<2x10000x128xf32, #tpu.memory_space<hbm>> -> memref<1x128x128xf32, #tpu.memory_space<hbm>>
      %dma_start3A_214 = tpu.memref_squeeze %dma_start3A_213 : memref<1x128x128xf32, #tpu.memory_space<hbm>> -> memref<128x128xf32, #tpu.memory_space<hbm>>
      %dma_start3A_215 = arith.constant 0 : i32
      %dma_start3A_216 = tpu.memref_slice %arg5[%min3A_187, %dma_start3A_215] : memref<10000x128xf32, #tpu.memory_space<vmem_shared>> -> memref<128x128xf32, #tpu.memory_space<vmem_shared>>
      tpu.enqueue_dma source(%dma_start3A_216 : memref<128x128xf32, #tpu.memory_space<vmem_shared>>) target(%dma_start3A_214 : memref<128x128xf32, #tpu.memory_space<hbm>>) target_semaphore(%run_scoped3A : memref<!tpu.dma_semaphore, #tpu.memory_space<semaphore_mem>>)
      %dma_wait3A_217 = arith.constant 0 : i32
      %dma_wait3A_218 = tpu.memref_slice %arg4[%arg0, %min3A_187, %dma_wait3A_217] : memref<2x10000x128xf32, #tpu.memory_space<hbm>> -> memref<1x128x128xf32, #tpu.memory_space<hbm>>
      %dma_wait3A_219 = tpu.memref_squeeze %dma_wait3A_218 : memref<1x128x128xf32, #tpu.memory_space<hbm>> -> memref<128x128xf32, #tpu.memory_space<hbm>>
      %dma_wait3A_220 = arith.constant 0 : i32
      %dma_wait3A_221 = tpu.memref_slice %arg5[%min3A_187, %dma_wait3A_220] : memref<10000x128xf32, #tpu.memory_space<vmem_shared>> -> memref<128x128xf32, #tpu.memory_space<vmem_shared>>
      tpu.wait_dma2 semaphore(%run_scoped3A : memref<!tpu.dma_semaphore, #tpu.memory_space<semaphore_mem>>) src(%dma_wait3A_221 : memref<128x128xf32, #tpu.memory_space<vmem_shared>>) dst(%dma_wait3A_219 : memref<128x128xf32, #tpu.memory_space<hbm>>)
      tpu.yield
    }) : () -> ()
    %mul3A_188 = arith.constant 640 : i32
    %mul3A_189 = arith.muli %arg1, %mul3A_188 : i32
    %add3A_190 = arith.constant 128 : i32
    %add3A_191 = arith.addi %mul3A_189, %add3A_190 : i32
    %min3A_192 = arith.constant 9872 : i32
    %min3A_193 = arith.minsi %add3A_191, %min3A_192 : i32
    "tpu.region"() ({
      %run_scoped3A = tpu.sem_alloc : memref<!tpu.dma_semaphore, #tpu.memory_space<semaphore_mem>>
      %dma_start3A_212 = arith.constant 0 : i32
      %dma_start3A_213 = tpu.memref_slice %arg4[%arg0, %min3A_193, %dma_start3A_212] : memref<2x10000x128xf32, #tpu.memory_space<hbm>> -> memref<1x128x128xf32, #tpu.memory_space<hbm>>
      %dma_start3A_214 = tpu.memref_squeeze %dma_start3A_213 : memref<1x128x128xf32, #tpu.memory_space<hbm>> -> memref<128x128xf32, #tpu.memory_space<hbm>>
      %dma_start3A_215 = arith.constant 0 : i32
      %dma_start3A_216 = tpu.memref_slice %arg5[%min3A_193, %dma_start3A_215] : memref<10000x128xf32, #tpu.memory_space<vmem_shared>> -> memref<128x128xf32, #tpu.memory_space<vmem_shared>>
      tpu.enqueue_dma source(%dma_start3A_216 : memref<128x128xf32, #tpu.memory_space<vmem_shared>>) target(%dma_start3A_214 : memref<128x128xf32, #tpu.memory_space<hbm>>) target_semaphore(%run_scoped3A : memref<!tpu.dma_semaphore, #tpu.memory_space<semaphore_mem>>)
      %dma_wait3A_217 = arith.constant 0 : i32
      %dma_wait3A_218 = tpu.memref_slice %arg4[%arg0, %min3A_193, %dma_wait3A_217] : memref<2x10000x128xf32, #tpu.memory_space<hbm>> -> memref<1x128x128xf32, #tpu.memory_space<hbm>>
      %dma_wait3A_219 = tpu.memref_squeeze %dma_wait3A_218 : memref<1x128x128xf32, #tpu.memory_space<hbm>> -> memref<128x128xf32, #tpu.memory_space<hbm>>
      %dma_wait3A_220 = arith.constant 0 : i32
      %dma_wait3A_221 = tpu.memref_slice %arg5[%min3A_193, %dma_wait3A_220] : memref<10000x128xf32, #tpu.memory_space<vmem_shared>> -> memref<128x128xf32, #tpu.memory_space<vmem_shared>>
      tpu.wait_dma2 semaphore(%run_scoped3A : memref<!tpu.dma_semaphore, #tpu.memory_space<semaphore_mem>>) src(%dma_wait3A_221 : memref<128x128xf32, #tpu.memory_space<vmem_shared>>) dst(%dma_wait3A_219 : memref<128x128xf32, #tpu.memory_space<hbm>>)
      tpu.yield
    }) : () -> ()
    %mul3A_194 = arith.constant 640 : i32
    %mul3A_195 = arith.muli %arg1, %mul3A_194 : i32
    %add3A_196 = arith.constant 256 : i32
    %add3A_197 = arith.addi %mul3A_195, %add3A_196 : i32
    %min3A_198 = arith.constant 9872 : i32
    %min3A_199 = arith.minsi %add3A_197, %min3A_198 : i32
    "tpu.region"() ({
      %run_scoped3A = tpu.sem_alloc : memref<!tpu.dma_semaphore, #tpu.memory_space<semaphore_mem>>
      %dma_start3A_212 = arith.constant 0 : i32
      %dma_start3A_213 = tpu.memref_slice %arg4[%arg0, %min3A_199, %dma_start3A_212] : memref<2x10000x128xf32, #tpu.memory_space<hbm>> -> memref<1x128x128xf32, #tpu.memory_space<hbm>>
      %dma_start3A_214 = tpu.memref_squeeze %dma_start3A_213 : memref<1x128x128xf32, #tpu.memory_space<hbm>> -> memref<128x128xf32, #tpu.memory_space<hbm>>
      %dma_start3A_215 = arith.constant 0 : i32
      %dma_start3A_216 = tpu.memref_slice %arg5[%min3A_199, %dma_start3A_215] : memref<10000x128xf32, #tpu.memory_space<vmem_shared>> -> memref<128x128xf32, #tpu.memory_space<vmem_shared>>
      tpu.enqueue_dma source(%dma_start3A_216 : memref<128x128xf32, #tpu.memory_space<vmem_shared>>) target(%dma_start3A_214 : memref<128x128xf32, #tpu.memory_space<hbm>>) target_semaphore(%run_scoped3A : memref<!tpu.dma_semaphore, #tpu.memory_space<semaphore_mem>>)
      %dma_wait3A_217 = arith.constant 0 : i32
      %dma_wait3A_218 = tpu.memref_slice %arg4[%arg0, %min3A_199, %dma_wait3A_217] : memref<2x10000x128xf32, #tpu.memory_space<hbm>> -> memref<1x128x128xf32, #tpu.memory_space<hbm>>
      %dma_wait3A_219 = tpu.memref_squeeze %dma_wait3A_218 : memref<1x128x128xf32, #tpu.memory_space<hbm>> -> memref<128x128xf32, #tpu.memory_space<hbm>>
      %dma_wait3A_220 = arith.constant 0 : i32
      %dma_wait3A_221 = tpu.memref_slice %arg5[%min3A_199, %dma_wait3A_220] : memref<10000x128xf32, #tpu.memory_space<vmem_shared>> -> memref<128x128xf32, #tpu.memory_space<vmem_shared>>
      tpu.wait_dma2 semaphore(%run_scoped3A : memref<!tpu.dma_semaphore, #tpu.memory_space<semaphore_mem>>) src(%dma_wait3A_221 : memref<128x128xf32, #tpu.memory_space<vmem_shared>>) dst(%dma_wait3A_219 : memref<128x128xf32, #tpu.memory_space<hbm>>)
      tpu.yield
    }) : () -> ()
    %mul3A_200 = arith.constant 640 : i32
    %mul3A_201 = arith.muli %arg1, %mul3A_200 : i32
    %add3A_202 = arith.constant 384 : i32
    %add3A_203 = arith.addi %mul3A_201, %add3A_202 : i32
    %min3A_204 = arith.constant 9872 : i32
    %min3A_205 = arith.minsi %add3A_203, %min3A_204 : i32
    "tpu.region"() ({
      %run_scoped3A = tpu.sem_alloc : memref<!tpu.dma_semaphore, #tpu.memory_space<semaphore_mem>>
      %dma_start3A_212 = arith.constant 0 : i32
      %dma_start3A_213 = tpu.memref_slice %arg4[%arg0, %min3A_205, %dma_start3A_212] : memref<2x10000x128xf32, #tpu.memory_space<hbm>> -> memref<1x128x128xf32, #tpu.memory_space<hbm>>
      %dma_start3A_214 = tpu.memref_squeeze %dma_start3A_213 : memref<1x128x128xf32, #tpu.memory_space<hbm>> -> memref<128x128xf32, #tpu.memory_space<hbm>>
      %dma_start3A_215 = arith.constant 0 : i32
      %dma_start3A_216 = tpu.memref_slice %arg5[%min3A_205, %dma_start3A_215] : memref<10000x128xf32, #tpu.memory_space<vmem_shared>> -> memref<128x128xf32, #tpu.memory_space<vmem_shared>>
      tpu.enqueue_dma source(%dma_start3A_216 : memref<128x128xf32, #tpu.memory_space<vmem_shared>>) target(%dma_start3A_214 : memref<128x128xf32, #tpu.memory_space<hbm>>) target_semaphore(%run_scoped3A : memref<!tpu.dma_semaphore, #tpu.memory_space<semaphore_mem>>)
      %dma_wait3A_217 = arith.constant 0 : i32
      %dma_wait3A_218 = tpu.memref_slice %arg4[%arg0, %min3A_205, %dma_wait3A_217] : memref<2x10000x128xf32, #tpu.memory_space<hbm>> -> memref<1x128x128xf32, #tpu.memory_space<hbm>>
      %dma_wait3A_219 = tpu.memref_squeeze %dma_wait3A_218 : memref<1x128x128xf32, #tpu.memory_space<hbm>> -> memref<128x128xf32, #tpu.memory_space<hbm>>
      %dma_wait3A_220 = arith.constant 0 : i32
      %dma_wait3A_221 = tpu.memref_slice %arg5[%min3A_205, %dma_wait3A_220] : memref<10000x128xf32, #tpu.memory_space<vmem_shared>> -> memref<128x128xf32, #tpu.memory_space<vmem_shared>>
      tpu.wait_dma2 semaphore(%run_scoped3A : memref<!tpu.dma_semaphore, #tpu.memory_space<semaphore_mem>>) src(%dma_wait3A_221 : memref<128x128xf32, #tpu.memory_space<vmem_shared>>) dst(%dma_wait3A_219 : memref<128x128xf32, #tpu.memory_space<hbm>>)
      tpu.yield
    }) : () -> ()
    %mul3A_206 = arith.constant 640 : i32
    %mul3A_207 = arith.muli %arg1, %mul3A_206 : i32
    %add3A_208 = arith.constant 512 : i32
    %add3A_209 = arith.addi %mul3A_207, %add3A_208 : i32
    %min3A_210 = arith.constant 9872 : i32
    %min3A_211 = arith.minsi %add3A_209, %min3A_210 : i32
    "tpu.region"() ({
      %run_scoped3A = tpu.sem_alloc : memref<!tpu.dma_semaphore, #tpu.memory_space<semaphore_mem>>
      %dma_start3A_212 = arith.constant 0 : i32
      %dma_start3A_213 = tpu.memref_slice %arg4[%arg0, %min3A_211, %dma_start3A_212] : memref<2x10000x128xf32, #tpu.memory_space<hbm>> -> memref<1x128x128xf32, #tpu.memory_space<hbm>>
      %dma_start3A_214 = tpu.memref_squeeze %dma_start3A_213 : memref<1x128x128xf32, #tpu.memory_space<hbm>> -> memref<128x128xf32, #tpu.memory_space<hbm>>
      %dma_start3A_215 = arith.constant 0 : i32
      %dma_start3A_216 = tpu.memref_slice %arg5[%min3A_211, %dma_start3A_215] : memref<10000x128xf32, #tpu.memory_space<vmem_shared>> -> memref<128x128xf32, #tpu.memory_space<vmem_shared>>
      tpu.enqueue_dma source(%dma_start3A_216 : memref<128x128xf32, #tpu.memory_space<vmem_shared>>) target(%dma_start3A_214 : memref<128x128xf32, #tpu.memory_space<hbm>>) target_semaphore(%run_scoped3A : memref<!tpu.dma_semaphore, #tpu.memory_space<semaphore_mem>>)
      %dma_wait3A_217 = arith.constant 0 : i32
      %dma_wait3A_218 = tpu.memref_slice %arg4[%arg0, %min3A_211, %dma_wait3A_217] : memref<2x10000x128xf32, #tpu.memory_space<hbm>> -> memref<1x128x128xf32, #tpu.memory_space<hbm>>
      %dma_wait3A_219 = tpu.memref_squeeze %dma_wait3A_218 : memref<1x128x128xf32, #tpu.memory_space<hbm>> -> memref<128x128xf32, #tpu.memory_space<hbm>>
      %dma_wait3A_220 = arith.constant 0 : i32
      %dma_wait3A_221 = tpu.memref_slice %arg5[%min3A_211, %dma_wait3A_220] : memref<10000x128xf32, #tpu.memory_space<vmem_shared>> -> memref<128x128xf32, #tpu.memory_space<vmem_shared>>
      tpu.wait_dma2 semaphore(%run_scoped3A : memref<!tpu.dma_semaphore, #tpu.memory_space<semaphore_mem>>) src(%dma_wait3A_221 : memref<128x128xf32, #tpu.memory_space<vmem_shared>>) dst(%dma_wait3A_219 : memref<128x128xf32, #tpu.memory_space<hbm>>)
      tpu.yield
    }) : () -> ()
    return
  }
}

#map = affine_map<(d0, d1) -> (0, 0)>
#map1 = affine_map<(d0, d1) -> (0)>
#map2 = affine_map<(d0, d1) -> (0, 0, 0)>
module attributes {stable_mosaic.version = 14 : i64} {
  func.func @_mp_sc(%arg0: i32, %arg1: i32, %arg2: memref<10000x128xf32, #tpu.memory_space<hbm>>, %arg3: memref<640000xi32, #tpu.memory_space<hbm>>, %arg4: memref<2x10000x128xf32, #tpu.memory_space<hbm>>, %arg5: memref<10000x128xf32, #tpu.memory_space<vmem_shared>>, %arg6: memref<10000xi32, #tpu.memory_space<vmem>>, %arg7: memref<80xi32, #tpu.memory_space<vmem>>, %arg8: memref<80xi32, #tpu.memory_space<vmem>>, %arg9: memref<80xi32, #tpu.memory_space<vmem>>, %arg10: memref<80xi32, #tpu.memory_space<vmem>>, %arg11: memref<80xi32, #tpu.memory_space<vmem>>, %arg12: memref<80xi32, #tpu.memory_space<vmem>>, %arg13: memref<80x128xf32, #tpu.memory_space<vmem>>, %arg14: memref<80x128xf32, #tpu.memory_space<vmem>>, %arg15: memref<80x128xf32, #tpu.memory_space<vmem>>, %arg16: memref<!tpu.dma_semaphore, #tpu.memory_space<semaphore_mem>>, %arg17: memref<!tpu.dma_semaphore, #tpu.memory_space<semaphore_mem>>, %arg18: memref<!tpu.dma_semaphore, #tpu.memory_space<semaphore_mem>>, %arg19: memref<!tpu.dma_semaphore, #tpu.memory_space<semaphore_mem>>, %arg20: memref<!tpu.dma_semaphore, #tpu.memory_space<semaphore_mem>>, %arg21: memref<!tpu.dma_semaphore, #tpu.memory_space<semaphore_mem>>, %arg22: memref<!tpu.dma_semaphore, #tpu.memory_space<semaphore_mem>>, %arg23: memref<!tpu.dma_semaphore, #tpu.memory_space<semaphore_mem>>, %arg24: memref<!tpu.dma_semaphore, #tpu.memory_space<semaphore_mem>>, %arg25: memref<!tpu.dma_semaphore, #tpu.memory_space<semaphore_mem>>, %arg26: memref<!tpu.dma_semaphore, #tpu.memory_space<semaphore_mem>>, %arg27: memref<!tpu.dma_semaphore, #tpu.memory_space<semaphore_mem>>) attributes {dimension_semantics = [#tpu.dimension_semantics<core_parallel>, #tpu.dimension_semantics<subcore_parallel>], iteration_bounds = array<i64: 2, 16>, scalar_prefetch = 0 : i64, scratch_operands = 23 : i64, tpu.core_type = #tpu.core_type<sc_vector_subcore>, window_params = [{transform_indices = #map}, {transform_indices = #map1}, {transform_indices = #map2}]} {
    %mul3A = arith.constant 2 : i32
    %mul3A_0 = arith.muli %arg1, %mul3A : i32
    %add3A = arith.addi %mul3A_0, %arg0 : i32
    %mul3A_1 = arith.constant 125 : i32
    %mul3A_2 = arith.muli %add3A, %mul3A_1 : i32
    %mul3A_3 = arith.constant 80 : i32
    %mul3A_4 = arith.muli %mul3A_2, %mul3A_3 : i32
    %add3A_5 = arith.constant 320000 : i32
    %add3A_6 = arith.addi %add3A_5, %mul3A_4 : i32
    %scan3A = arith.constant 0 : i32
    %scan3A_7 = arith.constant 0 : i32
    %scan3A_8 = arith.constant 80 : i32
    %scan3A_9 = arith.addi %scan3A_7, %scan3A_8 : i32
    %scan3A_10 = arith.constant 1 : i32
    scf.for %scan3A_212 = %scan3A_7 to %scan3A_9 step %scan3A_10  : i32 {
      %broadcast_in_dim3A = arith.constant 0.000000e+00 : f32
      %broadcast_in_dim3A_213 = vector.broadcast %broadcast_in_dim3A : f32 to vector<16xf32>
      %swap3A = arith.index_cast %scan3A_212 : i32 to index
      %swap3A_214 = arith.constant 0 : index
      %swap3A_215 = tpu.vector_load %arg13[%swap3A, %swap3A_214] {strides = array<i32>} : memref<80x128xf32, #tpu.memory_space<vmem>>, vector<1x16xf32>,
      %swap3A_216 = vector.shape_cast %swap3A_215 : vector<1x16xf32> to vector<16xf32>
      %swap3A_217 = vector.shape_cast %broadcast_in_dim3A_213 : vector<16xf32> to vector<1x16xf32>
      tpu.vector_store %arg13[%swap3A, %swap3A_214], %swap3A_217 {strides = array<i32>} : memref<80x128xf32, #tpu.memory_space<vmem>>, vector<1x16xf32>,
      %broadcast_in_dim3A_218 = arith.constant 0.000000e+00 : f32
      %broadcast_in_dim3A_219 = vector.broadcast %broadcast_in_dim3A_218 : f32 to vector<16xf32>
      %swap3A_220 = arith.index_cast %scan3A_212 : i32 to index
      %swap3A_221 = arith.constant 16 : index
      %swap3A_222 = tpu.vector_load %arg13[%swap3A_220, %swap3A_221] {strides = array<i32>} : memref<80x128xf32, #tpu.memory_space<vmem>>, vector<1x16xf32>,
      %swap3A_223 = vector.shape_cast %swap3A_222 : vector<1x16xf32> to vector<16xf32>
      %swap3A_224 = vector.shape_cast %broadcast_in_dim3A_219 : vector<16xf32> to vector<1x16xf32>
      tpu.vector_store %arg13[%swap3A_220, %swap3A_221], %swap3A_224 {strides = array<i32>} : memref<80x128xf32, #tpu.memory_space<vmem>>, vector<1x16xf32>,
      %broadcast_in_dim3A_225 = arith.constant 0.000000e+00 : f32
      %broadcast_in_dim3A_226 = vector.broadcast %broadcast_in_dim3A_225 : f32 to vector<16xf32>
      %swap3A_227 = arith.index_cast %scan3A_212 : i32 to index
      %swap3A_228 = arith.constant 32 : index
      %swap3A_229 = tpu.vector_load %arg13[%swap3A_227, %swap3A_228] {strides = array<i32>} : memref<80x128xf32, #tpu.memory_space<vmem>>, vector<1x16xf32>,
      %swap3A_230 = vector.shape_cast %swap3A_229 : vector<1x16xf32> to vector<16xf32>
      %swap3A_231 = vector.shape_cast %broadcast_in_dim3A_226 : vector<16xf32> to vector<1x16xf32>
      tpu.vector_store %arg13[%swap3A_227, %swap3A_228], %swap3A_231 {strides = array<i32>} : memref<80x128xf32, #tpu.memory_space<vmem>>, vector<1x16xf32>,
      %broadcast_in_dim3A_232 = arith.constant 0.000000e+00 : f32
      %broadcast_in_dim3A_233 = vector.broadcast %broadcast_in_dim3A_232 : f32 to vector<16xf32>
      %swap3A_234 = arith.index_cast %scan3A_212 : i32 to index
      %swap3A_235 = arith.constant 48 : index
      %swap3A_236 = tpu.vector_load %arg13[%swap3A_234, %swap3A_235] {strides = array<i32>} : memref<80x128xf32, #tpu.memory_space<vmem>>, vector<1x16xf32>,
      %swap3A_237 = vector.shape_cast %swap3A_236 : vector<1x16xf32> to vector<16xf32>
      %swap3A_238 = vector.shape_cast %broadcast_in_dim3A_233 : vector<16xf32> to vector<1x16xf32>
      tpu.vector_store %arg13[%swap3A_234, %swap3A_235], %swap3A_238 {strides = array<i32>} : memref<80x128xf32, #tpu.memory_space<vmem>>, vector<1x16xf32>,
      %broadcast_in_dim3A_239 = arith.constant 0.000000e+00 : f32
      %broadcast_in_dim3A_240 = vector.broadcast %broadcast_in_dim3A_239 : f32 to vector<16xf32>
      %swap3A_241 = arith.index_cast %scan3A_212 : i32 to index
      %swap3A_242 = arith.constant 64 : index
      %swap3A_243 = tpu.vector_load %arg13[%swap3A_241, %swap3A_242] {strides = array<i32>} : memref<80x128xf32, #tpu.memory_space<vmem>>, vector<1x16xf32>,
      %swap3A_244 = vector.shape_cast %swap3A_243 : vector<1x16xf32> to vector<16xf32>
      %swap3A_245 = vector.shape_cast %broadcast_in_dim3A_240 : vector<16xf32> to vector<1x16xf32>
      tpu.vector_store %arg13[%swap3A_241, %swap3A_242], %swap3A_245 {strides = array<i32>} : memref<80x128xf32, #tpu.memory_space<vmem>>, vector<1x16xf32>,
      %broadcast_in_dim3A_246 = arith.constant 0.000000e+00 : f32
      %broadcast_in_dim3A_247 = vector.broadcast %broadcast_in_dim3A_246 : f32 to vector<16xf32>
      %swap3A_248 = arith.index_cast %scan3A_212 : i32 to index
      %swap3A_249 = arith.constant 80 : index
      %swap3A_250 = tpu.vector_load %arg13[%swap3A_248, %swap3A_249] {strides = array<i32>} : memref<80x128xf32, #tpu.memory_space<vmem>>, vector<1x16xf32>,
      %swap3A_251 = vector.shape_cast %swap3A_250 : vector<1x16xf32> to vector<16xf32>
      %swap3A_252 = vector.shape_cast %broadcast_in_dim3A_247 : vector<16xf32> to vector<1x16xf32>
      tpu.vector_store %arg13[%swap3A_248, %swap3A_249], %swap3A_252 {strides = array<i32>} : memref<80x128xf32, #tpu.memory_space<vmem>>, vector<1x16xf32>,
      %broadcast_in_dim3A_253 = arith.constant 0.000000e+00 : f32
      %broadcast_in_dim3A_254 = vector.broadcast %broadcast_in_dim3A_253 : f32 to vector<16xf32>
      %swap3A_255 = arith.index_cast %scan3A_212 : i32 to index
      %swap3A_256 = arith.constant 96 : index
      %swap3A_257 = tpu.vector_load %arg13[%swap3A_255, %swap3A_256] {strides = array<i32>} : memref<80x128xf32, #tpu.memory_space<vmem>>, vector<1x16xf32>,
      %swap3A_258 = vector.shape_cast %swap3A_257 : vector<1x16xf32> to vector<16xf32>
      %swap3A_259 = vector.shape_cast %broadcast_in_dim3A_254 : vector<16xf32> to vector<1x16xf32>
      tpu.vector_store %arg13[%swap3A_255, %swap3A_256], %swap3A_259 {strides = array<i32>} : memref<80x128xf32, #tpu.memory_space<vmem>>, vector<1x16xf32>,
      %broadcast_in_dim3A_260 = arith.constant 0.000000e+00 : f32
      %broadcast_in_dim3A_261 = vector.broadcast %broadcast_in_dim3A_260 : f32 to vector<16xf32>
      %swap3A_262 = arith.index_cast %scan3A_212 : i32 to index
      %swap3A_263 = arith.constant 112 : index
      %swap3A_264 = tpu.vector_load %arg13[%swap3A_262, %swap3A_263] {strides = array<i32>} : memref<80x128xf32, #tpu.memory_space<vmem>>, vector<1x16xf32>,
      %swap3A_265 = vector.shape_cast %swap3A_264 : vector<1x16xf32> to vector<16xf32>
      %swap3A_266 = vector.shape_cast %broadcast_in_dim3A_261 : vector<16xf32> to vector<1x16xf32>
      tpu.vector_store %arg13[%swap3A_262, %swap3A_263], %swap3A_266 {strides = array<i32>} : memref<80x128xf32, #tpu.memory_space<vmem>>, vector<1x16xf32>,
    }
    %scan3A_11 = arith.constant 80 : i32
    %mul3A_12 = arith.constant 640 : i32
    %mul3A_13 = arith.muli %arg1, %mul3A_12 : i32
    %add3A_14 = arith.constant 0 : i32
    %add3A_15 = arith.addi %mul3A_13, %add3A_14 : i32
    %min3A = arith.constant 9872 : i32
    %min3A_16 = arith.minsi %add3A_15, %min3A : i32
    "tpu.region"() ({
      %run_scoped3A = tpu.sem_alloc : memref<!tpu.dma_semaphore, #tpu.memory_space<semaphore_mem>>
      %dma_start3A_212 = arith.constant 0 : i32
      %dma_start3A_213 = tpu.memref_slice %arg5[%min3A_16, %dma_start3A_212] : memref<10000x128xf32, #tpu.memory_space<vmem_shared>> -> memref<80x128xf32, #tpu.memory_space<vmem_shared>>
      %dma_start3A_214 = arith.constant 0 : i32
      %dma_start3A_215 = tpu.memref_slice %arg5[%min3A_16, %dma_start3A_214] : memref<10000x128xf32, #tpu.memory_space<vmem_shared>> -> memref<80x128xf32, #tpu.memory_space<vmem_shared>>
      tpu.enqueue_dma source(%arg13 : memref<80x128xf32, #tpu.memory_space<vmem>>) target(%dma_start3A_215 : memref<80x128xf32, #tpu.memory_space<vmem_shared>>) target_semaphore(%run_scoped3A : memref<!tpu.dma_semaphore, #tpu.memory_space<semaphore_mem>>)
      %dma_wait3A_216 = arith.constant 0 : i32
      %dma_wait3A_217 = tpu.memref_slice %arg5[%min3A_16, %dma_wait3A_216] : memref<10000x128xf32, #tpu.memory_space<vmem_shared>> -> memref<80x128xf32, #tpu.memory_space<vmem_shared>>
      %dma_wait3A_218 = arith.constant 0 : i32
      %dma_wait3A_219 = tpu.memref_slice %arg5[%min3A_16, %dma_wait3A_218] : memref<10000x128xf32, #tpu.memory_space<vmem_shared>> -> memref<80x128xf32, #tpu.memory_space<vmem_shared>>
      tpu.wait_dma2 semaphore(%run_scoped3A : memref<!tpu.dma_semaphore, #tpu.memory_space<semaphore_mem>>) src(%arg13 : memref<80x128xf32, #tpu.memory_space<vmem>>) dst(%dma_wait3A_219 : memref<80x128xf32, #tpu.memory_space<vmem_shared>>)
      tpu.yield
    }) : () -> ()
    %add3A_17 = arith.constant 48 : i32
    %add3A_18 = arith.addi %min3A_16, %add3A_17 : i32
    "tpu.region"() ({
      %run_scoped3A = tpu.sem_alloc : memref<!tpu.dma_semaphore, #tpu.memory_space<semaphore_mem>>
      %dma_start3A_212 = arith.constant 0 : i32
      %dma_start3A_213 = tpu.memref_slice %arg5[%add3A_18, %dma_start3A_212] : memref<10000x128xf32, #tpu.memory_space<vmem_shared>> -> memref<80x128xf32, #tpu.memory_space<vmem_shared>>
      %dma_start3A_214 = arith.constant 0 : i32
      %dma_start3A_215 = tpu.memref_slice %arg5[%add3A_18, %dma_start3A_214] : memref<10000x128xf32, #tpu.memory_space<vmem_shared>> -> memref<80x128xf32, #tpu.memory_space<vmem_shared>>
      tpu.enqueue_dma source(%arg13 : memref<80x128xf32, #tpu.memory_space<vmem>>) target(%dma_start3A_215 : memref<80x128xf32, #tpu.memory_space<vmem_shared>>) target_semaphore(%run_scoped3A : memref<!tpu.dma_semaphore, #tpu.memory_space<semaphore_mem>>)
      %dma_wait3A_216 = arith.constant 0 : i32
      %dma_wait3A_217 = tpu.memref_slice %arg5[%add3A_18, %dma_wait3A_216] : memref<10000x128xf32, #tpu.memory_space<vmem_shared>> -> memref<80x128xf32, #tpu.memory_space<vmem_shared>>
      %dma_wait3A_218 = arith.constant 0 : i32
      %dma_wait3A_219 = tpu.memref_slice %arg5[%add3A_18, %dma_wait3A_218] : memref<10000x128xf32, #tpu.memory_space<vmem_shared>> -> memref<80x128xf32, #tpu.memory_space<vmem_shared>>
      tpu.wait_dma2 semaphore(%run_scoped3A : memref<!tpu.dma_semaphore, #tpu.memory_space<semaphore_mem>>) src(%arg13 : memref<80x128xf32, #tpu.memory_space<vmem>>) dst(%dma_wait3A_219 : memref<80x128xf32, #tpu.memory_space<vmem_shared>>)
      tpu.yield
    }) : () -> ()
    %mul3A_19 = arith.constant 640 : i32
    %mul3A_20 = arith.muli %arg1, %mul3A_19 : i32
    %add3A_21 = arith.constant 128 : i32
    %add3A_22 = arith.addi %mul3A_20, %add3A_21 : i32
    %min3A_23 = arith.constant 9872 : i32
    %min3A_24 = arith.minsi %add3A_22, %min3A_23 : i32
    "tpu.region"() ({
      %run_scoped3A = tpu.sem_alloc : memref<!tpu.dma_semaphore, #tpu.memory_space<semaphore_mem>>
      %dma_start3A_212 = arith.constant 0 : i32
      %dma_start3A_213 = tpu.memref_slice %arg5[%min3A_24, %dma_start3A_212] : memref<10000x128xf32, #tpu.memory_space<vmem_shared>> -> memref<80x128xf32, #tpu.memory_space<vmem_shared>>
      %dma_start3A_214 = arith.constant 0 : i32
      %dma_start3A_215 = tpu.memref_slice %arg5[%min3A_24, %dma_start3A_214] : memref<10000x128xf32, #tpu.memory_space<vmem_shared>> -> memref<80x128xf32, #tpu.memory_space<vmem_shared>>
      tpu.enqueue_dma source(%arg13 : memref<80x128xf32, #tpu.memory_space<vmem>>) target(%dma_start3A_215 : memref<80x128xf32, #tpu.memory_space<vmem_shared>>) target_semaphore(%run_scoped3A : memref<!tpu.dma_semaphore, #tpu.memory_space<semaphore_mem>>)
      %dma_wait3A_216 = arith.constant 0 : i32
      %dma_wait3A_217 = tpu.memref_slice %arg5[%min3A_24, %dma_wait3A_216] : memref<10000x128xf32, #tpu.memory_space<vmem_shared>> -> memref<80x128xf32, #tpu.memory_space<vmem_shared>>
      %dma_wait3A_218 = arith.constant 0 : i32
      %dma_wait3A_219 = tpu.memref_slice %arg5[%min3A_24, %dma_wait3A_218] : memref<10000x128xf32, #tpu.memory_space<vmem_shared>> -> memref<80x128xf32, #tpu.memory_space<vmem_shared>>
      tpu.wait_dma2 semaphore(%run_scoped3A : memref<!tpu.dma_semaphore, #tpu.memory_space<semaphore_mem>>) src(%arg13 : memref<80x128xf32, #tpu.memory_space<vmem>>) dst(%dma_wait3A_219 : memref<80x128xf32, #tpu.memory_space<vmem_shared>>)
      tpu.yield
    }) : () -> ()
    %add3A_25 = arith.constant 48 : i32
    %add3A_26 = arith.addi %min3A_24, %add3A_25 : i32
    "tpu.region"() ({
      %run_scoped3A = tpu.sem_alloc : memref<!tpu.dma_semaphore, #tpu.memory_space<semaphore_mem>>
      %dma_start3A_212 = arith.constant 0 : i32
      %dma_start3A_213 = tpu.memref_slice %arg5[%add3A_26, %dma_start3A_212] : memref<10000x128xf32, #tpu.memory_space<vmem_shared>> -> memref<80x128xf32, #tpu.memory_space<vmem_shared>>
      %dma_start3A_214 = arith.constant 0 : i32
      %dma_start3A_215 = tpu.memref_slice %arg5[%add3A_26, %dma_start3A_214] : memref<10000x128xf32, #tpu.memory_space<vmem_shared>> -> memref<80x128xf32, #tpu.memory_space<vmem_shared>>
      tpu.enqueue_dma source(%arg13 : memref<80x128xf32, #tpu.memory_space<vmem>>) target(%dma_start3A_215 : memref<80x128xf32, #tpu.memory_space<vmem_shared>>) target_semaphore(%run_scoped3A : memref<!tpu.dma_semaphore, #tpu.memory_space<semaphore_mem>>)
      %dma_wait3A_216 = arith.constant 0 : i32
      %dma_wait3A_217 = tpu.memref_slice %arg5[%add3A_26, %dma_wait3A_216] : memref<10000x128xf32, #tpu.memory_space<vmem_shared>> -> memref<80x128xf32, #tpu.memory_space<vmem_shared>>
      %dma_wait3A_218 = arith.constant 0 : i32
      %dma_wait3A_219 = tpu.memref_slice %arg5[%add3A_26, %dma_wait3A_218] : memref<10000x128xf32, #tpu.memory_space<vmem_shared>> -> memref<80x128xf32, #tpu.memory_space<vmem_shared>>
      tpu.wait_dma2 semaphore(%run_scoped3A : memref<!tpu.dma_semaphore, #tpu.memory_space<semaphore_mem>>) src(%arg13 : memref<80x128xf32, #tpu.memory_space<vmem>>) dst(%dma_wait3A_219 : memref<80x128xf32, #tpu.memory_space<vmem_shared>>)
      tpu.yield
    }) : () -> ()
    %mul3A_27 = arith.constant 640 : i32
    %mul3A_28 = arith.muli %arg1, %mul3A_27 : i32
    %add3A_29 = arith.constant 256 : i32
    %add3A_30 = arith.addi %mul3A_28, %add3A_29 : i32
    %min3A_31 = arith.constant 9872 : i32
    %min3A_32 = arith.minsi %add3A_30, %min3A_31 : i32
    "tpu.region"() ({
      %run_scoped3A = tpu.sem_alloc : memref<!tpu.dma_semaphore, #tpu.memory_space<semaphore_mem>>
      %dma_start3A_212 = arith.constant 0 : i32
      %dma_start3A_213 = tpu.memref_slice %arg5[%min3A_32, %dma_start3A_212] : memref<10000x128xf32, #tpu.memory_space<vmem_shared>> -> memref<80x128xf32, #tpu.memory_space<vmem_shared>>
      %dma_start3A_214 = arith.constant 0 : i32
      %dma_start3A_215 = tpu.memref_slice %arg5[%min3A_32, %dma_start3A_214] : memref<10000x128xf32, #tpu.memory_space<vmem_shared>> -> memref<80x128xf32, #tpu.memory_space<vmem_shared>>
      tpu.enqueue_dma source(%arg13 : memref<80x128xf32, #tpu.memory_space<vmem>>) target(%dma_start3A_215 : memref<80x128xf32, #tpu.memory_space<vmem_shared>>) target_semaphore(%run_scoped3A : memref<!tpu.dma_semaphore, #tpu.memory_space<semaphore_mem>>)
      %dma_wait3A_216 = arith.constant 0 : i32
      %dma_wait3A_217 = tpu.memref_slice %arg5[%min3A_32, %dma_wait3A_216] : memref<10000x128xf32, #tpu.memory_space<vmem_shared>> -> memref<80x128xf32, #tpu.memory_space<vmem_shared>>
      %dma_wait3A_218 = arith.constant 0 : i32
      %dma_wait3A_219 = tpu.memref_slice %arg5[%min3A_32, %dma_wait3A_218] : memref<10000x128xf32, #tpu.memory_space<vmem_shared>> -> memref<80x128xf32, #tpu.memory_space<vmem_shared>>
      tpu.wait_dma2 semaphore(%run_scoped3A : memref<!tpu.dma_semaphore, #tpu.memory_space<semaphore_mem>>) src(%arg13 : memref<80x128xf32, #tpu.memory_space<vmem>>) dst(%dma_wait3A_219 : memref<80x128xf32, #tpu.memory_space<vmem_shared>>)
      tpu.yield
    }) : () -> ()
    %add3A_33 = arith.constant 48 : i32
    %add3A_34 = arith.addi %min3A_32, %add3A_33 : i32
    "tpu.region"() ({
      %run_scoped3A = tpu.sem_alloc : memref<!tpu.dma_semaphore, #tpu.memory_space<semaphore_mem>>
      %dma_start3A_212 = arith.constant 0 : i32
      %dma_start3A_213 = tpu.memref_slice %arg5[%add3A_34, %dma_start3A_212] : memref<10000x128xf32, #tpu.memory_space<vmem_shared>> -> memref<80x128xf32, #tpu.memory_space<vmem_shared>>
      %dma_start3A_214 = arith.constant 0 : i32
      %dma_start3A_215 = tpu.memref_slice %arg5[%add3A_34, %dma_start3A_214] : memref<10000x128xf32, #tpu.memory_space<vmem_shared>> -> memref<80x128xf32, #tpu.memory_space<vmem_shared>>
      tpu.enqueue_dma source(%arg13 : memref<80x128xf32, #tpu.memory_space<vmem>>) target(%dma_start3A_215 : memref<80x128xf32, #tpu.memory_space<vmem_shared>>) target_semaphore(%run_scoped3A : memref<!tpu.dma_semaphore, #tpu.memory_space<semaphore_mem>>)
      %dma_wait3A_216 = arith.constant 0 : i32
      %dma_wait3A_217 = tpu.memref_slice %arg5[%add3A_34, %dma_wait3A_216] : memref<10000x128xf32, #tpu.memory_space<vmem_shared>> -> memref<80x128xf32, #tpu.memory_space<vmem_shared>>
      %dma_wait3A_218 = arith.constant 0 : i32
      %dma_wait3A_219 = tpu.memref_slice %arg5[%add3A_34, %dma_wait3A_218] : memref<10000x128xf32, #tpu.memory_space<vmem_shared>> -> memref<80x128xf32, #tpu.memory_space<vmem_shared>>
      tpu.wait_dma2 semaphore(%run_scoped3A : memref<!tpu.dma_semaphore, #tpu.memory_space<semaphore_mem>>) src(%arg13 : memref<80x128xf32, #tpu.memory_space<vmem>>) dst(%dma_wait3A_219 : memref<80x128xf32, #tpu.memory_space<vmem_shared>>)
      tpu.yield
    }) : () -> ()
    %mul3A_35 = arith.constant 640 : i32
    %mul3A_36 = arith.muli %arg1, %mul3A_35 : i32
    %add3A_37 = arith.constant 384 : i32
    %add3A_38 = arith.addi %mul3A_36, %add3A_37 : i32
    %min3A_39 = arith.constant 9872 : i32
    %min3A_40 = arith.minsi %add3A_38, %min3A_39 : i32
    "tpu.region"() ({
      %run_scoped3A = tpu.sem_alloc : memref<!tpu.dma_semaphore, #tpu.memory_space<semaphore_mem>>
      %dma_start3A_212 = arith.constant 0 : i32
      %dma_start3A_213 = tpu.memref_slice %arg5[%min3A_40, %dma_start3A_212] : memref<10000x128xf32, #tpu.memory_space<vmem_shared>> -> memref<80x128xf32, #tpu.memory_space<vmem_shared>>
      %dma_start3A_214 = arith.constant 0 : i32
      %dma_start3A_215 = tpu.memref_slice %arg5[%min3A_40, %dma_start3A_214] : memref<10000x128xf32, #tpu.memory_space<vmem_shared>> -> memref<80x128xf32, #tpu.memory_space<vmem_shared>>
      tpu.enqueue_dma source(%arg13 : memref<80x128xf32, #tpu.memory_space<vmem>>) target(%dma_start3A_215 : memref<80x128xf32, #tpu.memory_space<vmem_shared>>) target_semaphore(%run_scoped3A : memref<!tpu.dma_semaphore, #tpu.memory_space<semaphore_mem>>)
      %dma_wait3A_216 = arith.constant 0 : i32
      %dma_wait3A_217 = tpu.memref_slice %arg5[%min3A_40, %dma_wait3A_216] : memref<10000x128xf32, #tpu.memory_space<vmem_shared>> -> memref<80x128xf32, #tpu.memory_space<vmem_shared>>
      %dma_wait3A_218 = arith.constant 0 : i32
      %dma_wait3A_219 = tpu.memref_slice %arg5[%min3A_40, %dma_wait3A_218] : memref<10000x128xf32, #tpu.memory_space<vmem_shared>> -> memref<80x128xf32, #tpu.memory_space<vmem_shared>>
      tpu.wait_dma2 semaphore(%run_scoped3A : memref<!tpu.dma_semaphore, #tpu.memory_space<semaphore_mem>>) src(%arg13 : memref<80x128xf32, #tpu.memory_space<vmem>>) dst(%dma_wait3A_219 : memref<80x128xf32, #tpu.memory_space<vmem_shared>>)
      tpu.yield
    }) : () -> ()
    %add3A_41 = arith.constant 48 : i32
    %add3A_42 = arith.addi %min3A_40, %add3A_41 : i32
    "tpu.region"() ({
      %run_scoped3A = tpu.sem_alloc : memref<!tpu.dma_semaphore, #tpu.memory_space<semaphore_mem>>
      %dma_start3A_212 = arith.constant 0 : i32
      %dma_start3A_213 = tpu.memref_slice %arg5[%add3A_42, %dma_start3A_212] : memref<10000x128xf32, #tpu.memory_space<vmem_shared>> -> memref<80x128xf32, #tpu.memory_space<vmem_shared>>
      %dma_start3A_214 = arith.constant 0 : i32
      %dma_start3A_215 = tpu.memref_slice %arg5[%add3A_42, %dma_start3A_214] : memref<10000x128xf32, #tpu.memory_space<vmem_shared>> -> memref<80x128xf32, #tpu.memory_space<vmem_shared>>
      tpu.enqueue_dma source(%arg13 : memref<80x128xf32, #tpu.memory_space<vmem>>) target(%dma_start3A_215 : memref<80x128xf32, #tpu.memory_space<vmem_shared>>) target_semaphore(%run_scoped3A : memref<!tpu.dma_semaphore, #tpu.memory_space<semaphore_mem>>)
      %dma_wait3A_216 = arith.constant 0 : i32
      %dma_wait3A_217 = tpu.memref_slice %arg5[%add3A_42, %dma_wait3A_216] : memref<10000x128xf32, #tpu.memory_space<vmem_shared>> -> memref<80x128xf32, #tpu.memory_space<vmem_shared>>
      %dma_wait3A_218 = arith.constant 0 : i32
      %dma_wait3A_219 = tpu.memref_slice %arg5[%add3A_42, %dma_wait3A_218] : memref<10000x128xf32, #tpu.memory_space<vmem_shared>> -> memref<80x128xf32, #tpu.memory_space<vmem_shared>>
      tpu.wait_dma2 semaphore(%run_scoped3A : memref<!tpu.dma_semaphore, #tpu.memory_space<semaphore_mem>>) src(%arg13 : memref<80x128xf32, #tpu.memory_space<vmem>>) dst(%dma_wait3A_219 : memref<80x128xf32, #tpu.memory_space<vmem_shared>>)
      tpu.yield
    }) : () -> ()
    %mul3A_43 = arith.constant 640 : i32
    %mul3A_44 = arith.muli %arg1, %mul3A_43 : i32
    %add3A_45 = arith.constant 512 : i32
    %add3A_46 = arith.addi %mul3A_44, %add3A_45 : i32
    %min3A_47 = arith.constant 9872 : i32
    %min3A_48 = arith.minsi %add3A_46, %min3A_47 : i32
    "tpu.region"() ({
      %run_scoped3A = tpu.sem_alloc : memref<!tpu.dma_semaphore, #tpu.memory_space<semaphore_mem>>
      %dma_start3A_212 = arith.constant 0 : i32
      %dma_start3A_213 = tpu.memref_slice %arg5[%min3A_48, %dma_start3A_212] : memref<10000x128xf32, #tpu.memory_space<vmem_shared>> -> memref<80x128xf32, #tpu.memory_space<vmem_shared>>
      %dma_start3A_214 = arith.constant 0 : i32
      %dma_start3A_215 = tpu.memref_slice %arg5[%min3A_48, %dma_start3A_214] : memref<10000x128xf32, #tpu.memory_space<vmem_shared>> -> memref<80x128xf32, #tpu.memory_space<vmem_shared>>
      tpu.enqueue_dma source(%arg13 : memref<80x128xf32, #tpu.memory_space<vmem>>) target(%dma_start3A_215 : memref<80x128xf32, #tpu.memory_space<vmem_shared>>) target_semaphore(%run_scoped3A : memref<!tpu.dma_semaphore, #tpu.memory_space<semaphore_mem>>)
      %dma_wait3A_216 = arith.constant 0 : i32
      %dma_wait3A_217 = tpu.memref_slice %arg5[%min3A_48, %dma_wait3A_216] : memref<10000x128xf32, #tpu.memory_space<vmem_shared>> -> memref<80x128xf32, #tpu.memory_space<vmem_shared>>
      %dma_wait3A_218 = arith.constant 0 : i32
      %dma_wait3A_219 = tpu.memref_slice %arg5[%min3A_48, %dma_wait3A_218] : memref<10000x128xf32, #tpu.memory_space<vmem_shared>> -> memref<80x128xf32, #tpu.memory_space<vmem_shared>>
      tpu.wait_dma2 semaphore(%run_scoped3A : memref<!tpu.dma_semaphore, #tpu.memory_space<semaphore_mem>>) src(%arg13 : memref<80x128xf32, #tpu.memory_space<vmem>>) dst(%dma_wait3A_219 : memref<80x128xf32, #tpu.memory_space<vmem_shared>>)
      tpu.yield
    }) : () -> ()
    %add3A_49 = arith.constant 48 : i32
    %add3A_50 = arith.addi %min3A_48, %add3A_49 : i32
    "tpu.region"() ({
      %run_scoped3A = tpu.sem_alloc : memref<!tpu.dma_semaphore, #tpu.memory_space<semaphore_mem>>
      %dma_start3A_212 = arith.constant 0 : i32
      %dma_start3A_213 = tpu.memref_slice %arg5[%add3A_50, %dma_start3A_212] : memref<10000x128xf32, #tpu.memory_space<vmem_shared>> -> memref<80x128xf32, #tpu.memory_space<vmem_shared>>
      %dma_start3A_214 = arith.constant 0 : i32
      %dma_start3A_215 = tpu.memref_slice %arg5[%add3A_50, %dma_start3A_214] : memref<10000x128xf32, #tpu.memory_space<vmem_shared>> -> memref<80x128xf32, #tpu.memory_space<vmem_shared>>
      tpu.enqueue_dma source(%arg13 : memref<80x128xf32, #tpu.memory_space<vmem>>) target(%dma_start3A_215 : memref<80x128xf32, #tpu.memory_space<vmem_shared>>) target_semaphore(%run_scoped3A : memref<!tpu.dma_semaphore, #tpu.memory_space<semaphore_mem>>)
      %dma_wait3A_216 = arith.constant 0 : i32
      %dma_wait3A_217 = tpu.memref_slice %arg5[%add3A_50, %dma_wait3A_216] : memref<10000x128xf32, #tpu.memory_space<vmem_shared>> -> memref<80x128xf32, #tpu.memory_space<vmem_shared>>
      %dma_wait3A_218 = arith.constant 0 : i32
      %dma_wait3A_219 = tpu.memref_slice %arg5[%add3A_50, %dma_wait3A_218] : memref<10000x128xf32, #tpu.memory_space<vmem_shared>> -> memref<80x128xf32, #tpu.memory_space<vmem_shared>>
      tpu.wait_dma2 semaphore(%run_scoped3A : memref<!tpu.dma_semaphore, #tpu.memory_space<semaphore_mem>>) src(%arg13 : memref<80x128xf32, #tpu.memory_space<vmem>>) dst(%dma_wait3A_219 : memref<80x128xf32, #tpu.memory_space<vmem_shared>>)
      tpu.yield
    }) : () -> ()
    %barrier3A = arith.constant 0 : index
    tpu.barrier barrier_id(%barrier3A)
    "tpu.region"() ({
      %run_scoped3A = tpu.sem_alloc : memref<!tpu.dma_semaphore, #tpu.memory_space<semaphore_mem>>
      %dma_start3A_212 = tpu.memref_slice %arg3[%mul3A_4] : memref<640000xi32, #tpu.memory_space<hbm>> -> memref<10000xi32, #tpu.memory_space<hbm>>
      %dma_start3A_213 = tpu.memref_slice %arg3[%mul3A_4] : memref<640000xi32, #tpu.memory_space<hbm>> -> memref<10000xi32, #tpu.memory_space<hbm>>
      tpu.enqueue_dma source(%dma_start3A_213 : memref<10000xi32, #tpu.memory_space<hbm>>) target(%arg6 : memref<10000xi32, #tpu.memory_space<vmem>>) target_semaphore(%run_scoped3A : memref<!tpu.dma_semaphore, #tpu.memory_space<semaphore_mem>>)
      %dma_wait3A_214 = tpu.memref_slice %arg3[%mul3A_4] : memref<640000xi32, #tpu.memory_space<hbm>> -> memref<10000xi32, #tpu.memory_space<hbm>>
      %dma_wait3A_215 = tpu.memref_slice %arg3[%mul3A_4] : memref<640000xi32, #tpu.memory_space<hbm>> -> memref<10000xi32, #tpu.memory_space<hbm>>
      tpu.wait_dma2 semaphore(%run_scoped3A : memref<!tpu.dma_semaphore, #tpu.memory_space<semaphore_mem>>) src(%dma_wait3A_215 : memref<10000xi32, #tpu.memory_space<hbm>>) dst(%arg6 : memref<10000xi32, #tpu.memory_space<vmem>>)
      tpu.yield
    }) : () -> ()
    %add3A_51 = arith.constant 0 : i32
    %add3A_52 = arith.addi %add3A_6, %add3A_51 : i32
    %dma_start3A = tpu.memref_slice %arg3[%add3A_52] : memref<640000xi32, #tpu.memory_space<hbm>> -> memref<80xi32, #tpu.memory_space<hbm>>
    %dma_start3A_53 = tpu.memref_slice %arg3[%add3A_52] : memref<640000xi32, #tpu.memory_space<hbm>> -> memref<80xi32, #tpu.memory_space<hbm>>
    tpu.enqueue_dma source(%dma_start3A_53 : memref<80xi32, #tpu.memory_space<hbm>>) target(%arg7 : memref<80xi32, #tpu.memory_space<vmem>>) target_semaphore(%arg16 : memref<!tpu.dma_semaphore, #tpu.memory_space<semaphore_mem>>)
    %add3A_54 = arith.constant 80 : i32
    %add3A_55 = arith.addi %add3A_6, %add3A_54 : i32
    %dma_start3A_56 = tpu.memref_slice %arg3[%add3A_55] : memref<640000xi32, #tpu.memory_space<hbm>> -> memref<80xi32, #tpu.memory_space<hbm>>
    %dma_start3A_57 = tpu.memref_slice %arg3[%add3A_55] : memref<640000xi32, #tpu.memory_space<hbm>> -> memref<80xi32, #tpu.memory_space<hbm>>
    tpu.enqueue_dma source(%dma_start3A_57 : memref<80xi32, #tpu.memory_space<hbm>>) target(%arg8 : memref<80xi32, #tpu.memory_space<vmem>>) target_semaphore(%arg17 : memref<!tpu.dma_semaphore, #tpu.memory_space<semaphore_mem>>)
    %add3A_58 = arith.constant 160 : i32
    %add3A_59 = arith.addi %add3A_6, %add3A_58 : i32
    %dma_start3A_60 = tpu.memref_slice %arg3[%add3A_59] : memref<640000xi32, #tpu.memory_space<hbm>> -> memref<80xi32, #tpu.memory_space<hbm>>
    %dma_start3A_61 = tpu.memref_slice %arg3[%add3A_59] : memref<640000xi32, #tpu.memory_space<hbm>> -> memref<80xi32, #tpu.memory_space<hbm>>
    tpu.enqueue_dma source(%dma_start3A_61 : memref<80xi32, #tpu.memory_space<hbm>>) target(%arg9 : memref<80xi32, #tpu.memory_space<vmem>>) target_semaphore(%arg18 : memref<!tpu.dma_semaphore, #tpu.memory_space<semaphore_mem>>)
    %add3A_62 = arith.constant 240 : i32
    %add3A_63 = arith.addi %add3A_6, %add3A_62 : i32
    %dma_start3A_64 = tpu.memref_slice %arg3[%add3A_63] : memref<640000xi32, #tpu.memory_space<hbm>> -> memref<80xi32, #tpu.memory_space<hbm>>
    %dma_start3A_65 = tpu.memref_slice %arg3[%add3A_63] : memref<640000xi32, #tpu.memory_space<hbm>> -> memref<80xi32, #tpu.memory_space<hbm>>
    tpu.enqueue_dma source(%dma_start3A_65 : memref<80xi32, #tpu.memory_space<hbm>>) target(%arg10 : memref<80xi32, #tpu.memory_space<vmem>>) target_semaphore(%arg19 : memref<!tpu.dma_semaphore, #tpu.memory_space<semaphore_mem>>)
    %dma_start3A_66 = arith.constant 0 : i32
    %dma_start3A_67 = tpu.memref_slice %arg6[%dma_start3A_66] : memref<10000xi32, #tpu.memory_space<vmem>> -> memref<80xi32, #tpu.memory_space<vmem>>
    %dma_start3A_68 = arith.constant 0 : i32
    %dma_start3A_69 = arith.constant 0 : i32
    %dma_start3A_70 = tpu.memref_slice %arg2[%dma_start3A_68, %dma_start3A_69] : memref<10000x128xf32, #tpu.memory_space<hbm>> -> memref<10000x128xf32, #tpu.memory_space<hbm>>
    tpu.enqueue_indirect_dma source(%dma_start3A_70 : memref<10000x128xf32, #tpu.memory_space<hbm>>) target(%arg13 : memref<80x128xf32, #tpu.memory_space<vmem>>) offsets(%dma_start3A_67 : memref<80xi32, #tpu.memory_space<vmem>>) semaphore(%arg22 : memref<!tpu.dma_semaphore, #tpu.memory_space<semaphore_mem>>)
    %scan3A_71 = arith.constant 0 : i32
    %scan3A_72 = arith.constant 0 : i32
    %scan3A_73 = arith.constant 20 : i32
    %scan3A_74 = arith.addi %scan3A_72, %scan3A_73 : i32
    %scan3A_75 = arith.constant 1 : i32
    scf.for %scan3A_212 = %scan3A_72 to %scan3A_74 step %scan3A_75  : i32 {
      %mul3A_213 = arith.constant 6 : i32
      %mul3A_214 = arith.muli %mul3A_213, %scan3A_212 : i32
      %add3A_215 = arith.constant 0 : i32
      %add3A_216 = arith.addi %mul3A_214, %add3A_215 : i32
      %mul3A_217 = arith.constant 80 : i32
      %mul3A_218 = arith.muli %add3A_216, %mul3A_217 : i32
      %dma_wait3A_219 = tpu.memref_slice %arg6[%mul3A_218] : memref<10000xi32, #tpu.memory_space<vmem>> -> memref<80xi32, #tpu.memory_space<vmem>>
      %dma_wait3A_220 = arith.constant 0 : i32
      %dma_wait3A_221 = arith.constant 0 : i32
      %dma_wait3A_222 = tpu.memref_slice %arg2[%dma_wait3A_220, %dma_wait3A_221] : memref<10000x128xf32, #tpu.memory_space<hbm>> -> memref<10000x128xf32, #tpu.memory_space<hbm>>
      tpu.wait_indirect_dma semaphore(%arg22 : memref<!tpu.dma_semaphore, #tpu.memory_space<semaphore_mem>>) src(%dma_wait3A_222 : memref<10000x128xf32, #tpu.memory_space<hbm>>) dst(%arg13 : memref<80x128xf32, #tpu.memory_space<vmem>>)
      %mul3A_223 = arith.constant 80 : i32
      %mul3A_224 = arith.muli %add3A_216, %mul3A_223 : i32
      %add3A_225 = arith.addi %add3A_6, %mul3A_224 : i32
      %dma_wait3A_226 = tpu.memref_slice %arg3[%add3A_225] : memref<640000xi32, #tpu.memory_space<hbm>> -> memref<80xi32, #tpu.memory_space<hbm>>
      %dma_wait3A_227 = tpu.memref_slice %arg3[%add3A_225] : memref<640000xi32, #tpu.memory_space<hbm>> -> memref<80xi32, #tpu.memory_space<hbm>>
      tpu.wait_dma2 semaphore(%arg16 : memref<!tpu.dma_semaphore, #tpu.memory_space<semaphore_mem>>) src(%dma_wait3A_227 : memref<80xi32, #tpu.memory_space<hbm>>) dst(%arg7 : memref<80xi32, #tpu.memory_space<vmem>>)
      %dma_start3A_228 = arith.constant 0 : i32
      %dma_start3A_229 = arith.constant 0 : i32
      %dma_start3A_230 = tpu.memref_slice %arg5[%dma_start3A_228, %dma_start3A_229] : memref<10000x128xf32, #tpu.memory_space<vmem_shared>> -> memref<10000x128xf32, #tpu.memory_space<vmem_shared>>
      tpu.enqueue_indirect_dma source(%arg13 : memref<80x128xf32, #tpu.memory_space<vmem>>) target(%dma_start3A_230 : memref<10000x128xf32, #tpu.memory_space<vmem_shared>>) offsets(%arg7 : memref<80xi32, #tpu.memory_space<vmem>>) semaphore(%arg25 : memref<!tpu.dma_semaphore, #tpu.memory_space<semaphore_mem>>) {add = true}
      %gt3A = arith.constant 0 : i32
      %gt3A_231 = arith.cmpi sgt, %scan3A_212, %gt3A : i32
      %convert_element_type3A = arith.extui %gt3A_231 : i1 to i32
      %cond3A = arith.constant 0 : i32
      %cond3A_232 = arith.cmpi ne, %convert_element_type3A, %cond3A : i32
      scf.if %cond3A_232 {
        %dma_wait3A_430 = arith.constant 0 : i32
        %dma_wait3A_431 = arith.constant 0 : i32
        %dma_wait3A_432 = tpu.memref_slice %arg5[%dma_wait3A_430, %dma_wait3A_431] : memref<10000x128xf32, #tpu.memory_space<vmem_shared>> -> memref<10000x128xf32, #tpu.memory_space<vmem_shared>>
        tpu.wait_indirect_dma semaphore(%arg26 : memref<!tpu.dma_semaphore, #tpu.memory_space<semaphore_mem>>) src(%arg14 : memref<80x128xf32, #tpu.memory_space<vmem>>) dst(%dma_wait3A_432 : memref<10000x128xf32, #tpu.memory_space<vmem_shared>>)
      } else {
      }
      %add3A_233 = arith.constant 4 : i32
      %add3A_234 = arith.addi %add3A_216, %add3A_233 : i32
      %mul3A_235 = arith.constant 80 : i32
      %mul3A_236 = arith.muli %add3A_234, %mul3A_235 : i32
      %add3A_237 = arith.addi %add3A_6, %mul3A_236 : i32
      %dma_start3A_238 = tpu.memref_slice %arg3[%add3A_237] : memref<640000xi32, #tpu.memory_space<hbm>> -> memref<80xi32, #tpu.memory_space<hbm>>
      %dma_start3A_239 = tpu.memref_slice %arg3[%add3A_237] : memref<640000xi32, #tpu.memory_space<hbm>> -> memref<80xi32, #tpu.memory_space<hbm>>
      tpu.enqueue_dma source(%dma_start3A_239 : memref<80xi32, #tpu.memory_space<hbm>>) target(%arg11 : memref<80xi32, #tpu.memory_space<vmem>>) target_semaphore(%arg20 : memref<!tpu.dma_semaphore, #tpu.memory_space<semaphore_mem>>)
      %add3A_240 = arith.constant 1 : i32
      %add3A_241 = arith.addi %add3A_216, %add3A_240 : i32
      %mul3A_242 = arith.constant 80 : i32
      %mul3A_243 = arith.muli %add3A_241, %mul3A_242 : i32
      %dma_start3A_244 = tpu.memref_slice %arg6[%mul3A_243] : memref<10000xi32, #tpu.memory_space<vmem>> -> memref<80xi32, #tpu.memory_space<vmem>>
      %dma_start3A_245 = arith.constant 0 : i32
      %dma_start3A_246 = arith.constant 0 : i32
      %dma_start3A_247 = tpu.memref_slice %arg2[%dma_start3A_245, %dma_start3A_246] : memref<10000x128xf32, #tpu.memory_space<hbm>> -> memref<10000x128xf32, #tpu.memory_space<hbm>>
      tpu.enqueue_indirect_dma source(%dma_start3A_247 : memref<10000x128xf32, #tpu.memory_space<hbm>>) target(%arg14 : memref<80x128xf32, #tpu.memory_space<vmem>>) offsets(%dma_start3A_244 : memref<80xi32, #tpu.memory_space<vmem>>) semaphore(%arg23 : memref<!tpu.dma_semaphore, #tpu.memory_space<semaphore_mem>>)
      %mul3A_248 = arith.constant 6 : i32
      %mul3A_249 = arith.muli %mul3A_248, %scan3A_212 : i32
      %add3A_250 = arith.constant 1 : i32
      %add3A_251 = arith.addi %mul3A_249, %add3A_250 : i32
      %mul3A_252 = arith.constant 80 : i32
      %mul3A_253 = arith.muli %add3A_251, %mul3A_252 : i32
      %dma_wait3A_254 = tpu.memref_slice %arg6[%mul3A_253] : memref<10000xi32, #tpu.memory_space<vmem>> -> memref<80xi32, #tpu.memory_space<vmem>>
      %dma_wait3A_255 = arith.constant 0 : i32
      %dma_wait3A_256 = arith.constant 0 : i32
      %dma_wait3A_257 = tpu.memref_slice %arg2[%dma_wait3A_255, %dma_wait3A_256] : memref<10000x128xf32, #tpu.memory_space<hbm>> -> memref<10000x128xf32, #tpu.memory_space<hbm>>
      tpu.wait_indirect_dma semaphore(%arg23 : memref<!tpu.dma_semaphore, #tpu.memory_space<semaphore_mem>>) src(%dma_wait3A_257 : memref<10000x128xf32, #tpu.memory_space<hbm>>) dst(%arg14 : memref<80x128xf32, #tpu.memory_space<vmem>>)
      %mul3A_258 = arith.constant 80 : i32
      %mul3A_259 = arith.muli %add3A_251, %mul3A_258 : i32
      %add3A_260 = arith.addi %add3A_6, %mul3A_259 : i32
      %dma_wait3A_261 = tpu.memref_slice %arg3[%add3A_260] : memref<640000xi32, #tpu.memory_space<hbm>> -> memref<80xi32, #tpu.memory_space<hbm>>
      %dma_wait3A_262 = tpu.memref_slice %arg3[%add3A_260] : memref<640000xi32, #tpu.memory_space<hbm>> -> memref<80xi32, #tpu.memory_space<hbm>>
      tpu.wait_dma2 semaphore(%arg17 : memref<!tpu.dma_semaphore, #tpu.memory_space<semaphore_mem>>) src(%dma_wait3A_262 : memref<80xi32, #tpu.memory_space<hbm>>) dst(%arg8 : memref<80xi32, #tpu.memory_space<vmem>>)
      %dma_start3A_263 = arith.constant 0 : i32
      %dma_start3A_264 = arith.constant 0 : i32
      %dma_start3A_265 = tpu.memref_slice %arg5[%dma_start3A_263, %dma_start3A_264] : memref<10000x128xf32, #tpu.memory_space<vmem_shared>> -> memref<10000x128xf32, #tpu.memory_space<vmem_shared>>
      tpu.enqueue_indirect_dma source(%arg14 : memref<80x128xf32, #tpu.memory_space<vmem>>) target(%dma_start3A_265 : memref<10000x128xf32, #tpu.memory_space<vmem_shared>>) offsets(%arg8 : memref<80xi32, #tpu.memory_space<vmem>>) semaphore(%arg26 : memref<!tpu.dma_semaphore, #tpu.memory_space<semaphore_mem>>) {add = true}
      %gt3A_266 = arith.constant 0 : i32
      %gt3A_267 = arith.cmpi sgt, %scan3A_212, %gt3A_266 : i32
      %convert_element_type3A_268 = arith.extui %gt3A_267 : i1 to i32
      %cond3A_269 = arith.constant 0 : i32
      %cond3A_270 = arith.cmpi ne, %convert_element_type3A_268, %cond3A_269 : i32
      scf.if %cond3A_270 {
        %dma_wait3A_430 = arith.constant 0 : i32
        %dma_wait3A_431 = arith.constant 0 : i32
        %dma_wait3A_432 = tpu.memref_slice %arg5[%dma_wait3A_430, %dma_wait3A_431] : memref<10000x128xf32, #tpu.memory_space<vmem_shared>> -> memref<10000x128xf32, #tpu.memory_space<vmem_shared>>
        tpu.wait_indirect_dma semaphore(%arg27 : memref<!tpu.dma_semaphore, #tpu.memory_space<semaphore_mem>>) src(%arg15 : memref<80x128xf32, #tpu.memory_space<vmem>>) dst(%dma_wait3A_432 : memref<10000x128xf32, #tpu.memory_space<vmem_shared>>)
      } else {
      }
      %add3A_271 = arith.constant 4 : i32
      %add3A_272 = arith.addi %add3A_251, %add3A_271 : i32
      %mul3A_273 = arith.constant 80 : i32
      %mul3A_274 = arith.muli %add3A_272, %mul3A_273 : i32
      %add3A_275 = arith.addi %add3A_6, %mul3A_274 : i32
      %dma_start3A_276 = tpu.memref_slice %arg3[%add3A_275] : memref<640000xi32, #tpu.memory_space<hbm>> -> memref<80xi32, #tpu.memory_space<hbm>>
      %dma_start3A_277 = tpu.memref_slice %arg3[%add3A_275] : memref<640000xi32, #tpu.memory_space<hbm>> -> memref<80xi32, #tpu.memory_space<hbm>>
      tpu.enqueue_dma source(%dma_start3A_277 : memref<80xi32, #tpu.memory_space<hbm>>) target(%arg12 : memref<80xi32, #tpu.memory_space<vmem>>) target_semaphore(%arg21 : memref<!tpu.dma_semaphore, #tpu.memory_space<semaphore_mem>>)
      %add3A_278 = arith.constant 1 : i32
      %add3A_279 = arith.addi %add3A_251, %add3A_278 : i32
      %mul3A_280 = arith.constant 80 : i32
      %mul3A_281 = arith.muli %add3A_279, %mul3A_280 : i32
      %dma_start3A_282 = tpu.memref_slice %arg6[%mul3A_281] : memref<10000xi32, #tpu.memory_space<vmem>> -> memref<80xi32, #tpu.memory_space<vmem>>
      %dma_start3A_283 = arith.constant 0 : i32
      %dma_start3A_284 = arith.constant 0 : i32
      %dma_start3A_285 = tpu.memref_slice %arg2[%dma_start3A_283, %dma_start3A_284] : memref<10000x128xf32, #tpu.memory_space<hbm>> -> memref<10000x128xf32, #tpu.memory_space<hbm>>
      tpu.enqueue_indirect_dma source(%dma_start3A_285 : memref<10000x128xf32, #tpu.memory_space<hbm>>) target(%arg15 : memref<80x128xf32, #tpu.memory_space<vmem>>) offsets(%dma_start3A_282 : memref<80xi32, #tpu.memory_space<vmem>>) semaphore(%arg24 : memref<!tpu.dma_semaphore, #tpu.memory_space<semaphore_mem>>)
      %mul3A_286 = arith.constant 6 : i32
      %mul3A_287 = arith.muli %mul3A_286, %scan3A_212 : i32
      %add3A_288 = arith.constant 2 : i32
      %add3A_289 = arith.addi %mul3A_287, %add3A_288 : i32
      %mul3A_290 = arith.constant 80 : i32
      %mul3A_291 = arith.muli %add3A_289, %mul3A_290 : i32
      %dma_wait3A_292 = tpu.memref_slice %arg6[%mul3A_291] : memref<10000xi32, #tpu.memory_space<vmem>> -> memref<80xi32, #tpu.memory_space<vmem>>
      %dma_wait3A_293 = arith.constant 0 : i32
      %dma_wait3A_294 = arith.constant 0 : i32
      %dma_wait3A_295 = tpu.memref_slice %arg2[%dma_wait3A_293, %dma_wait3A_294] : memref<10000x128xf32, #tpu.memory_space<hbm>> -> memref<10000x128xf32, #tpu.memory_space<hbm>>
      tpu.wait_indirect_dma semaphore(%arg24 : memref<!tpu.dma_semaphore, #tpu.memory_space<semaphore_mem>>) src(%dma_wait3A_295 : memref<10000x128xf32, #tpu.memory_space<hbm>>) dst(%arg15 : memref<80x128xf32, #tpu.memory_space<vmem>>)
      %mul3A_296 = arith.constant 80 : i32
      %mul3A_297 = arith.muli %add3A_289, %mul3A_296 : i32
      %add3A_298 = arith.addi %add3A_6, %mul3A_297 : i32
      %dma_wait3A_299 = tpu.memref_slice %arg3[%add3A_298] : memref<640000xi32, #tpu.memory_space<hbm>> -> memref<80xi32, #tpu.memory_space<hbm>>
      %dma_wait3A_300 = tpu.memref_slice %arg3[%add3A_298] : memref<640000xi32, #tpu.memory_space<hbm>> -> memref<80xi32, #tpu.memory_space<hbm>>
      tpu.wait_dma2 semaphore(%arg18 : memref<!tpu.dma_semaphore, #tpu.memory_space<semaphore_mem>>) src(%dma_wait3A_300 : memref<80xi32, #tpu.memory_space<hbm>>) dst(%arg9 : memref<80xi32, #tpu.memory_space<vmem>>)
      %dma_start3A_301 = arith.constant 0 : i32
      %dma_start3A_302 = arith.constant 0 : i32
      %dma_start3A_303 = tpu.memref_slice %arg5[%dma_start3A_301, %dma_start3A_302] : memref<10000x128xf32, #tpu.memory_space<vmem_shared>> -> memref<10000x128xf32, #tpu.memory_space<vmem_shared>>
      tpu.enqueue_indirect_dma source(%arg15 : memref<80x128xf32, #tpu.memory_space<vmem>>) target(%dma_start3A_303 : memref<10000x128xf32, #tpu.memory_space<vmem_shared>>) offsets(%arg9 : memref<80xi32, #tpu.memory_space<vmem>>) semaphore(%arg27 : memref<!tpu.dma_semaphore, #tpu.memory_space<semaphore_mem>>) {add = true}
      %dma_wait3A_304 = arith.constant 0 : i32
      %dma_wait3A_305 = arith.constant 0 : i32
      %dma_wait3A_306 = tpu.memref_slice %arg5[%dma_wait3A_304, %dma_wait3A_305] : memref<10000x128xf32, #tpu.memory_space<vmem_shared>> -> memref<10000x128xf32, #tpu.memory_space<vmem_shared>>
      tpu.wait_indirect_dma semaphore(%arg25 : memref<!tpu.dma_semaphore, #tpu.memory_space<semaphore_mem>>) src(%arg13 : memref<80x128xf32, #tpu.memory_space<vmem>>) dst(%dma_wait3A_306 : memref<10000x128xf32, #tpu.memory_space<vmem_shared>>)
      %add3A_307 = arith.constant 4 : i32
      %add3A_308 = arith.addi %add3A_289, %add3A_307 : i32
      %mul3A_309 = arith.constant 80 : i32
      %mul3A_310 = arith.muli %add3A_308, %mul3A_309 : i32
      %add3A_311 = arith.addi %add3A_6, %mul3A_310 : i32
      %dma_start3A_312 = tpu.memref_slice %arg3[%add3A_311] : memref<640000xi32, #tpu.memory_space<hbm>> -> memref<80xi32, #tpu.memory_space<hbm>>
      %dma_start3A_313 = tpu.memref_slice %arg3[%add3A_311] : memref<640000xi32, #tpu.memory_space<hbm>> -> memref<80xi32, #tpu.memory_space<hbm>>
      tpu.enqueue_dma source(%dma_start3A_313 : memref<80xi32, #tpu.memory_space<hbm>>) target(%arg7 : memref<80xi32, #tpu.memory_space<vmem>>) target_semaphore(%arg16 : memref<!tpu.dma_semaphore, #tpu.memory_space<semaphore_mem>>)
      %add3A_314 = arith.constant 1 : i32
      %add3A_315 = arith.addi %add3A_289, %add3A_314 : i32
      %mul3A_316 = arith.constant 80 : i32
      %mul3A_317 = arith.muli %add3A_315, %mul3A_316 : i32
      %dma_start3A_318 = tpu.memref_slice %arg6[%mul3A_317] : memref<10000xi32, #tpu.memory_space<vmem>> -> memref<80xi32, #tpu.memory_space<vmem>>
      %dma_start3A_319 = arith.constant 0 : i32
      %dma_start3A_320 = arith.constant 0 : i32
      %dma_start3A_321 = tpu.memref_slice %arg2[%dma_start3A_319, %dma_start3A_320] : memref<10000x128xf32, #tpu.memory_space<hbm>> -> memref<10000x128xf32, #tpu.memory_space<hbm>>
      tpu.enqueue_indirect_dma source(%dma_start3A_321 : memref<10000x128xf32, #tpu.memory_space<hbm>>) target(%arg13 : memref<80x128xf32, #tpu.memory_space<vmem>>) offsets(%dma_start3A_318 : memref<80xi32, #tpu.memory_space<vmem>>) semaphore(%arg22 : memref<!tpu.dma_semaphore, #tpu.memory_space<semaphore_mem>>)
      %mul3A_322 = arith.constant 6 : i32
      %mul3A_323 = arith.muli %mul3A_322, %scan3A_212 : i32
      %add3A_324 = arith.constant 3 : i32
      %add3A_325 = arith.addi %mul3A_323, %add3A_324 : i32
      %mul3A_326 = arith.constant 80 : i32
      %mul3A_327 = arith.muli %add3A_325, %mul3A_326 : i32
      %dma_wait3A_328 = tpu.memref_slice %arg6[%mul3A_327] : memref<10000xi32, #tpu.memory_space<vmem>> -> memref<80xi32, #tpu.memory_space<vmem>>
      %dma_wait3A_329 = arith.constant 0 : i32
      %dma_wait3A_330 = arith.constant 0 : i32
      %dma_wait3A_331 = tpu.memref_slice %arg2[%dma_wait3A_329, %dma_wait3A_330] : memref<10000x128xf32, #tpu.memory_space<hbm>> -> memref<10000x128xf32, #tpu.memory_space<hbm>>
      tpu.wait_indirect_dma semaphore(%arg22 : memref<!tpu.dma_semaphore, #tpu.memory_space<semaphore_mem>>) src(%dma_wait3A_331 : memref<10000x128xf32, #tpu.memory_space<hbm>>) dst(%arg13 : memref<80x128xf32, #tpu.memory_space<vmem>>)
      %mul3A_332 = arith.constant 80 : i32
      %mul3A_333 = arith.muli %add3A_325, %mul3A_332 : i32
      %add3A_334 = arith.addi %add3A_6, %mul3A_333 : i32
      %dma_wait3A_335 = tpu.memref_slice %arg3[%add3A_334] : memref<640000xi32, #tpu.memory_space<hbm>> -> memref<80xi32, #tpu.memory_space<hbm>>
      %dma_wait3A_336 = tpu.memref_slice %arg3[%add3A_334] : memref<640000xi32, #tpu.memory_space<hbm>> -> memref<80xi32, #tpu.memory_space<hbm>>
      tpu.wait_dma2 semaphore(%arg19 : memref<!tpu.dma_semaphore, #tpu.memory_space<semaphore_mem>>) src(%dma_wait3A_336 : memref<80xi32, #tpu.memory_space<hbm>>) dst(%arg10 : memref<80xi32, #tpu.memory_space<vmem>>)
      %dma_start3A_337 = arith.constant 0 : i32
      %dma_start3A_338 = arith.constant 0 : i32
      %dma_start3A_339 = tpu.memref_slice %arg5[%dma_start3A_337, %dma_start3A_338] : memref<10000x128xf32, #tpu.memory_space<vmem_shared>> -> memref<10000x128xf32, #tpu.memory_space<vmem_shared>>
      tpu.enqueue_indirect_dma source(%arg13 : memref<80x128xf32, #tpu.memory_space<vmem>>) target(%dma_start3A_339 : memref<10000x128xf32, #tpu.memory_space<vmem_shared>>) offsets(%arg10 : memref<80xi32, #tpu.memory_space<vmem>>) semaphore(%arg25 : memref<!tpu.dma_semaphore, #tpu.memory_space<semaphore_mem>>) {add = true}
      %dma_wait3A_340 = arith.constant 0 : i32
      %dma_wait3A_341 = arith.constant 0 : i32
      %dma_wait3A_342 = tpu.memref_slice %arg5[%dma_wait3A_340, %dma_wait3A_341] : memref<10000x128xf32, #tpu.memory_space<vmem_shared>> -> memref<10000x128xf32, #tpu.memory_space<vmem_shared>>
      tpu.wait_indirect_dma semaphore(%arg26 : memref<!tpu.dma_semaphore, #tpu.memory_space<semaphore_mem>>) src(%arg14 : memref<80x128xf32, #tpu.memory_space<vmem>>) dst(%dma_wait3A_342 : memref<10000x128xf32, #tpu.memory_space<vmem_shared>>)
      %add3A_343 = arith.constant 4 : i32
      %add3A_344 = arith.addi %add3A_325, %add3A_343 : i32
      %mul3A_345 = arith.constant 80 : i32
      %mul3A_346 = arith.muli %add3A_344, %mul3A_345 : i32
      %add3A_347 = arith.addi %add3A_6, %mul3A_346 : i32
      %dma_start3A_348 = tpu.memref_slice %arg3[%add3A_347] : memref<640000xi32, #tpu.memory_space<hbm>> -> memref<80xi32, #tpu.memory_space<hbm>>
      %dma_start3A_349 = tpu.memref_slice %arg3[%add3A_347] : memref<640000xi32, #tpu.memory_space<hbm>> -> memref<80xi32, #tpu.memory_space<hbm>>
      tpu.enqueue_dma source(%dma_start3A_349 : memref<80xi32, #tpu.memory_space<hbm>>) target(%arg8 : memref<80xi32, #tpu.memory_space<vmem>>) target_semaphore(%arg17 : memref<!tpu.dma_semaphore, #tpu.memory_space<semaphore_mem>>)
      %add3A_350 = arith.constant 1 : i32
      %add3A_351 = arith.addi %add3A_325, %add3A_350 : i32
      %mul3A_352 = arith.constant 80 : i32
      %mul3A_353 = arith.muli %add3A_351, %mul3A_352 : i32
      %dma_start3A_354 = tpu.memref_slice %arg6[%mul3A_353] : memref<10000xi32, #tpu.memory_space<vmem>> -> memref<80xi32, #tpu.memory_space<vmem>>
      %dma_start3A_355 = arith.constant 0 : i32
      %dma_start3A_356 = arith.constant 0 : i32
      %dma_start3A_357 = tpu.memref_slice %arg2[%dma_start3A_355, %dma_start3A_356] : memref<10000x128xf32, #tpu.memory_space<hbm>> -> memref<10000x128xf32, #tpu.memory_space<hbm>>
      tpu.enqueue_indirect_dma source(%dma_start3A_357 : memref<10000x128xf32, #tpu.memory_space<hbm>>) target(%arg14 : memref<80x128xf32, #tpu.memory_space<vmem>>) offsets(%dma_start3A_354 : memref<80xi32, #tpu.memory_space<vmem>>) semaphore(%arg23 : memref<!tpu.dma_semaphore, #tpu.memory_space<semaphore_mem>>)
      %mul3A_358 = arith.constant 6 : i32
      %mul3A_359 = arith.muli %mul3A_358, %scan3A_212 : i32
      %add3A_360 = arith.constant 4 : i32
      %add3A_361 = arith.addi %mul3A_359, %add3A_360 : i32
      %mul3A_362 = arith.constant 80 : i32
      %mul3A_363 = arith.muli %add3A_361, %mul3A_362 : i32
      %dma_wait3A_364 = tpu.memref_slice %arg6[%mul3A_363] : memref<10000xi32, #tpu.memory_space<vmem>> -> memref<80xi32, #tpu.memory_space<vmem>>
      %dma_wait3A_365 = arith.constant 0 : i32
      %dma_wait3A_366 = arith.constant 0 : i32
      %dma_wait3A_367 = tpu.memref_slice %arg2[%dma_wait3A_365, %dma_wait3A_366] : memref<10000x128xf32, #tpu.memory_space<hbm>> -> memref<10000x128xf32, #tpu.memory_space<hbm>>
      tpu.wait_indirect_dma semaphore(%arg23 : memref<!tpu.dma_semaphore, #tpu.memory_space<semaphore_mem>>) src(%dma_wait3A_367 : memref<10000x128xf32, #tpu.memory_space<hbm>>) dst(%arg14 : memref<80x128xf32, #tpu.memory_space<vmem>>)
      %mul3A_368 = arith.constant 80 : i32
      %mul3A_369 = arith.muli %add3A_361, %mul3A_368 : i32
      %add3A_370 = arith.addi %add3A_6, %mul3A_369 : i32
      %dma_wait3A_371 = tpu.memref_slice %arg3[%add3A_370] : memref<640000xi32, #tpu.memory_space<hbm>> -> memref<80xi32, #tpu.memory_space<hbm>>
      %dma_wait3A_372 = tpu.memref_slice %arg3[%add3A_370] : memref<640000xi32, #tpu.memory_space<hbm>> -> memref<80xi32, #tpu.memory_space<hbm>>
      tpu.wait_dma2 semaphore(%arg20 : memref<!tpu.dma_semaphore, #tpu.memory_space<semaphore_mem>>) src(%dma_wait3A_372 : memref<80xi32, #tpu.memory_space<hbm>>) dst(%arg11 : memref<80xi32, #tpu.memory_space<vmem>>)
      %dma_start3A_373 = arith.constant 0 : i32
      %dma_start3A_374 = arith.constant 0 : i32
      %dma_start3A_375 = tpu.memref_slice %arg5[%dma_start3A_373, %dma_start3A_374] : memref<10000x128xf32, #tpu.memory_space<vmem_shared>> -> memref<10000x128xf32, #tpu.memory_space<vmem_shared>>
      tpu.enqueue_indirect_dma source(%arg14 : memref<80x128xf32, #tpu.memory_space<vmem>>) target(%dma_start3A_375 : memref<10000x128xf32, #tpu.memory_space<vmem_shared>>) offsets(%arg11 : memref<80xi32, #tpu.memory_space<vmem>>) semaphore(%arg26 : memref<!tpu.dma_semaphore, #tpu.memory_space<semaphore_mem>>) {add = true}
      %dma_wait3A_376 = arith.constant 0 : i32
      %dma_wait3A_377 = arith.constant 0 : i32
      %dma_wait3A_378 = tpu.memref_slice %arg5[%dma_wait3A_376, %dma_wait3A_377] : memref<10000x128xf32, #tpu.memory_space<vmem_shared>> -> memref<10000x128xf32, #tpu.memory_space<vmem_shared>>
      tpu.wait_indirect_dma semaphore(%arg27 : memref<!tpu.dma_semaphore, #tpu.memory_space<semaphore_mem>>) src(%arg15 : memref<80x128xf32, #tpu.memory_space<vmem>>) dst(%dma_wait3A_378 : memref<10000x128xf32, #tpu.memory_space<vmem_shared>>)
      %add3A_379 = arith.constant 4 : i32
      %add3A_380 = arith.addi %add3A_361, %add3A_379 : i32
      %mul3A_381 = arith.constant 80 : i32
      %mul3A_382 = arith.muli %add3A_380, %mul3A_381 : i32
      %add3A_383 = arith.addi %add3A_6, %mul3A_382 : i32
      %dma_start3A_384 = tpu.memref_slice %arg3[%add3A_383] : memref<640000xi32, #tpu.memory_space<hbm>> -> memref<80xi32, #tpu.memory_space<hbm>>
      %dma_start3A_385 = tpu.memref_slice %arg3[%add3A_383] : memref<640000xi32, #tpu.memory_space<hbm>> -> memref<80xi32, #tpu.memory_space<hbm>>
      tpu.enqueue_dma source(%dma_start3A_385 : memref<80xi32, #tpu.memory_space<hbm>>) target(%arg9 : memref<80xi32, #tpu.memory_space<vmem>>) target_semaphore(%arg18 : memref<!tpu.dma_semaphore, #tpu.memory_space<semaphore_mem>>)
      %add3A_386 = arith.constant 1 : i32
      %add3A_387 = arith.addi %add3A_361, %add3A_386 : i32
      %mul3A_388 = arith.constant 80 : i32
      %mul3A_389 = arith.muli %add3A_387, %mul3A_388 : i32
      %dma_start3A_390 = tpu.memref_slice %arg6[%mul3A_389] : memref<10000xi32, #tpu.memory_space<vmem>> -> memref<80xi32, #tpu.memory_space<vmem>>
      %dma_start3A_391 = arith.constant 0 : i32
      %dma_start3A_392 = arith.constant 0 : i32
      %dma_start3A_393 = tpu.memref_slice %arg2[%dma_start3A_391, %dma_start3A_392] : memref<10000x128xf32, #tpu.memory_space<hbm>> -> memref<10000x128xf32, #tpu.memory_space<hbm>>
      tpu.enqueue_indirect_dma source(%dma_start3A_393 : memref<10000x128xf32, #tpu.memory_space<hbm>>) target(%arg15 : memref<80x128xf32, #tpu.memory_space<vmem>>) offsets(%dma_start3A_390 : memref<80xi32, #tpu.memory_space<vmem>>) semaphore(%arg24 : memref<!tpu.dma_semaphore, #tpu.memory_space<semaphore_mem>>)
      %mul3A_394 = arith.constant 6 : i32
      %mul3A_395 = arith.muli %mul3A_394, %scan3A_212 : i32
      %add3A_396 = arith.constant 5 : i32
      %add3A_397 = arith.addi %mul3A_395, %add3A_396 : i32
      %mul3A_398 = arith.constant 80 : i32
      %mul3A_399 = arith.muli %add3A_397, %mul3A_398 : i32
      %dma_wait3A_400 = tpu.memref_slice %arg6[%mul3A_399] : memref<10000xi32, #tpu.memory_space<vmem>> -> memref<80xi32, #tpu.memory_space<vmem>>
      %dma_wait3A_401 = arith.constant 0 : i32
      %dma_wait3A_402 = arith.constant 0 : i32
      %dma_wait3A_403 = tpu.memref_slice %arg2[%dma_wait3A_401, %dma_wait3A_402] : memref<10000x128xf32, #tpu.memory_space<hbm>> -> memref<10000x128xf32, #tpu.memory_space<hbm>>
      tpu.wait_indirect_dma semaphore(%arg24 : memref<!tpu.dma_semaphore, #tpu.memory_space<semaphore_mem>>) src(%dma_wait3A_403 : memref<10000x128xf32, #tpu.memory_space<hbm>>) dst(%arg15 : memref<80x128xf32, #tpu.memory_space<vmem>>)
      %mul3A_404 = arith.constant 80 : i32
      %mul3A_405 = arith.muli %add3A_397, %mul3A_404 : i32
      %add3A_406 = arith.addi %add3A_6, %mul3A_405 : i32
      %dma_wait3A_407 = tpu.memref_slice %arg3[%add3A_406] : memref<640000xi32, #tpu.memory_space<hbm>> -> memref<80xi32, #tpu.memory_space<hbm>>
      %dma_wait3A_408 = tpu.memref_slice %arg3[%add3A_406] : memref<640000xi32, #tpu.memory_space<hbm>> -> memref<80xi32, #tpu.memory_space<hbm>>
      tpu.wait_dma2 semaphore(%arg21 : memref<!tpu.dma_semaphore, #tpu.memory_space<semaphore_mem>>) src(%dma_wait3A_408 : memref<80xi32, #tpu.memory_space<hbm>>) dst(%arg12 : memref<80xi32, #tpu.memory_space<vmem>>)
      %dma_start3A_409 = arith.constant 0 : i32
      %dma_start3A_410 = arith.constant 0 : i32
      %dma_start3A_411 = tpu.memref_slice %arg5[%dma_start3A_409, %dma_start3A_410] : memref<10000x128xf32, #tpu.memory_space<vmem_shared>> -> memref<10000x128xf32, #tpu.memory_space<vmem_shared>>
      tpu.enqueue_indirect_dma source(%arg15 : memref<80x128xf32, #tpu.memory_space<vmem>>) target(%dma_start3A_411 : memref<10000x128xf32, #tpu.memory_space<vmem_shared>>) offsets(%arg12 : memref<80xi32, #tpu.memory_space<vmem>>) semaphore(%arg27 : memref<!tpu.dma_semaphore, #tpu.memory_space<semaphore_mem>>) {add = true}
      %dma_wait3A_412 = arith.constant 0 : i32
      %dma_wait3A_413 = arith.constant 0 : i32
      %dma_wait3A_414 = tpu.memref_slice %arg5[%dma_wait3A_412, %dma_wait3A_413] : memref<10000x128xf32, #tpu.memory_space<vmem_shared>> -> memref<10000x128xf32, #tpu.memory_space<vmem_shared>>
      tpu.wait_indirect_dma semaphore(%arg25 : memref<!tpu.dma_semaphore, #tpu.memory_space<semaphore_mem>>) src(%arg13 : memref<80x128xf32, #tpu.memory_space<vmem>>) dst(%dma_wait3A_414 : memref<10000x128xf32, #tpu.memory_space<vmem_shared>>)
      %add3A_415 = arith.constant 4 : i32
      %add3A_416 = arith.addi %add3A_397, %add3A_415 : i32
      %mul3A_417 = arith.constant 80 : i32
      %mul3A_418 = arith.muli %add3A_416, %mul3A_417 : i32
      %add3A_419 = arith.addi %add3A_6, %mul3A_418 : i32
      %dma_start3A_420 = tpu.memref_slice %arg3[%add3A_419] : memref<640000xi32, #tpu.memory_space<hbm>> -> memref<80xi32, #tpu.memory_space<hbm>>
      %dma_start3A_421 = tpu.memref_slice %arg3[%add3A_419] : memref<640000xi32, #tpu.memory_space<hbm>> -> memref<80xi32, #tpu.memory_space<hbm>>
      tpu.enqueue_dma source(%dma_start3A_421 : memref<80xi32, #tpu.memory_space<hbm>>) target(%arg10 : memref<80xi32, #tpu.memory_space<vmem>>) target_semaphore(%arg19 : memref<!tpu.dma_semaphore, #tpu.memory_space<semaphore_mem>>)
      %add3A_422 = arith.constant 1 : i32
      %add3A_423 = arith.addi %add3A_397, %add3A_422 : i32
      %mul3A_424 = arith.constant 80 : i32
      %mul3A_425 = arith.muli %add3A_423, %mul3A_424 : i32
      %dma_start3A_426 = tpu.memref_slice %arg6[%mul3A_425] : memref<10000xi32, #tpu.memory_space<vmem>> -> memref<80xi32, #tpu.memory_space<vmem>>
      %dma_start3A_427 = arith.constant 0 : i32
      %dma_start3A_428 = arith.constant 0 : i32
      %dma_start3A_429 = tpu.memref_slice %arg2[%dma_start3A_427, %dma_start3A_428] : memref<10000x128xf32, #tpu.memory_space<hbm>> -> memref<10000x128xf32, #tpu.memory_space<hbm>>
      tpu.enqueue_indirect_dma source(%dma_start3A_429 : memref<10000x128xf32, #tpu.memory_space<hbm>>) target(%arg13 : memref<80x128xf32, #tpu.memory_space<vmem>>) offsets(%dma_start3A_426 : memref<80xi32, #tpu.memory_space<vmem>>) semaphore(%arg22 : memref<!tpu.dma_semaphore, #tpu.memory_space<semaphore_mem>>)
    }
    %scan3A_76 = arith.constant 20 : i32
    %dma_wait3A = arith.constant 9600 : i32
    %dma_wait3A_77 = tpu.memref_slice %arg6[%dma_wait3A] : memref<10000xi32, #tpu.memory_space<vmem>> -> memref<80xi32, #tpu.memory_space<vmem>>
    %dma_wait3A_78 = arith.constant 0 : i32
    %dma_wait3A_79 = arith.constant 0 : i32
    %dma_wait3A_80 = tpu.memref_slice %arg2[%dma_wait3A_78, %dma_wait3A_79] : memref<10000x128xf32, #tpu.memory_space<hbm>> -> memref<10000x128xf32, #tpu.memory_space<hbm>>
    tpu.wait_indirect_dma semaphore(%arg22 : memref<!tpu.dma_semaphore, #tpu.memory_space<semaphore_mem>>) src(%dma_wait3A_80 : memref<10000x128xf32, #tpu.memory_space<hbm>>) dst(%arg13 : memref<80x128xf32, #tpu.memory_space<vmem>>)
    %add3A_81 = arith.constant 9600 : i32
    %add3A_82 = arith.addi %add3A_6, %add3A_81 : i32
    %dma_wait3A_83 = tpu.memref_slice %arg3[%add3A_82] : memref<640000xi32, #tpu.memory_space<hbm>> -> memref<80xi32, #tpu.memory_space<hbm>>
    %dma_wait3A_84 = tpu.memref_slice %arg3[%add3A_82] : memref<640000xi32, #tpu.memory_space<hbm>> -> memref<80xi32, #tpu.memory_space<hbm>>
    tpu.wait_dma2 semaphore(%arg16 : memref<!tpu.dma_semaphore, #tpu.memory_space<semaphore_mem>>) src(%dma_wait3A_84 : memref<80xi32, #tpu.memory_space<hbm>>) dst(%arg7 : memref<80xi32, #tpu.memory_space<vmem>>)
    %dma_start3A_85 = arith.constant 0 : i32
    %dma_start3A_86 = arith.constant 0 : i32
    %dma_start3A_87 = tpu.memref_slice %arg5[%dma_start3A_85, %dma_start3A_86] : memref<10000x128xf32, #tpu.memory_space<vmem_shared>> -> memref<10000x128xf32, #tpu.memory_space<vmem_shared>>
    tpu.enqueue_indirect_dma source(%arg13 : memref<80x128xf32, #tpu.memory_space<vmem>>) target(%dma_start3A_87 : memref<10000x128xf32, #tpu.memory_space<vmem_shared>>) offsets(%arg7 : memref<80xi32, #tpu.memory_space<vmem>>) semaphore(%arg25 : memref<!tpu.dma_semaphore, #tpu.memory_space<semaphore_mem>>) {add = true}
    %dma_wait3A_88 = arith.constant 0 : i32
    %dma_wait3A_89 = arith.constant 0 : i32
    %dma_wait3A_90 = tpu.memref_slice %arg5[%dma_wait3A_88, %dma_wait3A_89] : memref<10000x128xf32, #tpu.memory_space<vmem_shared>> -> memref<10000x128xf32, #tpu.memory_space<vmem_shared>>
    tpu.wait_indirect_dma semaphore(%arg26 : memref<!tpu.dma_semaphore, #tpu.memory_space<semaphore_mem>>) src(%arg14 : memref<80x128xf32, #tpu.memory_space<vmem>>) dst(%dma_wait3A_90 : memref<10000x128xf32, #tpu.memory_space<vmem_shared>>)
    %add3A_91 = arith.constant 9920 : i32
    %add3A_92 = arith.addi %add3A_6, %add3A_91 : i32
    %dma_start3A_93 = tpu.memref_slice %arg3[%add3A_92] : memref<640000xi32, #tpu.memory_space<hbm>> -> memref<80xi32, #tpu.memory_space<hbm>>
    %dma_start3A_94 = tpu.memref_slice %arg3[%add3A_92] : memref<640000xi32, #tpu.memory_space<hbm>> -> memref<80xi32, #tpu.memory_space<hbm>>
    tpu.enqueue_dma source(%dma_start3A_94 : memref<80xi32, #tpu.memory_space<hbm>>) target(%arg11 : memref<80xi32, #tpu.memory_space<vmem>>) target_semaphore(%arg20 : memref<!tpu.dma_semaphore, #tpu.memory_space<semaphore_mem>>)
    %dma_start3A_95 = arith.constant 9680 : i32
    %dma_start3A_96 = tpu.memref_slice %arg6[%dma_start3A_95] : memref<10000xi32, #tpu.memory_space<vmem>> -> memref<80xi32, #tpu.memory_space<vmem>>
    %dma_start3A_97 = arith.constant 0 : i32
    %dma_start3A_98 = arith.constant 0 : i32
    %dma_start3A_99 = tpu.memref_slice %arg2[%dma_start3A_97, %dma_start3A_98] : memref<10000x128xf32, #tpu.memory_space<hbm>> -> memref<10000x128xf32, #tpu.memory_space<hbm>>
    tpu.enqueue_indirect_dma source(%dma_start3A_99 : memref<10000x128xf32, #tpu.memory_space<hbm>>) target(%arg14 : memref<80x128xf32, #tpu.memory_space<vmem>>) offsets(%dma_start3A_96 : memref<80xi32, #tpu.memory_space<vmem>>) semaphore(%arg23 : memref<!tpu.dma_semaphore, #tpu.memory_space<semaphore_mem>>)
    %dma_wait3A_100 = arith.constant 9680 : i32
    %dma_wait3A_101 = tpu.memref_slice %arg6[%dma_wait3A_100] : memref<10000xi32, #tpu.memory_space<vmem>> -> memref<80xi32, #tpu.memory_space<vmem>>
    %dma_wait3A_102 = arith.constant 0 : i32
    %dma_wait3A_103 = arith.constant 0 : i32
    %dma_wait3A_104 = tpu.memref_slice %arg2[%dma_wait3A_102, %dma_wait3A_103] : memref<10000x128xf32, #tpu.memory_space<hbm>> -> memref<10000x128xf32, #tpu.memory_space<hbm>>
    tpu.wait_indirect_dma semaphore(%arg23 : memref<!tpu.dma_semaphore, #tpu.memory_space<semaphore_mem>>) src(%dma_wait3A_104 : memref<10000x128xf32, #tpu.memory_space<hbm>>) dst(%arg14 : memref<80x128xf32, #tpu.memory_space<vmem>>)
    %add3A_105 = arith.constant 9680 : i32
    %add3A_106 = arith.addi %add3A_6, %add3A_105 : i32
    %dma_wait3A_107 = tpu.memref_slice %arg3[%add3A_106] : memref<640000xi32, #tpu.memory_space<hbm>> -> memref<80xi32, #tpu.memory_space<hbm>>
    %dma_wait3A_108 = tpu.memref_slice %arg3[%add3A_106] : memref<640000xi32, #tpu.memory_space<hbm>> -> memref<80xi32, #tpu.memory_space<hbm>>
    tpu.wait_dma2 semaphore(%arg17 : memref<!tpu.dma_semaphore, #tpu.memory_space<semaphore_mem>>) src(%dma_wait3A_108 : memref<80xi32, #tpu.memory_space<hbm>>) dst(%arg8 : memref<80xi32, #tpu.memory_space<vmem>>)
    %dma_start3A_109 = arith.constant 0 : i32
    %dma_start3A_110 = arith.constant 0 : i32
    %dma_start3A_111 = tpu.memref_slice %arg5[%dma_start3A_109, %dma_start3A_110] : memref<10000x128xf32, #tpu.memory_space<vmem_shared>> -> memref<10000x128xf32, #tpu.memory_space<vmem_shared>>
    tpu.enqueue_indirect_dma source(%arg14 : memref<80x128xf32, #tpu.memory_space<vmem>>) target(%dma_start3A_111 : memref<10000x128xf32, #tpu.memory_space<vmem_shared>>) offsets(%arg8 : memref<80xi32, #tpu.memory_space<vmem>>) semaphore(%arg26 : memref<!tpu.dma_semaphore, #tpu.memory_space<semaphore_mem>>) {add = true}
    %dma_wait3A_112 = arith.constant 0 : i32
    %dma_wait3A_113 = arith.constant 0 : i32
    %dma_wait3A_114 = tpu.memref_slice %arg5[%dma_wait3A_112, %dma_wait3A_113] : memref<10000x128xf32, #tpu.memory_space<vmem_shared>> -> memref<10000x128xf32, #tpu.memory_space<vmem_shared>>
    tpu.wait_indirect_dma semaphore(%arg27 : memref<!tpu.dma_semaphore, #tpu.memory_space<semaphore_mem>>) src(%arg15 : memref<80x128xf32, #tpu.memory_space<vmem>>) dst(%dma_wait3A_114 : memref<10000x128xf32, #tpu.memory_space<vmem_shared>>)
    %dma_start3A_115 = arith.constant 9760 : i32
    %dma_start3A_116 = tpu.memref_slice %arg6[%dma_start3A_115] : memref<10000xi32, #tpu.memory_space<vmem>> -> memref<80xi32, #tpu.memory_space<vmem>>
    %dma_start3A_117 = arith.constant 0 : i32
    %dma_start3A_118 = arith.constant 0 : i32
    %dma_start3A_119 = tpu.memref_slice %arg2[%dma_start3A_117, %dma_start3A_118] : memref<10000x128xf32, #tpu.memory_space<hbm>> -> memref<10000x128xf32, #tpu.memory_space<hbm>>
    tpu.enqueue_indirect_dma source(%dma_start3A_119 : memref<10000x128xf32, #tpu.memory_space<hbm>>) target(%arg15 : memref<80x128xf32, #tpu.memory_space<vmem>>) offsets(%dma_start3A_116 : memref<80xi32, #tpu.memory_space<vmem>>) semaphore(%arg24 : memref<!tpu.dma_semaphore, #tpu.memory_space<semaphore_mem>>)
    %dma_wait3A_120 = arith.constant 9760 : i32
    %dma_wait3A_121 = tpu.memref_slice %arg6[%dma_wait3A_120] : memref<10000xi32, #tpu.memory_space<vmem>> -> memref<80xi32, #tpu.memory_space<vmem>>
    %dma_wait3A_122 = arith.constant 0 : i32
    %dma_wait3A_123 = arith.constant 0 : i32
    %dma_wait3A_124 = tpu.memref_slice %arg2[%dma_wait3A_122, %dma_wait3A_123] : memref<10000x128xf32, #tpu.memory_space<hbm>> -> memref<10000x128xf32, #tpu.memory_space<hbm>>
    tpu.wait_indirect_dma semaphore(%arg24 : memref<!tpu.dma_semaphore, #tpu.memory_space<semaphore_mem>>) src(%dma_wait3A_124 : memref<10000x128xf32, #tpu.memory_space<hbm>>) dst(%arg15 : memref<80x128xf32, #tpu.memory_space<vmem>>)
    %add3A_125 = arith.constant 9760 : i32
    %add3A_126 = arith.addi %add3A_6, %add3A_125 : i32
    %dma_wait3A_127 = tpu.memref_slice %arg3[%add3A_126] : memref<640000xi32, #tpu.memory_space<hbm>> -> memref<80xi32, #tpu.memory_space<hbm>>
    %dma_wait3A_128 = tpu.memref_slice %arg3[%add3A_126] : memref<640000xi32, #tpu.memory_space<hbm>> -> memref<80xi32, #tpu.memory_space<hbm>>
    tpu.wait_dma2 semaphore(%arg18 : memref<!tpu.dma_semaphore, #tpu.memory_space<semaphore_mem>>) src(%dma_wait3A_128 : memref<80xi32, #tpu.memory_space<hbm>>) dst(%arg9 : memref<80xi32, #tpu.memory_space<vmem>>)
    %dma_start3A_129 = arith.constant 0 : i32
    %dma_start3A_130 = arith.constant 0 : i32
    %dma_start3A_131 = tpu.memref_slice %arg5[%dma_start3A_129, %dma_start3A_130] : memref<10000x128xf32, #tpu.memory_space<vmem_shared>> -> memref<10000x128xf32, #tpu.memory_space<vmem_shared>>
    tpu.enqueue_indirect_dma source(%arg15 : memref<80x128xf32, #tpu.memory_space<vmem>>) target(%dma_start3A_131 : memref<10000x128xf32, #tpu.memory_space<vmem_shared>>) offsets(%arg9 : memref<80xi32, #tpu.memory_space<vmem>>) semaphore(%arg27 : memref<!tpu.dma_semaphore, #tpu.memory_space<semaphore_mem>>) {add = true}
    %dma_wait3A_132 = arith.constant 0 : i32
    %dma_wait3A_133 = arith.constant 0 : i32
    %dma_wait3A_134 = tpu.memref_slice %arg5[%dma_wait3A_132, %dma_wait3A_133] : memref<10000x128xf32, #tpu.memory_space<vmem_shared>> -> memref<10000x128xf32, #tpu.memory_space<vmem_shared>>
    tpu.wait_indirect_dma semaphore(%arg25 : memref<!tpu.dma_semaphore, #tpu.memory_space<semaphore_mem>>) src(%arg13 : memref<80x128xf32, #tpu.memory_space<vmem>>) dst(%dma_wait3A_134 : memref<10000x128xf32, #tpu.memory_space<vmem_shared>>)
    %dma_start3A_135 = arith.constant 9840 : i32
    %dma_start3A_136 = tpu.memref_slice %arg6[%dma_start3A_135] : memref<10000xi32, #tpu.memory_space<vmem>> -> memref<80xi32, #tpu.memory_space<vmem>>
    %dma_start3A_137 = arith.constant 0 : i32
    %dma_start3A_138 = arith.constant 0 : i32
    %dma_start3A_139 = tpu.memref_slice %arg2[%dma_start3A_137, %dma_start3A_138] : memref<10000x128xf32, #tpu.memory_space<hbm>> -> memref<10000x128xf32, #tpu.memory_space<hbm>>
    tpu.enqueue_indirect_dma source(%dma_start3A_139 : memref<10000x128xf32, #tpu.memory_space<hbm>>) target(%arg13 : memref<80x128xf32, #tpu.memory_space<vmem>>) offsets(%dma_start3A_136 : memref<80xi32, #tpu.memory_space<vmem>>) semaphore(%arg22 : memref<!tpu.dma_semaphore, #tpu.memory_space<semaphore_mem>>)
    %dma_wait3A_140 = arith.constant 9840 : i32
    %dma_wait3A_141 = tpu.memref_slice %arg6[%dma_wait3A_140] : memref<10000xi32, #tpu.memory_space<vmem>> -> memref<80xi32, #tpu.memory_space<vmem>>
    %dma_wait3A_142 = arith.constant 0 : i32
    %dma_wait3A_143 = arith.constant 0 : i32
    %dma_wait3A_144 = tpu.memref_slice %arg2[%dma_wait3A_142, %dma_wait3A_143] : memref<10000x128xf32, #tpu.memory_space<hbm>> -> memref<10000x128xf32, #tpu.memory_space<hbm>>
    tpu.wait_indirect_dma semaphore(%arg22 : memref<!tpu.dma_semaphore, #tpu.memory_space<semaphore_mem>>) src(%dma_wait3A_144 : memref<10000x128xf32, #tpu.memory_space<hbm>>) dst(%arg13 : memref<80x128xf32, #tpu.memory_space<vmem>>)
    %add3A_145 = arith.constant 9840 : i32
    %add3A_146 = arith.addi %add3A_6, %add3A_145 : i32
    %dma_wait3A_147 = tpu.memref_slice %arg3[%add3A_146] : memref<640000xi32, #tpu.memory_space<hbm>> -> memref<80xi32, #tpu.memory_space<hbm>>
    %dma_wait3A_148 = tpu.memref_slice %arg3[%add3A_146] : memref<640000xi32, #tpu.memory_space<hbm>> -> memref<80xi32, #tpu.memory_space<hbm>>
    tpu.wait_dma2 semaphore(%arg19 : memref<!tpu.dma_semaphore, #tpu.memory_space<semaphore_mem>>) src(%dma_wait3A_148 : memref<80xi32, #tpu.memory_space<hbm>>) dst(%arg10 : memref<80xi32, #tpu.memory_space<vmem>>)
    %dma_start3A_149 = arith.constant 0 : i32
    %dma_start3A_150 = arith.constant 0 : i32
    %dma_start3A_151 = tpu.memref_slice %arg5[%dma_start3A_149, %dma_start3A_150] : memref<10000x128xf32, #tpu.memory_space<vmem_shared>> -> memref<10000x128xf32, #tpu.memory_space<vmem_shared>>
    tpu.enqueue_indirect_dma source(%arg13 : memref<80x128xf32, #tpu.memory_space<vmem>>) target(%dma_start3A_151 : memref<10000x128xf32, #tpu.memory_space<vmem_shared>>) offsets(%arg10 : memref<80xi32, #tpu.memory_space<vmem>>) semaphore(%arg25 : memref<!tpu.dma_semaphore, #tpu.memory_space<semaphore_mem>>) {add = true}
    %dma_wait3A_152 = arith.constant 0 : i32
    %dma_wait3A_153 = arith.constant 0 : i32
    %dma_wait3A_154 = tpu.memref_slice %arg5[%dma_wait3A_152, %dma_wait3A_153] : memref<10000x128xf32, #tpu.memory_space<vmem_shared>> -> memref<10000x128xf32, #tpu.memory_space<vmem_shared>>
    tpu.wait_indirect_dma semaphore(%arg26 : memref<!tpu.dma_semaphore, #tpu.memory_space<semaphore_mem>>) src(%arg14 : memref<80x128xf32, #tpu.memory_space<vmem>>) dst(%dma_wait3A_154 : memref<10000x128xf32, #tpu.memory_space<vmem_shared>>)
    %dma_start3A_155 = arith.constant 9920 : i32
    %dma_start3A_156 = tpu.memref_slice %arg6[%dma_start3A_155] : memref<10000xi32, #tpu.memory_space<vmem>> -> memref<80xi32, #tpu.memory_space<vmem>>
    %dma_start3A_157 = arith.constant 0 : i32
    %dma_start3A_158 = arith.constant 0 : i32
    %dma_start3A_159 = tpu.memref_slice %arg2[%dma_start3A_157, %dma_start3A_158] : memref<10000x128xf32, #tpu.memory_space<hbm>> -> memref<10000x128xf32, #tpu.memory_space<hbm>>
    tpu.enqueue_indirect_dma source(%dma_start3A_159 : memref<10000x128xf32, #tpu.memory_space<hbm>>) target(%arg14 : memref<80x128xf32, #tpu.memory_space<vmem>>) offsets(%dma_start3A_156 : memref<80xi32, #tpu.memory_space<vmem>>) semaphore(%arg23 : memref<!tpu.dma_semaphore, #tpu.memory_space<semaphore_mem>>)
    %dma_wait3A_160 = arith.constant 9920 : i32
    %dma_wait3A_161 = tpu.memref_slice %arg6[%dma_wait3A_160] : memref<10000xi32, #tpu.memory_space<vmem>> -> memref<80xi32, #tpu.memory_space<vmem>>
    %dma_wait3A_162 = arith.constant 0 : i32
    %dma_wait3A_163 = arith.constant 0 : i32
    %dma_wait3A_164 = tpu.memref_slice %arg2[%dma_wait3A_162, %dma_wait3A_163] : memref<10000x128xf32, #tpu.memory_space<hbm>> -> memref<10000x128xf32, #tpu.memory_space<hbm>>
    tpu.wait_indirect_dma semaphore(%arg23 : memref<!tpu.dma_semaphore, #tpu.memory_space<semaphore_mem>>) src(%dma_wait3A_164 : memref<10000x128xf32, #tpu.memory_space<hbm>>) dst(%arg14 : memref<80x128xf32, #tpu.memory_space<vmem>>)
    %add3A_165 = arith.constant 9920 : i32
    %add3A_166 = arith.addi %add3A_6, %add3A_165 : i32
    %dma_wait3A_167 = tpu.memref_slice %arg3[%add3A_166] : memref<640000xi32, #tpu.memory_space<hbm>> -> memref<80xi32, #tpu.memory_space<hbm>>
    %dma_wait3A_168 = tpu.memref_slice %arg3[%add3A_166] : memref<640000xi32, #tpu.memory_space<hbm>> -> memref<80xi32, #tpu.memory_space<hbm>>
    tpu.wait_dma2 semaphore(%arg20 : memref<!tpu.dma_semaphore, #tpu.memory_space<semaphore_mem>>) src(%dma_wait3A_168 : memref<80xi32, #tpu.memory_space<hbm>>) dst(%arg11 : memref<80xi32, #tpu.memory_space<vmem>>)
    %dma_start3A_169 = arith.constant 0 : i32
    %dma_start3A_170 = arith.constant 0 : i32
    %dma_start3A_171 = tpu.memref_slice %arg5[%dma_start3A_169, %dma_start3A_170] : memref<10000x128xf32, #tpu.memory_space<vmem_shared>> -> memref<10000x128xf32, #tpu.memory_space<vmem_shared>>
    tpu.enqueue_indirect_dma source(%arg14 : memref<80x128xf32, #tpu.memory_space<vmem>>) target(%dma_start3A_171 : memref<10000x128xf32, #tpu.memory_space<vmem_shared>>) offsets(%arg11 : memref<80xi32, #tpu.memory_space<vmem>>) semaphore(%arg26 : memref<!tpu.dma_semaphore, #tpu.memory_space<semaphore_mem>>) {add = true}
    %dma_wait3A_172 = arith.constant 0 : i32
    %dma_wait3A_173 = arith.constant 0 : i32
    %dma_wait3A_174 = tpu.memref_slice %arg5[%dma_wait3A_172, %dma_wait3A_173] : memref<10000x128xf32, #tpu.memory_space<vmem_shared>> -> memref<10000x128xf32, #tpu.memory_space<vmem_shared>>
    tpu.wait_indirect_dma semaphore(%arg27 : memref<!tpu.dma_semaphore, #tpu.memory_space<semaphore_mem>>) src(%arg15 : memref<80x128xf32, #tpu.memory_space<vmem>>) dst(%dma_wait3A_174 : memref<10000x128xf32, #tpu.memory_space<vmem_shared>>)
    %dma_wait3A_175 = arith.constant 0 : i32
    %dma_wait3A_176 = arith.constant 0 : i32
    %dma_wait3A_177 = tpu.memref_slice %arg5[%dma_wait3A_175, %dma_wait3A_176] : memref<10000x128xf32, #tpu.memory_space<vmem_shared>> -> memref<10000x128xf32, #tpu.memory_space<vmem_shared>>
    tpu.wait_indirect_dma semaphore(%arg25 : memref<!tpu.dma_semaphore, #tpu.memory_space<semaphore_mem>>) src(%arg13 : memref<80x128xf32, #tpu.memory_space<vmem>>) dst(%dma_wait3A_177 : memref<10000x128xf32, #tpu.memory_space<vmem_shared>>)
    %dma_wait3A_178 = arith.constant 0 : i32
    %dma_wait3A_179 = arith.constant 0 : i32
    %dma_wait3A_180 = tpu.memref_slice %arg5[%dma_wait3A_178, %dma_wait3A_179] : memref<10000x128xf32, #tpu.memory_space<vmem_shared>> -> memref<10000x128xf32, #tpu.memory_space<vmem_shared>>
    tpu.wait_indirect_dma semaphore(%arg26 : memref<!tpu.dma_semaphore, #tpu.memory_space<semaphore_mem>>) src(%arg14 : memref<80x128xf32, #tpu.memory_space<vmem>>) dst(%dma_wait3A_180 : memref<10000x128xf32, #tpu.memory_space<vmem_shared>>)
    %barrier3A_181 = arith.constant 0 : index
    tpu.barrier barrier_id(%barrier3A_181)
    %mul3A_182 = arith.constant 640 : i32
    %mul3A_183 = arith.muli %arg1, %mul3A_182 : i32
    %add3A_184 = arith.constant 0 : i32
    %add3A_185 = arith.addi %mul3A_183, %add3A_184 : i32
    %min3A_186 = arith.constant 9872 : i32
    %min3A_187 = arith.minsi %add3A_185, %min3A_186 : i32
    "tpu.region"() ({
      %run_scoped3A = tpu.sem_alloc : memref<!tpu.dma_semaphore, #tpu.memory_space<semaphore_mem>>
      %dma_start3A_212 = arith.constant 0 : i32
      %dma_start3A_213 = tpu.memref_slice %arg4[%arg0, %min3A_187, %dma_start3A_212] : memref<2x10000x128xf32, #tpu.memory_space<hbm>> -> memref<1x128x128xf32, #tpu.memory_space<hbm>>
      %dma_start3A_214 = tpu.memref_squeeze %dma_start3A_213 : memref<1x128x128xf32, #tpu.memory_space<hbm>> -> memref<128x128xf32, #tpu.memory_space<hbm>>
      %dma_start3A_215 = arith.constant 0 : i32
      %dma_start3A_216 = tpu.memref_slice %arg5[%min3A_187, %dma_start3A_215] : memref<10000x128xf32, #tpu.memory_space<vmem_shared>> -> memref<128x128xf32, #tpu.memory_space<vmem_shared>>
      tpu.enqueue_dma source(%dma_start3A_216 : memref<128x128xf32, #tpu.memory_space<vmem_shared>>) target(%dma_start3A_214 : memref<128x128xf32, #tpu.memory_space<hbm>>) target_semaphore(%run_scoped3A : memref<!tpu.dma_semaphore, #tpu.memory_space<semaphore_mem>>)
      %dma_wait3A_217 = arith.constant 0 : i32
      %dma_wait3A_218 = tpu.memref_slice %arg4[%arg0, %min3A_187, %dma_wait3A_217] : memref<2x10000x128xf32, #tpu.memory_space<hbm>> -> memref<1x128x128xf32, #tpu.memory_space<hbm>>
      %dma_wait3A_219 = tpu.memref_squeeze %dma_wait3A_218 : memref<1x128x128xf32, #tpu.memory_space<hbm>> -> memref<128x128xf32, #tpu.memory_space<hbm>>
      %dma_wait3A_220 = arith.constant 0 : i32
      %dma_wait3A_221 = tpu.memref_slice %arg5[%min3A_187, %dma_wait3A_220] : memref<10000x128xf32, #tpu.memory_space<vmem_shared>> -> memref<128x128xf32, #tpu.memory_space<vmem_shared>>
      tpu.wait_dma2 semaphore(%run_scoped3A : memref<!tpu.dma_semaphore, #tpu.memory_space<semaphore_mem>>) src(%dma_wait3A_221 : memref<128x128xf32, #tpu.memory_space<vmem_shared>>) dst(%dma_wait3A_219 : memref<128x128xf32, #tpu.memory_space<hbm>>)
      tpu.yield
    }) : () -> ()
    %mul3A_188 = arith.constant 640 : i32
    %mul3A_189 = arith.muli %arg1, %mul3A_188 : i32
    %add3A_190 = arith.constant 128 : i32
    %add3A_191 = arith.addi %mul3A_189, %add3A_190 : i32
    %min3A_192 = arith.constant 9872 : i32
    %min3A_193 = arith.minsi %add3A_191, %min3A_192 : i32
    "tpu.region"() ({
      %run_scoped3A = tpu.sem_alloc : memref<!tpu.dma_semaphore, #tpu.memory_space<semaphore_mem>>
      %dma_start3A_212 = arith.constant 0 : i32
      %dma_start3A_213 = tpu.memref_slice %arg4[%arg0, %min3A_193, %dma_start3A_212] : memref<2x10000x128xf32, #tpu.memory_space<hbm>> -> memref<1x128x128xf32, #tpu.memory_space<hbm>>
      %dma_start3A_214 = tpu.memref_squeeze %dma_start3A_213 : memref<1x128x128xf32, #tpu.memory_space<hbm>> -> memref<128x128xf32, #tpu.memory_space<hbm>>
      %dma_start3A_215 = arith.constant 0 : i32
      %dma_start3A_216 = tpu.memref_slice %arg5[%min3A_193, %dma_start3A_215] : memref<10000x128xf32, #tpu.memory_space<vmem_shared>> -> memref<128x128xf32, #tpu.memory_space<vmem_shared>>
      tpu.enqueue_dma source(%dma_start3A_216 : memref<128x128xf32, #tpu.memory_space<vmem_shared>>) target(%dma_start3A_214 : memref<128x128xf32, #tpu.memory_space<hbm>>) target_semaphore(%run_scoped3A : memref<!tpu.dma_semaphore, #tpu.memory_space<semaphore_mem>>)
      %dma_wait3A_217 = arith.constant 0 : i32
      %dma_wait3A_218 = tpu.memref_slice %arg4[%arg0, %min3A_193, %dma_wait3A_217] : memref<2x10000x128xf32, #tpu.memory_space<hbm>> -> memref<1x128x128xf32, #tpu.memory_space<hbm>>
      %dma_wait3A_219 = tpu.memref_squeeze %dma_wait3A_218 : memref<1x128x128xf32, #tpu.memory_space<hbm>> -> memref<128x128xf32, #tpu.memory_space<hbm>>
      %dma_wait3A_220 = arith.constant 0 : i32
      %dma_wait3A_221 = tpu.memref_slice %arg5[%min3A_193, %dma_wait3A_220] : memref<10000x128xf32, #tpu.memory_space<vmem_shared>> -> memref<128x128xf32, #tpu.memory_space<vmem_shared>>
      tpu.wait_dma2 semaphore(%run_scoped3A : memref<!tpu.dma_semaphore, #tpu.memory_space<semaphore_mem>>) src(%dma_wait3A_221 : memref<128x128xf32, #tpu.memory_space<vmem_shared>>) dst(%dma_wait3A_219 : memref<128x128xf32, #tpu.memory_space<hbm>>)
      tpu.yield
    }) : () -> ()
    %mul3A_194 = arith.constant 640 : i32
    %mul3A_195 = arith.muli %arg1, %mul3A_194 : i32
    %add3A_196 = arith.constant 256 : i32
    %add3A_197 = arith.addi %mul3A_195, %add3A_196 : i32
    %min3A_198 = arith.constant 9872 : i32
    %min3A_199 = arith.minsi %add3A_197, %min3A_198 : i32
    "tpu.region"() ({
      %run_scoped3A = tpu.sem_alloc : memref<!tpu.dma_semaphore, #tpu.memory_space<semaphore_mem>>
      %dma_start3A_212 = arith.constant 0 : i32
      %dma_start3A_213 = tpu.memref_slice %arg4[%arg0, %min3A_199, %dma_start3A_212] : memref<2x10000x128xf32, #tpu.memory_space<hbm>> -> memref<1x128x128xf32, #tpu.memory_space<hbm>>
      %dma_start3A_214 = tpu.memref_squeeze %dma_start3A_213 : memref<1x128x128xf32, #tpu.memory_space<hbm>> -> memref<128x128xf32, #tpu.memory_space<hbm>>
      %dma_start3A_215 = arith.constant 0 : i32
      %dma_start3A_216 = tpu.memref_slice %arg5[%min3A_199, %dma_start3A_215] : memref<10000x128xf32, #tpu.memory_space<vmem_shared>> -> memref<128x128xf32, #tpu.memory_space<vmem_shared>>
      tpu.enqueue_dma source(%dma_start3A_216 : memref<128x128xf32, #tpu.memory_space<vmem_shared>>) target(%dma_start3A_214 : memref<128x128xf32, #tpu.memory_space<hbm>>) target_semaphore(%run_scoped3A : memref<!tpu.dma_semaphore, #tpu.memory_space<semaphore_mem>>)
      %dma_wait3A_217 = arith.constant 0 : i32
      %dma_wait3A_218 = tpu.memref_slice %arg4[%arg0, %min3A_199, %dma_wait3A_217] : memref<2x10000x128xf32, #tpu.memory_space<hbm>> -> memref<1x128x128xf32, #tpu.memory_space<hbm>>
      %dma_wait3A_219 = tpu.memref_squeeze %dma_wait3A_218 : memref<1x128x128xf32, #tpu.memory_space<hbm>> -> memref<128x128xf32, #tpu.memory_space<hbm>>
      %dma_wait3A_220 = arith.constant 0 : i32
      %dma_wait3A_221 = tpu.memref_slice %arg5[%min3A_199, %dma_wait3A_220] : memref<10000x128xf32, #tpu.memory_space<vmem_shared>> -> memref<128x128xf32, #tpu.memory_space<vmem_shared>>
      tpu.wait_dma2 semaphore(%run_scoped3A : memref<!tpu.dma_semaphore, #tpu.memory_space<semaphore_mem>>) src(%dma_wait3A_221 : memref<128x128xf32, #tpu.memory_space<vmem_shared>>) dst(%dma_wait3A_219 : memref<128x128xf32, #tpu.memory_space<hbm>>)
      tpu.yield
    }) : () -> ()
    %mul3A_200 = arith.constant 640 : i32
    %mul3A_201 = arith.muli %arg1, %mul3A_200 : i32
    %add3A_202 = arith.constant 384 : i32
    %add3A_203 = arith.addi %mul3A_201, %add3A_202 : i32
    %min3A_204 = arith.constant 9872 : i32
    %min3A_205 = arith.minsi %add3A_203, %min3A_204 : i32
    "tpu.region"() ({
      %run_scoped3A = tpu.sem_alloc : memref<!tpu.dma_semaphore, #tpu.memory_space<semaphore_mem>>
      %dma_start3A_212 = arith.constant 0 : i32
      %dma_start3A_213 = tpu.memref_slice %arg4[%arg0, %min3A_205, %dma_start3A_212] : memref<2x10000x128xf32, #tpu.memory_space<hbm>> -> memref<1x128x128xf32, #tpu.memory_space<hbm>>
      %dma_start3A_214 = tpu.memref_squeeze %dma_start3A_213 : memref<1x128x128xf32, #tpu.memory_space<hbm>> -> memref<128x128xf32, #tpu.memory_space<hbm>>
      %dma_start3A_215 = arith.constant 0 : i32
      %dma_start3A_216 = tpu.memref_slice %arg5[%min3A_205, %dma_start3A_215] : memref<10000x128xf32, #tpu.memory_space<vmem_shared>> -> memref<128x128xf32, #tpu.memory_space<vmem_shared>>
      tpu.enqueue_dma source(%dma_start3A_216 : memref<128x128xf32, #tpu.memory_space<vmem_shared>>) target(%dma_start3A_214 : memref<128x128xf32, #tpu.memory_space<hbm>>) target_semaphore(%run_scoped3A : memref<!tpu.dma_semaphore, #tpu.memory_space<semaphore_mem>>)
      %dma_wait3A_217 = arith.constant 0 : i32
      %dma_wait3A_218 = tpu.memref_slice %arg4[%arg0, %min3A_205, %dma_wait3A_217] : memref<2x10000x128xf32, #tpu.memory_space<hbm>> -> memref<1x128x128xf32, #tpu.memory_space<hbm>>
      %dma_wait3A_219 = tpu.memref_squeeze %dma_wait3A_218 : memref<1x128x128xf32, #tpu.memory_space<hbm>> -> memref<128x128xf32, #tpu.memory_space<hbm>>
      %dma_wait3A_220 = arith.constant 0 : i32
      %dma_wait3A_221 = tpu.memref_slice %arg5[%min3A_205, %dma_wait3A_220] : memref<10000x128xf32, #tpu.memory_space<vmem_shared>> -> memref<128x128xf32, #tpu.memory_space<vmem_shared>>
      tpu.wait_dma2 semaphore(%run_scoped3A : memref<!tpu.dma_semaphore, #tpu.memory_space<semaphore_mem>>) src(%dma_wait3A_221 : memref<128x128xf32, #tpu.memory_space<vmem_shared>>) dst(%dma_wait3A_219 : memref<128x128xf32, #tpu.memory_space<hbm>>)
      tpu.yield
    }) : () -> ()
    %mul3A_206 = arith.constant 640 : i32
    %mul3A_207 = arith.muli %arg1, %mul3A_206 : i32
    %add3A_208 = arith.constant 512 : i32
    %add3A_209 = arith.addi %mul3A_207, %add3A_208 : i32
    %min3A_210 = arith.constant 9872 : i32
    %min3A_211 = arith.minsi %add3A_209, %min3A_210 : i32
    "tpu.region"() ({
      %run_scoped3A = tpu.sem_alloc : memref<!tpu.dma_semaphore, #tpu.memory_space<semaphore_mem>>
      %dma_start3A_212 = arith.constant 0 : i32
      %dma_start3A_213 = tpu.memref_slice %arg4[%arg0, %min3A_211, %dma_start3A_212] : memref<2x10000x128xf32, #tpu.memory_space<hbm>> -> memref<1x128x128xf32, #tpu.memory_space<hbm>>
      %dma_start3A_214 = tpu.memref_squeeze %dma_start3A_213 : memref<1x128x128xf32, #tpu.memory_space<hbm>> -> memref<128x128xf32, #tpu.memory_space<hbm>>
      %dma_start3A_215 = arith.constant 0 : i32
      %dma_start3A_216 = tpu.memref_slice %arg5[%min3A_211, %dma_start3A_215] : memref<10000x128xf32, #tpu.memory_space<vmem_shared>> -> memref<128x128xf32, #tpu.memory_space<vmem_shared>>
      tpu.enqueue_dma source(%dma_start3A_216 : memref<128x128xf32, #tpu.memory_space<vmem_shared>>) target(%dma_start3A_214 : memref<128x128xf32, #tpu.memory_space<hbm>>) target_semaphore(%run_scoped3A : memref<!tpu.dma_semaphore, #tpu.memory_space<semaphore_mem>>)
      %dma_wait3A_217 = arith.constant 0 : i32
      %dma_wait3A_218 = tpu.memref_slice %arg4[%arg0, %min3A_211, %dma_wait3A_217] : memref<2x10000x128xf32, #tpu.memory_space<hbm>> -> memref<1x128x128xf32, #tpu.memory_space<hbm>>
      %dma_wait3A_219 = tpu.memref_squeeze %dma_wait3A_218 : memref<1x128x128xf32, #tpu.memory_space<hbm>> -> memref<128x128xf32, #tpu.memory_space<hbm>>
      %dma_wait3A_220 = arith.constant 0 : i32
      %dma_wait3A_221 = tpu.memref_slice %arg5[%min3A_211, %dma_wait3A_220] : memref<10000x128xf32, #tpu.memory_space<vmem_shared>> -> memref<128x128xf32, #tpu.memory_space<vmem_shared>>
      tpu.wait_dma2 semaphore(%run_scoped3A : memref<!tpu.dma_semaphore, #tpu.memory_space<semaphore_mem>>) src(%dma_wait3A_221 : memref<128x128xf32, #tpu.memory_space<vmem_shared>>) dst(%dma_wait3A_219 : memref<128x128xf32, #tpu.memory_space<hbm>>)
      tpu.yield
    }) : () -> ()
    return
  }
}

module attributes {stable_mosaic.version = 14 : i64} {
  func.func @_tc1_body(%arg0: i32, %arg1: memref<2000x2xf32, #tpu.memory_space<vmem>>, %arg2: memref<2000x128xf32, #tpu.memory_space<vmem>>, %arg3: memref<128x128xf32, #tpu.memory_space<vmem>>, %arg4: memref<2000x128xf32, #tpu.memory_space<vmem>>) attributes {dimension_semantics = [#tpu.dimension_semantics<arbitrary>], iteration_bounds = array<i64: 5>, scalar_prefetch = 0 : i64, scratch_operands = 0 : i64, tpu.core_type = #tpu.core_type<tc>, window_params = [{transform_indices = @transform_0, window_bounds = array<i64: 2000, 2>}, {transform_indices = @transform_1, window_bounds = array<i64: 2000, 128>}, {pipeline_mode = #tpu.pipeline_mode<synchronous>, transform_indices = @transform_2, window_bounds = array<i64: 128, 128>}, {transform_indices = @transform_3, window_bounds = array<i64: 2000, 128>}]} {
    %get3A = arith.constant 0 : index
    %get3A_0 = arith.constant 0 : index
    %get3A_1 = vector.load %arg2[%get3A, %get3A_0] : memref<2000x128xf32, #tpu.memory_space<vmem>>, vector<2000x128xf32>
    %get3A_2 = arith.constant 0 : index
    %get3A_3 = arith.constant 0 : index
    %get3A_4 = vector.load %arg3[%get3A_2, %get3A_3] : memref<128x128xf32, #tpu.memory_space<vmem>>, vector<128x128xf32>
    %dot_general3A = arith.constant dense<0.000000e+00> : vector<2000x128xf32>
    %dot_general3A_5 = tpu.matmul %get3A_1, %get3A_4, %dot_general3A {dimension_numbers = #tpu.dot_dimension_numbers<[1], [0], [0], [1], [0, 0, 1, 1], [], []>, transpose_lhs_hint = false} : vector<2000x128xf32>, vector<128x128xf32>, vector<2000x128xf32> -> vector<2000x128xf32>
    %get3A_6 = arith.constant 0 : index
    %get3A_7 = arith.constant 0 : index
    %get3A_8 = vector.load %arg1[%get3A_6, %get3A_7] : memref<2000x2xf32, #tpu.memory_space<vmem>>, vector<2000x2xf32>
    %slice3A = vector.extract_strided_slice %get3A_8 {offsets = [0, 0], sizes = [2000, 1], strides = [1, 1]} : vector<2000x2xf32> to vector<2000x1xf32>
    %squeeze3A = vector.shape_cast %slice3A : vector<2000x1xf32> to vector<2000xf32>
    %add3A = arith.constant 1.000000e+00 : f32
    %add3A_9 = vector.broadcast %add3A : f32 to vector<2000xf32>
    %add3A_10 = arith.addf %add3A_9, %squeeze3A : vector<2000xf32>
    %slice3A_11 = vector.extract_strided_slice %get3A_8 {offsets = [0, 1], sizes = [2000, 1], strides = [1, 1]} : vector<2000x2xf32> to vector<2000x1xf32>
    %squeeze3A_12 = vector.shape_cast %slice3A_11 : vector<2000x1xf32> to vector<2000xf32>
    %add3A_13 = arith.addf %add3A_10, %squeeze3A_12 : vector<2000xf32>
    %rsqrt3A = math.rsqrt %add3A_13 : vector<2000xf32>
    %broadcast_in_dim3A = vector.shape_cast %rsqrt3A : vector<2000xf32> to vector<2000x1xf32>
    %mul3A = vector.broadcast %broadcast_in_dim3A : vector<2000x1xf32> to vector<2000x128xf32>
    %mul3A_14 = arith.mulf %dot_general3A_5, %mul3A : vector<2000x128xf32>
    %swap3A = arith.constant 0 : index
    %swap3A_15 = arith.constant 0 : index
    %swap3A_16 = vector.load %arg4[%swap3A, %swap3A_15] : memref<2000x128xf32, #tpu.memory_space<vmem>>, vector<2000x128xf32>
    tpu.vector_store %arg4[%swap3A, %swap3A_15], %mul3A_14 {strides = array<i32>} : memref<2000x128xf32, #tpu.memory_space<vmem>>, vector<2000x128xf32>,
    return
  }
  func.func @transform_0(%arg0: i32) -> (i32, i32) {
    %c0_i32 = arith.constant 0 : i32
    %c0_i32_0 = arith.constant 0 : i32
    return %arg0, %c0_i32 : i32, i32
  }
  func.func @transform_1(%arg0: i32) -> (i32, i32) {
    %c0_i32 = arith.constant 0 : i32
    %c0_i32_0 = arith.constant 0 : i32
    return %arg0, %c0_i32 : i32, i32
  }
  func.func @transform_2(%arg0: i32) -> (i32, i32) {
    %c0_i32 = arith.constant 0 : i32
    %c0_i32_0 = arith.constant 0 : i32
    %c0_i32_1 = arith.constant 0 : i32
    return %c0_i32, %c0_i32_0 : i32, i32
  }
  func.func @transform_3(%arg0: i32) -> (i32, i32) {
    %c0_i32 = arith.constant 0 : i32
    %c0_i32_0 = arith.constant 0 : i32
    return %arg0, %c0_i32 : i32, i32
  }
}

module attributes {stable_mosaic.version = 14 : i64} {
  func.func @_tc2_body(%arg0: i32, %arg1: memref<2000x2xf32, #tpu.memory_space<vmem>>, %arg2: memref<2x2000x128xf32, #tpu.memory_space<vmem>>, %arg3: memref<2000x128xf32, #tpu.memory_space<vmem>>, %arg4: memref<1x128xf32, #tpu.memory_space<vmem>>, %arg5: memref<1x128xf32, #tpu.memory_space<vmem>>, %arg6: memref<1x128xf32, #tpu.memory_space<vmem>>, %arg7: memref<128x128xf32, #tpu.memory_space<vmem>>, %arg8: memref<2000x128xf32, #tpu.memory_space<vmem>>) attributes {dimension_semantics = [#tpu.dimension_semantics<arbitrary>], iteration_bounds = array<i64: 5>, scalar_prefetch = 0 : i64, scratch_operands = 0 : i64, tpu.core_type = #tpu.core_type<tc>, window_params = [{transform_indices = @transform_0, window_bounds = array<i64: 2000, 2>}, {transform_indices = @transform_1, window_bounds = array<i64: 2, 2000, 128>}, {transform_indices = @transform_2, window_bounds = array<i64: 2000, 128>}, {pipeline_mode = #tpu.pipeline_mode<synchronous>, transform_indices = @transform_3, window_bounds = array<i64: 1, 128>}, {pipeline_mode = #tpu.pipeline_mode<synchronous>, transform_indices = @transform_4, window_bounds = array<i64: 1, 128>}, {pipeline_mode = #tpu.pipeline_mode<synchronous>, transform_indices = @transform_5, window_bounds = array<i64: 1, 128>}, {pipeline_mode = #tpu.pipeline_mode<synchronous>, transform_indices = @transform_6, window_bounds = array<i64: 128, 128>}, {transform_indices = @transform_7, window_bounds = array<i64: 2000, 128>}]} {
    %get3A = arith.constant 0 : index
    %get3A_0 = arith.constant 0 : index
    %get3A_1 = vector.load %arg1[%get3A, %get3A_0] : memref<2000x2xf32, #tpu.memory_space<vmem>>, vector<2000x2xf32>
    %slice3A = vector.extract_strided_slice %get3A_1 {offsets = [0, 0], sizes = [2000, 1], strides = [1, 1]} : vector<2000x2xf32> to vector<2000x1xf32>
    %squeeze3A = vector.shape_cast %slice3A : vector<2000x1xf32> to vector<2000xf32>
    %add3A = arith.constant 1.000000e+00 : f32
    %add3A_2 = vector.broadcast %add3A : f32 to vector<2000xf32>
    %add3A_3 = arith.addf %add3A_2, %squeeze3A : vector<2000xf32>
    %slice3A_4 = vector.extract_strided_slice %get3A_1 {offsets = [0, 1], sizes = [2000, 1], strides = [1, 1]} : vector<2000x2xf32> to vector<2000x1xf32>
    %squeeze3A_5 = vector.shape_cast %slice3A_4 : vector<2000x1xf32> to vector<2000xf32>
    %add3A_6 = arith.addf %add3A_3, %squeeze3A_5 : vector<2000xf32>
    %rsqrt3A = math.rsqrt %add3A_6 : vector<2000xf32>
    %broadcast_in_dim3A = vector.shape_cast %rsqrt3A : vector<2000xf32> to vector<2000x1xf32>
    %get3A_7 = arith.constant 0 : index
    %get3A_8 = arith.constant 0 : index
    %get3A_9 = arith.constant 0 : index
    %get3A_10 = vector.load %arg2[%get3A_7, %get3A_8, %get3A_9] : memref<2x2000x128xf32, #tpu.memory_space<vmem>>, vector<1x2000x128xf32>
    %get3A_11 = vector.shape_cast %get3A_10 : vector<1x2000x128xf32> to vector<2000x128xf32>
    %get3A_12 = arith.constant 1 : index
    %get3A_13 = arith.constant 0 : index
    %get3A_14 = arith.constant 0 : index
    %get3A_15 = vector.load %arg2[%get3A_12, %get3A_13, %get3A_14] : memref<2x2000x128xf32, #tpu.memory_space<vmem>>, vector<1x2000x128xf32>
    %get3A_16 = vector.shape_cast %get3A_15 : vector<1x2000x128xf32> to vector<2000x128xf32>
    %add3A_17 = arith.addf %get3A_11, %get3A_16 : vector<2000x128xf32>
    %get3A_18 = arith.constant 0 : index
    %get3A_19 = arith.constant 0 : index
    %get3A_20 = vector.load %arg3[%get3A_18, %get3A_19] : memref<2000x128xf32, #tpu.memory_space<vmem>>, vector<2000x128xf32>
    %add3A_21 = arith.addf %add3A_17, %get3A_20 : vector<2000x128xf32>
    %mul3A = vector.broadcast %broadcast_in_dim3A : vector<2000x1xf32> to vector<2000x128xf32>
    %mul3A_22 = arith.mulf %add3A_21, %mul3A : vector<2000x128xf32>
    %get3A_23 = arith.constant 0 : index
    %get3A_24 = arith.constant 0 : index
    %get3A_25 = vector.load %arg4[%get3A_23, %get3A_24] : memref<1x128xf32, #tpu.memory_space<vmem>>, vector<1x128xf32>
    %add3A_26 = vector.broadcast %get3A_25 : vector<1x128xf32> to vector<2000x128xf32>
    %add3A_27 = arith.addf %mul3A_22, %add3A_26 : vector<2000x128xf32>
    %get3A_28 = arith.constant 0 : index
    %get3A_29 = arith.constant 0 : index
    %get3A_30 = vector.load %arg5[%get3A_28, %get3A_29] : memref<1x128xf32, #tpu.memory_space<vmem>>, vector<1x128xf32>
    %mul3A_31 = arith.constant 0.999994993 : f32
    %mul3A_32 = vector.broadcast %mul3A_31 : f32 to vector<1x128xf32>
    %mul3A_33 = arith.mulf %get3A_30, %mul3A_32 : vector<1x128xf32>
    %mul3A_34 = vector.broadcast %mul3A_33 : vector<1x128xf32> to vector<2000x128xf32>
    %mul3A_35 = arith.mulf %add3A_27, %mul3A_34 : vector<2000x128xf32>
    %get3A_36 = arith.constant 0 : index
    %get3A_37 = arith.constant 0 : index
    %get3A_38 = vector.load %arg6[%get3A_36, %get3A_37] : memref<1x128xf32, #tpu.memory_space<vmem>>, vector<1x128xf32>
    %add3A_39 = vector.broadcast %get3A_38 : vector<1x128xf32> to vector<2000x128xf32>
    %add3A_40 = arith.addf %mul3A_35, %add3A_39 : vector<2000x128xf32>
    %max3A = arith.constant 0.000000e+00 : f32
    %max3A_41 = vector.broadcast %max3A : f32 to vector<2000x128xf32>
    %max3A_42 = arith.maximumf %add3A_40, %max3A_41 : vector<2000x128xf32>
    %get3A_43 = arith.constant 0 : index
    %get3A_44 = arith.constant 0 : index
    %get3A_45 = vector.load %arg7[%get3A_43, %get3A_44] : memref<128x128xf32, #tpu.memory_space<vmem>>, vector<128x128xf32>
    %dot_general3A = arith.constant dense<0.000000e+00> : vector<2000x128xf32>
    %dot_general3A_46 = tpu.matmul %max3A_42, %get3A_45, %dot_general3A {dimension_numbers = #tpu.dot_dimension_numbers<[1], [0], [0], [1], [0, 0, 1, 1], [], []>, transpose_lhs_hint = false} : vector<2000x128xf32>, vector<128x128xf32>, vector<2000x128xf32> -> vector<2000x128xf32>
    %mul3A_47 = vector.broadcast %broadcast_in_dim3A : vector<2000x1xf32> to vector<2000x128xf32>
    %mul3A_48 = arith.mulf %dot_general3A_46, %mul3A_47 : vector<2000x128xf32>
    %swap3A = arith.constant 0 : index
    %swap3A_49 = arith.constant 0 : index
    %swap3A_50 = vector.load %arg8[%swap3A, %swap3A_49] : memref<2000x128xf32, #tpu.memory_space<vmem>>, vector<2000x128xf32>
    tpu.vector_store %arg8[%swap3A, %swap3A_49], %mul3A_48 {strides = array<i32>} : memref<2000x128xf32, #tpu.memory_space<vmem>>, vector<2000x128xf32>,
    return
  }
  func.func @transform_0(%arg0: i32) -> (i32, i32) {
    %c0_i32 = arith.constant 0 : i32
    %c0_i32_0 = arith.constant 0 : i32
    return %arg0, %c0_i32 : i32, i32
  }
  func.func @transform_1(%arg0: i32) -> (i32, i32, i32) {
    %c0_i32 = arith.constant 0 : i32
    %c0_i32_0 = arith.constant 0 : i32
    %c0_i32_1 = arith.constant 0 : i32
    return %c0_i32, %arg0, %c0_i32_0 : i32, i32, i32
  }
  func.func @transform_2(%arg0: i32) -> (i32, i32) {
    %c0_i32 = arith.constant 0 : i32
    %c0_i32_0 = arith.constant 0 : i32
    return %arg0, %c0_i32 : i32, i32
  }
  func.func @transform_3(%arg0: i32) -> (i32, i32) {
    %c0_i32 = arith.constant 0 : i32
    %c0_i32_0 = arith.constant 0 : i32
    %c0_i32_1 = arith.constant 0 : i32
    return %c0_i32, %c0_i32_0 : i32, i32
  }
  func.func @transform_4(%arg0: i32) -> (i32, i32) {
    %c0_i32 = arith.constant 0 : i32
    %c0_i32_0 = arith.constant 0 : i32
    %c0_i32_1 = arith.constant 0 : i32
    return %c0_i32, %c0_i32_0 : i32, i32
  }
  func.func @transform_5(%arg0: i32) -> (i32, i32) {
    %c0_i32 = arith.constant 0 : i32
    %c0_i32_0 = arith.constant 0 : i32
    %c0_i32_1 = arith.constant 0 : i32
    return %c0_i32, %c0_i32_0 : i32, i32
  }
  func.func @transform_6(%arg0: i32) -> (i32, i32) {
    %c0_i32 = arith.constant 0 : i32
    %c0_i32_0 = arith.constant 0 : i32
    %c0_i32_1 = arith.constant 0 : i32
    return %c0_i32, %c0_i32_0 : i32, i32
  }
  func.func @transform_7(%arg0: i32) -> (i32, i32) {
    %c0_i32 = arith.constant 0 : i32
    %c0_i32_0 = arith.constant 0 : i32
    return %arg0, %c0_i32 : i32, i32
  }
}

module attributes {stable_mosaic.version = 14 : i64} {
  func.func @_tc3_body(%arg0: i32, %arg1: memref<2000x2xf32, #tpu.memory_space<vmem>>, %arg2: memref<2x2000x128xf32, #tpu.memory_space<vmem>>, %arg3: memref<2000x128xf32, #tpu.memory_space<vmem>>, %arg4: memref<1x128xf32, #tpu.memory_space<vmem>>, %arg5: memref<2000x128xf32, #tpu.memory_space<vmem>>, %arg6: memref<2000x128xf32, #tpu.memory_space<vmem>>) attributes {dimension_semantics = [#tpu.dimension_semantics<arbitrary>], iteration_bounds = array<i64: 5>, scalar_prefetch = 0 : i64, scratch_operands = 0 : i64, tpu.core_type = #tpu.core_type<tc>, window_params = [{transform_indices = @transform_0, window_bounds = array<i64: 2000, 2>}, {transform_indices = @transform_1, window_bounds = array<i64: 2, 2000, 128>}, {transform_indices = @transform_2, window_bounds = array<i64: 2000, 128>}, {pipeline_mode = #tpu.pipeline_mode<synchronous>, transform_indices = @transform_3, window_bounds = array<i64: 1, 128>}, {transform_indices = @transform_4, window_bounds = array<i64: 2000, 128>}, {transform_indices = @transform_5, window_bounds = array<i64: 2000, 128>}]} {
    %get3A = arith.constant 0 : index
    %get3A_0 = arith.constant 0 : index
    %get3A_1 = vector.load %arg1[%get3A, %get3A_0] : memref<2000x2xf32, #tpu.memory_space<vmem>>, vector<2000x2xf32>
    %slice3A = vector.extract_strided_slice %get3A_1 {offsets = [0, 0], sizes = [2000, 1], strides = [1, 1]} : vector<2000x2xf32> to vector<2000x1xf32>
    %squeeze3A = vector.shape_cast %slice3A : vector<2000x1xf32> to vector<2000xf32>
    %add3A = arith.constant 1.000000e+00 : f32
    %add3A_2 = vector.broadcast %add3A : f32 to vector<2000xf32>
    %add3A_3 = arith.addf %add3A_2, %squeeze3A : vector<2000xf32>
    %slice3A_4 = vector.extract_strided_slice %get3A_1 {offsets = [0, 1], sizes = [2000, 1], strides = [1, 1]} : vector<2000x2xf32> to vector<2000x1xf32>
    %squeeze3A_5 = vector.shape_cast %slice3A_4 : vector<2000x1xf32> to vector<2000xf32>
    %add3A_6 = arith.addf %add3A_3, %squeeze3A_5 : vector<2000xf32>
    %rsqrt3A = math.rsqrt %add3A_6 : vector<2000xf32>
    %broadcast_in_dim3A = vector.shape_cast %rsqrt3A : vector<2000xf32> to vector<2000x1xf32>
    %get3A_7 = arith.constant 0 : index
    %get3A_8 = arith.constant 0 : index
    %get3A_9 = arith.constant 0 : index
    %get3A_10 = vector.load %arg2[%get3A_7, %get3A_8, %get3A_9] : memref<2x2000x128xf32, #tpu.memory_space<vmem>>, vector<1x2000x128xf32>
    %get3A_11 = vector.shape_cast %get3A_10 : vector<1x2000x128xf32> to vector<2000x128xf32>
    %get3A_12 = arith.constant 1 : index
    %get3A_13 = arith.constant 0 : index
    %get3A_14 = arith.constant 0 : index
    %get3A_15 = vector.load %arg2[%get3A_12, %get3A_13, %get3A_14] : memref<2x2000x128xf32, #tpu.memory_space<vmem>>, vector<1x2000x128xf32>
    %get3A_16 = vector.shape_cast %get3A_15 : vector<1x2000x128xf32> to vector<2000x128xf32>
    %add3A_17 = arith.addf %get3A_11, %get3A_16 : vector<2000x128xf32>
    %get3A_18 = arith.constant 0 : index
    %get3A_19 = arith.constant 0 : index
    %get3A_20 = vector.load %arg3[%get3A_18, %get3A_19] : memref<2000x128xf32, #tpu.memory_space<vmem>>, vector<2000x128xf32>
    %add3A_21 = arith.addf %add3A_17, %get3A_20 : vector<2000x128xf32>
    %mul3A = vector.broadcast %broadcast_in_dim3A : vector<2000x1xf32> to vector<2000x128xf32>
    %mul3A_22 = arith.mulf %add3A_21, %mul3A : vector<2000x128xf32>
    %get3A_23 = arith.constant 0 : index
    %get3A_24 = arith.constant 0 : index
    %get3A_25 = vector.load %arg4[%get3A_23, %get3A_24] : memref<1x128xf32, #tpu.memory_space<vmem>>, vector<1x128xf32>
    %add3A_26 = vector.broadcast %get3A_25 : vector<1x128xf32> to vector<2000x128xf32>
    %add3A_27 = arith.addf %mul3A_22, %add3A_26 : vector<2000x128xf32>
    %get3A_28 = arith.constant 0 : index
    %get3A_29 = arith.constant 0 : index
    %get3A_30 = vector.load %arg5[%get3A_28, %get3A_29] : memref<2000x128xf32, #tpu.memory_space<vmem>>, vector<2000x128xf32>
    %add3A_31 = arith.addf %add3A_27, %get3A_30 : vector<2000x128xf32>
    %swap3A = arith.constant 0 : index
    %swap3A_32 = arith.constant 0 : index
    %swap3A_33 = vector.load %arg6[%swap3A, %swap3A_32] : memref<2000x128xf32, #tpu.memory_space<vmem>>, vector<2000x128xf32>
    tpu.vector_store %arg6[%swap3A, %swap3A_32], %add3A_31 {strides = array<i32>} : memref<2000x128xf32, #tpu.memory_space<vmem>>, vector<2000x128xf32>,
    return
  }
  func.func @transform_0(%arg0: i32) -> (i32, i32) {
    %c0_i32 = arith.constant 0 : i32
    %c0_i32_0 = arith.constant 0 : i32
    return %arg0, %c0_i32 : i32, i32
  }
  func.func @transform_1(%arg0: i32) -> (i32, i32, i32) {
    %c0_i32 = arith.constant 0 : i32
    %c0_i32_0 = arith.constant 0 : i32
    %c0_i32_1 = arith.constant 0 : i32
    return %c0_i32, %arg0, %c0_i32_0 : i32, i32, i32
  }
  func.func @transform_2(%arg0: i32) -> (i32, i32) {
    %c0_i32 = arith.constant 0 : i32
    %c0_i32_0 = arith.constant 0 : i32
    return %arg0, %c0_i32 : i32, i32
  }
  func.func @transform_3(%arg0: i32) -> (i32, i32) {
    %c0_i32 = arith.constant 0 : i32
    %c0_i32_0 = arith.constant 0 : i32
    %c0_i32_1 = arith.constant 0 : i32
    return %c0_i32, %c0_i32_0 : i32, i32
  }
  func.func @transform_4(%arg0: i32) -> (i32, i32) {
    %c0_i32 = arith.constant 0 : i32
    %c0_i32_0 = arith.constant 0 : i32
    return %arg0, %c0_i32 : i32, i32
  }
  func.func @transform_5(%arg0: i32) -> (i32, i32) {
    %c0_i32 = arith.constant 0 : i32
    %c0_i32_0 = arith.constant 0 : i32
    return %arg0, %c0_i32 : i32, i32
  }
}

</mosaic_0001>

<sc_bundles>
// kernel: kernel.11.cloned.1.call-start
scs
__scs_entry_jumppad:
0x0: {  	(pc) =	sbr.rel $0x88, $3  }
0x1: {  	(tag) =	ssettag $0x0;
	lr =	simm.s32 $0x1  }
0x2: {  	[smem:$0x3F99] =	sst lr;
	_ =	strace $0xD0000000  }
0x3: {  	_ = 	snop  }
0x4: {  	_ = 	snop  }
0x5: {  	_ = 	snop  }
0x6: {  	_ = 	snop  }
0x7: {  	_ = 	snop  }
__scs_overlays_trampoline_lowered:
0x8: {  	[smem:$0x3FA8] =	sst s0  }
0x9: {  	[smem:$0x3FA9] =	sst s1  }
0xa: {  	[smem:$0x3FAA] =	sst s2  }
0xb: {  	[smem:$0x3FAB] =	sst s3  }
0xc: {  	[smem:$0x3FAC] =	sst s4  }
0xd: {  	[smem:$0x3FAD] =	sst s5  }
0xe: {  	[smem:$0x3FAE] =	sst s6  }
0xf: {  	[smem:$0x3FAF] =	sst s7  }
0x10: {  	[smem:$0x3FB0] =	sst s8  }
0x11: {  	[smem:$0x3FB1] =	sst s9;
	s0 =	simm.s32 @!p0 $0x0  }
0x12: {  	s1 =	sld [smem:$0x3F97];
	s0 =	simm.s32 @p0 $0x1  }
0x13: {  	[smem:$0x3FB2] =	sst s0;
	s0 =	simm.s32 @!p1 $0x0  }
0x14: {  	s2 =	sld [smem:$0x3F96];
	s0 =	simm.s32 @p1 $0x1  }
0x15: {  	[smem:$0x3FB3] =	sst s0;
	s0 =	simm.s32 @!p2 $0x0  }
0x16: {  	s3 =	sld [smem:$0x3FDB];
	s0 =	simm.s32 @p2 $0x1  }
0x17: {  	s4 =	simm.s32 $0x1BF5;
	[smem:$0x3FB5] =	sst s0  }
0x18: {  	s0 =	sld [smem:$0x3F98];
	_ =	swait.ge [sflag:s4], $0x0  }
0x19: {  	s7 =	sld [smem:$0x3F99]  }
0x1a: {  	s8 =	sadd.s32 $0xFFFFE003, lr  }
0x1b: {  	s9 =	sadd.s32 $0xFFFFFEF7, lr;
	s5 =	simm.s32 $0xFFFFFFFF;
	p2 =	slt.u32 s8, $0xFFFFF086  }
0x1c: {  	p1 =	slt.u32 s9, $0xF7A;
	s5 =	simm.s32 @!p2 $0x0  }
0x1d: {  	s5 =	simm.s32 @p1 $0x1;
	p0 =	seq.s32 s7, s2  }
0x1e: {  	s7 =	smul.u32 @!p0 $0xF7A, s2;
	p2 =	seq.s32 @!p0 s5, $0x0  }
0x1f: {  	s9 =	smul.u32 $0xF7A, s1;
	s8 =	simm.s32 @!p0 $0x1BF5;
	p2 =	por !p2, p0  }
0x20: {  	[sflag:s8] =	ssyncset.s32 @!p0 $0xFFFFF086;
	s6 =	sadd.s32 @!p0 s3, s7;
	s7 =	simm.s32 @!p0 $0x108  }
0x21: {  	s3 =	sadd.s32 s3, s9;
	s6 =	sadd.s32 @!p0 $0x88, s6;
	s7 =	simm.s32 @p2 $0x1082  }
0x22: {  	[simem:s7], [sflag:s8] =	dma.local @!p0 [hbm:s6], $0xF7A  }
0x23: {  	s9 =	sor.u32 $0xD0000000, s2;
	s6 =	simm.s32 $0x108;
	_ =	swait.ge @!p0 [sflag:s8], $0x0  }
0x24: {  	s3 =	sadd.s32 $0x88, s3;
	s6 =	simm.s32 @!p1 $0x1082;
	[sflag:s4] =	ssyncset.s32 $0xFFFFF086  }
0x25: {  	[simem:s6], [sflag:s4] =	dma.local [hbm:s3], $0xF7A  }
0x26: {  	[smem:$0x3F99] =	sst s1;
	(tag) =	ssettag s2;
	_ =	strace s9  }
0x27: {  	s1 =	sld [smem:$0x3FA9]  }
0x28: {  	s2 =	sld [smem:$0x3FAA]  }
0x29: {  	s4 =	sld [smem:$0x3FAC]  }
0x2a: {  	p0 =	seq.s32 s5, $0x0;
	s5 =	sld [smem:$0x3FAD]  }
0x2b: {  	s6 =	sld [smem:$0x3FAE]  }
0x2c: {  	s7 =	sld [smem:$0x3FAF]  }
0x2d: {  	s3 =	simm.s32 $0x108;
	s8 =	sld [smem:$0x3FB0]  }
0x2e: {  	s3 =	simm.s32 @!p0 $0x1082;
	s9 =	sld [smem:$0x3FB1]  }
0x2f: {  	lr =	sadd.s32 s0, s3;
	s0 =	sld [smem:$0x3FA8]  }
0x30: {  	s3 =	sld [smem:$0x3FAB]  }
0x31: {  	[smem:$0x3FB4] =	sst s10  }
0x32: {  	s10 =	sld [smem:$0x3FB2];
	_ =	sdelay $0x3  }
0x33: {  	p0 =	seq.s32 s10, $0x1;
	s10 =	sld [smem:$0x3FB4];
	_ =	sdelay $0x3  }
0x34: {  	[smem:$0x3FB4] =	sst s10  }
0x35: {  	s10 =	sld [smem:$0x3FB3];
	_ =	sdelay $0x3  }
0x36: {  	p1 =	seq.s32 s10, $0x1;
	s10 =	sld [smem:$0x3FB4];
	_ =	sdelay $0x3  }
0x37: {  	[smem:$0x3FB4] =	sst s10  }
0x38: {  	s10 =	sld [smem:$0x3FB5]  }
0x39: {  	_ = 	snop;
	(pc) =	sbr.ind lr, $3  }
0x3a: {  	_ = 	snop  }
0x3b: {  	_ = 	snop  }
0x3c: {  	p2 =	seq.s32 s10, $0x1;
	s10 =	sld [smem:$0x3FB4]  }
0x3d: {  	_ =	shalt  }
0x3e: {  	_ =	shalt  }
0x3f: {  	_ =	shalt  }
0x40: {  	_ =	shalt  }
0x41: {  	_ =	shalt  }
0x42: {  	_ =	shalt  }
0x43: {  	_ =	shalt  }
0x44: {  	_ =	shalt  }
0x45: {  	_ =	shalt  }
0x46: {  	_ =	shalt  }
0x47: {  	_ =	shalt  }
0x48: {  	_ =	shalt  }
0x49: {  	_ =	shalt  }
0x4a: {  	_ =	shalt  }
0x4b: {  	_ =	shalt  }
0x4c: {  	_ =	shalt  }
0x4d: {  	_ =	shalt  }
0x4e: {  	_ =	shalt  }
0x4f: {  	_ =	shalt  }
0x50: {  	_ =	shalt  }
0x51: {  	_ =	shalt  }
0x52: {  	_ =	shalt  }
0x53: {  	_ =	shalt  }
0x54: {  	_ =	shalt  }
0x55: {  	_ =	shalt  }
0x56: {  	_ =	shalt  }
0x57: {  	_ =	shalt  }
0x58: {  	_ =	shalt  }
0x59: {  	_ =	shalt  }
0x5a: {  	_ =	shalt  }
0x5b: {  	_ =	shalt  }
0x5c: {  	_ =	shalt  }
0x5d: {  	_ =	shalt  }
0x5e: {  	_ =	shalt  }
0x5f: {  	_ =	shalt  }
0x60: {  	_ =	shalt  }
0x61: {  	_ =	shalt  }
0x62: {  	_ =	shalt  }
0x63: {  	_ =	shalt  }
0x64: {  	_ =	shalt  }
0x65: {  	_ =	shalt  }
0x66: {  	_ =	shalt  }
0x67: {  	_ =	shalt  }
0x68: {  	_ =	shalt  }
0x69: {  	_ =	shalt  }
0x6a: {  	_ =	shalt  }
0x6b: {  	_ =	shalt  }
0x6c: {  	_ =	shalt  }
0x6d: {  	_ =	shalt  }
0x6e: {  	_ =	shalt  }
0x6f: {  	_ =	shalt  }
0x70: {  	_ =	shalt  }
0x71: {  	_ =	shalt  }
0x72: {  	_ =	shalt  }
0x73: {  	_ =	shalt  }
0x74: {  	_ =	shalt  }
0x75: {  	_ =	shalt  }
0x76: {  	_ =	shalt  }
0x77: {  	_ =	shalt  }
0x78: {  	_ =	shalt  }
0x79: {  	_ =	shalt  }
0x7a: {  	_ =	shalt  }
0x7b: {  	_ =	shalt  }
0x7c: {  	_ =	shalt  }
0x7d: {  	_ =	shalt  }
0x7e: {  	_ =	shalt  }
0x7f: {  	_ =	shalt  }
0x80: {  	_ =	shalt  }
0x81: {  	_ =	shalt  }
0x82: {  	_ =	shalt  }
0x83: {  	_ =	shalt  }
0x84: {  	_ =	shalt  }
0x85: {  	_ =	shalt  }
0x86: {  	_ =	shalt  }
0x87: {  	_ =	shalt  }
.Lfunc_end0:
.L_simem_size_0:
called_computation.1_lowered:
.L_overlay_start_0:
0x88: {  	s2 =	sld [smem:$0x3FD9]  }
0x89: {  	s3 =	sld [smem:$0x3FFE];
	_ =	sdelay $0x1  }
0x8a: {  	s1 =	srdreg.scid  }
0x8b: {  	s0 =	sand.u32 $0x1, s1  }
0x8c: {  	s17 =	sshll.u32 s0, $0xA;
	s2 =	sadd.s32 s3, s2  }
0x8d: {  	s2 =	sadd.s32 s2, s17  }
0x8e: {  	[smem:$0x3FC0] =	sst s2  }
0x8f: {  	_ = 	snop  }
0x90: {  	s2 =	sld [smem:$0x3FD0];
	(tm) =	ssettm $0x1  }
0x91: {  	s18 =	sld [smem:$0x3FFB];
	_ =	sdelay $0x3  }
0x92: {  	_ =	strace s18  }
0x93: {  	s3 =	sld [smem:$0x3FFC];
	_ =	sdelay $0x3  }
0x94: {  	_ =	strace s3  }
0x95: {  	s3 =	sld [smem:$0x3FFD];
	_ =	sdelay $0x3  }
0x96: {  	_ =	strace s3  }
0x97: {  	_ =	strace $0x8FFFFFFF  }
0x98: {  	s19 =	sld [smem:$0x3FDB];
	_ =	sdelay $0x1  }
0x99: {  	s4 =	simm.s32 $_scs_section_size  }
0x9a: {  	s5 =	simm.s32 $_size__tile_overlayer_lowered;
	s6 =	simm.s32 $_tile_overlayer_lowered  }
0x9b: {  	s22 =	simm.s32 $0x1BFF;
	s21 =	sshll.u32 s6, $0x1;
	s3 =	sadd.s32 s4, s19  }
0x9c: {  	s7 =	simm.s32 $0x0;
	s20 =	sshll.u32 s5, $0x1;
	s5 =	sadd.s32 s21, s3  }
0x9d: {  	[timem:s7], [sflag:s22] =	dma.local [hbm:s5], s20  }
0x9e: {  	_ =	swait.ge [sflag:s22], s20  }
0x9f: {  	s4 =	ssub.s32 $0x0, s20;
	[sflag:s22] =	ssyncset.done $0x0  }
0xa0: {  	[sflag:s22] =	ssyncadd.s32 s4;
	_ =	sdelay $0x1  }
0xa1: {  	s23 =	simm.s32 $0x1B8B  }
0xa2: {  	_ =	swait.ge [sflag:s23], $0x1  }
0xa3: {  	[sflag:s23] =	ssyncset.done $0x0  }
0xa4: {  	s25 =	simm.s32 $0x1B8E;
	s24 =	sld [smem:$0x3FFE];
	[sflag:s23] =	ssyncadd.s32 $0xFFFFFFFF  }
0xa5: {  	s26 =	simm.s32 $execute0_lowered;
	[smem:$0x3FD2] =	sst s25  }
0xa6: {  	s5 =	sshll.u32 s26, $0x1;
	_ =	strace $0x80000049;
	[dreg:$0x1] =	wrdreg $0xFFFFFFFF  }
0xa7: {  	s28 =	simm.s32 $_size_execute0_lowered;
	s3 =	sadd.s32 s3, s5;
	[dreg:$0x0] =	wrdreg $0x0  }
0xa8: {  	s5 =	sshll.u32 s28, $0x1;
	[dreg:$0x2] =	wrdreg s3  }
0xa9: {  	[dreg:$0x3] =	wrdreg s5  }
0xaa: {  	[dreg:$0x4] =	wrdreg $0xC0  }
0xab: {  	_ =	task [dreg:s7], $0x5FFFF  }
0xac: {  	[dreg:$0x1] =	wrdreg $0xFFFFFFFF  }
0xad: {  	[dreg:$0x0] =	wrdreg $0x60  }
0xae: {  	[dreg:$0x2] =	wrdreg s2  }
0xaf: {  	[dreg:$0x3] =	wrdreg s24  }
0xb0: {  	[dreg:$0x4] =	wrdreg $0x0  }
0xb1: {  	[dreg:$0x5] =	wrdreg $0x9  }
0xb2: {  	_ =	task.clear_ibuf [dreg:s7], $0x6FFFF;
	_ =	strace $0x90000049  }
0xb3: {  	s29 =	simm.s32 $0x9;
	_ =	strace $0x8000004B  }
0xb4: {  	_ =	swait.ge [sflag:s29], $0x1  }
0xb5: {  	[sflag:s29] =	ssyncadd.s32 $0xFFFFFFFF  }
0xb6: {  	_ =	strace $0x9000004B  }
0xb7: {  	_ =	sfence  }
0xb8: {  	s30 =	sld [smem:$0x0];
	_ =	sdelay $0x2  }
0xb9: {  	s31 =	sshll.u32 s1, $0xD;
	s1 =	sshrl.u32 s1, $0x2  }
0xba: {  	s3 =	sand.u32 $0x4000, s31;
	s1 =	sadd.s32 s1, s30  }
0xbb: {  	s0 =	sor.u32 s3, s0;
	s1 =	sshll.u32 s1, $0x11  }
0xbc: {  	s0 =	sor.u32 s1, s0  }
0xbd: {  	s0 =	sadd.s32 $0x8F2B, s0  }
0xbe: {  	[sflag:s0] =	ssyncadd.remote.s32 $0x1  }
0xbf: {  	_ =	sfence.sel $0xFFFF  }
0xc0: {  	[dreg:$0x0] =	wrdreg $0xFFFFFFFF;
	(pc) =	sbr.abs _section_cstart, $3  }
0xc1: {  	[dreg:$0x1] =	wrdreg $0xFFFFFFFF  }
0xc2: {  	_ =	task.clear_ibuf [dreg:s7], $0x2FFFF;
	_ =	strace $0x9FFFFFFF  }
0xc3: {  	(tm) =	ssettm $0x7FFFFFFF  }
tec
execute0_lowered:
.L_overlay_start_1:
0x0: {  	(tag) =	ssettag $0x1  }
0x1: {  	s2 =	rddreg [dreg:$0x0]  }
0x2: {  	s3 =	rddreg [dreg:$0x1]  }
0x3: {  	s4 =	rddreg [dreg:$0x2];
	s1 =	simm.s32 $0x0;
	s0 =	srdreg.scid  }
0x4: {  	s14 =	stileid.u32;
	s29 =	simm.s32 $0x8;
	s30 =	simm.s32 $0x2  }
0x5: {  	s31 =	simm.s32 $0x2;
	s28 =	simm.s32 $0x6;
	s7 =	smul.u32 $0x280, s14  }
0x6: {  	[smem:$0x7FF] =	sst s1;
	s5 =	sand.u32 $0x1, s0;
	s9 =	smul.u32 $0x50000, s14  }
0x7: {  	s0 =	sadd.s32 $0x2800, s3;
	s3 =	sadd.s32 $0x16200, s3;
	s13 =	smul.u32 $0x14000, s14  }
0x8: {  	s23 =	sshll.u32 s14, $0x1;
	s14 =	smul.u32 $0x4E20, s14;
	s6 =	ssub.s32 $0x2, s5  }
0x9: {  	_ =	strace $0x8000004A;
	s25 =	smul.u32 $0x138800, s5;
	s8 =	sshrl.u32 s6, $0x1  }
0xa: {  	s10 =	sshll.u32 s7, $0x7;
	s9 =	sshrl.u32 s9, $0x2;
	s12 =	smin.u32 s7, $0x2510  }
0xb: {  	s7 =	smin.u32 s7, $0x2490;
	s6 =	ssub.s32 s6, s8;
	s8 =	sor.u32 s5, s23  }
0xc: {  	s11 =	sadd.s32 $0x4000, s10;
	s19 =	sadd.s32 s9, s4;
	s10 =	sadd.s32 $0x8000, s10  }
0xd: {  	s12 =	sshll.u32 s12, $0x7;
	s7 =	sshll.u32 s7, $0x7;
	s5 =	smul.u32 $0x2710, s5  }
0xe: {  	s13 =	sadd.s32 s25, s13;
	s8 =	smul.u32 $0x2710, s8;
	s20 =	sadd.s32 s11, s4  }
0xf: {  	s9 =	sadd.s32 $0x1800, s19;
	s21 =	sadd.s32 s10, s4;
	[dreg:$0x4] =	wrdreg s19  }
0x10: {  	s12 =	sadd.s32 $0xC000, s12;
	s7 =	sadd.s32 $0x10000, s7;
	[dreg:$0x6] =	wrdreg s9  }
0x11: {  	s13 =	sshrl.u32 s13, $0x3;
	s10 =	sadd.s32 s25, s10;
	[dreg:$0x5] =	wrdreg s20  }
0x12: {  	s24 =	sadd.s32 $0x1800, s20;
	s26 =	sadd.s32 s3, s13;
	[dreg:$0x8] =	wrdreg s21  }
0x13: {  	s13 =	sadd.s32 s25, s11;
	s16 =	sshrl.u32 s10, $0x3;
	[dreg:$0x7] =	wrdreg s24  }
0x14: {  	s17 =	sadd.s32 s25, s12;
	s11 =	sadd.s32 $0x1800, s21;
	[dreg:$0xa] =	wrdreg s26  }
0x15: {  	s5 =	sadd.s32 s5, s14;
	s14 =	sadd.s32 s12, s4;
	[dreg:$0x15] =	wrdreg s11  }
0x16: {  	s9 =	sadd.s32 s25, s7;
	s8 =	sshrl.u32 s8, $0x3;
	[dreg:$0x16] =	wrdreg s14  }
0x17: {  	s15 =	sadd.s32 s0, s8;
	s8 =	sshrl.u32 s13, $0x3;
	s13 =	smax.u32 s6, $0x1  }
0x18: {  	s12 =	simm.s32 $0x0;
	s23 =	sadd.s32 $0x4E430, s5;
	[dreg:$0x18] =	wrdreg s13  }
0x19: {  	s25 =	sshrl.u32 s23, $0x3;
	s23 =	sadd.s32 s7, s4;
	[dreg:$0x9] =	wrdreg s15  }
0x1a: {  	s9 =	sshrl.u32 s9, $0x3;
	s8 =	sadd.s32 s3, s8;
	[dreg:$0x17] =	wrdreg s23  }
0x1b: {  	s22 =	sadd.s32 $0x4E480, s5;
	s26 =	sadd.s32 s25, s0;
	[dreg:$0xb] =	wrdreg s8  }
0x1c: {  	s24 =	sshrl.u32 s22, $0x3;
	s22 =	sadd.s32 $0x9C4A, s15;
	[dreg:$0x11] =	wrdreg s26  }
0x1d: {  	s18 =	sadd.s32 $0x4E4D0, s5;
	s25 =	sadd.s32 $0x9C5E, s15;
	[dreg:$0x1c] =	wrdreg s22  }
0x1e: {  	s7 =	simm.s32 $0x16300;
	s8 =	sadd.s32 s3, s16;
	[dreg:$0x1e] =	wrdreg s25  }
0x1f: {  	s16 =	sadd.s32 $0x1800, s14;
	s26 =	sadd.s32 $0xA118, s15;
	[dreg:$0xc] =	wrdreg s8  }
0x20: {  	s22 =	simm.s32 $0x50;
	s25 =	simm.s32 $0x7;
	[dreg:$0x19] =	wrdreg s16  }
0x21: {  	s8 =	sshrl.u32 s17, $0x3;
	s17 =	sadd.s32 $0x1800, s23;
	[dreg:$0x1f] =	wrdreg s26  }
0x22: {  	s26 =	simm.s32 $0x1;
	s8 =	sadd.s32 s3, s8;
	[dreg:$0x1a] =	wrdreg s17  }
0x23: {  	s16 =	simm.s32 $0x5;
	s3 =	sadd.s32 s3, s9;
	[dreg:$0xd] =	wrdreg s8  }
0x24: {  	s9 =	sadd.s32 $0x4E390, s5;
	s17 =	simm.s32 $0xC;
	[dreg:$0xe] =	wrdreg s3  }
0x25: {  	s3 =	sshrl.u32 s18, $0x3;
	s8 =	sadd.s32 $0x4E3E0, s5;
	s5 =	sadd.s32 $0x4E340, s5  }
0x26: {  	s10 =	sshrl.u32 s9, $0x3;
	s18 =	sadd.s32 $0x9C40, s15;
	s9 =	simm.s32 $0x0  }
0x27: {  	s3 =	sadd.s32 s3, s0;
	s5 =	sshrl.u32 s5, $0x3;
	[dreg:$0x1b] =	wrdreg s18  }
0x28: {  	s18 =	simm.s32 $0x16000;
	[dreg:$0xf] =	wrdreg s3;
	s3 =	sadd.s32 s24, s0  }
0x29: {  	s24 =	sadd.s32 $0x9C54, s15;
	[dreg:$0x10] =	wrdreg s3;
	s3 =	sshrl.u32 s8, $0x3  }
0x2a: {  	[dreg:$0x1d] =	wrdreg s24;
	s24 =	simm.s32 $0xD;
	s3 =	sadd.s32 s3, s0  }
0x2b: {  	[dreg:$0x12] =	wrdreg s3;
	s3 =	sadd.s32 s10, s0;
	s0 =	sadd.s32 s5, s0  }
0x2c: {  	s10 =	simm.s32 $0x3;
	s5 =	simm.s32 $0xA;
	[dreg:$0x13] =	wrdreg s3  }
0x2d: {  	v0 =	vimm.f32 $0.0e+00;
	[dreg:$0x14] =	wrdreg s0;
	s0 =	simm.s32 $0x18B00;
	s3 =	simm.s32 $0x9  }
.LBB2_1:
0x2e: {  	[smem:$0x7FD] =	sst s12;
	s8 =	simm.s32 $0x0;
	s12 =	simm.s32 $0x200  }
.LBB2_2:
0x2f: {  	p0 =	sne.s32 s12, $0x9E00;
	[tilespmem:s8+$0x16370] =	vst v0  }
0x30: {  	[tilespmem:s8+$0x16300] =	vst v0  }
0x31: {  	[tilespmem:s8+$0x16310] =	vst v0  }
.Ltmp0:
0x32: {  	[tilespmem:s8+$0x16320] =	vst v0;
	(pc) =	sbr.rel @p0 .LBB2_2-.Ltmp0, $4  }
0x33: {  	[tilespmem:s8+$0x16330] =	vst v0  }
0x34: {  	[tilespmem:s8+$0x16340] =	vst v0  }
0x35: {  	[tilespmem:s8+$0x16350] =	vst v0  }
0x36: {  	[tilespmem:s8+$0x16360] =	vst v0;
	s8 =	sshra.s32 s12, $0x2;
	s12 =	sadd.s32 $0x200, s12  }
0x37: {  	[tilespmem:s8+$0x16370] =	vst v0  }
0x38: {  	[tilespmem:s8+$0x16300] =	vst v0  }
0x39: {  	[tilespmem:s8+$0x16310] =	vst v0  }
0x3a: {  	[tilespmem:s8+$0x16320] =	vst v0  }
0x3b: {  	[tilespmem:s8+$0x16330] =	vst v0  }
0x3c: {  	[tilespmem:s8+$0x16340] =	vst v0  }
0x3d: {  	[tilespmem:s8+$0x16350] =	vst v0  }
0x3e: {  	[tilespmem:s8+$0x16360] =	vst v0  }
0x3f: {  	[spmem:s19] =	stream.linear.scatter [tilespmem:s7], [sflag:$0xD], $0x2800, $0x38;
	[tilespmem:$0x1DB00] =	vst v63  }
0x40: {  	_ =	swait.ge [sflag:s24], $0x2800  }
0x41: {  	[sflag:s24] =	ssyncset.done $0x0  }
0x42: {  	s19 =	rddreg [dreg:$0x6];
	[sflag:s24] =	ssyncadd.s32 $0xFFFFD800  }
0x43: {  	[spmem:s19] =	stream.linear.scatter [tilespmem:s7], [sflag:$0xD], $0x2800, $0x38;
	[tilespmem:$0x1DB00] =	vst v63  }
0x44: {  	_ =	swait.ge [sflag:s24], $0x2800  }
0x45: {  	[sflag:s24] =	ssyncset.done $0x0  }
0x46: {  	[sflag:s24] =	ssyncadd.s32 $0xFFFFD800  }
0x47: {  	[spmem:s20] =	stream.linear.scatter [tilespmem:s7], [sflag:$0xD], $0x2800, $0x38;
	[tilespmem:$0x1DB00] =	vst v63  }
0x48: {  	_ =	swait.ge [sflag:s24], $0x2800  }
0x49: {  	[sflag:s24] =	ssyncset.done $0x0  }
0x4a: {  	s6 =	rddreg [dreg:$0x7];
	[sflag:s24] =	ssyncadd.s32 $0xFFFFD800  }
0x4b: {  	[spmem:s6] =	stream.linear.scatter [tilespmem:s7], [sflag:$0xD], $0x2800, $0x38;
	[tilespmem:$0x1DB00] =	vst v63  }
0x4c: {  	_ =	swait.ge [sflag:s24], $0x2800  }
0x4d: {  	[sflag:s24] =	ssyncset.done $0x0  }
0x4e: {  	[sflag:s24] =	ssyncadd.s32 $0xFFFFD800  }
0x4f: {  	[spmem:s21] =	stream.linear.scatter [tilespmem:s7], [sflag:$0xD], $0x2800, $0x38;
	[tilespmem:$0x1DB00] =	vst v63  }
0x50: {  	_ =	swait.ge [sflag:s24], $0x2800  }
0x51: {  	[sflag:s24] =	ssyncset.done $0x0  }
0x52: {  	s11 =	rddreg [dreg:$0x15];
	[sflag:s24] =	ssyncadd.s32 $0xFFFFD800  }
0x53: {  	[spmem:s11] =	stream.linear.scatter [tilespmem:s7], [sflag:$0xD], $0x2800, $0x38;
	[tilespmem:$0x1DB00] =	vst v63  }
0x54: {  	_ =	swait.ge [sflag:s24], $0x2800  }
0x55: {  	[sflag:s24] =	ssyncset.done $0x0  }
0x56: {  	[sflag:s24] =	ssyncadd.s32 $0xFFFFD800  }
0x57: {  	[spmem:s14] =	stream.linear.scatter [tilespmem:s7], [sflag:$0xD], $0x2800, $0x38;
	[tilespmem:$0x1DB00] =	vst v63  }
0x58: {  	_ =	swait.ge [sflag:s24], $0x2800  }
0x59: {  	[sflag:s24] =	ssyncset.done $0x0  }
0x5a: {  	s12 =	rddreg [dreg:$0x19];
	[sflag:s24] =	ssyncadd.s32 $0xFFFFD800  }
0x5b: {  	[spmem:s12] =	stream.linear.scatter [tilespmem:s7], [sflag:$0xD], $0x2800, $0x38;
	[tilespmem:$0x1DB00] =	vst v63  }
0x5c: {  	_ =	swait.ge [sflag:s24], $0x2800  }
0x5d: {  	[sflag:s24] =	ssyncset.done $0x0  }
0x5e: {  	[sflag:s24] =	ssyncadd.s32 $0xFFFFD800  }
0x5f: {  	[spmem:s23] =	stream.linear.scatter [tilespmem:s7], [sflag:$0xD], $0x2800, $0x38;
	[tilespmem:$0x1DB00] =	vst v63  }
0x60: {  	_ =	swait.ge [sflag:s24], $0x2800  }
0x61: {  	[sflag:s24] =	ssyncset.done $0x0  }
0x62: {  	s13 =	rddreg [dreg:$0x1a];
	[sflag:s24] =	ssyncadd.s32 $0xFFFFD800  }
0x63: {  	[spmem:s13] =	stream.linear.scatter [tilespmem:s7], [sflag:$0xD], $0x2800, $0x38;
	[tilespmem:$0x1DB00] =	vst v63  }
0x64: {  	_ =	swait.ge [sflag:s24], $0x2800  }
0x65: {  	[sflag:s24] =	ssyncset.done $0x0  }
0x66: {  	[sflag:s24] =	ssyncadd.s32 $0xFFFFD800  }
0x67: {  	[bflag:$0x0] =	sbarrier.arrive $0xFFFF  }
0x68: {  	s14 =	simm.s32 $0x0;
	s13 =	simm.s32 $0x13880;
	s12 =	rddreg [dreg:$0x9]  }
0x69: {  	[tilespmem:s13], [sflag:$0xD] =	stream.linear.gather [hbm4b:s12+s14], $0x2710, $0x38;
	[tilespmem:$0x1DB00] =	vst v63  }
0x6a: {  	_ =	swait.ge [sflag:s24], $0x2710  }
0x6b: {  	[sflag:s24] =	ssyncset.done $0x0  }
0x6c: {  	s11 =	simm.s32 $0x16000;
	s19 =	rddreg [dreg:$0x1b];
	[sflag:s24] =	ssyncadd.s32 $0xFFFFD8F0  }
0x6d: {  	[tilespmem:s11], [sflag:$0x1] =	stream.linear.gather [hbm4b:s19+s14], $0x50, $0x38;
	[tilespmem:$0x1DB00] =	vst v63  }
0x6e: {  	s15 =	simm.s32 $0x16080;
	s20 =	rddreg [dreg:$0x1c]  }
0x6f: {  	[tilespmem:s15], [sflag:$0x2] =	stream.linear.gather [hbm4b:s20+s14], $0x50, $0x38;
	[tilespmem:$0x1DB00] =	vst v63  }
0x70: {  	s23 =	simm.s32 $0x16100;
	s21 =	rddreg [dreg:$0x1d]  }
0x71: {  	[tilespmem:s23], [sflag:$0x3] =	stream.linear.gather [hbm4b:s21+s14], $0x50, $0x38;
	[tilespmem:$0x1DB00] =	vst v63  }
0x72: {  	s24 =	rddreg [dreg:$0x1e];
	s20 =	simm.s32 $0x16180  }
0x73: {  	[tilespmem:s20], [sflag:$0x4] =	stream.linear.gather [hbm4b:s24+s14], $0x50, $0x38;
	[tilespmem:$0x1DB00] =	vst v63  }
0x74: {  	_ = 	snop  }
0x75: {  	[tilespmem:s7], [sflag:$0x7] =	stream.indirect.gather [hbm4b:s2+s22], $0x80, s13, s22, $0xb8;
	[tilespmem:$0x1DB00] =	vst v63  }
0x76: {  	_ =	swait.ge [sflag:s25], $0x2800  }
0x77: {  	[sflag:s25] =	ssyncset.done $0x0  }
0x78: {  	[sflag:s25] =	ssyncadd.s32 $0xFFFFD800  }
0x79: {  	_ =	swait.ge [sflag:s26], $0x50  }
0x7a: {  	p0 =	por $0x1, $0x1;
	[sflag:s26] =	ssyncset.done $0x0  }
0x7b: {  	s8 =	simm.s32 @!p0 $0xB;
	[sflag:s26] =	ssyncadd.s32 $0xFFFFFFB0  }
0x7c: {  	[spmem:s4] =	stream.indirect.scatter.add.f32 [tilespmem:s7], [sflag:$0xA], $0x80, s11, s22, $0xb8;
	[tilespmem:$0x1DB00] =	vst v63  }
0x7d: {  	_ =	swait.ge @!p0 [sflag:s8], $0x2800  }
0x7e: {  	[sflag:s8] =	ssyncset.done @!p0 $0x0  }
0x7f: {  	s6 =	simm.s32 $0x16200;
	s21 =	rddreg [dreg:$0x14];
	[sflag:s8] =	ssyncadd.s32 @!p0 $0xFFFFD800  }
0x80: {  	[tilespmem:s6], [sflag:$0x5] =	stream.linear.gather [hbm4b:s21+s1], $0x50, $0x38;
	[tilespmem:$0x1DB00] =	vst v63  }
0x81: {  	s1 =	simm.s32 $0x138D0  }
0x82: {  	[tilespmem:s0], [sflag:$0x8] =	stream.indirect.gather [hbm4b:s2+s22], $0x80, s1, s22, $0xb8;
	[tilespmem:$0x1DB00] =	vst v63  }
0x83: {  	_ =	swait.ge [sflag:s29], $0x2800  }
0x84: {  	[sflag:s29] =	ssyncset.done $0x0  }
0x85: {  	[sflag:s29] =	ssyncadd.s32 $0xFFFFD800  }
0x86: {  	_ =	swait.ge [sflag:s30], $0x50  }
0x87: {  	[sflag:s30] =	ssyncset.done $0x0  }
0x88: {  	s8 =	simm.s32 @!p0 $0xC;
	[sflag:s30] =	ssyncadd.s32 $0xFFFFFFB0  }
0x89: {  	[spmem:s4] =	stream.indirect.scatter.add.f32 [tilespmem:s0], [sflag:$0xB], $0x80, s15, s22, $0xb8;
	[tilespmem:$0x1DB00] =	vst v63  }
0x8a: {  	_ =	swait.ge @!p0 [sflag:s8], $0x2800  }
0x8b: {  	s1 =	smov.u32 s4;
	[sflag:s8] =	ssyncset.done @!p0 $0x0  }
0x8c: {  	s4 =	simm.s32 $0x16280;
	s19 =	rddreg [dreg:$0x13];
	[sflag:s8] =	ssyncadd.s32 @!p0 $0xFFFFD800  }
0x8d: {  	[tilespmem:s4], [sflag:$0x6] =	stream.linear.gather [hbm4b:s19+s9], $0x50, $0x38;
	[tilespmem:$0x1DB00] =	vst v63  }
0x8e: {  	s12 =	simm.s32 $0x13920;
	s13 =	simm.s32 $0x1B300  }
0x8f: {  	[tilespmem:s13], [sflag:$0x9] =	stream.indirect.gather [hbm4b:s2+s22], $0x80, s12, s22, $0xb8;
	[tilespmem:$0x1DB00] =	vst v63  }
0x90: {  	_ =	swait.ge [sflag:s3], $0x2800  }
0x91: {  	[sflag:s3] =	ssyncset.done $0x0  }
0x92: {  	[sflag:s3] =	ssyncadd.s32 $0xFFFFD800  }
0x93: {  	_ =	swait.ge [sflag:s10], $0x50  }
0x94: {  	[sflag:s10] =	ssyncset.done $0x0  }
0x95: {  	[sflag:s10] =	ssyncadd.s32 $0xFFFFFFB0  }
0x96: {  	[spmem:s1] =	stream.indirect.scatter.add.f32 [tilespmem:s13], [sflag:$0xC], $0x80, s23, s22, $0xb8;
	[tilespmem:$0x1DB00] =	vst v63  }
0x97: {  	_ =	swait.ge [sflag:s5], $0x2800  }
0x98: {  	[sflag:s5] =	ssyncset.done $0x0  }
0x99: {  	s13 =	rddreg [dreg:$0x12];
	[sflag:s5] =	ssyncadd.s32 $0xFFFFD800  }
0x9a: {  	[tilespmem:s11], [sflag:$0x1] =	stream.linear.gather [hbm4b:s13+s9], $0x50, $0x38;
	[tilespmem:$0x1DB00] =	vst v63  }
0x9b: {  	s14 =	simm.s32 $0x13970  }
0x9c: {  	[tilespmem:s7], [sflag:$0x7] =	stream.indirect.gather [hbm4b:s2+s22], $0x80, s14, s22, $0xb8;
	[tilespmem:$0x1DB00] =	vst v63  }
0x9d: {  	_ =	swait.ge [sflag:s25], $0x2800  }
0x9e: {  	[sflag:s25] =	ssyncset.done $0x0  }
0x9f: {  	s24 =	simm.s32 $0x4;
	[sflag:s25] =	ssyncadd.s32 $0xFFFFD800  }
0xa0: {  	_ =	swait.ge [sflag:s24], $0x50  }
0xa1: {  	[sflag:s24] =	ssyncset.done $0x0  }
0xa2: {  	s26 =	simm.s32 $0xB;
	[sflag:s24] =	ssyncadd.s32 $0xFFFFFFB0  }
0xa3: {  	[spmem:s1] =	stream.indirect.scatter.add.f32 [tilespmem:s7], [sflag:$0xA], $0x80, s20, s22, $0xb8;
	[tilespmem:$0x1DB00] =	vst v63  }
0xa4: {  	_ =	swait.ge [sflag:s26], $0x2800  }
0xa5: {  	[sflag:s26] =	ssyncset.done $0x0  }
0xa6: {  	s7 =	rddreg [dreg:$0x11];
	[sflag:s26] =	ssyncadd.s32 $0xFFFFD800  }
0xa7: {  	[tilespmem:s15], [sflag:$0x2] =	stream.linear.gather [hbm4b:s7+s9], $0x50, $0x38;
	[tilespmem:$0x1DB00] =	vst v63  }
0xa8: {  	s24 =	simm.s32 $0x139C0  }
0xa9: {  	[tilespmem:s0], [sflag:$0x8] =	stream.indirect.gather [hbm4b:s2+s22], $0x80, s24, s22, $0xb8;
	[tilespmem:$0x1DB00] =	vst v63  }
0xaa: {  	_ =	swait.ge [sflag:s29], $0x2800  }
0xab: {  	[sflag:s29] =	ssyncset.done $0x0  }
0xac: {  	[sflag:s29] =	ssyncadd.s32 $0xFFFFD800  }
0xad: {  	_ =	swait.ge [sflag:s16], $0x50  }
0xae: {  	[sflag:s16] =	ssyncset.done $0x0  }
0xaf: {  	[sflag:s16] =	ssyncadd.s32 $0xFFFFFFB0  }
0xb0: {  	[spmem:s1] =	stream.indirect.scatter.add.f32 [tilespmem:s0], [sflag:$0xB], $0x80, s6, s22, $0xb8;
	[tilespmem:$0x1DB00] =	vst v63  }
0xb1: {  	_ =	swait.ge [sflag:s17], $0x2800  }
0xb2: {  	[sflag:s17] =	ssyncset.done $0x0  }
0xb3: {  	s12 =	rddreg [dreg:$0x10];
	[sflag:s17] =	ssyncadd.s32 $0xFFFFD800  }
0xb4: {  	[tilespmem:s23], [sflag:$0x3] =	stream.linear.gather [hbm4b:s12+s9], $0x50, $0x38;
	[tilespmem:$0x1DB00] =	vst v63  }
0xb5: {  	s26 =	simm.s32 $0x13A10;
	s15 =	simm.s32 $0x1B300  }
0xb6: {  	[tilespmem:s15], [sflag:$0x9] =	stream.indirect.gather [hbm4b:s2+s22], $0x80, s26, s22, $0xb8;
	[tilespmem:$0x1DB00] =	vst v63  }
0xb7: {  	_ =	swait.ge [sflag:s3], $0x2800  }
0xb8: {  	[sflag:s3] =	ssyncset.done $0x0  }
0xb9: {  	[sflag:s3] =	ssyncadd.s32 $0xFFFFD800  }
0xba: {  	_ =	swait.ge [sflag:s28], $0x50  }
0xbb: {  	[sflag:s28] =	ssyncset.done $0x0  }
0xbc: {  	s21 =	sadd.s32 $0x3C, s21;
	s30 =	simm.s32 $0x1;
	[sflag:s28] =	ssyncadd.s32 $0xFFFFFFB0  }
0xbd: {  	[spmem:s1] =	stream.indirect.scatter.add.f32 [tilespmem:s15], [sflag:$0xC], $0x80, s4, s22, $0xb8;
	[tilespmem:$0x1DB00] =	vst v63  }
0xbe: {  	s11 =	simm.s32 $0x16300;
	s24 =	sadd.s32 $0x3C, s19;
	_ =	swait.ge [sflag:s5], $0x2800  }
0xbf: {  	s19 =	sadd.s32 $0x3C, s7;
	s0 =	simm.s32 $0x18B00;
	[sflag:s5] =	ssyncset.done $0x0  }
0xc0: {  	s23 =	sadd.s32 $0x3C, s13;
	s8 =	rddreg [dreg:$0xf];
	[sflag:s5] =	ssyncadd.s32 $0xFFFFD800  }
0xc1: {  	[tilespmem:s20], [sflag:$0x4] =	stream.linear.gather [hbm4b:s8+s9], $0x50, $0x38;
	[tilespmem:$0x1DB00] =	vst v63  }
0xc2: {  	s13 =	simm.s32 $0x13A60;
	s4 =	smov.u32 s1;
	s20 =	simm.s32 $0x780  }
.LBB2_4:
0xc3: {  	s8 =	sadd.s32 $0x3C, s8  }
0xc4: {  	s12 =	sadd.s32 $0x3C, s12;
	s14 =	smov.u32 s20;
	s20 =	sadd.s32 $0x780, s20  }
0xc5: {  	[tilespmem:s11], [sflag:$0x7] =	stream.indirect.gather [hbm4b:s2+s22], $0x80, s13, s22, $0xb8;
	[tilespmem:$0x1DB00] =	vst v63  }
0xc6: {  	p0 =	sne.s32 s20, $0x9600;
	_ =	swait.ge [sflag:s25], $0x2800  }
0xc7: {  	[sflag:s25] =	ssyncset.done $0x0  }
0xc8: {  	[sflag:s25] =	ssyncadd.s32 $0xFFFFD800  }
0xc9: {  	_ =	swait.ge [sflag:s30], $0x50  }
0xca: {  	[sflag:s30] =	ssyncset.done $0x0  }
0xcb: {  	s26 =	simm.s32 $0x16000;
	p1 =	seq.s32 s14, $0x0;
	[sflag:s30] =	ssyncadd.s32 $0xFFFFFFB0  }
0xcc: {  	[spmem:s4] =	stream.indirect.scatter.add.f32 [tilespmem:s11], [sflag:$0xA], $0x80, s26, s22, $0xb8;
	[tilespmem:$0x1DB00] =	vst v63  }
0xcd: {  	s13 =	simm.s32 @!p1 $0xB  }
0xce: {  	_ =	swait.ge @!p1 [sflag:s13], $0x2800  }
0xcf: {  	[sflag:s13] =	ssyncset.done @!p1 $0x0  }
0xd0: {  	s6 =	simm.s32 $0x16200;
	[sflag:s13] =	ssyncadd.s32 @!p1 $0xFFFFD800;
	s13 =	sshra.s32 s14, $0x2  }
0xd1: {  	[tilespmem:s6], [sflag:$0x5] =	stream.linear.gather [hbm4b:s21+s9], $0x50, $0x38;
	[tilespmem:$0x1DB00] =	vst v63  }
0xd2: {  	s14 =	sadd.s32 $0x138D0, s13  }
0xd3: {  	[tilespmem:s0], [sflag:$0x8] =	stream.indirect.gather [hbm4b:s2+s22], $0x80, s14, s22, $0xb8;
	[tilespmem:$0x1DB00] =	vst v63  }
0xd4: {  	_ =	swait.ge [sflag:s29], $0x2800  }
0xd5: {  	[sflag:s29] =	ssyncset.done $0x0  }
0xd6: {  	[sflag:s29] =	ssyncadd.s32 $0xFFFFD800  }
0xd7: {  	_ =	swait.ge [sflag:s31], $0x50  }
0xd8: {  	[sflag:s31] =	ssyncset.done $0x0  }
0xd9: {  	s7 =	simm.s32 $0x16080;
	s14 =	simm.s32 @!p1 $0xC;
	[sflag:s31] =	ssyncadd.s32 $0xFFFFFFB0  }
0xda: {  	[spmem:s4] =	stream.indirect.scatter.add.f32 [tilespmem:s0], [sflag:$0xB], $0x80, s7, s22, $0xb8;
	[tilespmem:$0x1DB00] =	vst v63  }
0xdb: {  	_ =	swait.ge @!p1 [sflag:s14], $0x2800  }
0xdc: {  	[sflag:s14] =	ssyncset.done @!p1 $0x0  }
0xdd: {  	s4 =	simm.s32 $0x16280;
	[sflag:s14] =	ssyncadd.s32 @!p1 $0xFFFFD800;
	s14 =	sadd.s32 $0x13920, s13  }
0xde: {  	[tilespmem:s4], [sflag:$0x6] =	stream.linear.gather [hbm4b:s24+s9], $0x50, $0x38;
	[tilespmem:$0x1DB00] =	vst v63  }
0xdf: {  	_ = 	snop  }
0xe0: {  	[tilespmem:s15], [sflag:$0x9] =	stream.indirect.gather [hbm4b:s2+s22], $0x80, s14, s22, $0xb8;
	[tilespmem:$0x1DB00] =	vst v63  }
0xe1: {  	_ =	swait.ge [sflag:s3], $0x2800  }
0xe2: {  	[sflag:s3] =	ssyncset.done $0x0  }
0xe3: {  	[sflag:s3] =	ssyncadd.s32 $0xFFFFD800  }
0xe4: {  	_ =	swait.ge [sflag:s10], $0x50  }
0xe5: {  	[sflag:s10] =	ssyncset.done $0x0  }
0xe6: {  	s15 =	simm.s32 $0x16100;
	[sflag:s10] =	ssyncadd.s32 $0xFFFFFFB0;
	s10 =	simm.s32 $0x1B300  }
0xe7: {  	[spmem:s1] =	stream.indirect.scatter.add.f32 [tilespmem:s10], [sflag:$0xC], $0x80, s15, s22, $0xb8;
	[tilespmem:$0x1DB00] =	vst v63  }
0xe8: {  	_ =	swait.ge [sflag:s5], $0x2800  }
0xe9: {  	[sflag:s5] =	ssyncset.done $0x0  }
0xea: {  	s14 =	sadd.s32 $0x13970, s13;
	[sflag:s5] =	ssyncadd.s32 $0xFFFFD800  }
0xeb: {  	[tilespmem:s26], [sflag:$0x1] =	stream.linear.gather [hbm4b:s23+s9], $0x50, $0x38;
	[tilespmem:$0x1DB00] =	vst v63  }
0xec: {  	_ = 	snop  }
0xed: {  	[tilespmem:s11], [sflag:$0x7] =	stream.indirect.gather [hbm4b:s2+s22], $0x80, s14, s22, $0xb8;
	[tilespmem:$0x1DB00] =	vst v63  }
0xee: {  	_ =	swait.ge [sflag:s25], $0x2800  }
0xef: {  	[sflag:s25] =	ssyncset.done $0x0  }
0xf0: {  	s10 =	simm.s32 $0x4;
	[sflag:s25] =	ssyncadd.s32 $0xFFFFD800  }
0xf1: {  	_ =	swait.ge [sflag:s10], $0x50  }
0xf2: {  	[sflag:s10] =	ssyncset.done $0x0  }
0xf3: {  	s14 =	simm.s32 $0xB;
	[sflag:s10] =	ssyncadd.s32 $0xFFFFFFB0;
	s10 =	simm.s32 $0x16180  }
0xf4: {  	[spmem:s1] =	stream.indirect.scatter.add.f32 [tilespmem:s11], [sflag:$0xA], $0x80, s10, s22, $0xb8;
	[tilespmem:$0x1DB00] =	vst v63  }
0xf5: {  	_ =	swait.ge [sflag:s14], $0x2800  }
0xf6: {  	[sflag:s14] =	ssyncset.done $0x0  }
0xf7: {  	s26 =	simm.s32 $0x16080;
	[sflag:s14] =	ssyncadd.s32 $0xFFFFD800;
	s14 =	sadd.s32 $0x139C0, s13  }
0xf8: {  	[tilespmem:s7], [sflag:$0x2] =	stream.linear.gather [hbm4b:s19+s9], $0x50, $0x38;
	[tilespmem:$0x1DB00] =	vst v63  }
0xf9: {  	_ = 	snop  }
0xfa: {  	[tilespmem:s0], [sflag:$0x8] =	stream.indirect.gather [hbm4b:s2+s22], $0x80, s14, s22, $0xb8;
	[tilespmem:$0x1DB00] =	vst v63  }
0xfb: {  	_ =	swait.ge [sflag:s29], $0x2800  }
0xfc: {  	[sflag:s29] =	ssyncset.done $0x0  }
0xfd: {  	[sflag:s29] =	ssyncadd.s32 $0xFFFFD800  }
0xfe: {  	_ =	swait.ge [sflag:s16], $0x50  }
0xff: {  	[sflag:s16] =	ssyncset.done $0x0  }
0x100: {  	[sflag:s16] =	ssyncadd.s32 $0xFFFFFFB0  }
0x101: {  	[spmem:s1] =	stream.indirect.scatter.add.f32 [tilespmem:s0], [sflag:$0xB], $0x80, s6, s22, $0xb8;
	[tilespmem:$0x1DB00] =	vst v63  }
0x102: {  	_ =	swait.ge [sflag:s17], $0x2800  }
0x103: {  	[sflag:s17] =	ssyncset.done $0x0  }
0x104: {  	s14 =	sadd.s32 $0x13A10, s13;
	[sflag:s17] =	ssyncadd.s32 $0xFFFFD800  }
0x105: {  	[tilespmem:s15], [sflag:$0x3] =	stream.linear.gather [hbm4b:s12+s9], $0x50, $0x38;
	[tilespmem:$0x1DB00] =	vst v63  }
0x106: {  	s6 =	simm.s32 $0x16100;
	s15 =	simm.s32 $0x1B300;
	_ =	sdelay $0x1  }
0x107: {  	[tilespmem:s15], [sflag:$0x9] =	stream.indirect.gather [hbm4b:s2+s22], $0x80, s14, s22, $0xb8;
	[tilespmem:$0x1DB00] =	vst v63  }
0x108: {  	_ =	swait.ge [sflag:s3], $0x2800  }
0x109: {  	[sflag:s3] =	ssyncset.done $0x0  }
0x10a: {  	[sflag:s3] =	ssyncadd.s32 $0xFFFFD800  }
0x10b: {  	_ =	swait.ge [sflag:s28], $0x50  }
0x10c: {  	[sflag:s28] =	ssyncset.done $0x0  }
0x10d: {  	[sflag:s28] =	ssyncadd.s32 $0xFFFFFFB0  }
0x10e: {  	[spmem:s1] =	stream.indirect.scatter.add.f32 [tilespmem:s15], [sflag:$0xC], $0x80, s4, s22, $0xb8;
	[tilespmem:$0x1DB00] =	vst v63  }
0x10f: {  	s4 =	smov.u32 s1  }
.Ltmp1:
0x110: {  	s21 =	sadd.s32 $0x3C, s21;
	_ =	swait.ge [sflag:s5], $0x2800;
	(pc) =	sbr.rel @p0 .LBB2_4-.Ltmp1, $4  }
0x111: {  	s24 =	sadd.s32 $0x3C, s24;
	s23 =	sadd.s32 $0x3C, s23;
	[sflag:s5] =	ssyncset.done $0x0  }
0x112: {  	s19 =	sadd.s32 $0x3C, s19;
	s13 =	sadd.s32 $0x13A60, s13;
	[sflag:s5] =	ssyncadd.s32 $0xFFFFD800  }
0x113: {  	[tilespmem:s10], [sflag:$0x4] =	stream.linear.gather [hbm4b:s8+s9], $0x50, $0x38;
	[tilespmem:$0x1DB00] =	vst v63  }
0x114: {  	s14 =	simm.s32 $0x16180;
	s10 =	simm.s32 $0x3  }
0x115: {  	[tilespmem:s11], [sflag:$0x7] =	stream.indirect.gather [hbm4b:s2+s22], $0x80, s13, s22, $0xb8;
	[tilespmem:$0x1DB00] =	vst v63  }
0x116: {  	_ =	swait.ge [sflag:s25], $0x2800  }
0x117: {  	[sflag:s25] =	ssyncset.done $0x0  }
0x118: {  	[sflag:s25] =	ssyncadd.s32 $0xFFFFD800  }
0x119: {  	_ =	swait.ge [sflag:s30], $0x50  }
0x11a: {  	[sflag:s30] =	ssyncset.done $0x0  }
0x11b: {  	s7 =	simm.s32 $0xB;
	[sflag:s30] =	ssyncadd.s32 $0xFFFFFFB0  }
0x11c: {  	[spmem:s4] =	stream.indirect.scatter.add.f32 [tilespmem:s11], [sflag:$0xA], $0x80, s18, s22, $0xb8;
	[tilespmem:$0x1DB00] =	vst v63  }
0x11d: {  	_ =	swait.ge [sflag:s7], $0x2800  }
0x11e: {  	[sflag:s7] =	ssyncset.done $0x0  }
0x11f: {  	s12 =	simm.s32 $0x16200;
	s8 =	rddreg [dreg:$0x1f];
	[sflag:s7] =	ssyncadd.s32 $0xFFFFD800  }
0x120: {  	[tilespmem:s12], [sflag:$0x5] =	stream.linear.gather [hbm4b:s8+s9], $0x50, $0x38;
	[tilespmem:$0x1DB00] =	vst v63  }
0x121: {  	s24 =	simm.s32 $0x15E50  }
0x122: {  	[tilespmem:s0], [sflag:$0x8] =	stream.indirect.gather [hbm4b:s2+s22], $0x80, s24, s22, $0xb8;
	[tilespmem:$0x1DB00] =	vst v63  }
0x123: {  	_ =	swait.ge [sflag:s29], $0x2800  }
0x124: {  	[sflag:s29] =	ssyncset.done $0x0  }
0x125: {  	[sflag:s29] =	ssyncadd.s32 $0xFFFFD800  }
0x126: {  	_ =	swait.ge [sflag:s31], $0x50  }
0x127: {  	[sflag:s31] =	ssyncset.done $0x0  }
0x128: {  	[sflag:s31] =	ssyncadd.s32 $0xFFFFFFB0  }
0x129: {  	[spmem:s4] =	stream.indirect.scatter.add.f32 [tilespmem:s0], [sflag:$0xB], $0x80, s26, s22, $0xb8;
	[tilespmem:$0x1DB00] =	vst v63  }
0x12a: {  	_ =	swait.ge [sflag:s17], $0x2800  }
0x12b: {  	[sflag:s17] =	ssyncset.done $0x0  }
0x12c: {  	s1 =	simm.s32 $0x15EA0;
	[sflag:s17] =	ssyncadd.s32 $0xFFFFD800  }
0x12d: {  	[tilespmem:s15], [sflag:$0x9] =	stream.indirect.gather [hbm4b:s2+s22], $0x80, s1, s22, $0xb8;
	[tilespmem:$0x1DB00] =	vst v63  }
0x12e: {  	_ =	swait.ge [sflag:s3], $0x2800  }
0x12f: {  	[sflag:s3] =	ssyncset.done $0x0  }
0x130: {  	[sflag:s3] =	ssyncadd.s32 $0xFFFFD800  }
0x131: {  	_ =	swait.ge [sflag:s10], $0x50  }
0x132: {  	[sflag:s10] =	ssyncset.done $0x0  }
0x133: {  	[sflag:s10] =	ssyncadd.s32 $0xFFFFFFB0  }
0x134: {  	[spmem:s4] =	stream.indirect.scatter.add.f32 [tilespmem:s15], [sflag:$0xC], $0x80, s6, s22, $0xb8;
	[tilespmem:$0x1DB00] =	vst v63  }
0x135: {  	_ =	swait.ge [sflag:s5], $0x2800  }
0x136: {  	[sflag:s5] =	ssyncset.done $0x0  }
0x137: {  	s6 =	simm.s32 $0x15EF0;
	[sflag:s5] =	ssyncadd.s32 $0xFFFFD800  }
0x138: {  	[tilespmem:s11], [sflag:$0x7] =	stream.indirect.gather [hbm4b:s2+s22], $0x80, s6, s22, $0xb8;
	[tilespmem:$0x1DB00] =	vst v63  }
0x139: {  	_ =	swait.ge [sflag:s25], $0x2800  }
0x13a: {  	[sflag:s25] =	ssyncset.done $0x0  }
0x13b: {  	s1 =	simm.s32 $0x4;
	[sflag:s25] =	ssyncadd.s32 $0xFFFFD800  }
0x13c: {  	_ =	swait.ge [sflag:s1], $0x50  }
0x13d: {  	[sflag:s1] =	ssyncset.done $0x0  }
0x13e: {  	[sflag:s1] =	ssyncadd.s32 $0xFFFFFFB0  }
0x13f: {  	[spmem:s4] =	stream.indirect.scatter.add.f32 [tilespmem:s11], [sflag:$0xA], $0x80, s14, s22, $0xb8;
	[tilespmem:$0x1DB00] =	vst v63  }
0x140: {  	_ =	swait.ge [sflag:s7], $0x2800  }
0x141: {  	[sflag:s7] =	ssyncset.done $0x0  }
0x142: {  	s13 =	simm.s32 $0x15F40;
	[sflag:s7] =	ssyncadd.s32 $0xFFFFD800  }
0x143: {  	[tilespmem:s0], [sflag:$0x8] =	stream.indirect.gather [hbm4b:s2+s22], $0x80, s13, s22, $0xb8;
	[tilespmem:$0x1DB00] =	vst v63  }
0x144: {  	_ =	swait.ge [sflag:s29], $0x2800  }
0x145: {  	[sflag:s29] =	ssyncset.done $0x0  }
0x146: {  	[sflag:s29] =	ssyncadd.s32 $0xFFFFD800  }
0x147: {  	_ =	swait.ge [sflag:s16], $0x50  }
0x148: {  	[sflag:s16] =	ssyncset.done $0x0  }
0x149: {  	[sflag:s16] =	ssyncadd.s32 $0xFFFFFFB0  }
0x14a: {  	[spmem:s4] =	stream.indirect.scatter.add.f32 [tilespmem:s0], [sflag:$0xB], $0x80, s12, s22, $0xb8;
	[tilespmem:$0x1DB00] =	vst v63  }
0x14b: {  	_ =	swait.ge [sflag:s17], $0x2800  }
0x14c: {  	[sflag:s17] =	ssyncset.done $0x0  }
0x14d: {  	[sflag:s17] =	ssyncadd.s32 $0xFFFFD800  }
0x14e: {  	_ =	swait.ge [sflag:s5], $0x2800  }
0x14f: {  	[sflag:s5] =	ssyncset.done $0x0  }
0x150: {  	[sflag:s5] =	ssyncadd.s32 $0xFFFFD800  }
0x151: {  	_ =	swait.ge [sflag:s7], $0x2800  }
0x152: {  	[sflag:s7] =	ssyncset.done $0x0  }
0x153: {  	[sflag:s7] =	ssyncadd.s32 $0xFFFFD800  }
0x154: {  	s14 =	stileid.u32;
	[bflag:$0x0] =	sbarrier.arrive $0xFFFF  }
0x155: {  	s24 =	simm.s32 $0xD;
	s8 =	sshll.u32 s14, $0x6;
	s19 =	rddreg [dreg:$0x4]  }
0x156: {  	s8 =	sor.u32 $0x1C0D, s8;
	s20 =	rddreg [dreg:$0xa];
	s15 =	sshrl.u32 s19, $0x3  }
0x157: {  	[hbm:s20], [sflag:s8] =	dma.local [spmem:s15], $0x800  }
0x158: {  	_ =	swait.ge [sflag:s24], $0x800  }
0x159: {  	[sflag:s24] =	ssyncset.done $0x0;
	s20 =	rddreg [dreg:$0x5]  }
0x15a: {  	s23 =	rddreg [dreg:$0xb];
	[sflag:s24] =	ssyncadd.s32 $0xFFFFF800;
	s21 =	sshrl.u32 s20, $0x3  }
0x15b: {  	[hbm:s23], [sflag:s8] =	dma.local [spmem:s21], $0x800  }
0x15c: {  	_ =	swait.ge [sflag:s24], $0x800  }
0x15d: {  	[sflag:s24] =	ssyncset.done $0x0;
	s21 =	rddreg [dreg:$0x8]  }
0x15e: {  	s0 =	rddreg [dreg:$0xc];
	[sflag:s24] =	ssyncadd.s32 $0xFFFFF800;
	s26 =	sshrl.u32 s21, $0x3  }
0x15f: {  	[hbm:s0], [sflag:s8] =	dma.local [spmem:s26], $0x800  }
0x160: {  	_ =	swait.ge [sflag:s24], $0x800  }
0x161: {  	[sflag:s24] =	ssyncset.done $0x0;
	s14 =	rddreg [dreg:$0x16]  }
0x162: {  	s6 =	rddreg [dreg:$0xd];
	[sflag:s24] =	ssyncadd.s32 $0xFFFFF800;
	s1 =	sshrl.u32 s14, $0x3  }
0x163: {  	[hbm:s6], [sflag:s8] =	dma.local [spmem:s1], $0x800  }
0x164: {  	_ =	swait.ge [sflag:s24], $0x800  }
0x165: {  	[sflag:s24] =	ssyncset.done $0x0;
	s23 =	rddreg [dreg:$0x17]  }
0x166: {  	s11 =	rddreg [dreg:$0xe];
	[sflag:s24] =	ssyncadd.s32 $0xFFFFF800;
	s7 =	sshrl.u32 s23, $0x3  }
0x167: {  	[hbm:s11], [sflag:s8] =	dma.local [spmem:s7], $0x800  }
0x168: {  	_ =	swait.ge [sflag:s24], $0x800  }
0x169: {  	s15 =	sld [smem:$0x7FD];
	_ =	sdelay $0x2  }
0x16a: {  	s26 =	rddreg [dreg:$0x18];
	s12 =	sadd.s32 $0x1, s15  }
0x16b: {  	p0 =	sne.s32 s12, s26  }
.Ltmp2:
0x16c: {  	_ = 	snop;
	(pc) =	sbr.rel @p0 .LBB2_1-.Ltmp2, $4  }
0x16d: {  	_ = 	snop  }
0x16e: {  	s30 =	simm.s32 $0x2  }
0x16f: {  	s0 =	simm.s32 $0x18B00;
	s1 =	simm.s32 $0x0;
	[sflag:s24] =	ssyncset.done $0x0  }
0x170: {  	s7 =	simm.s32 $0x16300;
	[sflag:s24] =	ssyncadd.s32 $0xFFFFF800;
	s26 =	simm.s32 $0x1  }
0x171: {  	_ =	sfence.sel $0x180000  }
0x172: {  	[bflag:$0x0] =	sbarrier.arrive $0xFFFF  }
0x173: {  	_ =	strace $0x9000004A  }
0x174: {  	s0 =	stileid.u32;
	[bflag:$0x2] =	sbarrier.arrive $0xFFFF  }
0x175: {  	p0 =	sne.s32 s0, $0x0;
	s0 =	rddreg [dreg:$0x3]  }
0x176: {  	s0 =	sadd.s32 @!p0 $0x100000, s0  }
0x177: {  	[sflag:s0] =	ssyncadd.tile.s32 @!p0 $0x1;
	_ =	shalt  }
.Lfunc_end2:
_tile_overlayer_lowered:
.L_overlay_start_2:
0x178: {  	(tag) =	ssettag $0x2  }
0x179: {  	s0 =	rddreg [dreg:$0x0];
	s2 =	stileid.u32  }
0x17a: {  	s1 =	rddreg [dreg:$0x1];
	p0 =	sne.s32 s2, $0x0  }
0x17b: {  	s3 =	rddreg [dreg:$0x2];
	[bflag:$0x3] =	sbarrier.arrive $0xFFFF;
	s2 =	simm.s32 @!p0 $0x1C0D  }
0x17c: {  	[timem:s3], [sflag:s2] =	dma.local @!p0 [hbm:s0], s1  }
0x17d: {  	s0 =	simm.s32 @!p0 $0xD  }
0x17e: {  	_ =	swait.ge @!p0 [sflag:s0], s1  }
0x17f: {  	s1 =	ssub.s32 @!p0 $0x0, s1;
	[sflag:s0] =	ssyncset.done @!p0 $0x0  }
0x180: {  	[sflag:s0] =	ssyncadd.s32 @!p0 s1  }
0x181: {  	[bflag:$0x3] =	sbarrier.arrive $0xFFFF  }
0x182: {  	_ =	shalt  }

// kernel: kernel.14.cloned.1.call-start
scs
__scs_entry_jumppad:
0x0: {  	(pc) =	sbr.rel $0x88, $3  }
0x1: {  	(tag) =	ssettag $0x0;
	lr =	simm.s32 $0x1  }
0x2: {  	[smem:$0x3F99] =	sst lr;
	_ =	strace $0xD0000000  }
0x3: {  	_ = 	snop  }
0x4: {  	_ = 	snop  }
0x5: {  	_ = 	snop  }
0x6: {  	_ = 	snop  }
0x7: {  	_ = 	snop  }
__scs_overlays_trampoline_lowered:
0x8: {  	[smem:$0x3FA8] =	sst s0  }
0x9: {  	[smem:$0x3FA9] =	sst s1  }
0xa: {  	[smem:$0x3FAA] =	sst s2  }
0xb: {  	[smem:$0x3FAB] =	sst s3  }
0xc: {  	[smem:$0x3FAC] =	sst s4  }
0xd: {  	[smem:$0x3FAD] =	sst s5  }
0xe: {  	[smem:$0x3FAE] =	sst s6  }
0xf: {  	[smem:$0x3FAF] =	sst s7  }
0x10: {  	[smem:$0x3FB0] =	sst s8  }
0x11: {  	[smem:$0x3FB1] =	sst s9;
	s0 =	simm.s32 @!p0 $0x0  }
0x12: {  	s1 =	sld [smem:$0x3F97];
	s0 =	simm.s32 @p0 $0x1  }
0x13: {  	[smem:$0x3FB2] =	sst s0;
	s0 =	simm.s32 @!p1 $0x0  }
0x14: {  	s2 =	sld [smem:$0x3F96];
	s0 =	simm.s32 @p1 $0x1  }
0x15: {  	[smem:$0x3FB3] =	sst s0;
	s0 =	simm.s32 @!p2 $0x0  }
0x16: {  	s3 =	sld [smem:$0x3FDB];
	s0 =	simm.s32 @p2 $0x1  }
0x17: {  	s4 =	simm.s32 $0x1BF5;
	[smem:$0x3FB5] =	sst s0  }
0x18: {  	s0 =	sld [smem:$0x3F98];
	_ =	swait.ge [sflag:s4], $0x0  }
0x19: {  	s7 =	sld [smem:$0x3F99]  }
0x1a: {  	s8 =	sadd.s32 $0xFFFFE003, lr  }
0x1b: {  	s9 =	sadd.s32 $0xFFFFFEF7, lr;
	s5 =	simm.s32 $0xFFFFFFFF;
	p2 =	slt.u32 s8, $0xFFFFF086  }
0x1c: {  	p1 =	slt.u32 s9, $0xF7A;
	s5 =	simm.s32 @!p2 $0x0  }
0x1d: {  	s5 =	simm.s32 @p1 $0x1;
	p0 =	seq.s32 s7, s2  }
0x1e: {  	s7 =	smul.u32 @!p0 $0xF7A, s2;
	p2 =	seq.s32 @!p0 s5, $0x0  }
0x1f: {  	s9 =	smul.u32 $0xF7A, s1;
	s8 =	simm.s32 @!p0 $0x1BF5;
	p2 =	por !p2, p0  }
0x20: {  	[sflag:s8] =	ssyncset.s32 @!p0 $0xFFFFF086;
	s6 =	sadd.s32 @!p0 s3, s7;
	s7 =	simm.s32 @!p0 $0x108  }
0x21: {  	s3 =	sadd.s32 s3, s9;
	s6 =	sadd.s32 @!p0 $0x88, s6;
	s7 =	simm.s32 @p2 $0x1082  }
0x22: {  	[simem:s7], [sflag:s8] =	dma.local @!p0 [hbm:s6], $0xF7A  }
0x23: {  	s9 =	sor.u32 $0xD0000000, s2;
	s6 =	simm.s32 $0x108;
	_ =	swait.ge @!p0 [sflag:s8], $0x0  }
0x24: {  	s3 =	sadd.s32 $0x88, s3;
	s6 =	simm.s32 @!p1 $0x1082;
	[sflag:s4] =	ssyncset.s32 $0xFFFFF086  }
0x25: {  	[simem:s6], [sflag:s4] =	dma.local [hbm:s3], $0xF7A  }
0x26: {  	[smem:$0x3F99] =	sst s1;
	(tag) =	ssettag s2;
	_ =	strace s9  }
0x27: {  	s1 =	sld [smem:$0x3FA9]  }
0x28: {  	s2 =	sld [smem:$0x3FAA]  }
0x29: {  	s4 =	sld [smem:$0x3FAC]  }
0x2a: {  	p0 =	seq.s32 s5, $0x0;
	s5 =	sld [smem:$0x3FAD]  }
0x2b: {  	s6 =	sld [smem:$0x3FAE]  }
0x2c: {  	s7 =	sld [smem:$0x3FAF]  }
0x2d: {  	s3 =	simm.s32 $0x108;
	s8 =	sld [smem:$0x3FB0]  }
0x2e: {  	s3 =	simm.s32 @!p0 $0x1082;
	s9 =	sld [smem:$0x3FB1]  }
0x2f: {  	lr =	sadd.s32 s0, s3;
	s0 =	sld [smem:$0x3FA8]  }
0x30: {  	s3 =	sld [smem:$0x3FAB]  }
0x31: {  	[smem:$0x3FB4] =	sst s10  }
0x32: {  	s10 =	sld [smem:$0x3FB2];
	_ =	sdelay $0x3  }
0x33: {  	p0 =	seq.s32 s10, $0x1;
	s10 =	sld [smem:$0x3FB4];
	_ =	sdelay $0x3  }
0x34: {  	[smem:$0x3FB4] =	sst s10  }
0x35: {  	s10 =	sld [smem:$0x3FB3];
	_ =	sdelay $0x3  }
0x36: {  	p1 =	seq.s32 s10, $0x1;
	s10 =	sld [smem:$0x3FB4];
	_ =	sdelay $0x3  }
0x37: {  	[smem:$0x3FB4] =	sst s10  }
0x38: {  	s10 =	sld [smem:$0x3FB5]  }
0x39: {  	_ = 	snop;
	(pc) =	sbr.ind lr, $3  }
0x3a: {  	_ = 	snop  }
0x3b: {  	_ = 	snop  }
0x3c: {  	p2 =	seq.s32 s10, $0x1;
	s10 =	sld [smem:$0x3FB4]  }
0x3d: {  	_ =	shalt  }
0x3e: {  	_ =	shalt  }
0x3f: {  	_ =	shalt  }
0x40: {  	_ =	shalt  }
0x41: {  	_ =	shalt  }
0x42: {  	_ =	shalt  }
0x43: {  	_ =	shalt  }
0x44: {  	_ =	shalt  }
0x45: {  	_ =	shalt  }
0x46: {  	_ =	shalt  }
0x47: {  	_ =	shalt  }
0x48: {  	_ =	shalt  }
0x49: {  	_ =	shalt  }
0x4a: {  	_ =	shalt  }
0x4b: {  	_ =	shalt  }
0x4c: {  	_ =	shalt  }
0x4d: {  	_ =	shalt  }
0x4e: {  	_ =	shalt  }
0x4f: {  	_ =	shalt  }
0x50: {  	_ =	shalt  }
0x51: {  	_ =	shalt  }
0x52: {  	_ =	shalt  }
0x53: {  	_ =	shalt  }
0x54: {  	_ =	shalt  }
0x55: {  	_ =	shalt  }
0x56: {  	_ =	shalt  }
0x57: {  	_ =	shalt  }
0x58: {  	_ =	shalt  }
0x59: {  	_ =	shalt  }
0x5a: {  	_ =	shalt  }
0x5b: {  	_ =	shalt  }
0x5c: {  	_ =	shalt  }
0x5d: {  	_ =	shalt  }
0x5e: {  	_ =	shalt  }
0x5f: {  	_ =	shalt  }
0x60: {  	_ =	shalt  }
0x61: {  	_ =	shalt  }
0x62: {  	_ =	shalt  }
0x63: {  	_ =	shalt  }
0x64: {  	_ =	shalt  }
0x65: {  	_ =	shalt  }
0x66: {  	_ =	shalt  }
0x67: {  	_ =	shalt  }
0x68: {  	_ =	shalt  }
0x69: {  	_ =	shalt  }
0x6a: {  	_ =	shalt  }
0x6b: {  	_ =	shalt  }
0x6c: {  	_ =	shalt  }
0x6d: {  	_ =	shalt  }
0x6e: {  	_ =	shalt  }
0x6f: {  	_ =	shalt  }
0x70: {  	_ =	shalt  }
0x71: {  	_ =	shalt  }
0x72: {  	_ =	shalt  }
0x73: {  	_ =	shalt  }
0x74: {  	_ =	shalt  }
0x75: {  	_ =	shalt  }
0x76: {  	_ =	shalt  }
0x77: {  	_ =	shalt  }
0x78: {  	_ =	shalt  }
0x79: {  	_ =	shalt  }
0x7a: {  	_ =	shalt  }
0x7b: {  	_ =	shalt  }
0x7c: {  	_ =	shalt  }
0x7d: {  	_ =	shalt  }
0x7e: {  	_ =	shalt  }
0x7f: {  	_ =	shalt  }
0x80: {  	_ =	shalt  }
0x81: {  	_ =	shalt  }
0x82: {  	_ =	shalt  }
0x83: {  	_ =	shalt  }
0x84: {  	_ =	shalt  }
0x85: {  	_ =	shalt  }
0x86: {  	_ =	shalt  }
0x87: {  	_ =	shalt  }
.Lfunc_end0:
.L_simem_size_0:
called_computation.2_lowered:
.L_overlay_start_0:
0x88: {  	s2 =	sld [smem:$0x3FD9]  }
0x89: {  	s3 =	sld [smem:$0x3FFE];
	_ =	sdelay $0x1  }
0x8a: {  	s1 =	srdreg.scid  }
0x8b: {  	s0 =	sand.u32 $0x1, s1  }
0x8c: {  	s17 =	sshll.u32 s0, $0xA;
	s2 =	sadd.s32 s3, s2  }
0x8d: {  	s2 =	sadd.s32 s2, s17  }
0x8e: {  	[smem:$0x3FC0] =	sst s2  }
0x8f: {  	_ = 	snop  }
0x90: {  	s2 =	sld [smem:$0x3FD0];
	(tm) =	ssettm $0x1  }
0x91: {  	s18 =	sld [smem:$0x3FFB];
	_ =	sdelay $0x3  }
0x92: {  	_ =	strace s18  }
0x93: {  	s3 =	sld [smem:$0x3FFC];
	_ =	sdelay $0x3  }
0x94: {  	_ =	strace s3  }
0x95: {  	s3 =	sld [smem:$0x3FFD];
	_ =	sdelay $0x3  }
0x96: {  	_ =	strace s3  }
0x97: {  	_ =	strace $0x8FFFFFFF  }
0x98: {  	s19 =	sld [smem:$0x3FDB];
	_ =	sdelay $0x1  }
0x99: {  	s4 =	simm.s32 $_scs_section_size  }
0x9a: {  	s5 =	simm.s32 $_size__tile_overlayer_lowered;
	s6 =	simm.s32 $_tile_overlayer_lowered  }
0x9b: {  	s22 =	simm.s32 $0x1BFF;
	s21 =	sshll.u32 s6, $0x1;
	s3 =	sadd.s32 s4, s19  }
0x9c: {  	s7 =	simm.s32 $0x0;
	s20 =	sshll.u32 s5, $0x1;
	s5 =	sadd.s32 s21, s3  }
0x9d: {  	[timem:s7], [sflag:s22] =	dma.local [hbm:s5], s20  }
0x9e: {  	_ =	swait.ge [sflag:s22], s20  }
0x9f: {  	s4 =	ssub.s32 $0x0, s20;
	[sflag:s22] =	ssyncset.done $0x0  }
0xa0: {  	[sflag:s22] =	ssyncadd.s32 s4;
	_ =	sdelay $0x1  }
0xa1: {  	s23 =	simm.s32 $0x1B8B  }
0xa2: {  	_ =	swait.ge [sflag:s23], $0x1  }
0xa3: {  	[sflag:s23] =	ssyncset.done $0x0  }
0xa4: {  	s25 =	simm.s32 $0x1B8E;
	s24 =	sld [smem:$0x3FFE];
	[sflag:s23] =	ssyncadd.s32 $0xFFFFFFFF  }
0xa5: {  	s26 =	simm.s32 $execute0_lowered;
	[smem:$0x3FD2] =	sst s25  }
0xa6: {  	s5 =	sshll.u32 s26, $0x1;
	_ =	strace $0x8000004C;
	[dreg:$0x1] =	wrdreg $0xFFFFFFFF  }
0xa7: {  	s28 =	simm.s32 $_size_execute0_lowered;
	s3 =	sadd.s32 s3, s5;
	[dreg:$0x0] =	wrdreg $0x0  }
0xa8: {  	s5 =	sshll.u32 s28, $0x1;
	[dreg:$0x2] =	wrdreg s3  }
0xa9: {  	[dreg:$0x3] =	wrdreg s5  }
0xaa: {  	[dreg:$0x4] =	wrdreg $0xC0  }
0xab: {  	_ =	task [dreg:s7], $0x5FFFF  }
0xac: {  	[dreg:$0x1] =	wrdreg $0xFFFFFFFF  }
0xad: {  	[dreg:$0x0] =	wrdreg $0x60  }
0xae: {  	[dreg:$0x2] =	wrdreg s2  }
0xaf: {  	[dreg:$0x3] =	wrdreg s24  }
0xb0: {  	[dreg:$0x4] =	wrdreg $0x0  }
0xb1: {  	[dreg:$0x5] =	wrdreg $0x9  }
0xb2: {  	_ =	task.clear_ibuf [dreg:s7], $0x6FFFF;
	_ =	strace $0x9000004C  }
0xb3: {  	s29 =	simm.s32 $0x9;
	_ =	strace $0x8000004E  }
0xb4: {  	_ =	swait.ge [sflag:s29], $0x1  }
0xb5: {  	[sflag:s29] =	ssyncadd.s32 $0xFFFFFFFF  }
0xb6: {  	_ =	strace $0x9000004E  }
0xb7: {  	_ =	sfence  }
0xb8: {  	s30 =	sld [smem:$0x0];
	_ =	sdelay $0x2  }
0xb9: {  	s31 =	sshll.u32 s1, $0xD;
	s1 =	sshrl.u32 s1, $0x2  }
0xba: {  	s3 =	sand.u32 $0x4000, s31;
	s1 =	sadd.s32 s1, s30  }
0xbb: {  	s0 =	sor.u32 s3, s0;
	s1 =	sshll.u32 s1, $0x11  }
0xbc: {  	s0 =	sor.u32 s1, s0  }
0xbd: {  	s0 =	sadd.s32 $0x8F2B, s0  }
0xbe: {  	[sflag:s0] =	ssyncadd.remote.s32 $0x1  }
0xbf: {  	_ =	sfence.sel $0xFFFF  }
0xc0: {  	[dreg:$0x0] =	wrdreg $0xFFFFFFFF;
	(pc) =	sbr.abs _section_cstart, $3  }
0xc1: {  	[dreg:$0x1] =	wrdreg $0xFFFFFFFF  }
0xc2: {  	_ =	task.clear_ibuf [dreg:s7], $0x2FFFF;
	_ =	strace $0x9FFFFFFF  }
0xc3: {  	(tm) =	ssettm $0x7FFFFFFF  }
tec
execute0_lowered:
.L_overlay_start_1:
0x0: {  	(tag) =	ssettag $0x1  }
0x1: {  	s2 =	rddreg [dreg:$0x0]  }
0x2: {  	s3 =	rddreg [dreg:$0x1]  }
0x3: {  	s4 =	rddreg [dreg:$0x2];
	s1 =	simm.s32 $0x0;
	s0 =	srdreg.scid  }
0x4: {  	s14 =	stileid.u32;
	s29 =	simm.s32 $0x8;
	s30 =	simm.s32 $0x2  }
0x5: {  	s31 =	simm.s32 $0x2;
	s28 =	simm.s32 $0x6;
	s7 =	smul.u32 $0x280, s14  }
0x6: {  	[smem:$0x7FF] =	sst s1;
	s5 =	sand.u32 $0x1, s0;
	s9 =	smul.u32 $0x50000, s14  }
0x7: {  	s0 =	sadd.s32 $0x2800, s3;
	s3 =	sadd.s32 $0x16200, s3;
	s13 =	smul.u32 $0x14000, s14  }
0x8: {  	s23 =	sshll.u32 s14, $0x1;
	s14 =	smul.u32 $0x4E20, s14;
	s6 =	ssub.s32 $0x2, s5  }
0x9: {  	_ =	strace $0x8000004D;
	s25 =	smul.u32 $0x138800, s5;
	s8 =	sshrl.u32 s6, $0x1  }
0xa: {  	s10 =	sshll.u32 s7, $0x7;
	s9 =	sshrl.u32 s9, $0x2;
	s12 =	smin.u32 s7, $0x2510  }
0xb: {  	s7 =	smin.u32 s7, $0x2490;
	s6 =	ssub.s32 s6, s8;
	s8 =	sor.u32 s5, s23  }
0xc: {  	s11 =	sadd.s32 $0x4000, s10;
	s19 =	sadd.s32 s9, s4;
	s10 =	sadd.s32 $0x8000, s10  }
0xd: {  	s12 =	sshll.u32 s12, $0x7;
	s7 =	sshll.u32 s7, $0x7;
	s5 =	smul.u32 $0x2710, s5  }
0xe: {  	s13 =	sadd.s32 s25, s13;
	s8 =	smul.u32 $0x2710, s8;
	s20 =	sadd.s32 s11, s4  }
0xf: {  	s9 =	sadd.s32 $0x1800, s19;
	s21 =	sadd.s32 s10, s4;
	[dreg:$0x4] =	wrdreg s19  }
0x10: {  	s12 =	sadd.s32 $0xC000, s12;
	s7 =	sadd.s32 $0x10000, s7;
	[dreg:$0x6] =	wrdreg s9  }
0x11: {  	s13 =	sshrl.u32 s13, $0x3;
	s10 =	sadd.s32 s25, s10;
	[dreg:$0x5] =	wrdreg s20  }
0x12: {  	s24 =	sadd.s32 $0x1800, s20;
	s26 =	sadd.s32 s3, s13;
	[dreg:$0x8] =	wrdreg s21  }
0x13: {  	s13 =	sadd.s32 s25, s11;
	s16 =	sshrl.u32 s10, $0x3;
	[dreg:$0x7] =	wrdreg s24  }
0x14: {  	s17 =	sadd.s32 s25, s12;
	s11 =	sadd.s32 $0x1800, s21;
	[dreg:$0xa] =	wrdreg s26  }
0x15: {  	s5 =	sadd.s32 s5, s14;
	s14 =	sadd.s32 s12, s4;
	[dreg:$0x15] =	wrdreg s11  }
0x16: {  	s9 =	sadd.s32 s25, s7;
	s8 =	sshrl.u32 s8, $0x3;
	[dreg:$0x16] =	wrdreg s14  }
0x17: {  	s15 =	sadd.s32 s0, s8;
	s8 =	sshrl.u32 s13, $0x3;
	s13 =	smax.u32 s6, $0x1  }
0x18: {  	s12 =	simm.s32 $0x0;
	s23 =	sadd.s32 $0x4E430, s5;
	[dreg:$0x18] =	wrdreg s13  }
0x19: {  	s25 =	sshrl.u32 s23, $0x3;
	s23 =	sadd.s32 s7, s4;
	[dreg:$0x9] =	wrdreg s15  }
0x1a: {  	s9 =	sshrl.u32 s9, $0x3;
	s8 =	sadd.s32 s3, s8;
	[dreg:$0x17] =	wrdreg s23  }
0x1b: {  	s22 =	sadd.s32 $0x4E480, s5;
	s26 =	sadd.s32 s25, s0;
	[dreg:$0xb] =	wrdreg s8  }
0x1c: {  	s24 =	sshrl.u32 s22, $0x3;
	s22 =	sadd.s32 $0x9C4A, s15;
	[dreg:$0x11] =	wrdreg s26  }
0x1d: {  	s18 =	sadd.s32 $0x4E4D0, s5;
	s25 =	sadd.s32 $0x9C5E, s15;
	[dreg:$0x1c] =	wrdreg s22  }
0x1e: {  	s7 =	simm.s32 $0x16300;
	s8 =	sadd.s32 s3, s16;
	[dreg:$0x1e] =	wrdreg s25  }
0x1f: {  	s16 =	sadd.s32 $0x1800, s14;
	s26 =	sadd.s32 $0xA118, s15;
	[dreg:$0xc] =	wrdreg s8  }
0x20: {  	s22 =	simm.s32 $0x50;
	s25 =	simm.s32 $0x7;
	[dreg:$0x19] =	wrdreg s16  }
0x21: {  	s8 =	sshrl.u32 s17, $0x3;
	s17 =	sadd.s32 $0x1800, s23;
	[dreg:$0x1f] =	wrdreg s26  }
0x22: {  	s26 =	simm.s32 $0x1;
	s8 =	sadd.s32 s3, s8;
	[dreg:$0x1a] =	wrdreg s17  }
0x23: {  	s16 =	simm.s32 $0x5;
	s3 =	sadd.s32 s3, s9;
	[dreg:$0xd] =	wrdreg s8  }
0x24: {  	s9 =	sadd.s32 $0x4E390, s5;
	s17 =	simm.s32 $0xC;
	[dreg:$0xe] =	wrdreg s3  }
0x25: {  	s3 =	sshrl.u32 s18, $0x3;
	s8 =	sadd.s32 $0x4E3E0, s5;
	s5 =	sadd.s32 $0x4E340, s5  }
0x26: {  	s10 =	sshrl.u32 s9, $0x3;
	s18 =	sadd.s32 $0x9C40, s15;
	s9 =	simm.s32 $0x0  }
0x27: {  	s3 =	sadd.s32 s3, s0;
	s5 =	sshrl.u32 s5, $0x3;
	[dreg:$0x1b] =	wrdreg s18  }
0x28: {  	s18 =	simm.s32 $0x16000;
	[dreg:$0xf] =	wrdreg s3;
	s3 =	sadd.s32 s24, s0  }
0x29: {  	s24 =	sadd.s32 $0x9C54, s15;
	[dreg:$0x10] =	wrdreg s3;
	s3 =	sshrl.u32 s8, $0x3  }
0x2a: {  	[dreg:$0x1d] =	wrdreg s24;
	s24 =	simm.s32 $0xD;
	s3 =	sadd.s32 s3, s0  }
0x2b: {  	[dreg:$0x12] =	wrdreg s3;
	s3 =	sadd.s32 s10, s0;
	s0 =	sadd.s32 s5, s0  }
0x2c: {  	s10 =	simm.s32 $0x3;
	s5 =	simm.s32 $0xA;
	[dreg:$0x13] =	wrdreg s3  }
0x2d: {  	v0 =	vimm.f32 $0.0e+00;
	[dreg:$0x14] =	wrdreg s0;
	s0 =	simm.s32 $0x18B00;
	s3 =	simm.s32 $0x9  }
.LBB2_1:
0x2e: {  	[smem:$0x7FD] =	sst s12;
	s8 =	simm.s32 $0x0;
	s12 =	simm.s32 $0x200  }
.LBB2_2:
0x2f: {  	p0 =	sne.s32 s12, $0x9E00;
	[tilespmem:s8+$0x16370] =	vst v0  }
0x30: {  	[tilespmem:s8+$0x16300] =	vst v0  }
0x31: {  	[tilespmem:s8+$0x16310] =	vst v0  }
.Ltmp0:
0x32: {  	[tilespmem:s8+$0x16320] =	vst v0;
	(pc) =	sbr.rel @p0 .LBB2_2-.Ltmp0, $4  }
0x33: {  	[tilespmem:s8+$0x16330] =	vst v0  }
0x34: {  	[tilespmem:s8+$0x16340] =	vst v0  }
0x35: {  	[tilespmem:s8+$0x16350] =	vst v0  }
0x36: {  	[tilespmem:s8+$0x16360] =	vst v0;
	s8 =	sshra.s32 s12, $0x2;
	s12 =	sadd.s32 $0x200, s12  }
0x37: {  	[tilespmem:s8+$0x16370] =	vst v0  }
0x38: {  	[tilespmem:s8+$0x16300] =	vst v0  }
0x39: {  	[tilespmem:s8+$0x16310] =	vst v0  }
0x3a: {  	[tilespmem:s8+$0x16320] =	vst v0  }
0x3b: {  	[tilespmem:s8+$0x16330] =	vst v0  }
0x3c: {  	[tilespmem:s8+$0x16340] =	vst v0  }
0x3d: {  	[tilespmem:s8+$0x16350] =	vst v0  }
0x3e: {  	[tilespmem:s8+$0x16360] =	vst v0  }
0x3f: {  	[spmem:s19] =	stream.linear.scatter [tilespmem:s7], [sflag:$0xD], $0x2800, $0x38;
	[tilespmem:$0x1DB00] =	vst v63  }
0x40: {  	_ =	swait.ge [sflag:s24], $0x2800  }
0x41: {  	[sflag:s24] =	ssyncset.done $0x0  }
0x42: {  	s19 =	rddreg [dreg:$0x6];
	[sflag:s24] =	ssyncadd.s32 $0xFFFFD800  }
0x43: {  	[spmem:s19] =	stream.linear.scatter [tilespmem:s7], [sflag:$0xD], $0x2800, $0x38;
	[tilespmem:$0x1DB00] =	vst v63  }
0x44: {  	_ =	swait.ge [sflag:s24], $0x2800  }
0x45: {  	[sflag:s24] =	ssyncset.done $0x0  }
0x46: {  	[sflag:s24] =	ssyncadd.s32 $0xFFFFD800  }
0x47: {  	[spmem:s20] =	stream.linear.scatter [tilespmem:s7], [sflag:$0xD], $0x2800, $0x38;
	[tilespmem:$0x1DB00] =	vst v63  }
0x48: {  	_ =	swait.ge [sflag:s24], $0x2800  }
0x49: {  	[sflag:s24] =	ssyncset.done $0x0  }
0x4a: {  	s6 =	rddreg [dreg:$0x7];
	[sflag:s24] =	ssyncadd.s32 $0xFFFFD800  }
0x4b: {  	[spmem:s6] =	stream.linear.scatter [tilespmem:s7], [sflag:$0xD], $0x2800, $0x38;
	[tilespmem:$0x1DB00] =	vst v63  }
0x4c: {  	_ =	swait.ge [sflag:s24], $0x2800  }
0x4d: {  	[sflag:s24] =	ssyncset.done $0x0  }
0x4e: {  	[sflag:s24] =	ssyncadd.s32 $0xFFFFD800  }
0x4f: {  	[spmem:s21] =	stream.linear.scatter [tilespmem:s7], [sflag:$0xD], $0x2800, $0x38;
	[tilespmem:$0x1DB00] =	vst v63  }
0x50: {  	_ =	swait.ge [sflag:s24], $0x2800  }
0x51: {  	[sflag:s24] =	ssyncset.done $0x0  }
0x52: {  	s11 =	rddreg [dreg:$0x15];
	[sflag:s24] =	ssyncadd.s32 $0xFFFFD800  }
0x53: {  	[spmem:s11] =	stream.linear.scatter [tilespmem:s7], [sflag:$0xD], $0x2800, $0x38;
	[tilespmem:$0x1DB00] =	vst v63  }
0x54: {  	_ =	swait.ge [sflag:s24], $0x2800  }
0x55: {  	[sflag:s24] =	ssyncset.done $0x0  }
0x56: {  	[sflag:s24] =	ssyncadd.s32 $0xFFFFD800  }
0x57: {  	[spmem:s14] =	stream.linear.scatter [tilespmem:s7], [sflag:$0xD], $0x2800, $0x38;
	[tilespmem:$0x1DB00] =	vst v63  }
0x58: {  	_ =	swait.ge [sflag:s24], $0x2800  }
0x59: {  	[sflag:s24] =	ssyncset.done $0x0  }
0x5a: {  	s12 =	rddreg [dreg:$0x19];
	[sflag:s24] =	ssyncadd.s32 $0xFFFFD800  }
0x5b: {  	[spmem:s12] =	stream.linear.scatter [tilespmem:s7], [sflag:$0xD], $0x2800, $0x38;
	[tilespmem:$0x1DB00] =	vst v63  }
0x5c: {  	_ =	swait.ge [sflag:s24], $0x2800  }
0x5d: {  	[sflag:s24] =	ssyncset.done $0x0  }
0x5e: {  	[sflag:s24] =	ssyncadd.s32 $0xFFFFD800  }
0x5f: {  	[spmem:s23] =	stream.linear.scatter [tilespmem:s7], [sflag:$0xD], $0x2800, $0x38;
	[tilespmem:$0x1DB00] =	vst v63  }
0x60: {  	_ =	swait.ge [sflag:s24], $0x2800  }
0x61: {  	[sflag:s24] =	ssyncset.done $0x0  }
0x62: {  	s13 =	rddreg [dreg:$0x1a];
	[sflag:s24] =	ssyncadd.s32 $0xFFFFD800  }
0x63: {  	[spmem:s13] =	stream.linear.scatter [tilespmem:s7], [sflag:$0xD], $0x2800, $0x38;
	[tilespmem:$0x1DB00] =	vst v63  }
0x64: {  	_ =	swait.ge [sflag:s24], $0x2800  }
0x65: {  	[sflag:s24] =	ssyncset.done $0x0  }
0x66: {  	[sflag:s24] =	ssyncadd.s32 $0xFFFFD800  }
0x67: {  	[bflag:$0x0] =	sbarrier.arrive $0xFFFF  }
0x68: {  	s14 =	simm.s32 $0x0;
	s13 =	simm.s32 $0x13880;
	s12 =	rddreg [dreg:$0x9]  }
0x69: {  	[tilespmem:s13], [sflag:$0xD] =	stream.linear.gather [hbm4b:s12+s14], $0x2710, $0x38;
	[tilespmem:$0x1DB00] =	vst v63  }
0x6a: {  	_ =	swait.ge [sflag:s24], $0x2710  }
0x6b: {  	[sflag:s24] =	ssyncset.done $0x0  }
0x6c: {  	s11 =	simm.s32 $0x16000;
	s19 =	rddreg [dreg:$0x1b];
	[sflag:s24] =	ssyncadd.s32 $0xFFFFD8F0  }
0x6d: {  	[tilespmem:s11], [sflag:$0x1] =	stream.linear.gather [hbm4b:s19+s14], $0x50, $0x38;
	[tilespmem:$0x1DB00] =	vst v63  }
0x6e: {  	s15 =	simm.s32 $0x16080;
	s20 =	rddreg [dreg:$0x1c]  }
0x6f: {  	[tilespmem:s15], [sflag:$0x2] =	stream.linear.gather [hbm4b:s20+s14], $0x50, $0x38;
	[tilespmem:$0x1DB00] =	vst v63  }
0x70: {  	s23 =	simm.s32 $0x16100;
	s21 =	rddreg [dreg:$0x1d]  }
0x71: {  	[tilespmem:s23], [sflag:$0x3] =	stream.linear.gather [hbm4b:s21+s14], $0x50, $0x38;
	[tilespmem:$0x1DB00] =	vst v63  }
0x72: {  	s24 =	rddreg [dreg:$0x1e];
	s20 =	simm.s32 $0x16180  }
0x73: {  	[tilespmem:s20], [sflag:$0x4] =	stream.linear.gather [hbm4b:s24+s14], $0x50, $0x38;
	[tilespmem:$0x1DB00] =	vst v63  }
0x74: {  	_ = 	snop  }
0x75: {  	[tilespmem:s7], [sflag:$0x7] =	stream.indirect.gather [hbm4b:s2+s22], $0x80, s13, s22, $0xb8;
	[tilespmem:$0x1DB00] =	vst v63  }
0x76: {  	_ =	swait.ge [sflag:s25], $0x2800  }
0x77: {  	[sflag:s25] =	ssyncset.done $0x0  }
0x78: {  	[sflag:s25] =	ssyncadd.s32 $0xFFFFD800  }
0x79: {  	_ =	swait.ge [sflag:s26], $0x50  }
0x7a: {  	p0 =	por $0x1, $0x1;
	[sflag:s26] =	ssyncset.done $0x0  }
0x7b: {  	s8 =	simm.s32 @!p0 $0xB;
	[sflag:s26] =	ssyncadd.s32 $0xFFFFFFB0  }
0x7c: {  	[spmem:s4] =	stream.indirect.scatter.add.f32 [tilespmem:s7], [sflag:$0xA], $0x80, s11, s22, $0xb8;
	[tilespmem:$0x1DB00] =	vst v63  }
0x7d: {  	_ =	swait.ge @!p0 [sflag:s8], $0x2800  }
0x7e: {  	[sflag:s8] =	ssyncset.done @!p0 $0x0  }
0x7f: {  	s6 =	simm.s32 $0x16200;
	s21 =	rddreg [dreg:$0x14];
	[sflag:s8] =	ssyncadd.s32 @!p0 $0xFFFFD800  }
0x80: {  	[tilespmem:s6], [sflag:$0x5] =	stream.linear.gather [hbm4b:s21+s1], $0x50, $0x38;
	[tilespmem:$0x1DB00] =	vst v63  }
0x81: {  	s1 =	simm.s32 $0x138D0  }
0x82: {  	[tilespmem:s0], [sflag:$0x8] =	stream.indirect.gather [hbm4b:s2+s22], $0x80, s1, s22, $0xb8;
	[tilespmem:$0x1DB00] =	vst v63  }
0x83: {  	_ =	swait.ge [sflag:s29], $0x2800  }
0x84: {  	[sflag:s29] =	ssyncset.done $0x0  }
0x85: {  	[sflag:s29] =	ssyncadd.s32 $0xFFFFD800  }
0x86: {  	_ =	swait.ge [sflag:s30], $0x50  }
0x87: {  	[sflag:s30] =	ssyncset.done $0x0  }
0x88: {  	s8 =	simm.s32 @!p0 $0xC;
	[sflag:s30] =	ssyncadd.s32 $0xFFFFFFB0  }
0x89: {  	[spmem:s4] =	stream.indirect.scatter.add.f32 [tilespmem:s0], [sflag:$0xB], $0x80, s15, s22, $0xb8;
	[tilespmem:$0x1DB00] =	vst v63  }
0x8a: {  	_ =	swait.ge @!p0 [sflag:s8], $0x2800  }
0x8b: {  	s1 =	smov.u32 s4;
	[sflag:s8] =	ssyncset.done @!p0 $0x0  }
0x8c: {  	s4 =	simm.s32 $0x16280;
	s19 =	rddreg [dreg:$0x13];
	[sflag:s8] =	ssyncadd.s32 @!p0 $0xFFFFD800  }
0x8d: {  	[tilespmem:s4], [sflag:$0x6] =	stream.linear.gather [hbm4b:s19+s9], $0x50, $0x38;
	[tilespmem:$0x1DB00] =	vst v63  }
0x8e: {  	s12 =	simm.s32 $0x13920;
	s13 =	simm.s32 $0x1B300  }
0x8f: {  	[tilespmem:s13], [sflag:$0x9] =	stream.indirect.gather [hbm4b:s2+s22], $0x80, s12, s22, $0xb8;
	[tilespmem:$0x1DB00] =	vst v63  }
0x90: {  	_ =	swait.ge [sflag:s3], $0x2800  }
0x91: {  	[sflag:s3] =	ssyncset.done $0x0  }
0x92: {  	[sflag:s3] =	ssyncadd.s32 $0xFFFFD800  }
0x93: {  	_ =	swait.ge [sflag:s10], $0x50  }
0x94: {  	[sflag:s10] =	ssyncset.done $0x0  }
0x95: {  	[sflag:s10] =	ssyncadd.s32 $0xFFFFFFB0  }
0x96: {  	[spmem:s1] =	stream.indirect.scatter.add.f32 [tilespmem:s13], [sflag:$0xC], $0x80, s23, s22, $0xb8;
	[tilespmem:$0x1DB00] =	vst v63  }
0x97: {  	_ =	swait.ge [sflag:s5], $0x2800  }
0x98: {  	[sflag:s5] =	ssyncset.done $0x0  }
0x99: {  	s13 =	rddreg [dreg:$0x12];
	[sflag:s5] =	ssyncadd.s32 $0xFFFFD800  }
0x9a: {  	[tilespmem:s11], [sflag:$0x1] =	stream.linear.gather [hbm4b:s13+s9], $0x50, $0x38;
	[tilespmem:$0x1DB00] =	vst v63  }
0x9b: {  	s14 =	simm.s32 $0x13970  }
0x9c: {  	[tilespmem:s7], [sflag:$0x7] =	stream.indirect.gather [hbm4b:s2+s22], $0x80, s14, s22, $0xb8;
	[tilespmem:$0x1DB00] =	vst v63  }
0x9d: {  	_ =	swait.ge [sflag:s25], $0x2800  }
0x9e: {  	[sflag:s25] =	ssyncset.done $0x0  }
0x9f: {  	s24 =	simm.s32 $0x4;
	[sflag:s25] =	ssyncadd.s32 $0xFFFFD800  }
0xa0: {  	_ =	swait.ge [sflag:s24], $0x50  }
0xa1: {  	[sflag:s24] =	ssyncset.done $0x0  }
0xa2: {  	s26 =	simm.s32 $0xB;
	[sflag:s24] =	ssyncadd.s32 $0xFFFFFFB0  }
0xa3: {  	[spmem:s1] =	stream.indirect.scatter.add.f32 [tilespmem:s7], [sflag:$0xA], $0x80, s20, s22, $0xb8;
	[tilespmem:$0x1DB00] =	vst v63  }
0xa4: {  	_ =	swait.ge [sflag:s26], $0x2800  }
0xa5: {  	[sflag:s26] =	ssyncset.done $0x0  }
0xa6: {  	s7 =	rddreg [dreg:$0x11];
	[sflag:s26] =	ssyncadd.s32 $0xFFFFD800  }
0xa7: {  	[tilespmem:s15], [sflag:$0x2] =	stream.linear.gather [hbm4b:s7+s9], $0x50, $0x38;
	[tilespmem:$0x1DB00] =	vst v63  }
0xa8: {  	s24 =	simm.s32 $0x139C0  }
0xa9: {  	[tilespmem:s0], [sflag:$0x8] =	stream.indirect.gather [hbm4b:s2+s22], $0x80, s24, s22, $0xb8;
	[tilespmem:$0x1DB00] =	vst v63  }
0xaa: {  	_ =	swait.ge [sflag:s29], $0x2800  }
0xab: {  	[sflag:s29] =	ssyncset.done $0x0  }
0xac: {  	[sflag:s29] =	ssyncadd.s32 $0xFFFFD800  }
0xad: {  	_ =	swait.ge [sflag:s16], $0x50  }
0xae: {  	[sflag:s16] =	ssyncset.done $0x0  }
0xaf: {  	[sflag:s16] =	ssyncadd.s32 $0xFFFFFFB0  }
0xb0: {  	[spmem:s1] =	stream.indirect.scatter.add.f32 [tilespmem:s0], [sflag:$0xB], $0x80, s6, s22, $0xb8;
	[tilespmem:$0x1DB00] =	vst v63  }
0xb1: {  	_ =	swait.ge [sflag:s17], $0x2800  }
0xb2: {  	[sflag:s17] =	ssyncset.done $0x0  }
0xb3: {  	s12 =	rddreg [dreg:$0x10];
	[sflag:s17] =	ssyncadd.s32 $0xFFFFD800  }
0xb4: {  	[tilespmem:s23], [sflag:$0x3] =	stream.linear.gather [hbm4b:s12+s9], $0x50, $0x38;
	[tilespmem:$0x1DB00] =	vst v63  }
0xb5: {  	s26 =	simm.s32 $0x13A10;
	s15 =	simm.s32 $0x1B300  }
0xb6: {  	[tilespmem:s15], [sflag:$0x9] =	stream.indirect.gather [hbm4b:s2+s22], $0x80, s26, s22, $0xb8;
	[tilespmem:$0x1DB00] =	vst v63  }
0xb7: {  	_ =	swait.ge [sflag:s3], $0x2800  }
0xb8: {  	[sflag:s3] =	ssyncset.done $0x0  }
0xb9: {  	[sflag:s3] =	ssyncadd.s32 $0xFFFFD800  }
0xba: {  	_ =	swait.ge [sflag:s28], $0x50  }
0xbb: {  	[sflag:s28] =	ssyncset.done $0x0  }
0xbc: {  	s21 =	sadd.s32 $0x3C, s21;
	s30 =	simm.s32 $0x1;
	[sflag:s28] =	ssyncadd.s32 $0xFFFFFFB0  }
0xbd: {  	[spmem:s1] =	stream.indirect.scatter.add.f32 [tilespmem:s15], [sflag:$0xC], $0x80, s4, s22, $0xb8;
	[tilespmem:$0x1DB00] =	vst v63  }
0xbe: {  	s11 =	simm.s32 $0x16300;
	s24 =	sadd.s32 $0x3C, s19;
	_ =	swait.ge [sflag:s5], $0x2800  }
0xbf: {  	s19 =	sadd.s32 $0x3C, s7;
	s0 =	simm.s32 $0x18B00;
	[sflag:s5] =	ssyncset.done $0x0  }
0xc0: {  	s23 =	sadd.s32 $0x3C, s13;
	s8 =	rddreg [dreg:$0xf];
	[sflag:s5] =	ssyncadd.s32 $0xFFFFD800  }
0xc1: {  	[tilespmem:s20], [sflag:$0x4] =	stream.linear.gather [hbm4b:s8+s9], $0x50, $0x38;
	[tilespmem:$0x1DB00] =	vst v63  }
0xc2: {  	s13 =	simm.s32 $0x13A60;
	s4 =	smov.u32 s1;
	s20 =	simm.s32 $0x780  }
.LBB2_4:
0xc3: {  	s8 =	sadd.s32 $0x3C, s8  }
0xc4: {  	s12 =	sadd.s32 $0x3C, s12;
	s14 =	smov.u32 s20;
	s20 =	sadd.s32 $0x780, s20  }
0xc5: {  	[tilespmem:s11], [sflag:$0x7] =	stream.indirect.gather [hbm4b:s2+s22], $0x80, s13, s22, $0xb8;
	[tilespmem:$0x1DB00] =	vst v63  }
0xc6: {  	p0 =	sne.s32 s20, $0x9600;
	_ =	swait.ge [sflag:s25], $0x2800  }
0xc7: {  	[sflag:s25] =	ssyncset.done $0x0  }
0xc8: {  	[sflag:s25] =	ssyncadd.s32 $0xFFFFD800  }
0xc9: {  	_ =	swait.ge [sflag:s30], $0x50  }
0xca: {  	[sflag:s30] =	ssyncset.done $0x0  }
0xcb: {  	s26 =	simm.s32 $0x16000;
	p1 =	seq.s32 s14, $0x0;
	[sflag:s30] =	ssyncadd.s32 $0xFFFFFFB0  }
0xcc: {  	[spmem:s4] =	stream.indirect.scatter.add.f32 [tilespmem:s11], [sflag:$0xA], $0x80, s26, s22, $0xb8;
	[tilespmem:$0x1DB00] =	vst v63  }
0xcd: {  	s13 =	simm.s32 @!p1 $0xB  }
0xce: {  	_ =	swait.ge @!p1 [sflag:s13], $0x2800  }
0xcf: {  	[sflag:s13] =	ssyncset.done @!p1 $0x0  }
0xd0: {  	s6 =	simm.s32 $0x16200;
	[sflag:s13] =	ssyncadd.s32 @!p1 $0xFFFFD800;
	s13 =	sshra.s32 s14, $0x2  }
0xd1: {  	[tilespmem:s6], [sflag:$0x5] =	stream.linear.gather [hbm4b:s21+s9], $0x50, $0x38;
	[tilespmem:$0x1DB00] =	vst v63  }
0xd2: {  	s14 =	sadd.s32 $0x138D0, s13  }
0xd3: {  	[tilespmem:s0], [sflag:$0x8] =	stream.indirect.gather [hbm4b:s2+s22], $0x80, s14, s22, $0xb8;
	[tilespmem:$0x1DB00] =	vst v63  }
0xd4: {  	_ =	swait.ge [sflag:s29], $0x2800  }
0xd5: {  	[sflag:s29] =	ssyncset.done $0x0  }
0xd6: {  	[sflag:s29] =	ssyncadd.s32 $0xFFFFD800  }
0xd7: {  	_ =	swait.ge [sflag:s31], $0x50  }
0xd8: {  	[sflag:s31] =	ssyncset.done $0x0  }
0xd9: {  	s7 =	simm.s32 $0x16080;
	s14 =	simm.s32 @!p1 $0xC;
	[sflag:s31] =	ssyncadd.s32 $0xFFFFFFB0  }
0xda: {  	[spmem:s4] =	stream.indirect.scatter.add.f32 [tilespmem:s0], [sflag:$0xB], $0x80, s7, s22, $0xb8;
	[tilespmem:$0x1DB00] =	vst v63  }
0xdb: {  	_ =	swait.ge @!p1 [sflag:s14], $0x2800  }
0xdc: {  	[sflag:s14] =	ssyncset.done @!p1 $0x0  }
0xdd: {  	s4 =	simm.s32 $0x16280;
	[sflag:s14] =	ssyncadd.s32 @!p1 $0xFFFFD800;
	s14 =	sadd.s32 $0x13920, s13  }
0xde: {  	[tilespmem:s4], [sflag:$0x6] =	stream.linear.gather [hbm4b:s24+s9], $0x50, $0x38;
	[tilespmem:$0x1DB00] =	vst v63  }
0xdf: {  	_ = 	snop  }
0xe0: {  	[tilespmem:s15], [sflag:$0x9] =	stream.indirect.gather [hbm4b:s2+s22], $0x80, s14, s22, $0xb8;
	[tilespmem:$0x1DB00] =	vst v63  }
0xe1: {  	_ =	swait.ge [sflag:s3], $0x2800  }
0xe2: {  	[sflag:s3] =	ssyncset.done $0x0  }
0xe3: {  	[sflag:s3] =	ssyncadd.s32 $0xFFFFD800  }
0xe4: {  	_ =	swait.ge [sflag:s10], $0x50  }
0xe5: {  	[sflag:s10] =	ssyncset.done $0x0  }
0xe6: {  	s15 =	simm.s32 $0x16100;
	[sflag:s10] =	ssyncadd.s32 $0xFFFFFFB0;
	s10 =	simm.s32 $0x1B300  }
0xe7: {  	[spmem:s1] =	stream.indirect.scatter.add.f32 [tilespmem:s10], [sflag:$0xC], $0x80, s15, s22, $0xb8;
	[tilespmem:$0x1DB00] =	vst v63  }
0xe8: {  	_ =	swait.ge [sflag:s5], $0x2800  }
0xe9: {  	[sflag:s5] =	ssyncset.done $0x0  }
0xea: {  	s14 =	sadd.s32 $0x13970, s13;
	[sflag:s5] =	ssyncadd.s32 $0xFFFFD800  }
0xeb: {  	[tilespmem:s26], [sflag:$0x1] =	stream.linear.gather [hbm4b:s23+s9], $0x50, $0x38;
	[tilespmem:$0x1DB00] =	vst v63  }
0xec: {  	_ = 	snop  }
0xed: {  	[tilespmem:s11], [sflag:$0x7] =	stream.indirect.gather [hbm4b:s2+s22], $0x80, s14, s22, $0xb8;
	[tilespmem:$0x1DB00] =	vst v63  }
0xee: {  	_ =	swait.ge [sflag:s25], $0x2800  }
0xef: {  	[sflag:s25] =	ssyncset.done $0x0  }
0xf0: {  	s10 =	simm.s32 $0x4;
	[sflag:s25] =	ssyncadd.s32 $0xFFFFD800  }
0xf1: {  	_ =	swait.ge [sflag:s10], $0x50  }
0xf2: {  	[sflag:s10] =	ssyncset.done $0x0  }
0xf3: {  	s14 =	simm.s32 $0xB;
	[sflag:s10] =	ssyncadd.s32 $0xFFFFFFB0;
	s10 =	simm.s32 $0x16180  }
0xf4: {  	[spmem:s1] =	stream.indirect.scatter.add.f32 [tilespmem:s11], [sflag:$0xA], $0x80, s10, s22, $0xb8;
	[tilespmem:$0x1DB00] =	vst v63  }
0xf5: {  	_ =	swait.ge [sflag:s14], $0x2800  }
0xf6: {  	[sflag:s14] =	ssyncset.done $0x0  }
0xf7: {  	s26 =	simm.s32 $0x16080;
	[sflag:s14] =	ssyncadd.s32 $0xFFFFD800;
	s14 =	sadd.s32 $0x139C0, s13  }
0xf8: {  	[tilespmem:s7], [sflag:$0x2] =	stream.linear.gather [hbm4b:s19+s9], $0x50, $0x38;
	[tilespmem:$0x1DB00] =	vst v63  }
0xf9: {  	_ = 	snop  }
0xfa: {  	[tilespmem:s0], [sflag:$0x8] =	stream.indirect.gather [hbm4b:s2+s22], $0x80, s14, s22, $0xb8;
	[tilespmem:$0x1DB00] =	vst v63  }
0xfb: {  	_ =	swait.ge [sflag:s29], $0x2800  }
0xfc: {  	[sflag:s29] =	ssyncset.done $0x0  }
0xfd: {  	[sflag:s29] =	ssyncadd.s32 $0xFFFFD800  }
0xfe: {  	_ =	swait.ge [sflag:s16], $0x50  }
0xff: {  	[sflag:s16] =	ssyncset.done $0x0  }
0x100: {  	[sflag:s16] =	ssyncadd.s32 $0xFFFFFFB0  }
0x101: {  	[spmem:s1] =	stream.indirect.scatter.add.f32 [tilespmem:s0], [sflag:$0xB], $0x80, s6, s22, $0xb8;
	[tilespmem:$0x1DB00] =	vst v63  }
0x102: {  	_ =	swait.ge [sflag:s17], $0x2800  }
0x103: {  	[sflag:s17] =	ssyncset.done $0x0  }
0x104: {  	s14 =	sadd.s32 $0x13A10, s13;
	[sflag:s17] =	ssyncadd.s32 $0xFFFFD800  }
0x105: {  	[tilespmem:s15], [sflag:$0x3] =	stream.linear.gather [hbm4b:s12+s9], $0x50, $0x38;
	[tilespmem:$0x1DB00] =	vst v63  }
0x106: {  	s6 =	simm.s32 $0x16100;
	s15 =	simm.s32 $0x1B300;
	_ =	sdelay $0x1  }
0x107: {  	[tilespmem:s15], [sflag:$0x9] =	stream.indirect.gather [hbm4b:s2+s22], $0x80, s14, s22, $0xb8;
	[tilespmem:$0x1DB00] =	vst v63  }
0x108: {  	_ =	swait.ge [sflag:s3], $0x2800  }
0x109: {  	[sflag:s3] =	ssyncset.done $0x0  }
0x10a: {  	[sflag:s3] =	ssyncadd.s32 $0xFFFFD800  }
0x10b: {  	_ =	swait.ge [sflag:s28], $0x50  }
0x10c: {  	[sflag:s28] =	ssyncset.done $0x0  }
0x10d: {  	[sflag:s28] =	ssyncadd.s32 $0xFFFFFFB0  }
0x10e: {  	[spmem:s1] =	stream.indirect.scatter.add.f32 [tilespmem:s15], [sflag:$0xC], $0x80, s4, s22, $0xb8;
	[tilespmem:$0x1DB00] =	vst v63  }
0x10f: {  	s4 =	smov.u32 s1  }
.Ltmp1:
0x110: {  	s21 =	sadd.s32 $0x3C, s21;
	_ =	swait.ge [sflag:s5], $0x2800;
	(pc) =	sbr.rel @p0 .LBB2_4-.Ltmp1, $4  }
0x111: {  	s24 =	sadd.s32 $0x3C, s24;
	s23 =	sadd.s32 $0x3C, s23;
	[sflag:s5] =	ssyncset.done $0x0  }
0x112: {  	s19 =	sadd.s32 $0x3C, s19;
	s13 =	sadd.s32 $0x13A60, s13;
	[sflag:s5] =	ssyncadd.s32 $0xFFFFD800  }
0x113: {  	[tilespmem:s10], [sflag:$0x4] =	stream.linear.gather [hbm4b:s8+s9], $0x50, $0x38;
	[tilespmem:$0x1DB00] =	vst v63  }
0x114: {  	s14 =	simm.s32 $0x16180;
	s10 =	simm.s32 $0x3  }
0x115: {  	[tilespmem:s11], [sflag:$0x7] =	stream.indirect.gather [hbm4b:s2+s22], $0x80, s13, s22, $0xb8;
	[tilespmem:$0x1DB00] =	vst v63  }
0x116: {  	_ =	swait.ge [sflag:s25], $0x2800  }
0x117: {  	[sflag:s25] =	ssyncset.done $0x0  }
0x118: {  	[sflag:s25] =	ssyncadd.s32 $0xFFFFD800  }
0x119: {  	_ =	swait.ge [sflag:s30], $0x50  }
0x11a: {  	[sflag:s30] =	ssyncset.done $0x0  }
0x11b: {  	s7 =	simm.s32 $0xB;
	[sflag:s30] =	ssyncadd.s32 $0xFFFFFFB0  }
0x11c: {  	[spmem:s4] =	stream.indirect.scatter.add.f32 [tilespmem:s11], [sflag:$0xA], $0x80, s18, s22, $0xb8;
	[tilespmem:$0x1DB00] =	vst v63  }
0x11d: {  	_ =	swait.ge [sflag:s7], $0x2800  }
0x11e: {  	[sflag:s7] =	ssyncset.done $0x0  }
0x11f: {  	s12 =	simm.s32 $0x16200;
	s8 =	rddreg [dreg:$0x1f];
	[sflag:s7] =	ssyncadd.s32 $0xFFFFD800  }
0x120: {  	[tilespmem:s12], [sflag:$0x5] =	stream.linear.gather [hbm4b:s8+s9], $0x50, $0x38;
	[tilespmem:$0x1DB00] =	vst v63  }
0x121: {  	s24 =	simm.s32 $0x15E50  }
0x122: {  	[tilespmem:s0], [sflag:$0x8] =	stream.indirect.gather [hbm4b:s2+s22], $0x80, s24, s22, $0xb8;
	[tilespmem:$0x1DB00] =	vst v63  }
0x123: {  	_ =	swait.ge [sflag:s29], $0x2800  }
0x124: {  	[sflag:s29] =	ssyncset.done $0x0  }
0x125: {  	[sflag:s29] =	ssyncadd.s32 $0xFFFFD800  }
0x126: {  	_ =	swait.ge [sflag:s31], $0x50  }
0x127: {  	[sflag:s31] =	ssyncset.done $0x0  }
0x128: {  	[sflag:s31] =	ssyncadd.s32 $0xFFFFFFB0  }
0x129: {  	[spmem:s4] =	stream.indirect.scatter.add.f32 [tilespmem:s0], [sflag:$0xB], $0x80, s26, s22, $0xb8;
	[tilespmem:$0x1DB00] =	vst v63  }
0x12a: {  	_ =	swait.ge [sflag:s17], $0x2800  }
0x12b: {  	[sflag:s17] =	ssyncset.done $0x0  }
0x12c: {  	s1 =	simm.s32 $0x15EA0;
	[sflag:s17] =	ssyncadd.s32 $0xFFFFD800  }
0x12d: {  	[tilespmem:s15], [sflag:$0x9] =	stream.indirect.gather [hbm4b:s2+s22], $0x80, s1, s22, $0xb8;
	[tilespmem:$0x1DB00] =	vst v63  }
0x12e: {  	_ =	swait.ge [sflag:s3], $0x2800  }
0x12f: {  	[sflag:s3] =	ssyncset.done $0x0  }
0x130: {  	[sflag:s3] =	ssyncadd.s32 $0xFFFFD800  }
0x131: {  	_ =	swait.ge [sflag:s10], $0x50  }
0x132: {  	[sflag:s10] =	ssyncset.done $0x0  }
0x133: {  	[sflag:s10] =	ssyncadd.s32 $0xFFFFFFB0  }
0x134: {  	[spmem:s4] =	stream.indirect.scatter.add.f32 [tilespmem:s15], [sflag:$0xC], $0x80, s6, s22, $0xb8;
	[tilespmem:$0x1DB00] =	vst v63  }
0x135: {  	_ =	swait.ge [sflag:s5], $0x2800  }
0x136: {  	[sflag:s5] =	ssyncset.done $0x0  }
0x137: {  	s6 =	simm.s32 $0x15EF0;
	[sflag:s5] =	ssyncadd.s32 $0xFFFFD800  }
0x138: {  	[tilespmem:s11], [sflag:$0x7] =	stream.indirect.gather [hbm4b:s2+s22], $0x80, s6, s22, $0xb8;
	[tilespmem:$0x1DB00] =	vst v63  }
0x139: {  	_ =	swait.ge [sflag:s25], $0x2800  }
0x13a: {  	[sflag:s25] =	ssyncset.done $0x0  }
0x13b: {  	s1 =	simm.s32 $0x4;
	[sflag:s25] =	ssyncadd.s32 $0xFFFFD800  }
0x13c: {  	_ =	swait.ge [sflag:s1], $0x50  }
0x13d: {  	[sflag:s1] =	ssyncset.done $0x0  }
0x13e: {  	[sflag:s1] =	ssyncadd.s32 $0xFFFFFFB0  }
0x13f: {  	[spmem:s4] =	stream.indirect.scatter.add.f32 [tilespmem:s11], [sflag:$0xA], $0x80, s14, s22, $0xb8;
	[tilespmem:$0x1DB00] =	vst v63  }
0x140: {  	_ =	swait.ge [sflag:s7], $0x2800  }
0x141: {  	[sflag:s7] =	ssyncset.done $0x0  }
0x142: {  	s13 =	simm.s32 $0x15F40;
	[sflag:s7] =	ssyncadd.s32 $0xFFFFD800  }
0x143: {  	[tilespmem:s0], [sflag:$0x8] =	stream.indirect.gather [hbm4b:s2+s22], $0x80, s13, s22, $0xb8;
	[tilespmem:$0x1DB00] =	vst v63  }
0x144: {  	_ =	swait.ge [sflag:s29], $0x2800  }
0x145: {  	[sflag:s29] =	ssyncset.done $0x0  }
0x146: {  	[sflag:s29] =	ssyncadd.s32 $0xFFFFD800  }
0x147: {  	_ =	swait.ge [sflag:s16], $0x50  }
0x148: {  	[sflag:s16] =	ssyncset.done $0x0  }
0x149: {  	[sflag:s16] =	ssyncadd.s32 $0xFFFFFFB0  }
0x14a: {  	[spmem:s4] =	stream.indirect.scatter.add.f32 [tilespmem:s0], [sflag:$0xB], $0x80, s12, s22, $0xb8;
	[tilespmem:$0x1DB00] =	vst v63  }
0x14b: {  	_ =	swait.ge [sflag:s17], $0x2800  }
0x14c: {  	[sflag:s17] =	ssyncset.done $0x0  }
0x14d: {  	[sflag:s17] =	ssyncadd.s32 $0xFFFFD800  }
0x14e: {  	_ =	swait.ge [sflag:s5], $0x2800  }
0x14f: {  	[sflag:s5] =	ssyncset.done $0x0  }
0x150: {  	[sflag:s5] =	ssyncadd.s32 $0xFFFFD800  }
0x151: {  	_ =	swait.ge [sflag:s7], $0x2800  }
0x152: {  	[sflag:s7] =	ssyncset.done $0x0  }
0x153: {  	[sflag:s7] =	ssyncadd.s32 $0xFFFFD800  }
0x154: {  	s14 =	stileid.u32;
	[bflag:$0x0] =	sbarrier.arrive $0xFFFF  }
0x155: {  	s24 =	simm.s32 $0xD;
	s8 =	sshll.u32 s14, $0x6;
	s19 =	rddreg [dreg:$0x4]  }
0x156: {  	s8 =	sor.u32 $0x1C0D, s8;
	s20 =	rddreg [dreg:$0xa];
	s15 =	sshrl.u32 s19, $0x3  }
0x157: {  	[hbm:s20], [sflag:s8] =	dma.local [spmem:s15], $0x800  }
0x158: {  	_ =	swait.ge [sflag:s24], $0x800  }
0x159: {  	[sflag:s24] =	ssyncset.done $0x0;
	s20 =	rddreg [dreg:$0x5]  }
0x15a: {  	s23 =	rddreg [dreg:$0xb];
	[sflag:s24] =	ssyncadd.s32 $0xFFFFF800;
	s21 =	sshrl.u32 s20, $0x3  }
0x15b: {  	[hbm:s23], [sflag:s8] =	dma.local [spmem:s21], $0x800  }
0x15c: {  	_ =	swait.ge [sflag:s24], $0x800  }
0x15d: {  	[sflag:s24] =	ssyncset.done $0x0;
	s21 =	rddreg [dreg:$0x8]  }
0x15e: {  	s0 =	rddreg [dreg:$0xc];
	[sflag:s24] =	ssyncadd.s32 $0xFFFFF800;
	s26 =	sshrl.u32 s21, $0x3  }
0x15f: {  	[hbm:s0], [sflag:s8] =	dma.local [spmem:s26], $0x800  }
0x160: {  	_ =	swait.ge [sflag:s24], $0x800  }
0x161: {  	[sflag:s24] =	ssyncset.done $0x0;
	s14 =	rddreg [dreg:$0x16]  }
0x162: {  	s6 =	rddreg [dreg:$0xd];
	[sflag:s24] =	ssyncadd.s32 $0xFFFFF800;
	s1 =	sshrl.u32 s14, $0x3  }
0x163: {  	[hbm:s6], [sflag:s8] =	dma.local [spmem:s1], $0x800  }
0x164: {  	_ =	swait.ge [sflag:s24], $0x800  }
0x165: {  	[sflag:s24] =	ssyncset.done $0x0;
	s23 =	rddreg [dreg:$0x17]  }
0x166: {  	s11 =	rddreg [dreg:$0xe];
	[sflag:s24] =	ssyncadd.s32 $0xFFFFF800;
	s7 =	sshrl.u32 s23, $0x3  }
0x167: {  	[hbm:s11], [sflag:s8] =	dma.local [spmem:s7], $0x800  }
0x168: {  	_ =	swait.ge [sflag:s24], $0x800  }
0x169: {  	s15 =	sld [smem:$0x7FD];
	_ =	sdelay $0x2  }
0x16a: {  	s26 =	rddreg [dreg:$0x18];
	s12 =	sadd.s32 $0x1, s15  }
0x16b: {  	p0 =	sne.s32 s12, s26  }
.Ltmp2:
0x16c: {  	_ = 	snop;
	(pc) =	sbr.rel @p0 .LBB2_1-.Ltmp2, $4  }
0x16d: {  	_ = 	snop  }
0x16e: {  	s30 =	simm.s32 $0x2  }
0x16f: {  	s0 =	simm.s32 $0x18B00;
	s1 =	simm.s32 $0x0;
	[sflag:s24] =	ssyncset.done $0x0  }
0x170: {  	s7 =	simm.s32 $0x16300;
	[sflag:s24] =	ssyncadd.s32 $0xFFFFF800;
	s26 =	simm.s32 $0x1  }
0x171: {  	_ =	sfence.sel $0x180000  }
0x172: {  	[bflag:$0x0] =	sbarrier.arrive $0xFFFF  }
0x173: {  	_ =	strace $0x9000004D  }
0x174: {  	s0 =	stileid.u32;
	[bflag:$0x2] =	sbarrier.arrive $0xFFFF  }
0x175: {  	p0 =	sne.s32 s0, $0x0;
	s0 =	rddreg [dreg:$0x3]  }
0x176: {  	s0 =	sadd.s32 @!p0 $0x100000, s0  }
0x177: {  	[sflag:s0] =	ssyncadd.tile.s32 @!p0 $0x1;
	_ =	shalt  }
.Lfunc_end2:
_tile_overlayer_lowered:
.L_overlay_start_2:
0x178: {  	(tag) =	ssettag $0x2  }
0x179: {  	s0 =	rddreg [dreg:$0x0];
	s2 =	stileid.u32  }
0x17a: {  	s1 =	rddreg [dreg:$0x1];
	p0 =	sne.s32 s2, $0x0  }
0x17b: {  	s3 =	rddreg [dreg:$0x2];
	[bflag:$0x3] =	sbarrier.arrive $0xFFFF;
	s2 =	simm.s32 @!p0 $0x1C0D  }
0x17c: {  	[timem:s3], [sflag:s2] =	dma.local @!p0 [hbm:s0], s1  }
0x17d: {  	s0 =	simm.s32 @!p0 $0xD  }
0x17e: {  	_ =	swait.ge @!p0 [sflag:s0], s1  }
0x17f: {  	s1 =	ssub.s32 @!p0 $0x0, s1;
	[sflag:s0] =	ssyncset.done @!p0 $0x0  }
0x180: {  	[sflag:s0] =	ssyncadd.s32 @!p0 s1  }
0x181: {  	[bflag:$0x3] =	sbarrier.arrive $0xFFFF  }
0x182: {  	_ =	shalt  }

// kernel: kernel.8.cloned.1.call-start
scs
__scs_entry_jumppad:
0x0: {  	(pc) =	sbr.rel $0x88, $3  }
0x1: {  	(tag) =	ssettag $0x0;
	lr =	simm.s32 $0x1  }
0x2: {  	[smem:$0x3F99] =	sst lr;
	_ =	strace $0xD0000000  }
0x3: {  	_ = 	snop  }
0x4: {  	_ = 	snop  }
0x5: {  	_ = 	snop  }
0x6: {  	_ = 	snop  }
0x7: {  	_ = 	snop  }
__scs_overlays_trampoline_lowered:
0x8: {  	[smem:$0x3FA8] =	sst s0  }
0x9: {  	[smem:$0x3FA9] =	sst s1  }
0xa: {  	[smem:$0x3FAA] =	sst s2  }
0xb: {  	[smem:$0x3FAB] =	sst s3  }
0xc: {  	[smem:$0x3FAC] =	sst s4  }
0xd: {  	[smem:$0x3FAD] =	sst s5  }
0xe: {  	[smem:$0x3FAE] =	sst s6  }
0xf: {  	[smem:$0x3FAF] =	sst s7  }
0x10: {  	[smem:$0x3FB0] =	sst s8  }
0x11: {  	[smem:$0x3FB1] =	sst s9;
	s0 =	simm.s32 @!p0 $0x0  }
0x12: {  	s1 =	sld [smem:$0x3F97];
	s0 =	simm.s32 @p0 $0x1  }
0x13: {  	[smem:$0x3FB2] =	sst s0;
	s0 =	simm.s32 @!p1 $0x0  }
0x14: {  	s2 =	sld [smem:$0x3F96];
	s0 =	simm.s32 @p1 $0x1  }
0x15: {  	[smem:$0x3FB3] =	sst s0;
	s0 =	simm.s32 @!p2 $0x0  }
0x16: {  	s3 =	sld [smem:$0x3FDB];
	s0 =	simm.s32 @p2 $0x1  }
0x17: {  	s4 =	simm.s32 $0x1BF5;
	[smem:$0x3FB5] =	sst s0  }
0x18: {  	s0 =	sld [smem:$0x3F98];
	_ =	swait.ge [sflag:s4], $0x0  }
0x19: {  	s7 =	sld [smem:$0x3F99]  }
0x1a: {  	s8 =	sadd.s32 $0xFFFFE003, lr  }
0x1b: {  	s9 =	sadd.s32 $0xFFFFFEF7, lr;
	s5 =	simm.s32 $0xFFFFFFFF;
	p2 =	slt.u32 s8, $0xFFFFF086  }
0x1c: {  	p1 =	slt.u32 s9, $0xF7A;
	s5 =	simm.s32 @!p2 $0x0  }
0x1d: {  	s5 =	simm.s32 @p1 $0x1;
	p0 =	seq.s32 s7, s2  }
0x1e: {  	s7 =	smul.u32 @!p0 $0xF7A, s2;
	p2 =	seq.s32 @!p0 s5, $0x0  }
0x1f: {  	s9 =	smul.u32 $0xF7A, s1;
	s8 =	simm.s32 @!p0 $0x1BF5;
	p2 =	por !p2, p0  }
0x20: {  	[sflag:s8] =	ssyncset.s32 @!p0 $0xFFFFF086;
	s6 =	sadd.s32 @!p0 s3, s7;
	s7 =	simm.s32 @!p0 $0x108  }
0x21: {  	s3 =	sadd.s32 s3, s9;
	s6 =	sadd.s32 @!p0 $0x88, s6;
	s7 =	simm.s32 @p2 $0x1082  }
0x22: {  	[simem:s7], [sflag:s8] =	dma.local @!p0 [hbm:s6], $0xF7A  }
0x23: {  	s9 =	sor.u32 $0xD0000000, s2;
	s6 =	simm.s32 $0x108;
	_ =	swait.ge @!p0 [sflag:s8], $0x0  }
0x24: {  	s3 =	sadd.s32 $0x88, s3;
	s6 =	simm.s32 @!p1 $0x1082;
	[sflag:s4] =	ssyncset.s32 $0xFFFFF086  }
0x25: {  	[simem:s6], [sflag:s4] =	dma.local [hbm:s3], $0xF7A  }
0x26: {  	[smem:$0x3F99] =	sst s1;
	(tag) =	ssettag s2;
	_ =	strace s9  }
0x27: {  	s1 =	sld [smem:$0x3FA9]  }
0x28: {  	s2 =	sld [smem:$0x3FAA]  }
0x29: {  	s4 =	sld [smem:$0x3FAC]  }
0x2a: {  	p0 =	seq.s32 s5, $0x0;
	s5 =	sld [smem:$0x3FAD]  }
0x2b: {  	s6 =	sld [smem:$0x3FAE]  }
0x2c: {  	s7 =	sld [smem:$0x3FAF]  }
0x2d: {  	s3 =	simm.s32 $0x108;
	s8 =	sld [smem:$0x3FB0]  }
0x2e: {  	s3 =	simm.s32 @!p0 $0x1082;
	s9 =	sld [smem:$0x3FB1]  }
0x2f: {  	lr =	sadd.s32 s0, s3;
	s0 =	sld [smem:$0x3FA8]  }
0x30: {  	s3 =	sld [smem:$0x3FAB]  }
0x31: {  	[smem:$0x3FB4] =	sst s10  }
0x32: {  	s10 =	sld [smem:$0x3FB2];
	_ =	sdelay $0x3  }
0x33: {  	p0 =	seq.s32 s10, $0x1;
	s10 =	sld [smem:$0x3FB4];
	_ =	sdelay $0x3  }
0x34: {  	[smem:$0x3FB4] =	sst s10  }
0x35: {  	s10 =	sld [smem:$0x3FB3];
	_ =	sdelay $0x3  }
0x36: {  	p1 =	seq.s32 s10, $0x1;
	s10 =	sld [smem:$0x3FB4];
	_ =	sdelay $0x3  }
0x37: {  	[smem:$0x3FB4] =	sst s10  }
0x38: {  	s10 =	sld [smem:$0x3FB5]  }
0x39: {  	_ = 	snop;
	(pc) =	sbr.ind lr, $3  }
0x3a: {  	_ = 	snop  }
0x3b: {  	_ = 	snop  }
0x3c: {  	p2 =	seq.s32 s10, $0x1;
	s10 =	sld [smem:$0x3FB4]  }
0x3d: {  	_ =	shalt  }
0x3e: {  	_ =	shalt  }
0x3f: {  	_ =	shalt  }
0x40: {  	_ =	shalt  }
0x41: {  	_ =	shalt  }
0x42: {  	_ =	shalt  }
0x43: {  	_ =	shalt  }
0x44: {  	_ =	shalt  }
0x45: {  	_ =	shalt  }
0x46: {  	_ =	shalt  }
0x47: {  	_ =	shalt  }
0x48: {  	_ =	shalt  }
0x49: {  	_ =	shalt  }
0x4a: {  	_ =	shalt  }
0x4b: {  	_ =	shalt  }
0x4c: {  	_ =	shalt  }
0x4d: {  	_ =	shalt  }
0x4e: {  	_ =	shalt  }
0x4f: {  	_ =	shalt  }
0x50: {  	_ =	shalt  }
0x51: {  	_ =	shalt  }
0x52: {  	_ =	shalt  }
0x53: {  	_ =	shalt  }
0x54: {  	_ =	shalt  }
0x55: {  	_ =	shalt  }
0x56: {  	_ =	shalt  }
0x57: {  	_ =	shalt  }
0x58: {  	_ =	shalt  }
0x59: {  	_ =	shalt  }
0x5a: {  	_ =	shalt  }
0x5b: {  	_ =	shalt  }
0x5c: {  	_ =	shalt  }
0x5d: {  	_ =	shalt  }
0x5e: {  	_ =	shalt  }
0x5f: {  	_ =	shalt  }
0x60: {  	_ =	shalt  }
0x61: {  	_ =	shalt  }
0x62: {  	_ =	shalt  }
0x63: {  	_ =	shalt  }
0x64: {  	_ =	shalt  }
0x65: {  	_ =	shalt  }
0x66: {  	_ =	shalt  }
0x67: {  	_ =	shalt  }
0x68: {  	_ =	shalt  }
0x69: {  	_ =	shalt  }
0x6a: {  	_ =	shalt  }
0x6b: {  	_ =	shalt  }
0x6c: {  	_ =	shalt  }
0x6d: {  	_ =	shalt  }
0x6e: {  	_ =	shalt  }
0x6f: {  	_ =	shalt  }
0x70: {  	_ =	shalt  }
0x71: {  	_ =	shalt  }
0x72: {  	_ =	shalt  }
0x73: {  	_ =	shalt  }
0x74: {  	_ =	shalt  }
0x75: {  	_ =	shalt  }
0x76: {  	_ =	shalt  }
0x77: {  	_ =	shalt  }
0x78: {  	_ =	shalt  }
0x79: {  	_ =	shalt  }
0x7a: {  	_ =	shalt  }
0x7b: {  	_ =	shalt  }
0x7c: {  	_ =	shalt  }
0x7d: {  	_ =	shalt  }
0x7e: {  	_ =	shalt  }
0x7f: {  	_ =	shalt  }
0x80: {  	_ =	shalt  }
0x81: {  	_ =	shalt  }
0x82: {  	_ =	shalt  }
0x83: {  	_ =	shalt  }
0x84: {  	_ =	shalt  }
0x85: {  	_ =	shalt  }
0x86: {  	_ =	shalt  }
0x87: {  	_ =	shalt  }
.Lfunc_end0:
.L_simem_size_0:
called_computation_lowered:
.L_overlay_start_0:
0x88: {  	s2 =	sld [smem:$0x3FD9]  }
0x89: {  	s3 =	sld [smem:$0x3FFE];
	_ =	sdelay $0x1  }
0x8a: {  	s1 =	srdreg.scid  }
0x8b: {  	s0 =	sand.u32 $0x1, s1  }
0x8c: {  	s17 =	sshll.u32 s0, $0xA;
	s2 =	sadd.s32 s3, s2  }
0x8d: {  	s2 =	sadd.s32 s2, s17  }
0x8e: {  	[smem:$0x3FC0] =	sst s2  }
0x8f: {  	_ = 	snop  }
0x90: {  	s2 =	sld [smem:$0x3FD0];
	(tm) =	ssettm $0x1  }
0x91: {  	s18 =	sld [smem:$0x3FFB];
	_ =	sdelay $0x3  }
0x92: {  	_ =	strace s18  }
0x93: {  	s3 =	sld [smem:$0x3FFC];
	_ =	sdelay $0x3  }
0x94: {  	_ =	strace s3  }
0x95: {  	s3 =	sld [smem:$0x3FFD];
	_ =	sdelay $0x3  }
0x96: {  	_ =	strace s3  }
0x97: {  	_ =	strace $0x8FFFFFFF  }
0x98: {  	s19 =	sld [smem:$0x3FDB];
	_ =	sdelay $0x1  }
0x99: {  	s4 =	simm.s32 $_scs_section_size  }
0x9a: {  	s5 =	simm.s32 $_size__tile_overlayer_lowered;
	s6 =	simm.s32 $_tile_overlayer_lowered  }
0x9b: {  	s22 =	simm.s32 $0x1BFF;
	s21 =	sshll.u32 s6, $0x1;
	s3 =	sadd.s32 s4, s19  }
0x9c: {  	s7 =	simm.s32 $0x0;
	s20 =	sshll.u32 s5, $0x1;
	s5 =	sadd.s32 s21, s3  }
0x9d: {  	[timem:s7], [sflag:s22] =	dma.local [hbm:s5], s20  }
0x9e: {  	_ =	swait.ge [sflag:s22], s20  }
0x9f: {  	s4 =	ssub.s32 $0x0, s20;
	[sflag:s22] =	ssyncset.done $0x0  }
0xa0: {  	[sflag:s22] =	ssyncadd.s32 s4;
	_ =	sdelay $0x1  }
0xa1: {  	s23 =	simm.s32 $0x1B8B  }
0xa2: {  	_ =	swait.ge [sflag:s23], $0x1  }
0xa3: {  	[sflag:s23] =	ssyncset.done $0x0  }
0xa4: {  	s25 =	simm.s32 $0x1B8E;
	s24 =	sld [smem:$0x3FFE];
	[sflag:s23] =	ssyncadd.s32 $0xFFFFFFFF  }
0xa5: {  	s26 =	simm.s32 $execute0_lowered;
	[smem:$0x3FD2] =	sst s25  }
0xa6: {  	s5 =	sshll.u32 s26, $0x1;
	_ =	strace $0x80000046;
	[dreg:$0x1] =	wrdreg $0xFFFFFFFF  }
0xa7: {  	s28 =	simm.s32 $_size_execute0_lowered;
	s3 =	sadd.s32 s3, s5;
	[dreg:$0x0] =	wrdreg $0x0  }
0xa8: {  	s5 =	sshll.u32 s28, $0x1;
	[dreg:$0x2] =	wrdreg s3  }
0xa9: {  	[dreg:$0x3] =	wrdreg s5  }
0xaa: {  	[dreg:$0x4] =	wrdreg $0xC0  }
0xab: {  	_ =	task [dreg:s7], $0x5FFFF  }
0xac: {  	[dreg:$0x1] =	wrdreg $0xFFFFFFFF  }
0xad: {  	[dreg:$0x0] =	wrdreg $0x60  }
0xae: {  	[dreg:$0x2] =	wrdreg s24  }
0xaf: {  	[dreg:$0x3] =	wrdreg s2  }
0xb0: {  	[dreg:$0x4] =	wrdreg $0x0  }
0xb1: {  	[dreg:$0x5] =	wrdreg $0x9  }
0xb2: {  	_ =	task.clear_ibuf [dreg:s7], $0x6FFFF;
	_ =	strace $0x90000046  }
0xb3: {  	s29 =	simm.s32 $0x9;
	_ =	strace $0x80000048  }
0xb4: {  	_ =	swait.ge [sflag:s29], $0x1  }
0xb5: {  	[sflag:s29] =	ssyncadd.s32 $0xFFFFFFFF  }
0xb6: {  	_ =	strace $0x90000048  }
0xb7: {  	_ =	sfence  }
0xb8: {  	s30 =	sld [smem:$0x0];
	_ =	sdelay $0x2  }
0xb9: {  	s31 =	sshll.u32 s1, $0xD;
	s1 =	sshrl.u32 s1, $0x2  }
0xba: {  	s3 =	sand.u32 $0x4000, s31;
	s1 =	sadd.s32 s1, s30  }
0xbb: {  	s0 =	sor.u32 s3, s0;
	s1 =	sshll.u32 s1, $0x11  }
0xbc: {  	s0 =	sor.u32 s1, s0  }
0xbd: {  	s0 =	sadd.s32 $0x8F2B, s0  }
0xbe: {  	[sflag:s0] =	ssyncadd.remote.s32 $0x1  }
0xbf: {  	_ =	sfence.sel $0xFFFF  }
0xc0: {  	[dreg:$0x0] =	wrdreg $0xFFFFFFFF;
	(pc) =	sbr.abs _section_cstart, $3  }
0xc1: {  	[dreg:$0x1] =	wrdreg $0xFFFFFFFF  }
0xc2: {  	_ =	task.clear_ibuf [dreg:s7], $0x2FFFF;
	_ =	strace $0x9FFFFFFF  }
0xc3: {  	(tm) =	ssettm $0x7FFFFFFF  }
tec
execute0_lowered:
.L_overlay_start_1:
0x0: {  	(tag) =	ssettag $0x1  }
0x1: {  	s9 =	rddreg [dreg:$0x0]  }
0x2: {  	s14 =	rddreg [dreg:$0x1]  }
0x3: {  	s1 =	rddreg [dreg:$0x2]  }
0x4: {  	s2 =	srdreg.scid;
	s0 =	rddreg [dreg:$0x3]  }
0x5: {  	s3 =	simm.s32 $0x0;
	s19 =	simm.s32 $0x50;
	s20 =	simm.s32 $0x29F8  }
0x6: {  	s21 =	simm.s32 $0x1;
	s22 =	simm.s32 $0x2AF8;
	s23 =	simm.s32 $0x0  }
0x7: {  	s6 =	sand.u32 $0x1, s2;
	s2 =	stileid.u32;
	[smem:$0x7FF] =	sst s3  }
0x8: {  	s4 =	ssub.s32 $0x2, s6;
	s10 =	smul.u32 $0x280, s2;
	_ =	strace $0x80000047  }
0x9: {  	s7 =	sshll.u32 s2, $0x1;
	s18 =	smul.u32 $0x2710, s6;
	s5 =	sshrl.u32 s4, $0x1  }
0xa: {  	s7 =	sor.u32 s6, s7;
	s15 =	ssub.s32 s4, s5;
	s4 =	sadd.s32 s10, s1  }
0xb: {  	s11 =	sadd.s32 $0x80, s10;
	s12 =	sadd.s32 $0x100, s10;
	s8 =	smin.u32 s10, $0x2510  }
0xc: {  	s13 =	smin.u32 s10, $0x2490;
	s16 =	smul.u32 $0x2710, s7;
	s10 =	sadd.s32 s18, s10  }
0xd: {  	s5 =	sadd.s32 s11, s1;
	s17 =	sadd.s32 $0x180, s8;
	s13 =	sadd.s32 $0x200, s13  }
0xe: {  	s6 =	sadd.s32 s12, s1;
	s11 =	sadd.s32 s18, s11;
	s10 =	sshrl.u32 s10, $0x3  }
0xf: {  	s12 =	sadd.s32 s18, s12;
	s15 =	smax.u32 s15, $0x1;
	s7 =	sadd.s32 s17, s1  }
0x10: {  	s8 =	sadd.s32 s13, s1;
	s16 =	sshrl.u32 s16, $0x3;
	s11 =	sshrl.u32 s11, $0x3  }
0x11: {  	s10 =	sadd.s32 s14, s10;
	s30 =	sadd.s32 s18, s17;
	s13 =	sadd.s32 s18, s13  }
0x12: {  	s12 =	sshrl.u32 s12, $0x3;
	s17 =	simm.s32 $0x2;
	s18 =	simm.s32 $0x278  }
0x13: {  	s9 =	sadd.s32 s9, s16;
	s11 =	sadd.s32 s14, s11;
	s16 =	sshrl.u32 s30, $0x3  }
0x14: {  	s31 =	sshrl.u32 s13, $0x3;
	s12 =	sadd.s32 s14, s12;
	s9 =	sadd.s32 $0xC440, s9  }
0x15: {  	v0 =	vimm.f32 $1.000000000e+00;
	v1 =	vimm.f32 $0.0e+00;
	s13 =	sadd.s32 s14, s16;
	s14 =	sadd.s32 s14, s31;
	s16 =	simm.s32 $0x2A78  }
.LBB2_1:
0x16: {  	[tilespmem:$0x29F8] =	vst v0  }
0x17: {  	[tilespmem:$0x2A78] =	vst v1  }
0x18: {  	[tilespmem:$0x2A08] =	vst v0  }
0x19: {  	[tilespmem:$0x2A88] =	vst v1  }
0x1a: {  	[tilespmem:$0x2A18] =	vst v0  }
0x1b: {  	[tilespmem:$0x2A98] =	vst v1  }
0x1c: {  	[tilespmem:$0x2A28] =	vst v0  }
0x1d: {  	[tilespmem:$0x2AA8] =	vst v1  }
0x1e: {  	[tilespmem:$0x2A38] =	vst v0  }
0x1f: {  	[tilespmem:$0x2AB8] =	vst v1  }
0x20: {  	[tilespmem:$0x2A48] =	vst v0  }
0x21: {  	[tilespmem:$0x2AC8] =	vst v1  }
0x22: {  	[tilespmem:$0x2A58] =	vst v0  }
0x23: {  	[tilespmem:$0x2AD8] =	vst v1  }
0x24: {  	[tilespmem:$0x2A68] =	vst v0  }
0x25: {  	[tilespmem:$0x2AE8] =	vst v1  }
0x26: {  	[spmem:s4] =	stream.linear.scatter [tilespmem:s16], [sflag:$0x2], $0x80, $0x38;
	[tilespmem:$0x2B78] =	vst v63  }
0x27: {  	_ =	swait.ge [sflag:s17], $0x80  }
0x28: {  	[sflag:s17] =	ssyncset.done $0x0  }
0x29: {  	[sflag:s17] =	ssyncadd.s32 $0xFFFFFF80  }
0x2a: {  	[spmem:s5] =	stream.linear.scatter [tilespmem:s16], [sflag:$0x2], $0x80, $0x38;
	[tilespmem:$0x2B78] =	vst v63  }
0x2b: {  	_ =	swait.ge [sflag:s17], $0x80  }
0x2c: {  	[sflag:s17] =	ssyncset.done $0x0  }
0x2d: {  	[sflag:s17] =	ssyncadd.s32 $0xFFFFFF80  }
0x2e: {  	[spmem:s6] =	stream.linear.scatter [tilespmem:s16], [sflag:$0x2], $0x80, $0x38;
	[tilespmem:$0x2B78] =	vst v63  }
0x2f: {  	_ =	swait.ge [sflag:s17], $0x80  }
0x30: {  	[sflag:s17] =	ssyncset.done $0x0  }
0x31: {  	[sflag:s17] =	ssyncadd.s32 $0xFFFFFF80  }
0x32: {  	[spmem:s7] =	stream.linear.scatter [tilespmem:s16], [sflag:$0x2], $0x80, $0x38;
	[tilespmem:$0x2B78] =	vst v63  }
0x33: {  	_ =	swait.ge [sflag:s17], $0x80  }
0x34: {  	[sflag:s17] =	ssyncset.done $0x0  }
0x35: {  	[sflag:s17] =	ssyncadd.s32 $0xFFFFFF80  }
0x36: {  	[spmem:s8] =	stream.linear.scatter [tilespmem:s16], [sflag:$0x2], $0x80, $0x38;
	[tilespmem:$0x2B78] =	vst v63  }
0x37: {  	_ =	swait.ge [sflag:s17], $0x80  }
0x38: {  	[sflag:s17] =	ssyncset.done $0x0  }
0x39: {  	[sflag:s17] =	ssyncadd.s32 $0xFFFFFF80  }
0x3a: {  	[bflag:$0x0] =	sbarrier.arrive $0xFFFF  }
0x3b: {  	[tilespmem:s18], [sflag:$0x2] =	stream.linear.gather [hbm4b:s9+s3], $0x2710, $0x38;
	[tilespmem:$0x2B78] =	vst v63  }
0x3c: {  	_ =	swait.ge [sflag:s17], $0x2710  }
0x3d: {  	[sflag:s17] =	ssyncset.done $0x0  }
0x3e: {  	s24 =	simm.s32 $0x278;
	[sflag:s17] =	ssyncadd.s32 $0xFFFFD8F0  }
0x3f: {  	[spmem:s1] =	stream.indirect.scatter.add.f32 [tilespmem:s20], [sflag:$0x1], $0x1, s24, s19, $0xb8;
	[tilespmem:$0x2B78] =	vst v63  }
0x40: {  	s28 =	simm.s32 $0x2C8  }
0x41: {  	[spmem:s1] =	stream.indirect.scatter.add.f32 [tilespmem:s20], [sflag:$0x1], $0x1, s28, s19, $0xb8;
	[tilespmem:$0x2B78] =	vst v63  }
0x42: {  	s29 =	simm.s32 $0x318  }
0x43: {  	[spmem:s1] =	stream.indirect.scatter.add.f32 [tilespmem:s20], [sflag:$0x1], $0x1, s29, s19, $0xb8;
	[tilespmem:$0x2B78] =	vst v63  }
0x44: {  	s30 =	simm.s32 $0x368  }
0x45: {  	[spmem:s1] =	stream.indirect.scatter.add.f32 [tilespmem:s20], [sflag:$0x1], $0x1, s30, s19, $0xb8;
	[tilespmem:$0x2B78] =	vst v63  }
0x46: {  	s31 =	simm.s32 $0x3B8  }
0x47: {  	[spmem:s1] =	stream.indirect.scatter.add.f32 [tilespmem:s20], [sflag:$0x1], $0x1, s31, s19, $0xb8;
	[tilespmem:$0x2B78] =	vst v63  }
0x48: {  	_ =	swait.ge [sflag:s21], $0x50  }
0x49: {  	[sflag:s21] =	ssyncset.done $0x0  }
0x4a: {  	[sflag:s21] =	ssyncadd.s32 $0xFFFFFFB0  }
0x4b: {  	_ =	swait.ge [sflag:s21], $0x50  }
0x4c: {  	[sflag:s21] =	ssyncset.done $0x0  }
0x4d: {  	[sflag:s21] =	ssyncadd.s32 $0xFFFFFFB0  }
0x4e: {  	_ =	swait.ge [sflag:s21], $0x50  }
0x4f: {  	[sflag:s21] =	ssyncset.done $0x0  }
0x50: {  	[sflag:s21] =	ssyncadd.s32 $0xFFFFFFB0  }
0x51: {  	_ =	swait.ge [sflag:s21], $0x50  }
0x52: {  	[sflag:s21] =	ssyncset.done $0x0  }
0x53: {  	[sflag:s21] =	ssyncadd.s32 $0xFFFFFFB0  }
0x54: {  	_ =	swait.ge [sflag:s21], $0x50  }
0x55: {  	s25 =	simm.s32 $0xC80;
	s24 =	simm.s32 $0x190;
	[sflag:s21] =	ssyncset.done $0x0  }
.LBB2_2:
0x56: {  	s26 =	sadd.s32 $0x278, s24  }
0x57: {  	[sflag:s21] =	ssyncadd.s32 $0xFFFFFFB0;
	s28 =	smov.u32 s25;
	s29 =	sadd.s32 $0x640, s25  }
0x58: {  	[spmem:s1] =	stream.indirect.scatter.add.f32 [tilespmem:s20], [sflag:$0x1], $0x1, s26, s19, $0xb8;
	[tilespmem:$0x2B78] =	vst v63  }
0x59: {  	p0 =	sne.s32 s25, $0x9600;
	s25 =	sadd.s32 $0x2C8, s24  }
0x5a: {  	[spmem:s1] =	stream.indirect.scatter.add.f32 [tilespmem:s20], [sflag:$0x1], $0x1, s25, s19, $0xb8;
	[tilespmem:$0x2B78] =	vst v63  }
0x5b: {  	s25 =	sadd.s32 $0x318, s24  }
0x5c: {  	[spmem:s1] =	stream.indirect.scatter.add.f32 [tilespmem:s20], [sflag:$0x1], $0x1, s25, s19, $0xb8;
	[tilespmem:$0x2B78] =	vst v63  }
0x5d: {  	s25 =	sadd.s32 $0x368, s24  }
0x5e: {  	[spmem:s1] =	stream.indirect.scatter.add.f32 [tilespmem:s20], [sflag:$0x1], $0x1, s25, s19, $0xb8;
	[tilespmem:$0x2B78] =	vst v63  }
0x5f: {  	s24 =	sadd.s32 $0x3B8, s24  }
0x60: {  	[spmem:s1] =	stream.indirect.scatter.add.f32 [tilespmem:s20], [sflag:$0x1], $0x1, s24, s19, $0xb8;
	[tilespmem:$0x2B78] =	vst v63  }
0x61: {  	_ =	swait.ge [sflag:s21], $0x50  }
0x62: {  	[sflag:s21] =	ssyncset.done $0x0  }
0x63: {  	[sflag:s21] =	ssyncadd.s32 $0xFFFFFFB0  }
0x64: {  	_ =	swait.ge [sflag:s21], $0x50  }
0x65: {  	[sflag:s21] =	ssyncset.done $0x0  }
0x66: {  	[sflag:s21] =	ssyncadd.s32 $0xFFFFFFB0  }
0x67: {  	_ =	swait.ge [sflag:s21], $0x50  }
0x68: {  	[sflag:s21] =	ssyncset.done $0x0  }
0x69: {  	[sflag:s21] =	ssyncadd.s32 $0xFFFFFFB0  }
.Ltmp0:
0x6a: {  	_ =	swait.ge [sflag:s21], $0x50;
	(pc) =	sbr.rel @p0 .LBB2_2-.Ltmp0, $4  }
0x6b: {  	[sflag:s21] =	ssyncset.done $0x0  }
0x6c: {  	[sflag:s21] =	ssyncadd.s32 $0xFFFFFFB0  }
0x6d: {  	_ =	swait.ge [sflag:s21], $0x50  }
0x6e: {  	s25 =	smov.u32 s29;
	s24 =	sshra.s32 s28, $0x2;
	[sflag:s21] =	ssyncset.done $0x0  }
0x6f: {  	s25 =	sadd.s32 $0x278, s24;
	[sflag:s21] =	ssyncadd.s32 $0xFFFFFFB0  }
0x70: {  	[spmem:s1] =	stream.indirect.scatter.add.f32 [tilespmem:s20], [sflag:$0x1], $0x1, s25, s19, $0xb8;
	[tilespmem:$0x2B78] =	vst v63  }
0x71: {  	s28 =	sadd.s32 $0x2C8, s24  }
0x72: {  	[spmem:s1] =	stream.indirect.scatter.add.f32 [tilespmem:s20], [sflag:$0x1], $0x1, s28, s19, $0xb8;
	[tilespmem:$0x2B78] =	vst v63  }
0x73: {  	s29 =	sadd.s32 $0x318, s24  }
0x74: {  	[spmem:s1] =	stream.indirect.scatter.add.f32 [tilespmem:s20], [sflag:$0x1], $0x1, s29, s19, $0xb8;
	[tilespmem:$0x2B78] =	vst v63  }
0x75: {  	s30 =	sadd.s32 $0x368, s24  }
0x76: {  	[spmem:s1] =	stream.indirect.scatter.add.f32 [tilespmem:s20], [sflag:$0x1], $0x1, s30, s19, $0xb8;
	[tilespmem:$0x2B78] =	vst v63  }
0x77: {  	s31 =	sadd.s32 $0x3B8, s24  }
0x78: {  	[spmem:s1] =	stream.indirect.scatter.add.f32 [tilespmem:s20], [sflag:$0x1], $0x1, s31, s19, $0xb8;
	[tilespmem:$0x2B78] =	vst v63  }
0x79: {  	_ =	swait.ge [sflag:s21], $0x50  }
0x7a: {  	[sflag:s21] =	ssyncset.done $0x0  }
0x7b: {  	[sflag:s21] =	ssyncadd.s32 $0xFFFFFFB0  }
0x7c: {  	_ =	swait.ge [sflag:s21], $0x50  }
0x7d: {  	[sflag:s21] =	ssyncset.done $0x0  }
0x7e: {  	[sflag:s21] =	ssyncadd.s32 $0xFFFFFFB0  }
0x7f: {  	_ =	swait.ge [sflag:s21], $0x50  }
0x80: {  	[sflag:s21] =	ssyncset.done $0x0  }
0x81: {  	[sflag:s21] =	ssyncadd.s32 $0xFFFFFFB0  }
0x82: {  	_ =	swait.ge [sflag:s21], $0x50  }
0x83: {  	[sflag:s21] =	ssyncset.done $0x0  }
0x84: {  	[sflag:s21] =	ssyncadd.s32 $0xFFFFFFB0  }
0x85: {  	_ =	swait.ge [sflag:s21], $0x50  }
0x86: {  	[sflag:s21] =	ssyncset.done $0x0  }
0x87: {  	[sflag:s21] =	ssyncadd.s32 $0xFFFFFFB0  }
0x88: {  	[bflag:$0x0] =	sbarrier.arrive $0xFFFF  }
0x89: {  	[tilespmem:s22], [sflag:$0x2] =	stream.linear.gather [spmem:s4], $0x80, $0x38;
	[tilespmem:$0x2B78] =	vst v63  }
0x8a: {  	_ =	swait.ge [sflag:s17], $0x80  }
0x8b: {  	[sflag:s17] =	ssyncset.done $0x0  }
0x8c: {  	[sflag:s17] =	ssyncadd.s32 $0xFFFFFF80  }
0x8d: {  	[hbm4b:s10+s3] =	stream.linear.scatter [tilespmem:s22], [sflag:$0x2], $0x80, $0x38;
	[tilespmem:$0x2B78] =	vst v63  }
0x8e: {  	_ =	swait.ge [sflag:s17], $0x80  }
0x8f: {  	[sflag:s17] =	ssyncset.done $0x0  }
0x90: {  	[sflag:s17] =	ssyncadd.s32 $0xFFFFFF80  }
0x91: {  	[tilespmem:s22], [sflag:$0x2] =	stream.linear.gather [spmem:s5], $0x80, $0x38;
	[tilespmem:$0x2B78] =	vst v63  }
0x92: {  	_ =	swait.ge [sflag:s17], $0x80  }
0x93: {  	[sflag:s17] =	ssyncset.done $0x0  }
0x94: {  	[sflag:s17] =	ssyncadd.s32 $0xFFFFFF80  }
0x95: {  	[hbm4b:s11+s3] =	stream.linear.scatter [tilespmem:s22], [sflag:$0x2], $0x80, $0x38;
	[tilespmem:$0x2B78] =	vst v63  }
0x96: {  	_ =	swait.ge [sflag:s17], $0x80  }
0x97: {  	[sflag:s17] =	ssyncset.done $0x0  }
0x98: {  	[sflag:s17] =	ssyncadd.s32 $0xFFFFFF80  }
0x99: {  	[tilespmem:s22], [sflag:$0x2] =	stream.linear.gather [spmem:s6], $0x80, $0x38;
	[tilespmem:$0x2B78] =	vst v63  }
0x9a: {  	_ =	swait.ge [sflag:s17], $0x80  }
0x9b: {  	[sflag:s17] =	ssyncset.done $0x0  }
0x9c: {  	[sflag:s17] =	ssyncadd.s32 $0xFFFFFF80  }
0x9d: {  	[hbm4b:s12+s3] =	stream.linear.scatter [tilespmem:s22], [sflag:$0x2], $0x80, $0x38;
	[tilespmem:$0x2B78] =	vst v63  }
0x9e: {  	_ =	swait.ge [sflag:s17], $0x80  }
0x9f: {  	[sflag:s17] =	ssyncset.done $0x0  }
0xa0: {  	[sflag:s17] =	ssyncadd.s32 $0xFFFFFF80  }
0xa1: {  	[tilespmem:s22], [sflag:$0x2] =	stream.linear.gather [spmem:s7], $0x80, $0x38;
	[tilespmem:$0x2B78] =	vst v63  }
0xa2: {  	_ =	swait.ge [sflag:s17], $0x80  }
0xa3: {  	[sflag:s17] =	ssyncset.done $0x0  }
0xa4: {  	[sflag:s17] =	ssyncadd.s32 $0xFFFFFF80  }
0xa5: {  	[hbm4b:s13+s3] =	stream.linear.scatter [tilespmem:s22], [sflag:$0x2], $0x80, $0x38;
	[tilespmem:$0x2B78] =	vst v63  }
0xa6: {  	_ =	swait.ge [sflag:s17], $0x80  }
0xa7: {  	[sflag:s17] =	ssyncset.done $0x0  }
0xa8: {  	[sflag:s17] =	ssyncadd.s32 $0xFFFFFF80  }
0xa9: {  	[tilespmem:s22], [sflag:$0x2] =	stream.linear.gather [spmem:s8], $0x80, $0x38;
	[tilespmem:$0x2B78] =	vst v63  }
0xaa: {  	s23 =	sadd.s32 $0x1, s23;
	_ =	swait.ge [sflag:s17], $0x80  }
0xab: {  	p0 =	sne.s32 s23, s15;
	[sflag:s17] =	ssyncset.done $0x0  }
.Ltmp1:
0xac: {  	[sflag:s17] =	ssyncadd.s32 $0xFFFFFF80;
	(pc) =	sbr.rel @p0 .LBB2_1-.Ltmp1, $4  }
0xad: {  	[hbm4b:s14+s3] =	stream.linear.scatter [tilespmem:s22], [sflag:$0x2], $0x80, $0x38;
	[tilespmem:$0x2B78] =	vst v63  }
0xae: {  	_ =	swait.ge [sflag:s17], $0x80  }
0xaf: {  	[sflag:s17] =	ssyncset.done $0x0  }
0xb0: {  	[sflag:s17] =	ssyncadd.s32 $0xFFFFFF80  }
0xb1: {  	_ =	sfence.sel $0x180000  }
0xb2: {  	[bflag:$0x0] =	sbarrier.arrive $0xFFFF  }
0xb3: {  	p0 =	sne.s32 s2, $0x0;
	_ =	strace $0x90000047  }
0xb4: {  	s0 =	sadd.s32 @!p0 $0x100000, s0;
	[bflag:$0x2] =	sbarrier.arrive $0xFFFF  }
0xb5: {  	[sflag:s0] =	ssyncadd.tile.s32 @!p0 $0x1;
	_ =	shalt  }
.Lfunc_end2:
_tile_overlayer_lowered:
.L_overlay_start_2:
0xb6: {  	(tag) =	ssettag $0x2  }
0xb7: {  	s0 =	rddreg [dreg:$0x0];
	s2 =	stileid.u32  }
0xb8: {  	s1 =	rddreg [dreg:$0x1];
	p0 =	sne.s32 s2, $0x0  }
0xb9: {  	s3 =	rddreg [dreg:$0x2];
	[bflag:$0x3] =	sbarrier.arrive $0xFFFF;
	s2 =	simm.s32 @!p0 $0x1C02  }
0xba: {  	[timem:s3], [sflag:s2] =	dma.local @!p0 [hbm:s0], s1  }
0xbb: {  	s0 =	simm.s32 @!p0 $0x2  }
0xbc: {  	_ =	swait.ge @!p0 [sflag:s0], s1  }
0xbd: {  	s1 =	ssub.s32 @!p0 $0x0, s1;
	[sflag:s0] =	ssyncset.done @!p0 $0x0  }
0xbe: {  	[sflag:s0] =	ssyncadd.s32 @!p0 s1  }
0xbf: {  	[bflag:$0x3] =	sbarrier.arrive $0xFFFF  }
0xc0: {  	_ =	shalt  }

</sc_bundles>
